<compile_context>
chip_gen: v7x
topology: tpu7x:2x2x1
jax: 0.10.2.dev20260603
libtpu: 0.0.44.dev20260713+nightly
codegen_flags: <defaults>
</compile_context>

<pallas_src>
import functools

import jax
import jax.numpy as jnp
from jax import lax
from jax.experimental import pallas as pl
from jax.experimental.pallas import tpu as pltpu
from jax.experimental.pallas import tpu_sc as plsc

E = 320000
V = 10000
VP = 10240
D = 128
NW = 32
RPT = VP // 16
RPW = VP // 32

B = 128
NBLK = E // B
NBW = NBLK // NW
NREM = NBLK - NBW * NW

_mesh = plsc.VectorSubcoreMesh(core_axis_name="c", subcore_axis_name="s")


def _span(w):
    start = NBW * w + jnp.minimum(w, NREM)
    nb = jnp.where(w < NREM, NBW + 1, NBW)
    return start, nb


def _stage_ids(ids3, idsbuf, start, w):
    pltpu.sync_copy(ids3.at[pl.ds(start, NBW)], idsbuf.at[pl.ds(0, NBW)])

    @pl.when(w < NREM)
    def _():
        pltpu.sync_copy(ids3.at[pl.ds(start + NBW, 1)],
                        idsbuf.at[pl.ds(NBW, 1)])


@functools.partial(
    pl.kernel,
    out_type=jax.ShapeDtypeStruct((2, VP, D), jnp.float32),
    mesh=_mesh,
    scratch_types=[
        pltpu.VMEM((2, B, D), jnp.float32),
        pltpu.VMEM((NBW + 2, 1, 128), jnp.int32),
        pltpu.VMEM_SHARED((VP, D), jnp.float32),
        pltpu.SemaphoreType.DMA,
        pltpu.SemaphoreType.DMA,
    ],
)
def _p1(x3, ids3, parts, xb, idsbuf, stats, semx, sems):
    c = lax.axis_index("c")
    s = lax.axis_index("s")
    w = c * 16 + s
    start, nb = _span(w)

    def zrow(r, _):
        for k in range(8):
            xb[0, r, pl.ds(k * 16, 16)] = jnp.zeros((16,), jnp.float32)
        return 0
    lax.fori_loop(0, 128, zrow, 0)
    for k in range(RPT // 128):
        pltpu.sync_copy(xb.at[0, pl.ds(0, 128)],
                        stats.at[pl.ds(s * RPT + k * 128, 128)])
    _stage_ids(ids3, idsbuf, start, w)
    plsc.subcore_barrier()

    pltpu.async_copy(x3.at[start], xb.at[0], semx)

    def blk(i, _):
        ph = lax.rem(i, 2)
        pltpu.make_async_copy(x3.at[0], xb.at[ph], semx).wait()

        @pl.when(i >= 1)
        def _():
            pltpu.make_async_copy(xb.at[1 - ph], stats.at[pl.ds(0, B)],
                                  sems).wait()

        @pl.when(i + 1 < nb)
        def _():
            pltpu.async_copy(x3.at[start + i + 1], xb.at[1 - ph], semx)

        def row(r, _):
            for k in range(8):
                sl = pl.ds(k * 16, 16)
                xb[ph, r, sl] = jnp.exp(xb[ph, r, sl])
            return 0
        lax.fori_loop(0, B, row, 0, unroll=2)

        pltpu.async_copy(xb.at[ph], stats.at[idsbuf.at[i, 0]], sems,
                         add=True)
        return 0
    lax.fori_loop(0, nb, blk, 0)
    pltpu.make_async_copy(xb.at[0], stats.at[pl.ds(0, B)], sems).wait()

    plsc.subcore_barrier()
    for k in range(RPT // 128):
        sl = pl.ds(s * RPT + k * 128, 128)
        bsl = pl.ds(0, 128)
        pltpu.sync_copy(stats.at[sl], xb.at[0, bsl])
        pltpu.sync_copy(xb.at[0, bsl], parts.at[c, sl])


@functools.partial(
    pl.kernel,
    out_type=jax.ShapeDtypeStruct((VP, D), jnp.float32),
    mesh=_mesh,
    scratch_types=[
        pltpu.VMEM((160, D), jnp.float32),
        pltpu.VMEM((160, D), jnp.float32),
    ],
)
def _p15(parts, recip, pa, pb):
    c = lax.axis_index("c")
    s = lax.axis_index("s")
    w = c * 16 + s
    one = jnp.full((16,), 1.0, jnp.float32)
    for off in (0, 160):
        sl = pl.ds(w * RPW + off, 160)
        pltpu.sync_copy(parts.at[0, sl], pa)
        pltpu.sync_copy(parts.at[1, sl], pb)

        def row(r, _):
            for q in range(8):
                s2 = pl.ds(q * 16, 16)
                pa[r, s2] = one / (pa[r, s2] + pb[r, s2])
            return 0
        lax.fori_loop(0, 160, row, 0, unroll=2)
        pltpu.sync_copy(pa, recip.at[sl])


@functools.partial(
    pl.kernel,
    out_type=jax.ShapeDtypeStruct((NBLK, B, D), jnp.float32),
    mesh=_mesh,
    scratch_types=[
        pltpu.VMEM((3, B, D), jnp.float32),
        pltpu.VMEM((2, B, D), jnp.float32),
        pltpu.VMEM((2, B, D), jnp.float32),
        pltpu.VMEM((NBW + 2, 1, 128), jnp.int32),
        pltpu.SemaphoreType.DMA,
        pltpu.SemaphoreType.DMA,
        pltpu.SemaphoreType.DMA,
    ],
)
def _p2(x3, ids3, recip, out3, xb, rb, ob, idsbuf, semx, semr, semo):
    c = lax.axis_index("c")
    s = lax.axis_index("s")
    w = c * 16 + s
    start, nb = _span(w)
    _stage_ids(ids3, idsbuf, start, w)

    def start_x(i):
        pltpu.async_copy(x3.at[start + i], xb.at[lax.rem(i, 3)], semx)

    def start_r(i):
        pltpu.async_copy(recip.at[idsbuf.at[i, 0]], rb.at[lax.rem(i, 2)],
                         semr)

    start_x(0)
    start_r(0)
    start_x(1)

    def blk(i, _):
        phx = lax.rem(i, 3)
        ph2 = lax.rem(i, 2)
        pltpu.make_async_copy(x3.at[0], xb.at[phx], semx).wait()
        pltpu.make_async_copy(x3.at[0], rb.at[ph2], semr).wait()

        @pl.when(i + 2 < nb)
        def _():
            start_x(i + 2)

        @pl.when(i + 1 < nb)
        def _():
            start_r(i + 1)

        @pl.when(i >= 2)
        def _():
            pltpu.make_async_copy(xb.at[0], out3.at[0], semo).wait()

        def row(r, _):
            for k in range(8):
                sl = pl.ds(k * 16, 16)
                ob[ph2, r, sl] = jnp.exp(xb[phx, r, sl]) * rb[ph2, r, sl]
            return 0
        lax.fori_loop(0, B, row, 0, unroll=2)

        pltpu.async_copy(ob.at[ph2], out3.at[start + i], semo)
        return 0
    lax.fori_loop(0, nb, blk, 0)
    pltpu.make_async_copy(xb.at[0], out3.at[0], semo).wait()
    pltpu.make_async_copy(xb.at[0], out3.at[0], semo).wait()


def kernel(inputs, selected_edges):
    ids = selected_edges[:, -2]
    x3 = inputs.reshape(NBLK, B, D)
    ids3 = ids.reshape(NBLK, 1, 128)
    parts = _p1(x3, ids3)
    recip = _p15(parts)
    out3 = _p2(x3, ids3, recip)
    return out3.reshape(E, D)

# --- scband reference (transcript-rebuilt; emitter-appended) ---
"""Pipeline reference for scband-normalize-8985071583848 (READ-ONLY COPY).

The authoritative reference and input builder live on the scoring server;
editing this copy changes nothing except your own understanding.
"""

import jax, jax.numpy as jnp
import numpy as np

N_EDGES = 320000
N_NODES = 10000
D = 128

def setup_inputs(seed: int = 0) -> dict:
    key = jax.random.key(seed)
    k1, k2 = jax.random.split(key)
    inputs = jax.random.normal(k1, (N_EDGES, D), dtype=jnp.float32)
    cols = jax.random.randint(k2, (N_EDGES, 6), 0, N_NODES, dtype=jnp.int32)
    # sort each column along axis 0 so that idx_vi = selected_edges[:, -2] is sorted,
    # matching the contract required by tf.math.segment_max/segment_sum
    selected_edges = jnp.sort(cols, axis=0)
    return {"inputs": inputs, "selected_edges": selected_edges}

def reference(inputs, selected_edges):
    # at='vi' branch of Normalize.call: segment softmax over edges grouped by idx_vi
    idx_vi = selected_edges[:, -2]
    edge_vec_max = jax.ops.segment_max(inputs, idx_vi, num_segments=N_NODES, indices_are_sorted=True)
    edge_vec_max = jnp.take(edge_vec_max, idx_vi, axis=0)
    edge_vec_exp = jnp.exp(inputs - edge_vec_max)
    edge_vec_expsum = jax.ops.segment_sum(edge_vec_exp, idx_vi, num_segments=N_NODES, indices_are_sorted=True)
    edge_vec_expsum = jnp.take(edge_vec_expsum, idx_vi, axis=0)
    edge_vec_norm = edge_vec_exp / edge_vec_expsum
    return edge_vec_norm

if __name__ == "__main__":
    import jax
    _d = setup_inputs()
    print(jax.jit(kernel)(*tuple(_d.values())))

</pallas_src>

<mosaic_0001>
#map = affine_map<(d0, d1) -> (0, 0, 0)>
#map1 = affine_map<(d0, d1) -> (0, 0)>
module attributes {stable_mosaic.version = 14 : i64} {
  func.func @_p15(%arg0: i32, %arg1: i32, %arg2: memref<2x10240x128xf32, #tpu.memory_space<hbm>>, %arg3: memref<10240x128xf32, #tpu.memory_space<hbm>>, %arg4: memref<160x128xf32, #tpu.memory_space<vmem>>, %arg5: memref<160x128xf32, #tpu.memory_space<vmem>>) attributes {dimension_semantics = [#tpu.dimension_semantics<core_parallel>, #tpu.dimension_semantics<subcore_parallel>], iteration_bounds = array<i64: 2, 16>, scalar_prefetch = 0 : i64, scratch_operands = 2 : i64, tpu.core_type = #tpu.core_type<sc_vector_subcore>, window_params = [{transform_indices = #map}, {transform_indices = #map1}]} {
    %mul3A = arith.constant 16 : i32
    %mul3A_0 = arith.muli %arg0, %mul3A : i32
    %add3A = arith.addi %mul3A_0, %arg1 : i32
    %broadcast_in_dim3A = arith.constant 1.000000e+00 : f32
    %broadcast_in_dim3A_1 = vector.broadcast %broadcast_in_dim3A : f32 to vector<16xf32>
    %mul3A_2 = arith.constant 320 : i32
    %mul3A_3 = arith.muli %add3A, %mul3A_2 : i32
    %add3A_4 = arith.constant 0 : i32
    %add3A_5 = arith.addi %mul3A_3, %add3A_4 : i32
    %run_scoped3A = arith.constant 0 : i32
    "tpu.region"() ({
      %run_scoped3A_26 = tpu.sem_alloc : memref<!tpu.dma_semaphore, #tpu.memory_space<semaphore_mem>>
      %dma_start3A = arith.constant 0 : i32
      %dma_start3A_27 = tpu.memref_slice %arg2[%run_scoped3A, %add3A_5, %dma_start3A] : memref<2x10240x128xf32, #tpu.memory_space<hbm>> -> memref<1x160x128xf32, #tpu.memory_space<hbm>>
      %dma_start3A_28 = tpu.memref_squeeze %dma_start3A_27 : memref<1x160x128xf32, #tpu.memory_space<hbm>> -> memref<160x128xf32, #tpu.memory_space<hbm>>
      %dma_start3A_29 = arith.constant 0 : i32
      %dma_start3A_30 = tpu.memref_slice %arg2[%run_scoped3A, %add3A_5, %dma_start3A_29] : memref<2x10240x128xf32, #tpu.memory_space<hbm>> -> memref<1x160x128xf32, #tpu.memory_space<hbm>>
      %dma_start3A_31 = tpu.memref_squeeze %dma_start3A_30 : memref<1x160x128xf32, #tpu.memory_space<hbm>> -> memref<160x128xf32, #tpu.memory_space<hbm>>
      tpu.enqueue_dma source(%dma_start3A_31 : memref<160x128xf32, #tpu.memory_space<hbm>>) target(%arg4 : memref<160x128xf32, #tpu.memory_space<vmem>>) target_semaphore(%run_scoped3A_26 : memref<!tpu.dma_semaphore, #tpu.memory_space<semaphore_mem>>)
      %dma_wait3A = arith.constant 0 : i32
      %dma_wait3A_32 = tpu.memref_slice %arg2[%run_scoped3A, %add3A_5, %dma_wait3A] : memref<2x10240x128xf32, #tpu.memory_space<hbm>> -> memref<1x160x128xf32, #tpu.memory_space<hbm>>
      %dma_wait3A_33 = tpu.memref_squeeze %dma_wait3A_32 : memref<1x160x128xf32, #tpu.memory_space<hbm>> -> memref<160x128xf32, #tpu.memory_space<hbm>>
      %dma_wait3A_34 = arith.constant 0 : i32
      %dma_wait3A_35 = tpu.memref_slice %arg2[%run_scoped3A, %add3A_5, %dma_wait3A_34] : memref<2x10240x128xf32, #tpu.memory_space<hbm>> -> memref<1x160x128xf32, #tpu.memory_space<hbm>>
      %dma_wait3A_36 = tpu.memref_squeeze %dma_wait3A_35 : memref<1x160x128xf32, #tpu.memory_space<hbm>> -> memref<160x128xf32, #tpu.memory_space<hbm>>
      tpu.wait_dma2 semaphore(%run_scoped3A_26 : memref<!tpu.dma_semaphore, #tpu.memory_space<semaphore_mem>>) src(%dma_wait3A_36 : memref<160x128xf32, #tpu.memory_space<hbm>>) dst(%arg4 : memref<160x128xf32, #tpu.memory_space<vmem>>)
      tpu.yield
    }) : () -> ()
    %run_scoped3A_6 = arith.constant 1 : i32
    "tpu.region"() ({
      %run_scoped3A_26 = tpu.sem_alloc : memref<!tpu.dma_semaphore, #tpu.memory_space<semaphore_mem>>
      %dma_start3A = arith.constant 0 : i32
      %dma_start3A_27 = tpu.memref_slice %arg2[%run_scoped3A_6, %add3A_5, %dma_start3A] : memref<2x10240x128xf32, #tpu.memory_space<hbm>> -> memref<1x160x128xf32, #tpu.memory_space<hbm>>
      %dma_start3A_28 = tpu.memref_squeeze %dma_start3A_27 : memref<1x160x128xf32, #tpu.memory_space<hbm>> -> memref<160x128xf32, #tpu.memory_space<hbm>>
      %dma_start3A_29 = arith.constant 0 : i32
      %dma_start3A_30 = tpu.memref_slice %arg2[%run_scoped3A_6, %add3A_5, %dma_start3A_29] : memref<2x10240x128xf32, #tpu.memory_space<hbm>> -> memref<1x160x128xf32, #tpu.memory_space<hbm>>
      %dma_start3A_31 = tpu.memref_squeeze %dma_start3A_30 : memref<1x160x128xf32, #tpu.memory_space<hbm>> -> memref<160x128xf32, #tpu.memory_space<hbm>>
      tpu.enqueue_dma source(%dma_start3A_31 : memref<160x128xf32, #tpu.memory_space<hbm>>) target(%arg5 : memref<160x128xf32, #tpu.memory_space<vmem>>) target_semaphore(%run_scoped3A_26 : memref<!tpu.dma_semaphore, #tpu.memory_space<semaphore_mem>>)
      %dma_wait3A = arith.constant 0 : i32
      %dma_wait3A_32 = tpu.memref_slice %arg2[%run_scoped3A_6, %add3A_5, %dma_wait3A] : memref<2x10240x128xf32, #tpu.memory_space<hbm>> -> memref<1x160x128xf32, #tpu.memory_space<hbm>>
      %dma_wait3A_33 = tpu.memref_squeeze %dma_wait3A_32 : memref<1x160x128xf32, #tpu.memory_space<hbm>> -> memref<160x128xf32, #tpu.memory_space<hbm>>
      %dma_wait3A_34 = arith.constant 0 : i32
      %dma_wait3A_35 = tpu.memref_slice %arg2[%run_scoped3A_6, %add3A_5, %dma_wait3A_34] : memref<2x10240x128xf32, #tpu.memory_space<hbm>> -> memref<1x160x128xf32, #tpu.memory_space<hbm>>
      %dma_wait3A_36 = tpu.memref_squeeze %dma_wait3A_35 : memref<1x160x128xf32, #tpu.memory_space<hbm>> -> memref<160x128xf32, #tpu.memory_space<hbm>>
      tpu.wait_dma2 semaphore(%run_scoped3A_26 : memref<!tpu.dma_semaphore, #tpu.memory_space<semaphore_mem>>) src(%dma_wait3A_36 : memref<160x128xf32, #tpu.memory_space<hbm>>) dst(%arg5 : memref<160x128xf32, #tpu.memory_space<vmem>>)
      tpu.yield
    }) : () -> ()
    %scan3A = arith.constant 0 : i32
    %scan3A_7 = arith.constant 0 : i32
    %scan3A_8 = arith.constant 160 : i32
    %scan3A_9 = arith.addi %scan3A_7, %scan3A_8 : i32
    %scan3A_10 = arith.constant 2 : i32
    %scan3A_11 = scf.for %scan3A_26 = %scan3A_7 to %scan3A_9 step %scan3A_10 iter_args(%scan3A_27 = %scan3A) -> (i32)  : i32 {
      %get3A = arith.index_cast %scan3A_26 : i32 to index
      %get3A_28 = arith.constant 0 : index
      %get3A_29 = tpu.vector_load %arg4[%get3A, %get3A_28] {strides = array<i32>} : memref<160x128xf32, #tpu.memory_space<vmem>>, vector<1x16xf32>,
      %get3A_30 = vector.shape_cast %get3A_29 : vector<1x16xf32> to vector<16xf32>
      %get3A_31 = arith.index_cast %scan3A_26 : i32 to index
      %get3A_32 = arith.constant 0 : index
      %get3A_33 = tpu.vector_load %arg5[%get3A_31, %get3A_32] {strides = array<i32>} : memref<160x128xf32, #tpu.memory_space<vmem>>, vector<1x16xf32>,
      %get3A_34 = vector.shape_cast %get3A_33 : vector<1x16xf32> to vector<16xf32>
      %add3A_35 = arith.addf %get3A_30, %get3A_34 : vector<16xf32>
      %div3A = arith.divf %broadcast_in_dim3A_1, %add3A_35 : vector<16xf32>
      %swap3A = arith.index_cast %scan3A_26 : i32 to index
      %swap3A_36 = arith.constant 0 : index
      %swap3A_37 = tpu.vector_load %arg4[%swap3A, %swap3A_36] {strides = array<i32>} : memref<160x128xf32, #tpu.memory_space<vmem>>, vector<1x16xf32>,
      %swap3A_38 = vector.shape_cast %swap3A_37 : vector<1x16xf32> to vector<16xf32>
      %swap3A_39 = vector.shape_cast %div3A : vector<16xf32> to vector<1x16xf32>
      tpu.vector_store %arg4[%swap3A, %swap3A_36], %swap3A_39 {strides = array<i32>} : memref<160x128xf32, #tpu.memory_space<vmem>>, vector<1x16xf32>,
      %get3A_40 = arith.index_cast %scan3A_26 : i32 to index
      %get3A_41 = arith.constant 16 : index
      %get3A_42 = tpu.vector_load %arg4[%get3A_40, %get3A_41] {strides = array<i32>} : memref<160x128xf32, #tpu.memory_space<vmem>>, vector<1x16xf32>,
      %get3A_43 = vector.shape_cast %get3A_42 : vector<1x16xf32> to vector<16xf32>
      %get3A_44 = arith.index_cast %scan3A_26 : i32 to index
      %get3A_45 = arith.constant 16 : index
      %get3A_46 = tpu.vector_load %arg5[%get3A_44, %get3A_45] {strides = array<i32>} : memref<160x128xf32, #tpu.memory_space<vmem>>, vector<1x16xf32>,
      %get3A_47 = vector.shape_cast %get3A_46 : vector<1x16xf32> to vector<16xf32>
      %add3A_48 = arith.addf %get3A_43, %get3A_47 : vector<16xf32>
      %div3A_49 = arith.divf %broadcast_in_dim3A_1, %add3A_48 : vector<16xf32>
      %swap3A_50 = arith.index_cast %scan3A_26 : i32 to index
      %swap3A_51 = arith.constant 16 : index
      %swap3A_52 = tpu.vector_load %arg4[%swap3A_50, %swap3A_51] {strides = array<i32>} : memref<160x128xf32, #tpu.memory_space<vmem>>, vector<1x16xf32>,
      %swap3A_53 = vector.shape_cast %swap3A_52 : vector<1x16xf32> to vector<16xf32>
      %swap3A_54 = vector.shape_cast %div3A_49 : vector<16xf32> to vector<1x16xf32>
      tpu.vector_store %arg4[%swap3A_50, %swap3A_51], %swap3A_54 {strides = array<i32>} : memref<160x128xf32, #tpu.memory_space<vmem>>, vector<1x16xf32>,
      %get3A_55 = arith.index_cast %scan3A_26 : i32 to index
      %get3A_56 = arith.constant 32 : index
      %get3A_57 = tpu.vector_load %arg4[%get3A_55, %get3A_56] {strides = array<i32>} : memref<160x128xf32, #tpu.memory_space<vmem>>, vector<1x16xf32>,
      %get3A_58 = vector.shape_cast %get3A_57 : vector<1x16xf32> to vector<16xf32>
      %get3A_59 = arith.index_cast %scan3A_26 : i32 to index
      %get3A_60 = arith.constant 32 : index
      %get3A_61 = tpu.vector_load %arg5[%get3A_59, %get3A_60] {strides = array<i32>} : memref<160x128xf32, #tpu.memory_space<vmem>>, vector<1x16xf32>,
      %get3A_62 = vector.shape_cast %get3A_61 : vector<1x16xf32> to vector<16xf32>
      %add3A_63 = arith.addf %get3A_58, %get3A_62 : vector<16xf32>
      %div3A_64 = arith.divf %broadcast_in_dim3A_1, %add3A_63 : vector<16xf32>
      %swap3A_65 = arith.index_cast %scan3A_26 : i32 to index
      %swap3A_66 = arith.constant 32 : index
      %swap3A_67 = tpu.vector_load %arg4[%swap3A_65, %swap3A_66] {strides = array<i32>} : memref<160x128xf32, #tpu.memory_space<vmem>>, vector<1x16xf32>,
      %swap3A_68 = vector.shape_cast %swap3A_67 : vector<1x16xf32> to vector<16xf32>
      %swap3A_69 = vector.shape_cast %div3A_64 : vector<16xf32> to vector<1x16xf32>
      tpu.vector_store %arg4[%swap3A_65, %swap3A_66], %swap3A_69 {strides = array<i32>} : memref<160x128xf32, #tpu.memory_space<vmem>>, vector<1x16xf32>,
      %get3A_70 = arith.index_cast %scan3A_26 : i32 to index
      %get3A_71 = arith.constant 48 : index
      %get3A_72 = tpu.vector_load %arg4[%get3A_70, %get3A_71] {strides = array<i32>} : memref<160x128xf32, #tpu.memory_space<vmem>>, vector<1x16xf32>,
      %get3A_73 = vector.shape_cast %get3A_72 : vector<1x16xf32> to vector<16xf32>
      %get3A_74 = arith.index_cast %scan3A_26 : i32 to index
      %get3A_75 = arith.constant 48 : index
      %get3A_76 = tpu.vector_load %arg5[%get3A_74, %get3A_75] {strides = array<i32>} : memref<160x128xf32, #tpu.memory_space<vmem>>, vector<1x16xf32>,
      %get3A_77 = vector.shape_cast %get3A_76 : vector<1x16xf32> to vector<16xf32>
      %add3A_78 = arith.addf %get3A_73, %get3A_77 : vector<16xf32>
      %div3A_79 = arith.divf %broadcast_in_dim3A_1, %add3A_78 : vector<16xf32>
      %swap3A_80 = arith.index_cast %scan3A_26 : i32 to index
      %swap3A_81 = arith.constant 48 : index
      %swap3A_82 = tpu.vector_load %arg4[%swap3A_80, %swap3A_81] {strides = array<i32>} : memref<160x128xf32, #tpu.memory_space<vmem>>, vector<1x16xf32>,
      %swap3A_83 = vector.shape_cast %swap3A_82 : vector<1x16xf32> to vector<16xf32>
      %swap3A_84 = vector.shape_cast %div3A_79 : vector<16xf32> to vector<1x16xf32>
      tpu.vector_store %arg4[%swap3A_80, %swap3A_81], %swap3A_84 {strides = array<i32>} : memref<160x128xf32, #tpu.memory_space<vmem>>, vector<1x16xf32>,
      %get3A_85 = arith.index_cast %scan3A_26 : i32 to index
      %get3A_86 = arith.constant 64 : index
      %get3A_87 = tpu.vector_load %arg4[%get3A_85, %get3A_86] {strides = array<i32>} : memref<160x128xf32, #tpu.memory_space<vmem>>, vector<1x16xf32>,
      %get3A_88 = vector.shape_cast %get3A_87 : vector<1x16xf32> to vector<16xf32>
      %get3A_89 = arith.index_cast %scan3A_26 : i32 to index
      %get3A_90 = arith.constant 64 : index
      %get3A_91 = tpu.vector_load %arg5[%get3A_89, %get3A_90] {strides = array<i32>} : memref<160x128xf32, #tpu.memory_space<vmem>>, vector<1x16xf32>,
      %get3A_92 = vector.shape_cast %get3A_91 : vector<1x16xf32> to vector<16xf32>
      %add3A_93 = arith.addf %get3A_88, %get3A_92 : vector<16xf32>
      %div3A_94 = arith.divf %broadcast_in_dim3A_1, %add3A_93 : vector<16xf32>
      %swap3A_95 = arith.index_cast %scan3A_26 : i32 to index
      %swap3A_96 = arith.constant 64 : index
      %swap3A_97 = tpu.vector_load %arg4[%swap3A_95, %swap3A_96] {strides = array<i32>} : memref<160x128xf32, #tpu.memory_space<vmem>>, vector<1x16xf32>,
      %swap3A_98 = vector.shape_cast %swap3A_97 : vector<1x16xf32> to vector<16xf32>
      %swap3A_99 = vector.shape_cast %div3A_94 : vector<16xf32> to vector<1x16xf32>
      tpu.vector_store %arg4[%swap3A_95, %swap3A_96], %swap3A_99 {strides = array<i32>} : memref<160x128xf32, #tpu.memory_space<vmem>>, vector<1x16xf32>,
      %get3A_100 = arith.index_cast %scan3A_26 : i32 to index
      %get3A_101 = arith.constant 80 : index
      %get3A_102 = tpu.vector_load %arg4[%get3A_100, %get3A_101] {strides = array<i32>} : memref<160x128xf32, #tpu.memory_space<vmem>>, vector<1x16xf32>,
      %get3A_103 = vector.shape_cast %get3A_102 : vector<1x16xf32> to vector<16xf32>
      %get3A_104 = arith.index_cast %scan3A_26 : i32 to index
      %get3A_105 = arith.constant 80 : index
      %get3A_106 = tpu.vector_load %arg5[%get3A_104, %get3A_105] {strides = array<i32>} : memref<160x128xf32, #tpu.memory_space<vmem>>, vector<1x16xf32>,
      %get3A_107 = vector.shape_cast %get3A_106 : vector<1x16xf32> to vector<16xf32>
      %add3A_108 = arith.addf %get3A_103, %get3A_107 : vector<16xf32>
      %div3A_109 = arith.divf %broadcast_in_dim3A_1, %add3A_108 : vector<16xf32>
      %swap3A_110 = arith.index_cast %scan3A_26 : i32 to index
      %swap3A_111 = arith.constant 80 : index
      %swap3A_112 = tpu.vector_load %arg4[%swap3A_110, %swap3A_111] {strides = array<i32>} : memref<160x128xf32, #tpu.memory_space<vmem>>, vector<1x16xf32>,
      %swap3A_113 = vector.shape_cast %swap3A_112 : vector<1x16xf32> to vector<16xf32>
      %swap3A_114 = vector.shape_cast %div3A_109 : vector<16xf32> to vector<1x16xf32>
      tpu.vector_store %arg4[%swap3A_110, %swap3A_111], %swap3A_114 {strides = array<i32>} : memref<160x128xf32, #tpu.memory_space<vmem>>, vector<1x16xf32>,
      %get3A_115 = arith.index_cast %scan3A_26 : i32 to index
      %get3A_116 = arith.constant 96 : index
      %get3A_117 = tpu.vector_load %arg4[%get3A_115, %get3A_116] {strides = array<i32>} : memref<160x128xf32, #tpu.memory_space<vmem>>, vector<1x16xf32>,
      %get3A_118 = vector.shape_cast %get3A_117 : vector<1x16xf32> to vector<16xf32>
      %get3A_119 = arith.index_cast %scan3A_26 : i32 to index
      %get3A_120 = arith.constant 96 : index
      %get3A_121 = tpu.vector_load %arg5[%get3A_119, %get3A_120] {strides = array<i32>} : memref<160x128xf32, #tpu.memory_space<vmem>>, vector<1x16xf32>,
      %get3A_122 = vector.shape_cast %get3A_121 : vector<1x16xf32> to vector<16xf32>
      %add3A_123 = arith.addf %get3A_118, %get3A_122 : vector<16xf32>
      %div3A_124 = arith.divf %broadcast_in_dim3A_1, %add3A_123 : vector<16xf32>
      %swap3A_125 = arith.index_cast %scan3A_26 : i32 to index
      %swap3A_126 = arith.constant 96 : index
      %swap3A_127 = tpu.vector_load %arg4[%swap3A_125, %swap3A_126] {strides = array<i32>} : memref<160x128xf32, #tpu.memory_space<vmem>>, vector<1x16xf32>,
      %swap3A_128 = vector.shape_cast %swap3A_127 : vector<1x16xf32> to vector<16xf32>
      %swap3A_129 = vector.shape_cast %div3A_124 : vector<16xf32> to vector<1x16xf32>
      tpu.vector_store %arg4[%swap3A_125, %swap3A_126], %swap3A_129 {strides = array<i32>} : memref<160x128xf32, #tpu.memory_space<vmem>>, vector<1x16xf32>,
      %get3A_130 = arith.index_cast %scan3A_26 : i32 to index
      %get3A_131 = arith.constant 112 : index
      %get3A_132 = tpu.vector_load %arg4[%get3A_130, %get3A_131] {strides = array<i32>} : memref<160x128xf32, #tpu.memory_space<vmem>>, vector<1x16xf32>,
      %get3A_133 = vector.shape_cast %get3A_132 : vector<1x16xf32> to vector<16xf32>
      %get3A_134 = arith.index_cast %scan3A_26 : i32 to index
      %get3A_135 = arith.constant 112 : index
      %get3A_136 = tpu.vector_load %arg5[%get3A_134, %get3A_135] {strides = array<i32>} : memref<160x128xf32, #tpu.memory_space<vmem>>, vector<1x16xf32>,
      %get3A_137 = vector.shape_cast %get3A_136 : vector<1x16xf32> to vector<16xf32>
      %add3A_138 = arith.addf %get3A_133, %get3A_137 : vector<16xf32>
      %div3A_139 = arith.divf %broadcast_in_dim3A_1, %add3A_138 : vector<16xf32>
      %swap3A_140 = arith.index_cast %scan3A_26 : i32 to index
      %swap3A_141 = arith.constant 112 : index
      %swap3A_142 = tpu.vector_load %arg4[%swap3A_140, %swap3A_141] {strides = array<i32>} : memref<160x128xf32, #tpu.memory_space<vmem>>, vector<1x16xf32>,
      %swap3A_143 = vector.shape_cast %swap3A_142 : vector<1x16xf32> to vector<16xf32>
      %swap3A_144 = vector.shape_cast %div3A_139 : vector<16xf32> to vector<1x16xf32>
      tpu.vector_store %arg4[%swap3A_140, %swap3A_141], %swap3A_144 {strides = array<i32>} : memref<160x128xf32, #tpu.memory_space<vmem>>, vector<1x16xf32>,
      %scan3A_145 = arith.constant 0 : i32
      %scan3A_146 = arith.constant 1 : i32
      %scan3A_147 = arith.addi %scan3A_26, %scan3A_146 : i32
      %get3A_148 = arith.index_cast %scan3A_147 : i32 to index
      %get3A_149 = arith.constant 0 : index
      %get3A_150 = tpu.vector_load %arg4[%get3A_148, %get3A_149] {strides = array<i32>} : memref<160x128xf32, #tpu.memory_space<vmem>>, vector<1x16xf32>,
      %get3A_151 = vector.shape_cast %get3A_150 : vector<1x16xf32> to vector<16xf32>
      %get3A_152 = arith.index_cast %scan3A_147 : i32 to index
      %get3A_153 = arith.constant 0 : index
      %get3A_154 = tpu.vector_load %arg5[%get3A_152, %get3A_153] {strides = array<i32>} : memref<160x128xf32, #tpu.memory_space<vmem>>, vector<1x16xf32>,
      %get3A_155 = vector.shape_cast %get3A_154 : vector<1x16xf32> to vector<16xf32>
      %add3A_156 = arith.addf %get3A_151, %get3A_155 : vector<16xf32>
      %div3A_157 = arith.divf %broadcast_in_dim3A_1, %add3A_156 : vector<16xf32>
      %swap3A_158 = arith.index_cast %scan3A_147 : i32 to index
      %swap3A_159 = arith.constant 0 : index
      %swap3A_160 = tpu.vector_load %arg4[%swap3A_158, %swap3A_159] {strides = array<i32>} : memref<160x128xf32, #tpu.memory_space<vmem>>, vector<1x16xf32>,
      %swap3A_161 = vector.shape_cast %swap3A_160 : vector<1x16xf32> to vector<16xf32>
      %swap3A_162 = vector.shape_cast %div3A_157 : vector<16xf32> to vector<1x16xf32>
      tpu.vector_store %arg4[%swap3A_158, %swap3A_159], %swap3A_162 {strides = array<i32>} : memref<160x128xf32, #tpu.memory_space<vmem>>, vector<1x16xf32>,
      %get3A_163 = arith.index_cast %scan3A_147 : i32 to index
      %get3A_164 = arith.constant 16 : index
      %get3A_165 = tpu.vector_load %arg4[%get3A_163, %get3A_164] {strides = array<i32>} : memref<160x128xf32, #tpu.memory_space<vmem>>, vector<1x16xf32>,
      %get3A_166 = vector.shape_cast %get3A_165 : vector<1x16xf32> to vector<16xf32>
      %get3A_167 = arith.index_cast %scan3A_147 : i32 to index
      %get3A_168 = arith.constant 16 : index
      %get3A_169 = tpu.vector_load %arg5[%get3A_167, %get3A_168] {strides = array<i32>} : memref<160x128xf32, #tpu.memory_space<vmem>>, vector<1x16xf32>,
      %get3A_170 = vector.shape_cast %get3A_169 : vector<1x16xf32> to vector<16xf32>
      %add3A_171 = arith.addf %get3A_166, %get3A_170 : vector<16xf32>
      %div3A_172 = arith.divf %broadcast_in_dim3A_1, %add3A_171 : vector<16xf32>
      %swap3A_173 = arith.index_cast %scan3A_147 : i32 to index
      %swap3A_174 = arith.constant 16 : index
      %swap3A_175 = tpu.vector_load %arg4[%swap3A_173, %swap3A_174] {strides = array<i32>} : memref<160x128xf32, #tpu.memory_space<vmem>>, vector<1x16xf32>,
      %swap3A_176 = vector.shape_cast %swap3A_175 : vector<1x16xf32> to vector<16xf32>
      %swap3A_177 = vector.shape_cast %div3A_172 : vector<16xf32> to vector<1x16xf32>
      tpu.vector_store %arg4[%swap3A_173, %swap3A_174], %swap3A_177 {strides = array<i32>} : memref<160x128xf32, #tpu.memory_space<vmem>>, vector<1x16xf32>,
      %get3A_178 = arith.index_cast %scan3A_147 : i32 to index
      %get3A_179 = arith.constant 32 : index
      %get3A_180 = tpu.vector_load %arg4[%get3A_178, %get3A_179] {strides = array<i32>} : memref<160x128xf32, #tpu.memory_space<vmem>>, vector<1x16xf32>,
      %get3A_181 = vector.shape_cast %get3A_180 : vector<1x16xf32> to vector<16xf32>
      %get3A_182 = arith.index_cast %scan3A_147 : i32 to index
      %get3A_183 = arith.constant 32 : index
      %get3A_184 = tpu.vector_load %arg5[%get3A_182, %get3A_183] {strides = array<i32>} : memref<160x128xf32, #tpu.memory_space<vmem>>, vector<1x16xf32>,
      %get3A_185 = vector.shape_cast %get3A_184 : vector<1x16xf32> to vector<16xf32>
      %add3A_186 = arith.addf %get3A_181, %get3A_185 : vector<16xf32>
      %div3A_187 = arith.divf %broadcast_in_dim3A_1, %add3A_186 : vector<16xf32>
      %swap3A_188 = arith.index_cast %scan3A_147 : i32 to index
      %swap3A_189 = arith.constant 32 : index
      %swap3A_190 = tpu.vector_load %arg4[%swap3A_188, %swap3A_189] {strides = array<i32>} : memref<160x128xf32, #tpu.memory_space<vmem>>, vector<1x16xf32>,
      %swap3A_191 = vector.shape_cast %swap3A_190 : vector<1x16xf32> to vector<16xf32>
      %swap3A_192 = vector.shape_cast %div3A_187 : vector<16xf32> to vector<1x16xf32>
      tpu.vector_store %arg4[%swap3A_188, %swap3A_189], %swap3A_192 {strides = array<i32>} : memref<160x128xf32, #tpu.memory_space<vmem>>, vector<1x16xf32>,
      %get3A_193 = arith.index_cast %scan3A_147 : i32 to index
      %get3A_194 = arith.constant 48 : index
      %get3A_195 = tpu.vector_load %arg4[%get3A_193, %get3A_194] {strides = array<i32>} : memref<160x128xf32, #tpu.memory_space<vmem>>, vector<1x16xf32>,
      %get3A_196 = vector.shape_cast %get3A_195 : vector<1x16xf32> to vector<16xf32>
      %get3A_197 = arith.index_cast %scan3A_147 : i32 to index
      %get3A_198 = arith.constant 48 : index
      %get3A_199 = tpu.vector_load %arg5[%get3A_197, %get3A_198] {strides = array<i32>} : memref<160x128xf32, #tpu.memory_space<vmem>>, vector<1x16xf32>,
      %get3A_200 = vector.shape_cast %get3A_199 : vector<1x16xf32> to vector<16xf32>
      %add3A_201 = arith.addf %get3A_196, %get3A_200 : vector<16xf32>
      %div3A_202 = arith.divf %broadcast_in_dim3A_1, %add3A_201 : vector<16xf32>
      %swap3A_203 = arith.index_cast %scan3A_147 : i32 to index
      %swap3A_204 = arith.constant 48 : index
      %swap3A_205 = tpu.vector_load %arg4[%swap3A_203, %swap3A_204] {strides = array<i32>} : memref<160x128xf32, #tpu.memory_space<vmem>>, vector<1x16xf32>,
      %swap3A_206 = vector.shape_cast %swap3A_205 : vector<1x16xf32> to vector<16xf32>
      %swap3A_207 = vector.shape_cast %div3A_202 : vector<16xf32> to vector<1x16xf32>
      tpu.vector_store %arg4[%swap3A_203, %swap3A_204], %swap3A_207 {strides = array<i32>} : memref<160x128xf32, #tpu.memory_space<vmem>>, vector<1x16xf32>,
      %get3A_208 = arith.index_cast %scan3A_147 : i32 to index
      %get3A_209 = arith.constant 64 : index
      %get3A_210 = tpu.vector_load %arg4[%get3A_208, %get3A_209] {strides = array<i32>} : memref<160x128xf32, #tpu.memory_space<vmem>>, vector<1x16xf32>,
      %get3A_211 = vector.shape_cast %get3A_210 : vector<1x16xf32> to vector<16xf32>
      %get3A_212 = arith.index_cast %scan3A_147 : i32 to index
      %get3A_213 = arith.constant 64 : index
      %get3A_214 = tpu.vector_load %arg5[%get3A_212, %get3A_213] {strides = array<i32>} : memref<160x128xf32, #tpu.memory_space<vmem>>, vector<1x16xf32>,
      %get3A_215 = vector.shape_cast %get3A_214 : vector<1x16xf32> to vector<16xf32>
      %add3A_216 = arith.addf %get3A_211, %get3A_215 : vector<16xf32>
      %div3A_217 = arith.divf %broadcast_in_dim3A_1, %add3A_216 : vector<16xf32>
      %swap3A_218 = arith.index_cast %scan3A_147 : i32 to index
      %swap3A_219 = arith.constant 64 : index
      %swap3A_220 = tpu.vector_load %arg4[%swap3A_218, %swap3A_219] {strides = array<i32>} : memref<160x128xf32, #tpu.memory_space<vmem>>, vector<1x16xf32>,
      %swap3A_221 = vector.shape_cast %swap3A_220 : vector<1x16xf32> to vector<16xf32>
      %swap3A_222 = vector.shape_cast %div3A_217 : vector<16xf32> to vector<1x16xf32>
      tpu.vector_store %arg4[%swap3A_218, %swap3A_219], %swap3A_222 {strides = array<i32>} : memref<160x128xf32, #tpu.memory_space<vmem>>, vector<1x16xf32>,
      %get3A_223 = arith.index_cast %scan3A_147 : i32 to index
      %get3A_224 = arith.constant 80 : index
      %get3A_225 = tpu.vector_load %arg4[%get3A_223, %get3A_224] {strides = array<i32>} : memref<160x128xf32, #tpu.memory_space<vmem>>, vector<1x16xf32>,
      %get3A_226 = vector.shape_cast %get3A_225 : vector<1x16xf32> to vector<16xf32>
      %get3A_227 = arith.index_cast %scan3A_147 : i32 to index
      %get3A_228 = arith.constant 80 : index
      %get3A_229 = tpu.vector_load %arg5[%get3A_227, %get3A_228] {strides = array<i32>} : memref<160x128xf32, #tpu.memory_space<vmem>>, vector<1x16xf32>,
      %get3A_230 = vector.shape_cast %get3A_229 : vector<1x16xf32> to vector<16xf32>
      %add3A_231 = arith.addf %get3A_226, %get3A_230 : vector<16xf32>
      %div3A_232 = arith.divf %broadcast_in_dim3A_1, %add3A_231 : vector<16xf32>
      %swap3A_233 = arith.index_cast %scan3A_147 : i32 to index
      %swap3A_234 = arith.constant 80 : index
      %swap3A_235 = tpu.vector_load %arg4[%swap3A_233, %swap3A_234] {strides = array<i32>} : memref<160x128xf32, #tpu.memory_space<vmem>>, vector<1x16xf32>,
      %swap3A_236 = vector.shape_cast %swap3A_235 : vector<1x16xf32> to vector<16xf32>
      %swap3A_237 = vector.shape_cast %div3A_232 : vector<16xf32> to vector<1x16xf32>
      tpu.vector_store %arg4[%swap3A_233, %swap3A_234], %swap3A_237 {strides = array<i32>} : memref<160x128xf32, #tpu.memory_space<vmem>>, vector<1x16xf32>,
      %get3A_238 = arith.index_cast %scan3A_147 : i32 to index
      %get3A_239 = arith.constant 96 : index
      %get3A_240 = tpu.vector_load %arg4[%get3A_238, %get3A_239] {strides = array<i32>} : memref<160x128xf32, #tpu.memory_space<vmem>>, vector<1x16xf32>,
      %get3A_241 = vector.shape_cast %get3A_240 : vector<1x16xf32> to vector<16xf32>
      %get3A_242 = arith.index_cast %scan3A_147 : i32 to index
      %get3A_243 = arith.constant 96 : index
      %get3A_244 = tpu.vector_load %arg5[%get3A_242, %get3A_243] {strides = array<i32>} : memref<160x128xf32, #tpu.memory_space<vmem>>, vector<1x16xf32>,
      %get3A_245 = vector.shape_cast %get3A_244 : vector<1x16xf32> to vector<16xf32>
      %add3A_246 = arith.addf %get3A_241, %get3A_245 : vector<16xf32>
      %div3A_247 = arith.divf %broadcast_in_dim3A_1, %add3A_246 : vector<16xf32>
      %swap3A_248 = arith.index_cast %scan3A_147 : i32 to index
      %swap3A_249 = arith.constant 96 : index
      %swap3A_250 = tpu.vector_load %arg4[%swap3A_248, %swap3A_249] {strides = array<i32>} : memref<160x128xf32, #tpu.memory_space<vmem>>, vector<1x16xf32>,
      %swap3A_251 = vector.shape_cast %swap3A_250 : vector<1x16xf32> to vector<16xf32>
      %swap3A_252 = vector.shape_cast %div3A_247 : vector<16xf32> to vector<1x16xf32>
      tpu.vector_store %arg4[%swap3A_248, %swap3A_249], %swap3A_252 {strides = array<i32>} : memref<160x128xf32, #tpu.memory_space<vmem>>, vector<1x16xf32>,
      %get3A_253 = arith.index_cast %scan3A_147 : i32 to index
      %get3A_254 = arith.constant 112 : index
      %get3A_255 = tpu.vector_load %arg4[%get3A_253, %get3A_254] {strides = array<i32>} : memref<160x128xf32, #tpu.memory_space<vmem>>, vector<1x16xf32>,
      %get3A_256 = vector.shape_cast %get3A_255 : vector<1x16xf32> to vector<16xf32>
      %get3A_257 = arith.index_cast %scan3A_147 : i32 to index
      %get3A_258 = arith.constant 112 : index
      %get3A_259 = tpu.vector_load %arg5[%get3A_257, %get3A_258] {strides = array<i32>} : memref<160x128xf32, #tpu.memory_space<vmem>>, vector<1x16xf32>,
      %get3A_260 = vector.shape_cast %get3A_259 : vector<1x16xf32> to vector<16xf32>
      %add3A_261 = arith.addf %get3A_256, %get3A_260 : vector<16xf32>
      %div3A_262 = arith.divf %broadcast_in_dim3A_1, %add3A_261 : vector<16xf32>
      %swap3A_263 = arith.index_cast %scan3A_147 : i32 to index
      %swap3A_264 = arith.constant 112 : index
      %swap3A_265 = tpu.vector_load %arg4[%swap3A_263, %swap3A_264] {strides = array<i32>} : memref<160x128xf32, #tpu.memory_space<vmem>>, vector<1x16xf32>,
      %swap3A_266 = vector.shape_cast %swap3A_265 : vector<1x16xf32> to vector<16xf32>
      %swap3A_267 = vector.shape_cast %div3A_262 : vector<16xf32> to vector<1x16xf32>
      tpu.vector_store %arg4[%swap3A_263, %swap3A_264], %swap3A_267 {strides = array<i32>} : memref<160x128xf32, #tpu.memory_space<vmem>>, vector<1x16xf32>,
      %scan3A_268 = arith.constant 0 : i32
      scf.yield %scan3A_268 : i32
    }
    %scan3A_12 = arith.constant 160 : i32
    "tpu.region"() ({
      %run_scoped3A_26 = tpu.sem_alloc : memref<!tpu.dma_semaphore, #tpu.memory_space<semaphore_mem>>
      %dma_start3A = arith.constant 0 : i32
      %dma_start3A_27 = tpu.memref_slice %arg3[%add3A_5, %dma_start3A] : memref<10240x128xf32, #tpu.memory_space<hbm>> -> memref<160x128xf32, #tpu.memory_space<hbm>>
      %dma_start3A_28 = arith.constant 0 : i32
      %dma_start3A_29 = tpu.memref_slice %arg3[%add3A_5, %dma_start3A_28] : memref<10240x128xf32, #tpu.memory_space<hbm>> -> memref<160x128xf32, #tpu.memory_space<hbm>>
      tpu.enqueue_dma source(%arg4 : memref<160x128xf32, #tpu.memory_space<vmem>>) target(%dma_start3A_29 : memref<160x128xf32, #tpu.memory_space<hbm>>) target_semaphore(%run_scoped3A_26 : memref<!tpu.dma_semaphore, #tpu.memory_space<semaphore_mem>>)
      %dma_wait3A = arith.constant 0 : i32
      %dma_wait3A_30 = tpu.memref_slice %arg3[%add3A_5, %dma_wait3A] : memref<10240x128xf32, #tpu.memory_space<hbm>> -> memref<160x128xf32, #tpu.memory_space<hbm>>
      %dma_wait3A_31 = arith.constant 0 : i32
      %dma_wait3A_32 = tpu.memref_slice %arg3[%add3A_5, %dma_wait3A_31] : memref<10240x128xf32, #tpu.memory_space<hbm>> -> memref<160x128xf32, #tpu.memory_space<hbm>>
      tpu.wait_dma2 semaphore(%run_scoped3A_26 : memref<!tpu.dma_semaphore, #tpu.memory_space<semaphore_mem>>) src(%arg4 : memref<160x128xf32, #tpu.memory_space<vmem>>) dst(%dma_wait3A_32 : memref<160x128xf32, #tpu.memory_space<hbm>>)
      tpu.yield
    }) : () -> ()
    %mul3A_13 = arith.constant 320 : i32
    %mul3A_14 = arith.muli %add3A, %mul3A_13 : i32
    %add3A_15 = arith.constant 160 : i32
    %add3A_16 = arith.addi %mul3A_14, %add3A_15 : i32
    %run_scoped3A_17 = arith.constant 0 : i32
    "tpu.region"() ({
      %run_scoped3A_26 = tpu.sem_alloc : memref<!tpu.dma_semaphore, #tpu.memory_space<semaphore_mem>>
      %dma_start3A = arith.constant 0 : i32
      %dma_start3A_27 = tpu.memref_slice %arg2[%run_scoped3A_17, %add3A_16, %dma_start3A] : memref<2x10240x128xf32, #tpu.memory_space<hbm>> -> memref<1x160x128xf32, #tpu.memory_space<hbm>>
      %dma_start3A_28 = tpu.memref_squeeze %dma_start3A_27 : memref<1x160x128xf32, #tpu.memory_space<hbm>> -> memref<160x128xf32, #tpu.memory_space<hbm>>
      %dma_start3A_29 = arith.constant 0 : i32
      %dma_start3A_30 = tpu.memref_slice %arg2[%run_scoped3A_17, %add3A_16, %dma_start3A_29] : memref<2x10240x128xf32, #tpu.memory_space<hbm>> -> memref<1x160x128xf32, #tpu.memory_space<hbm>>
      %dma_start3A_31 = tpu.memref_squeeze %dma_start3A_30 : memref<1x160x128xf32, #tpu.memory_space<hbm>> -> memref<160x128xf32, #tpu.memory_space<hbm>>
      tpu.enqueue_dma source(%dma_start3A_31 : memref<160x128xf32, #tpu.memory_space<hbm>>) target(%arg4 : memref<160x128xf32, #tpu.memory_space<vmem>>) target_semaphore(%run_scoped3A_26 : memref<!tpu.dma_semaphore, #tpu.memory_space<semaphore_mem>>)
      %dma_wait3A = arith.constant 0 : i32
      %dma_wait3A_32 = tpu.memref_slice %arg2[%run_scoped3A_17, %add3A_16, %dma_wait3A] : memref<2x10240x128xf32, #tpu.memory_space<hbm>> -> memref<1x160x128xf32, #tpu.memory_space<hbm>>
      %dma_wait3A_33 = tpu.memref_squeeze %dma_wait3A_32 : memref<1x160x128xf32, #tpu.memory_space<hbm>> -> memref<160x128xf32, #tpu.memory_space<hbm>>
      %dma_wait3A_34 = arith.constant 0 : i32
      %dma_wait3A_35 = tpu.memref_slice %arg2[%run_scoped3A_17, %add3A_16, %dma_wait3A_34] : memref<2x10240x128xf32, #tpu.memory_space<hbm>> -> memref<1x160x128xf32, #tpu.memory_space<hbm>>
      %dma_wait3A_36 = tpu.memref_squeeze %dma_wait3A_35 : memref<1x160x128xf32, #tpu.memory_space<hbm>> -> memref<160x128xf32, #tpu.memory_space<hbm>>
      tpu.wait_dma2 semaphore(%run_scoped3A_26 : memref<!tpu.dma_semaphore, #tpu.memory_space<semaphore_mem>>) src(%dma_wait3A_36 : memref<160x128xf32, #tpu.memory_space<hbm>>) dst(%arg4 : memref<160x128xf32, #tpu.memory_space<vmem>>)
      tpu.yield
    }) : () -> ()
    %run_scoped3A_18 = arith.constant 1 : i32
    "tpu.region"() ({
      %run_scoped3A_26 = tpu.sem_alloc : memref<!tpu.dma_semaphore, #tpu.memory_space<semaphore_mem>>
      %dma_start3A = arith.constant 0 : i32
      %dma_start3A_27 = tpu.memref_slice %arg2[%run_scoped3A_18, %add3A_16, %dma_start3A] : memref<2x10240x128xf32, #tpu.memory_space<hbm>> -> memref<1x160x128xf32, #tpu.memory_space<hbm>>
      %dma_start3A_28 = tpu.memref_squeeze %dma_start3A_27 : memref<1x160x128xf32, #tpu.memory_space<hbm>> -> memref<160x128xf32, #tpu.memory_space<hbm>>
      %dma_start3A_29 = arith.constant 0 : i32
      %dma_start3A_30 = tpu.memref_slice %arg2[%run_scoped3A_18, %add3A_16, %dma_start3A_29] : memref<2x10240x128xf32, #tpu.memory_space<hbm>> -> memref<1x160x128xf32, #tpu.memory_space<hbm>>
      %dma_start3A_31 = tpu.memref_squeeze %dma_start3A_30 : memref<1x160x128xf32, #tpu.memory_space<hbm>> -> memref<160x128xf32, #tpu.memory_space<hbm>>
      tpu.enqueue_dma source(%dma_start3A_31 : memref<160x128xf32, #tpu.memory_space<hbm>>) target(%arg5 : memref<160x128xf32, #tpu.memory_space<vmem>>) target_semaphore(%run_scoped3A_26 : memref<!tpu.dma_semaphore, #tpu.memory_space<semaphore_mem>>)
      %dma_wait3A = arith.constant 0 : i32
      %dma_wait3A_32 = tpu.memref_slice %arg2[%run_scoped3A_18, %add3A_16, %dma_wait3A] : memref<2x10240x128xf32, #tpu.memory_space<hbm>> -> memref<1x160x128xf32, #tpu.memory_space<hbm>>
      %dma_wait3A_33 = tpu.memref_squeeze %dma_wait3A_32 : memref<1x160x128xf32, #tpu.memory_space<hbm>> -> memref<160x128xf32, #tpu.memory_space<hbm>>
      %dma_wait3A_34 = arith.constant 0 : i32
      %dma_wait3A_35 = tpu.memref_slice %arg2[%run_scoped3A_18, %add3A_16, %dma_wait3A_34] : memref<2x10240x128xf32, #tpu.memory_space<hbm>> -> memref<1x160x128xf32, #tpu.memory_space<hbm>>
      %dma_wait3A_36 = tpu.memref_squeeze %dma_wait3A_35 : memref<1x160x128xf32, #tpu.memory_space<hbm>> -> memref<160x128xf32, #tpu.memory_space<hbm>>
      tpu.wait_dma2 semaphore(%run_scoped3A_26 : memref<!tpu.dma_semaphore, #tpu.memory_space<semaphore_mem>>) src(%dma_wait3A_36 : memref<160x128xf32, #tpu.memory_space<hbm>>) dst(%arg5 : memref<160x128xf32, #tpu.memory_space<vmem>>)
      tpu.yield
    }) : () -> ()
    %scan3A_19 = arith.constant 0 : i32
    %scan3A_20 = arith.constant 0 : i32
    %scan3A_21 = arith.constant 160 : i32
    %scan3A_22 = arith.addi %scan3A_20, %scan3A_21 : i32
    %scan3A_23 = arith.constant 2 : i32
    %scan3A_24 = scf.for %scan3A_26 = %scan3A_20 to %scan3A_22 step %scan3A_23 iter_args(%scan3A_27 = %scan3A_19) -> (i32)  : i32 {
      %get3A = arith.index_cast %scan3A_26 : i32 to index
      %get3A_28 = arith.constant 0 : index
      %get3A_29 = tpu.vector_load %arg4[%get3A, %get3A_28] {strides = array<i32>} : memref<160x128xf32, #tpu.memory_space<vmem>>, vector<1x16xf32>,
      %get3A_30 = vector.shape_cast %get3A_29 : vector<1x16xf32> to vector<16xf32>
      %get3A_31 = arith.index_cast %scan3A_26 : i32 to index
      %get3A_32 = arith.constant 0 : index
      %get3A_33 = tpu.vector_load %arg5[%get3A_31, %get3A_32] {strides = array<i32>} : memref<160x128xf32, #tpu.memory_space<vmem>>, vector<1x16xf32>,
      %get3A_34 = vector.shape_cast %get3A_33 : vector<1x16xf32> to vector<16xf32>
      %add3A_35 = arith.addf %get3A_30, %get3A_34 : vector<16xf32>
      %div3A = arith.divf %broadcast_in_dim3A_1, %add3A_35 : vector<16xf32>
      %swap3A = arith.index_cast %scan3A_26 : i32 to index
      %swap3A_36 = arith.constant 0 : index
      %swap3A_37 = tpu.vector_load %arg4[%swap3A, %swap3A_36] {strides = array<i32>} : memref<160x128xf32, #tpu.memory_space<vmem>>, vector<1x16xf32>,
      %swap3A_38 = vector.shape_cast %swap3A_37 : vector<1x16xf32> to vector<16xf32>
      %swap3A_39 = vector.shape_cast %div3A : vector<16xf32> to vector<1x16xf32>
      tpu.vector_store %arg4[%swap3A, %swap3A_36], %swap3A_39 {strides = array<i32>} : memref<160x128xf32, #tpu.memory_space<vmem>>, vector<1x16xf32>,
      %get3A_40 = arith.index_cast %scan3A_26 : i32 to index
      %get3A_41 = arith.constant 16 : index
      %get3A_42 = tpu.vector_load %arg4[%get3A_40, %get3A_41] {strides = array<i32>} : memref<160x128xf32, #tpu.memory_space<vmem>>, vector<1x16xf32>,
      %get3A_43 = vector.shape_cast %get3A_42 : vector<1x16xf32> to vector<16xf32>
      %get3A_44 = arith.index_cast %scan3A_26 : i32 to index
      %get3A_45 = arith.constant 16 : index
      %get3A_46 = tpu.vector_load %arg5[%get3A_44, %get3A_45] {strides = array<i32>} : memref<160x128xf32, #tpu.memory_space<vmem>>, vector<1x16xf32>,
      %get3A_47 = vector.shape_cast %get3A_46 : vector<1x16xf32> to vector<16xf32>
      %add3A_48 = arith.addf %get3A_43, %get3A_47 : vector<16xf32>
      %div3A_49 = arith.divf %broadcast_in_dim3A_1, %add3A_48 : vector<16xf32>
      %swap3A_50 = arith.index_cast %scan3A_26 : i32 to index
      %swap3A_51 = arith.constant 16 : index
      %swap3A_52 = tpu.vector_load %arg4[%swap3A_50, %swap3A_51] {strides = array<i32>} : memref<160x128xf32, #tpu.memory_space<vmem>>, vector<1x16xf32>,
      %swap3A_53 = vector.shape_cast %swap3A_52 : vector<1x16xf32> to vector<16xf32>
      %swap3A_54 = vector.shape_cast %div3A_49 : vector<16xf32> to vector<1x16xf32>
      tpu.vector_store %arg4[%swap3A_50, %swap3A_51], %swap3A_54 {strides = array<i32>} : memref<160x128xf32, #tpu.memory_space<vmem>>, vector<1x16xf32>,
      %get3A_55 = arith.index_cast %scan3A_26 : i32 to index
      %get3A_56 = arith.constant 32 : index
      %get3A_57 = tpu.vector_load %arg4[%get3A_55, %get3A_56] {strides = array<i32>} : memref<160x128xf32, #tpu.memory_space<vmem>>, vector<1x16xf32>,
      %get3A_58 = vector.shape_cast %get3A_57 : vector<1x16xf32> to vector<16xf32>
      %get3A_59 = arith.index_cast %scan3A_26 : i32 to index
      %get3A_60 = arith.constant 32 : index
      %get3A_61 = tpu.vector_load %arg5[%get3A_59, %get3A_60] {strides = array<i32>} : memref<160x128xf32, #tpu.memory_space<vmem>>, vector<1x16xf32>,
      %get3A_62 = vector.shape_cast %get3A_61 : vector<1x16xf32> to vector<16xf32>
      %add3A_63 = arith.addf %get3A_58, %get3A_62 : vector<16xf32>
      %div3A_64 = arith.divf %broadcast_in_dim3A_1, %add3A_63 : vector<16xf32>
      %swap3A_65 = arith.index_cast %scan3A_26 : i32 to index
      %swap3A_66 = arith.constant 32 : index
      %swap3A_67 = tpu.vector_load %arg4[%swap3A_65, %swap3A_66] {strides = array<i32>} : memref<160x128xf32, #tpu.memory_space<vmem>>, vector<1x16xf32>,
      %swap3A_68 = vector.shape_cast %swap3A_67 : vector<1x16xf32> to vector<16xf32>
      %swap3A_69 = vector.shape_cast %div3A_64 : vector<16xf32> to vector<1x16xf32>
      tpu.vector_store %arg4[%swap3A_65, %swap3A_66], %swap3A_69 {strides = array<i32>} : memref<160x128xf32, #tpu.memory_space<vmem>>, vector<1x16xf32>,
      %get3A_70 = arith.index_cast %scan3A_26 : i32 to index
      %get3A_71 = arith.constant 48 : index
      %get3A_72 = tpu.vector_load %arg4[%get3A_70, %get3A_71] {strides = array<i32>} : memref<160x128xf32, #tpu.memory_space<vmem>>, vector<1x16xf32>,
      %get3A_73 = vector.shape_cast %get3A_72 : vector<1x16xf32> to vector<16xf32>
      %get3A_74 = arith.index_cast %scan3A_26 : i32 to index
      %get3A_75 = arith.constant 48 : index
      %get3A_76 = tpu.vector_load %arg5[%get3A_74, %get3A_75] {strides = array<i32>} : memref<160x128xf32, #tpu.memory_space<vmem>>, vector<1x16xf32>,
      %get3A_77 = vector.shape_cast %get3A_76 : vector<1x16xf32> to vector<16xf32>
      %add3A_78 = arith.addf %get3A_73, %get3A_77 : vector<16xf32>
      %div3A_79 = arith.divf %broadcast_in_dim3A_1, %add3A_78 : vector<16xf32>
      %swap3A_80 = arith.index_cast %scan3A_26 : i32 to index
      %swap3A_81 = arith.constant 48 : index
      %swap3A_82 = tpu.vector_load %arg4[%swap3A_80, %swap3A_81] {strides = array<i32>} : memref<160x128xf32, #tpu.memory_space<vmem>>, vector<1x16xf32>,
      %swap3A_83 = vector.shape_cast %swap3A_82 : vector<1x16xf32> to vector<16xf32>
      %swap3A_84 = vector.shape_cast %div3A_79 : vector<16xf32> to vector<1x16xf32>
      tpu.vector_store %arg4[%swap3A_80, %swap3A_81], %swap3A_84 {strides = array<i32>} : memref<160x128xf32, #tpu.memory_space<vmem>>, vector<1x16xf32>,
      %get3A_85 = arith.index_cast %scan3A_26 : i32 to index
      %get3A_86 = arith.constant 64 : index
      %get3A_87 = tpu.vector_load %arg4[%get3A_85, %get3A_86] {strides = array<i32>} : memref<160x128xf32, #tpu.memory_space<vmem>>, vector<1x16xf32>,
      %get3A_88 = vector.shape_cast %get3A_87 : vector<1x16xf32> to vector<16xf32>
      %get3A_89 = arith.index_cast %scan3A_26 : i32 to index
      %get3A_90 = arith.constant 64 : index
      %get3A_91 = tpu.vector_load %arg5[%get3A_89, %get3A_90] {strides = array<i32>} : memref<160x128xf32, #tpu.memory_space<vmem>>, vector<1x16xf32>,
      %get3A_92 = vector.shape_cast %get3A_91 : vector<1x16xf32> to vector<16xf32>
      %add3A_93 = arith.addf %get3A_88, %get3A_92 : vector<16xf32>
      %div3A_94 = arith.divf %broadcast_in_dim3A_1, %add3A_93 : vector<16xf32>
      %swap3A_95 = arith.index_cast %scan3A_26 : i32 to index
      %swap3A_96 = arith.constant 64 : index
      %swap3A_97 = tpu.vector_load %arg4[%swap3A_95, %swap3A_96] {strides = array<i32>} : memref<160x128xf32, #tpu.memory_space<vmem>>, vector<1x16xf32>,
      %swap3A_98 = vector.shape_cast %swap3A_97 : vector<1x16xf32> to vector<16xf32>
      %swap3A_99 = vector.shape_cast %div3A_94 : vector<16xf32> to vector<1x16xf32>
      tpu.vector_store %arg4[%swap3A_95, %swap3A_96], %swap3A_99 {strides = array<i32>} : memref<160x128xf32, #tpu.memory_space<vmem>>, vector<1x16xf32>,
      %get3A_100 = arith.index_cast %scan3A_26 : i32 to index
      %get3A_101 = arith.constant 80 : index
      %get3A_102 = tpu.vector_load %arg4[%get3A_100, %get3A_101] {strides = array<i32>} : memref<160x128xf32, #tpu.memory_space<vmem>>, vector<1x16xf32>,
      %get3A_103 = vector.shape_cast %get3A_102 : vector<1x16xf32> to vector<16xf32>
      %get3A_104 = arith.index_cast %scan3A_26 : i32 to index
      %get3A_105 = arith.constant 80 : index
      %get3A_106 = tpu.vector_load %arg5[%get3A_104, %get3A_105] {strides = array<i32>} : memref<160x128xf32, #tpu.memory_space<vmem>>, vector<1x16xf32>,
      %get3A_107 = vector.shape_cast %get3A_106 : vector<1x16xf32> to vector<16xf32>
      %add3A_108 = arith.addf %get3A_103, %get3A_107 : vector<16xf32>
      %div3A_109 = arith.divf %broadcast_in_dim3A_1, %add3A_108 : vector<16xf32>
      %swap3A_110 = arith.index_cast %scan3A_26 : i32 to index
      %swap3A_111 = arith.constant 80 : index
      %swap3A_112 = tpu.vector_load %arg4[%swap3A_110, %swap3A_111] {strides = array<i32>} : memref<160x128xf32, #tpu.memory_space<vmem>>, vector<1x16xf32>,
      %swap3A_113 = vector.shape_cast %swap3A_112 : vector<1x16xf32> to vector<16xf32>
      %swap3A_114 = vector.shape_cast %div3A_109 : vector<16xf32> to vector<1x16xf32>
      tpu.vector_store %arg4[%swap3A_110, %swap3A_111], %swap3A_114 {strides = array<i32>} : memref<160x128xf32, #tpu.memory_space<vmem>>, vector<1x16xf32>,
      %get3A_115 = arith.index_cast %scan3A_26 : i32 to index
      %get3A_116 = arith.constant 96 : index
      %get3A_117 = tpu.vector_load %arg4[%get3A_115, %get3A_116] {strides = array<i32>} : memref<160x128xf32, #tpu.memory_space<vmem>>, vector<1x16xf32>,
      %get3A_118 = vector.shape_cast %get3A_117 : vector<1x16xf32> to vector<16xf32>
      %get3A_119 = arith.index_cast %scan3A_26 : i32 to index
      %get3A_120 = arith.constant 96 : index
      %get3A_121 = tpu.vector_load %arg5[%get3A_119, %get3A_120] {strides = array<i32>} : memref<160x128xf32, #tpu.memory_space<vmem>>, vector<1x16xf32>,
      %get3A_122 = vector.shape_cast %get3A_121 : vector<1x16xf32> to vector<16xf32>
      %add3A_123 = arith.addf %get3A_118, %get3A_122 : vector<16xf32>
      %div3A_124 = arith.divf %broadcast_in_dim3A_1, %add3A_123 : vector<16xf32>
      %swap3A_125 = arith.index_cast %scan3A_26 : i32 to index
      %swap3A_126 = arith.constant 96 : index
      %swap3A_127 = tpu.vector_load %arg4[%swap3A_125, %swap3A_126] {strides = array<i32>} : memref<160x128xf32, #tpu.memory_space<vmem>>, vector<1x16xf32>,
      %swap3A_128 = vector.shape_cast %swap3A_127 : vector<1x16xf32> to vector<16xf32>
      %swap3A_129 = vector.shape_cast %div3A_124 : vector<16xf32> to vector<1x16xf32>
      tpu.vector_store %arg4[%swap3A_125, %swap3A_126], %swap3A_129 {strides = array<i32>} : memref<160x128xf32, #tpu.memory_space<vmem>>, vector<1x16xf32>,
      %get3A_130 = arith.index_cast %scan3A_26 : i32 to index
      %get3A_131 = arith.constant 112 : index
      %get3A_132 = tpu.vector_load %arg4[%get3A_130, %get3A_131] {strides = array<i32>} : memref<160x128xf32, #tpu.memory_space<vmem>>, vector<1x16xf32>,
      %get3A_133 = vector.shape_cast %get3A_132 : vector<1x16xf32> to vector<16xf32>
      %get3A_134 = arith.index_cast %scan3A_26 : i32 to index
      %get3A_135 = arith.constant 112 : index
      %get3A_136 = tpu.vector_load %arg5[%get3A_134, %get3A_135] {strides = array<i32>} : memref<160x128xf32, #tpu.memory_space<vmem>>, vector<1x16xf32>,
      %get3A_137 = vector.shape_cast %get3A_136 : vector<1x16xf32> to vector<16xf32>
      %add3A_138 = arith.addf %get3A_133, %get3A_137 : vector<16xf32>
      %div3A_139 = arith.divf %broadcast_in_dim3A_1, %add3A_138 : vector<16xf32>
      %swap3A_140 = arith.index_cast %scan3A_26 : i32 to index
      %swap3A_141 = arith.constant 112 : index
      %swap3A_142 = tpu.vector_load %arg4[%swap3A_140, %swap3A_141] {strides = array<i32>} : memref<160x128xf32, #tpu.memory_space<vmem>>, vector<1x16xf32>,
      %swap3A_143 = vector.shape_cast %swap3A_142 : vector<1x16xf32> to vector<16xf32>
      %swap3A_144 = vector.shape_cast %div3A_139 : vector<16xf32> to vector<1x16xf32>
      tpu.vector_store %arg4[%swap3A_140, %swap3A_141], %swap3A_144 {strides = array<i32>} : memref<160x128xf32, #tpu.memory_space<vmem>>, vector<1x16xf32>,
      %scan3A_145 = arith.constant 0 : i32
      %scan3A_146 = arith.constant 1 : i32
      %scan3A_147 = arith.addi %scan3A_26, %scan3A_146 : i32
      %get3A_148 = arith.index_cast %scan3A_147 : i32 to index
      %get3A_149 = arith.constant 0 : index
      %get3A_150 = tpu.vector_load %arg4[%get3A_148, %get3A_149] {strides = array<i32>} : memref<160x128xf32, #tpu.memory_space<vmem>>, vector<1x16xf32>,
      %get3A_151 = vector.shape_cast %get3A_150 : vector<1x16xf32> to vector<16xf32>
      %get3A_152 = arith.index_cast %scan3A_147 : i32 to index
      %get3A_153 = arith.constant 0 : index
      %get3A_154 = tpu.vector_load %arg5[%get3A_152, %get3A_153] {strides = array<i32>} : memref<160x128xf32, #tpu.memory_space<vmem>>, vector<1x16xf32>,
      %get3A_155 = vector.shape_cast %get3A_154 : vector<1x16xf32> to vector<16xf32>
      %add3A_156 = arith.addf %get3A_151, %get3A_155 : vector<16xf32>
      %div3A_157 = arith.divf %broadcast_in_dim3A_1, %add3A_156 : vector<16xf32>
      %swap3A_158 = arith.index_cast %scan3A_147 : i32 to index
      %swap3A_159 = arith.constant 0 : index
      %swap3A_160 = tpu.vector_load %arg4[%swap3A_158, %swap3A_159] {strides = array<i32>} : memref<160x128xf32, #tpu.memory_space<vmem>>, vector<1x16xf32>,
      %swap3A_161 = vector.shape_cast %swap3A_160 : vector<1x16xf32> to vector<16xf32>
      %swap3A_162 = vector.shape_cast %div3A_157 : vector<16xf32> to vector<1x16xf32>
      tpu.vector_store %arg4[%swap3A_158, %swap3A_159], %swap3A_162 {strides = array<i32>} : memref<160x128xf32, #tpu.memory_space<vmem>>, vector<1x16xf32>,
      %get3A_163 = arith.index_cast %scan3A_147 : i32 to index
      %get3A_164 = arith.constant 16 : index
      %get3A_165 = tpu.vector_load %arg4[%get3A_163, %get3A_164] {strides = array<i32>} : memref<160x128xf32, #tpu.memory_space<vmem>>, vector<1x16xf32>,
      %get3A_166 = vector.shape_cast %get3A_165 : vector<1x16xf32> to vector<16xf32>
      %get3A_167 = arith.index_cast %scan3A_147 : i32 to index
      %get3A_168 = arith.constant 16 : index
      %get3A_169 = tpu.vector_load %arg5[%get3A_167, %get3A_168] {strides = array<i32>} : memref<160x128xf32, #tpu.memory_space<vmem>>, vector<1x16xf32>,
      %get3A_170 = vector.shape_cast %get3A_169 : vector<1x16xf32> to vector<16xf32>
      %add3A_171 = arith.addf %get3A_166, %get3A_170 : vector<16xf32>
      %div3A_172 = arith.divf %broadcast_in_dim3A_1, %add3A_171 : vector<16xf32>
      %swap3A_173 = arith.index_cast %scan3A_147 : i32 to index
      %swap3A_174 = arith.constant 16 : index
      %swap3A_175 = tpu.vector_load %arg4[%swap3A_173, %swap3A_174] {strides = array<i32>} : memref<160x128xf32, #tpu.memory_space<vmem>>, vector<1x16xf32>,
      %swap3A_176 = vector.shape_cast %swap3A_175 : vector<1x16xf32> to vector<16xf32>
      %swap3A_177 = vector.shape_cast %div3A_172 : vector<16xf32> to vector<1x16xf32>
      tpu.vector_store %arg4[%swap3A_173, %swap3A_174], %swap3A_177 {strides = array<i32>} : memref<160x128xf32, #tpu.memory_space<vmem>>, vector<1x16xf32>,
      %get3A_178 = arith.index_cast %scan3A_147 : i32 to index
      %get3A_179 = arith.constant 32 : index
      %get3A_180 = tpu.vector_load %arg4[%get3A_178, %get3A_179] {strides = array<i32>} : memref<160x128xf32, #tpu.memory_space<vmem>>, vector<1x16xf32>,
      %get3A_181 = vector.shape_cast %get3A_180 : vector<1x16xf32> to vector<16xf32>
      %get3A_182 = arith.index_cast %scan3A_147 : i32 to index
      %get3A_183 = arith.constant 32 : index
      %get3A_184 = tpu.vector_load %arg5[%get3A_182, %get3A_183] {strides = array<i32>} : memref<160x128xf32, #tpu.memory_space<vmem>>, vector<1x16xf32>,
      %get3A_185 = vector.shape_cast %get3A_184 : vector<1x16xf32> to vector<16xf32>
      %add3A_186 = arith.addf %get3A_181, %get3A_185 : vector<16xf32>
      %div3A_187 = arith.divf %broadcast_in_dim3A_1, %add3A_186 : vector<16xf32>
      %swap3A_188 = arith.index_cast %scan3A_147 : i32 to index
      %swap3A_189 = arith.constant 32 : index
      %swap3A_190 = tpu.vector_load %arg4[%swap3A_188, %swap3A_189] {strides = array<i32>} : memref<160x128xf32, #tpu.memory_space<vmem>>, vector<1x16xf32>,
      %swap3A_191 = vector.shape_cast %swap3A_190 : vector<1x16xf32> to vector<16xf32>
      %swap3A_192 = vector.shape_cast %div3A_187 : vector<16xf32> to vector<1x16xf32>
      tpu.vector_store %arg4[%swap3A_188, %swap3A_189], %swap3A_192 {strides = array<i32>} : memref<160x128xf32, #tpu.memory_space<vmem>>, vector<1x16xf32>,
      %get3A_193 = arith.index_cast %scan3A_147 : i32 to index
      %get3A_194 = arith.constant 48 : index
      %get3A_195 = tpu.vector_load %arg4[%get3A_193, %get3A_194] {strides = array<i32>} : memref<160x128xf32, #tpu.memory_space<vmem>>, vector<1x16xf32>,
      %get3A_196 = vector.shape_cast %get3A_195 : vector<1x16xf32> to vector<16xf32>
      %get3A_197 = arith.index_cast %scan3A_147 : i32 to index
      %get3A_198 = arith.constant 48 : index
      %get3A_199 = tpu.vector_load %arg5[%get3A_197, %get3A_198] {strides = array<i32>} : memref<160x128xf32, #tpu.memory_space<vmem>>, vector<1x16xf32>,
      %get3A_200 = vector.shape_cast %get3A_199 : vector<1x16xf32> to vector<16xf32>
      %add3A_201 = arith.addf %get3A_196, %get3A_200 : vector<16xf32>
      %div3A_202 = arith.divf %broadcast_in_dim3A_1, %add3A_201 : vector<16xf32>
      %swap3A_203 = arith.index_cast %scan3A_147 : i32 to index
      %swap3A_204 = arith.constant 48 : index
      %swap3A_205 = tpu.vector_load %arg4[%swap3A_203, %swap3A_204] {strides = array<i32>} : memref<160x128xf32, #tpu.memory_space<vmem>>, vector<1x16xf32>,
      %swap3A_206 = vector.shape_cast %swap3A_205 : vector<1x16xf32> to vector<16xf32>
      %swap3A_207 = vector.shape_cast %div3A_202 : vector<16xf32> to vector<1x16xf32>
      tpu.vector_store %arg4[%swap3A_203, %swap3A_204], %swap3A_207 {strides = array<i32>} : memref<160x128xf32, #tpu.memory_space<vmem>>, vector<1x16xf32>,
      %get3A_208 = arith.index_cast %scan3A_147 : i32 to index
      %get3A_209 = arith.constant 64 : index
      %get3A_210 = tpu.vector_load %arg4[%get3A_208, %get3A_209] {strides = array<i32>} : memref<160x128xf32, #tpu.memory_space<vmem>>, vector<1x16xf32>,
      %get3A_211 = vector.shape_cast %get3A_210 : vector<1x16xf32> to vector<16xf32>
      %get3A_212 = arith.index_cast %scan3A_147 : i32 to index
      %get3A_213 = arith.constant 64 : index
      %get3A_214 = tpu.vector_load %arg5[%get3A_212, %get3A_213] {strides = array<i32>} : memref<160x128xf32, #tpu.memory_space<vmem>>, vector<1x16xf32>,
      %get3A_215 = vector.shape_cast %get3A_214 : vector<1x16xf32> to vector<16xf32>
      %add3A_216 = arith.addf %get3A_211, %get3A_215 : vector<16xf32>
      %div3A_217 = arith.divf %broadcast_in_dim3A_1, %add3A_216 : vector<16xf32>
      %swap3A_218 = arith.index_cast %scan3A_147 : i32 to index
      %swap3A_219 = arith.constant 64 : index
      %swap3A_220 = tpu.vector_load %arg4[%swap3A_218, %swap3A_219] {strides = array<i32>} : memref<160x128xf32, #tpu.memory_space<vmem>>, vector<1x16xf32>,
      %swap3A_221 = vector.shape_cast %swap3A_220 : vector<1x16xf32> to vector<16xf32>
      %swap3A_222 = vector.shape_cast %div3A_217 : vector<16xf32> to vector<1x16xf32>
      tpu.vector_store %arg4[%swap3A_218, %swap3A_219], %swap3A_222 {strides = array<i32>} : memref<160x128xf32, #tpu.memory_space<vmem>>, vector<1x16xf32>,
      %get3A_223 = arith.index_cast %scan3A_147 : i32 to index
      %get3A_224 = arith.constant 80 : index
      %get3A_225 = tpu.vector_load %arg4[%get3A_223, %get3A_224] {strides = array<i32>} : memref<160x128xf32, #tpu.memory_space<vmem>>, vector<1x16xf32>,
      %get3A_226 = vector.shape_cast %get3A_225 : vector<1x16xf32> to vector<16xf32>
      %get3A_227 = arith.index_cast %scan3A_147 : i32 to index
      %get3A_228 = arith.constant 80 : index
      %get3A_229 = tpu.vector_load %arg5[%get3A_227, %get3A_228] {strides = array<i32>} : memref<160x128xf32, #tpu.memory_space<vmem>>, vector<1x16xf32>,
      %get3A_230 = vector.shape_cast %get3A_229 : vector<1x16xf32> to vector<16xf32>
      %add3A_231 = arith.addf %get3A_226, %get3A_230 : vector<16xf32>
      %div3A_232 = arith.divf %broadcast_in_dim3A_1, %add3A_231 : vector<16xf32>
      %swap3A_233 = arith.index_cast %scan3A_147 : i32 to index
      %swap3A_234 = arith.constant 80 : index
      %swap3A_235 = tpu.vector_load %arg4[%swap3A_233, %swap3A_234] {strides = array<i32>} : memref<160x128xf32, #tpu.memory_space<vmem>>, vector<1x16xf32>,
      %swap3A_236 = vector.shape_cast %swap3A_235 : vector<1x16xf32> to vector<16xf32>
      %swap3A_237 = vector.shape_cast %div3A_232 : vector<16xf32> to vector<1x16xf32>
      tpu.vector_store %arg4[%swap3A_233, %swap3A_234], %swap3A_237 {strides = array<i32>} : memref<160x128xf32, #tpu.memory_space<vmem>>, vector<1x16xf32>,
      %get3A_238 = arith.index_cast %scan3A_147 : i32 to index
      %get3A_239 = arith.constant 96 : index
      %get3A_240 = tpu.vector_load %arg4[%get3A_238, %get3A_239] {strides = array<i32>} : memref<160x128xf32, #tpu.memory_space<vmem>>, vector<1x16xf32>,
      %get3A_241 = vector.shape_cast %get3A_240 : vector<1x16xf32> to vector<16xf32>
      %get3A_242 = arith.index_cast %scan3A_147 : i32 to index
      %get3A_243 = arith.constant 96 : index
      %get3A_244 = tpu.vector_load %arg5[%get3A_242, %get3A_243] {strides = array<i32>} : memref<160x128xf32, #tpu.memory_space<vmem>>, vector<1x16xf32>,
      %get3A_245 = vector.shape_cast %get3A_244 : vector<1x16xf32> to vector<16xf32>
      %add3A_246 = arith.addf %get3A_241, %get3A_245 : vector<16xf32>
      %div3A_247 = arith.divf %broadcast_in_dim3A_1, %add3A_246 : vector<16xf32>
      %swap3A_248 = arith.index_cast %scan3A_147 : i32 to index
      %swap3A_249 = arith.constant 96 : index
      %swap3A_250 = tpu.vector_load %arg4[%swap3A_248, %swap3A_249] {strides = array<i32>} : memref<160x128xf32, #tpu.memory_space<vmem>>, vector<1x16xf32>,
      %swap3A_251 = vector.shape_cast %swap3A_250 : vector<1x16xf32> to vector<16xf32>
      %swap3A_252 = vector.shape_cast %div3A_247 : vector<16xf32> to vector<1x16xf32>
      tpu.vector_store %arg4[%swap3A_248, %swap3A_249], %swap3A_252 {strides = array<i32>} : memref<160x128xf32, #tpu.memory_space<vmem>>, vector<1x16xf32>,
      %get3A_253 = arith.index_cast %scan3A_147 : i32 to index
      %get3A_254 = arith.constant 112 : index
      %get3A_255 = tpu.vector_load %arg4[%get3A_253, %get3A_254] {strides = array<i32>} : memref<160x128xf32, #tpu.memory_space<vmem>>, vector<1x16xf32>,
      %get3A_256 = vector.shape_cast %get3A_255 : vector<1x16xf32> to vector<16xf32>
      %get3A_257 = arith.index_cast %scan3A_147 : i32 to index
      %get3A_258 = arith.constant 112 : index
      %get3A_259 = tpu.vector_load %arg5[%get3A_257, %get3A_258] {strides = array<i32>} : memref<160x128xf32, #tpu.memory_space<vmem>>, vector<1x16xf32>,
      %get3A_260 = vector.shape_cast %get3A_259 : vector<1x16xf32> to vector<16xf32>
      %add3A_261 = arith.addf %get3A_256, %get3A_260 : vector<16xf32>
      %div3A_262 = arith.divf %broadcast_in_dim3A_1, %add3A_261 : vector<16xf32>
      %swap3A_263 = arith.index_cast %scan3A_147 : i32 to index
      %swap3A_264 = arith.constant 112 : index
      %swap3A_265 = tpu.vector_load %arg4[%swap3A_263, %swap3A_264] {strides = array<i32>} : memref<160x128xf32, #tpu.memory_space<vmem>>, vector<1x16xf32>,
      %swap3A_266 = vector.shape_cast %swap3A_265 : vector<1x16xf32> to vector<16xf32>
      %swap3A_267 = vector.shape_cast %div3A_262 : vector<16xf32> to vector<1x16xf32>
      tpu.vector_store %arg4[%swap3A_263, %swap3A_264], %swap3A_267 {strides = array<i32>} : memref<160x128xf32, #tpu.memory_space<vmem>>, vector<1x16xf32>,
      %scan3A_268 = arith.constant 0 : i32
      scf.yield %scan3A_268 : i32
    }
    %scan3A_25 = arith.constant 160 : i32
    "tpu.region"() ({
      %run_scoped3A_26 = tpu.sem_alloc : memref<!tpu.dma_semaphore, #tpu.memory_space<semaphore_mem>>
      %dma_start3A = arith.constant 0 : i32
      %dma_start3A_27 = tpu.memref_slice %arg3[%add3A_16, %dma_start3A] : memref<10240x128xf32, #tpu.memory_space<hbm>> -> memref<160x128xf32, #tpu.memory_space<hbm>>
      %dma_start3A_28 = arith.constant 0 : i32
      %dma_start3A_29 = tpu.memref_slice %arg3[%add3A_16, %dma_start3A_28] : memref<10240x128xf32, #tpu.memory_space<hbm>> -> memref<160x128xf32, #tpu.memory_space<hbm>>
      tpu.enqueue_dma source(%arg4 : memref<160x128xf32, #tpu.memory_space<vmem>>) target(%dma_start3A_29 : memref<160x128xf32, #tpu.memory_space<hbm>>) target_semaphore(%run_scoped3A_26 : memref<!tpu.dma_semaphore, #tpu.memory_space<semaphore_mem>>)
      %dma_wait3A = arith.constant 0 : i32
      %dma_wait3A_30 = tpu.memref_slice %arg3[%add3A_16, %dma_wait3A] : memref<10240x128xf32, #tpu.memory_space<hbm>> -> memref<160x128xf32, #tpu.memory_space<hbm>>
      %dma_wait3A_31 = arith.constant 0 : i32
      %dma_wait3A_32 = tpu.memref_slice %arg3[%add3A_16, %dma_wait3A_31] : memref<10240x128xf32, #tpu.memory_space<hbm>> -> memref<160x128xf32, #tpu.memory_space<hbm>>
      tpu.wait_dma2 semaphore(%run_scoped3A_26 : memref<!tpu.dma_semaphore, #tpu.memory_space<semaphore_mem>>) src(%arg4 : memref<160x128xf32, #tpu.memory_space<vmem>>) dst(%dma_wait3A_32 : memref<160x128xf32, #tpu.memory_space<hbm>>)
      tpu.yield
    }) : () -> ()
    return
  }
}

#map = affine_map<(d0, d1) -> (0, 0, 0)>
#map1 = affine_map<(d0, d1) -> (0, 0)>
module attributes {stable_mosaic.version = 14 : i64} {
  func.func @_p2(%arg0: i32, %arg1: i32, %arg2: memref<2500x128x128xf32, #tpu.memory_space<hbm>>, %arg3: memref<2500x1x128xi32, #tpu.memory_space<hbm>>, %arg4: memref<10240x128xf32, #tpu.memory_space<hbm>>, %arg5: memref<2500x128x128xf32, #tpu.memory_space<hbm>>, %arg6: memref<3x128x128xf32, #tpu.memory_space<vmem>>, %arg7: memref<2x128x128xf32, #tpu.memory_space<vmem>>, %arg8: memref<2x128x128xf32, #tpu.memory_space<vmem>>, %arg9: memref<80x1x128xi32, #tpu.memory_space<vmem>>, %arg10: memref<!tpu.dma_semaphore, #tpu.memory_space<semaphore_mem>>, %arg11: memref<!tpu.dma_semaphore, #tpu.memory_space<semaphore_mem>>, %arg12: memref<!tpu.dma_semaphore, #tpu.memory_space<semaphore_mem>>) attributes {dimension_semantics = [#tpu.dimension_semantics<core_parallel>, #tpu.dimension_semantics<subcore_parallel>], iteration_bounds = array<i64: 2, 16>, scalar_prefetch = 0 : i64, scratch_operands = 7 : i64, tpu.core_type = #tpu.core_type<sc_vector_subcore>, window_params = [{transform_indices = #map}, {transform_indices = #map}, {transform_indices = #map1}, {transform_indices = #map}]} {
    %mul3A = arith.constant 16 : i32
    %mul3A_0 = arith.muli %arg0, %mul3A : i32
    %add3A = arith.addi %mul3A_0, %arg1 : i32
    %mul3A_1 = arith.constant 78 : i32
    %mul3A_2 = arith.muli %mul3A_1, %add3A : i32
    %min3A = arith.constant 4 : i32
    %min3A_3 = arith.minsi %add3A, %min3A : i32
    %add3A_4 = arith.addi %mul3A_2, %min3A_3 : i32
    %lt3A = arith.constant 4 : i32
    %lt3A_5 = arith.cmpi slt, %add3A, %lt3A : i32
    %jit3A = arith.constant 79 : i32
    %jit3A_6 = arith.constant 78 : i32
    %select_n3A = arith.select %lt3A_5, %jit3A, %jit3A_6 : i32
    "tpu.region"() ({
      %run_scoped3A = tpu.sem_alloc : memref<!tpu.dma_semaphore, #tpu.memory_space<semaphore_mem>>
      %dma_start3A_111 = arith.constant 0 : i32
      %dma_start3A_112 = arith.constant 0 : i32
      %dma_start3A_113 = arith.constant 0 : i32
      %dma_start3A_114 = tpu.memref_slice %arg9[%dma_start3A_111, %dma_start3A_112, %dma_start3A_113] : memref<80x1x128xi32, #tpu.memory_space<vmem>> -> memref<78x1x128xi32, #tpu.memory_space<vmem>>
      %dma_start3A_115 = arith.constant 0 : i32
      %dma_start3A_116 = arith.constant 0 : i32
      %dma_start3A_117 = tpu.memref_slice %arg3[%add3A_4, %dma_start3A_115, %dma_start3A_116] : memref<2500x1x128xi32, #tpu.memory_space<hbm>> -> memref<78x1x128xi32, #tpu.memory_space<hbm>>
      %dma_start3A_118 = arith.constant 0 : i32
      %dma_start3A_119 = arith.constant 0 : i32
      %dma_start3A_120 = arith.constant 0 : i32
      %dma_start3A_121 = tpu.memref_slice %arg9[%dma_start3A_118, %dma_start3A_119, %dma_start3A_120] : memref<80x1x128xi32, #tpu.memory_space<vmem>> -> memref<78x1x128xi32, #tpu.memory_space<vmem>>
      %dma_start3A_122 = arith.constant 0 : i32
      %dma_start3A_123 = arith.constant 0 : i32
      %dma_start3A_124 = tpu.memref_slice %arg3[%add3A_4, %dma_start3A_122, %dma_start3A_123] : memref<2500x1x128xi32, #tpu.memory_space<hbm>> -> memref<78x1x128xi32, #tpu.memory_space<hbm>>
      tpu.enqueue_dma source(%dma_start3A_124 : memref<78x1x128xi32, #tpu.memory_space<hbm>>) target(%dma_start3A_121 : memref<78x1x128xi32, #tpu.memory_space<vmem>>) target_semaphore(%run_scoped3A : memref<!tpu.dma_semaphore, #tpu.memory_space<semaphore_mem>>)
      %dma_wait3A_125 = arith.constant 0 : i32
      %dma_wait3A_126 = arith.constant 0 : i32
      %dma_wait3A_127 = arith.constant 0 : i32
      %dma_wait3A_128 = tpu.memref_slice %arg9[%dma_wait3A_125, %dma_wait3A_126, %dma_wait3A_127] : memref<80x1x128xi32, #tpu.memory_space<vmem>> -> memref<78x1x128xi32, #tpu.memory_space<vmem>>
      %dma_wait3A_129 = arith.constant 0 : i32
      %dma_wait3A_130 = arith.constant 0 : i32
      %dma_wait3A_131 = tpu.memref_slice %arg3[%add3A_4, %dma_wait3A_129, %dma_wait3A_130] : memref<2500x1x128xi32, #tpu.memory_space<hbm>> -> memref<78x1x128xi32, #tpu.memory_space<hbm>>
      %dma_wait3A_132 = arith.constant 0 : i32
      %dma_wait3A_133 = arith.constant 0 : i32
      %dma_wait3A_134 = arith.constant 0 : i32
      %dma_wait3A_135 = tpu.memref_slice %arg9[%dma_wait3A_132, %dma_wait3A_133, %dma_wait3A_134] : memref<80x1x128xi32, #tpu.memory_space<vmem>> -> memref<78x1x128xi32, #tpu.memory_space<vmem>>
      %dma_wait3A_136 = arith.constant 0 : i32
      %dma_wait3A_137 = arith.constant 0 : i32
      %dma_wait3A_138 = tpu.memref_slice %arg3[%add3A_4, %dma_wait3A_136, %dma_wait3A_137] : memref<2500x1x128xi32, #tpu.memory_space<hbm>> -> memref<78x1x128xi32, #tpu.memory_space<hbm>>
      tpu.wait_dma2 semaphore(%run_scoped3A : memref<!tpu.dma_semaphore, #tpu.memory_space<semaphore_mem>>) src(%dma_wait3A_138 : memref<78x1x128xi32, #tpu.memory_space<hbm>>) dst(%dma_wait3A_135 : memref<78x1x128xi32, #tpu.memory_space<vmem>>)
      tpu.yield
    }) : () -> ()
    %lt3A_7 = arith.constant 4 : i32
    %lt3A_8 = arith.cmpi slt, %add3A, %lt3A_7 : i32
    %convert_element_type3A = arith.extui %lt3A_8 : i1 to i32
    %cond3A = arith.constant 0 : i32
    %cond3A_9 = arith.cmpi ne, %convert_element_type3A, %cond3A : i32
    scf.if %cond3A_9 {
      %add3A_111 = arith.constant 78 : i32
      %add3A_112 = arith.addi %add3A_4, %add3A_111 : i32
      "tpu.region"() ({
        %run_scoped3A = tpu.sem_alloc : memref<!tpu.dma_semaphore, #tpu.memory_space<semaphore_mem>>
        %dma_start3A_113 = arith.constant 78 : i32
        %dma_start3A_114 = arith.constant 0 : i32
        %dma_start3A_115 = arith.constant 0 : i32
        %dma_start3A_116 = tpu.memref_slice %arg9[%dma_start3A_113, %dma_start3A_114, %dma_start3A_115] : memref<80x1x128xi32, #tpu.memory_space<vmem>> -> memref<1x1x128xi32, #tpu.memory_space<vmem>>
        %dma_start3A_117 = arith.constant 0 : i32
        %dma_start3A_118 = arith.constant 0 : i32
        %dma_start3A_119 = tpu.memref_slice %arg3[%add3A_112, %dma_start3A_117, %dma_start3A_118] : memref<2500x1x128xi32, #tpu.memory_space<hbm>> -> memref<1x1x128xi32, #tpu.memory_space<hbm>>
        %dma_start3A_120 = arith.constant 78 : i32
        %dma_start3A_121 = arith.constant 0 : i32
        %dma_start3A_122 = arith.constant 0 : i32
        %dma_start3A_123 = tpu.memref_slice %arg9[%dma_start3A_120, %dma_start3A_121, %dma_start3A_122] : memref<80x1x128xi32, #tpu.memory_space<vmem>> -> memref<1x1x128xi32, #tpu.memory_space<vmem>>
        %dma_start3A_124 = arith.constant 0 : i32
        %dma_start3A_125 = arith.constant 0 : i32
        %dma_start3A_126 = tpu.memref_slice %arg3[%add3A_112, %dma_start3A_124, %dma_start3A_125] : memref<2500x1x128xi32, #tpu.memory_space<hbm>> -> memref<1x1x128xi32, #tpu.memory_space<hbm>>
        tpu.enqueue_dma source(%dma_start3A_126 : memref<1x1x128xi32, #tpu.memory_space<hbm>>) target(%dma_start3A_123 : memref<1x1x128xi32, #tpu.memory_space<vmem>>) target_semaphore(%run_scoped3A : memref<!tpu.dma_semaphore, #tpu.memory_space<semaphore_mem>>)
        %dma_wait3A_127 = arith.constant 78 : i32
        %dma_wait3A_128 = arith.constant 0 : i32
        %dma_wait3A_129 = arith.constant 0 : i32
        %dma_wait3A_130 = tpu.memref_slice %arg9[%dma_wait3A_127, %dma_wait3A_128, %dma_wait3A_129] : memref<80x1x128xi32, #tpu.memory_space<vmem>> -> memref<1x1x128xi32, #tpu.memory_space<vmem>>
        %dma_wait3A_131 = arith.constant 0 : i32
        %dma_wait3A_132 = arith.constant 0 : i32
        %dma_wait3A_133 = tpu.memref_slice %arg3[%add3A_112, %dma_wait3A_131, %dma_wait3A_132] : memref<2500x1x128xi32, #tpu.memory_space<hbm>> -> memref<1x1x128xi32, #tpu.memory_space<hbm>>
        %dma_wait3A_134 = arith.constant 78 : i32
        %dma_wait3A_135 = arith.constant 0 : i32
        %dma_wait3A_136 = arith.constant 0 : i32
        %dma_wait3A_137 = tpu.memref_slice %arg9[%dma_wait3A_134, %dma_wait3A_135, %dma_wait3A_136] : memref<80x1x128xi32, #tpu.memory_space<vmem>> -> memref<1x1x128xi32, #tpu.memory_space<vmem>>
        %dma_wait3A_138 = arith.constant 0 : i32
        %dma_wait3A_139 = arith.constant 0 : i32
        %dma_wait3A_140 = tpu.memref_slice %arg3[%add3A_112, %dma_wait3A_138, %dma_wait3A_139] : memref<2500x1x128xi32, #tpu.memory_space<hbm>> -> memref<1x1x128xi32, #tpu.memory_space<hbm>>
        tpu.wait_dma2 semaphore(%run_scoped3A : memref<!tpu.dma_semaphore, #tpu.memory_space<semaphore_mem>>) src(%dma_wait3A_140 : memref<1x1x128xi32, #tpu.memory_space<hbm>>) dst(%dma_wait3A_137 : memref<1x1x128xi32, #tpu.memory_space<vmem>>)
        tpu.yield
      }) : () -> ()
    } else {
    }
    %add3A_10 = arith.constant 0 : i32
    %add3A_11 = arith.addi %add3A_4, %add3A_10 : i32
    %rem3A = arith.constant 0 : i32
    %rem3A_12 = arith.constant 3 : i32
    %rem3A_13 = arith.remsi %rem3A, %rem3A_12 : i32
    %dma_start3A = arith.constant 0 : i32
    %dma_start3A_14 = arith.constant 0 : i32
    %dma_start3A_15 = tpu.memref_slice %arg6[%rem3A_13, %dma_start3A, %dma_start3A_14] : memref<3x128x128xf32, #tpu.memory_space<vmem>> -> memref<1x128x128xf32, #tpu.memory_space<vmem>>
    %dma_start3A_16 = tpu.memref_squeeze %dma_start3A_15 : memref<1x128x128xf32, #tpu.memory_space<vmem>> -> memref<128x128xf32, #tpu.memory_space<vmem>>
    %dma_start3A_17 = arith.constant 0 : i32
    %dma_start3A_18 = arith.constant 0 : i32
    %dma_start3A_19 = tpu.memref_slice %arg2[%add3A_11, %dma_start3A_17, %dma_start3A_18] : memref<2500x128x128xf32, #tpu.memory_space<hbm>> -> memref<1x128x128xf32, #tpu.memory_space<hbm>>
    %dma_start3A_20 = tpu.memref_squeeze %dma_start3A_19 : memref<1x128x128xf32, #tpu.memory_space<hbm>> -> memref<128x128xf32, #tpu.memory_space<hbm>>
    %dma_start3A_21 = arith.constant 0 : i32
    %dma_start3A_22 = arith.constant 0 : i32
    %dma_start3A_23 = tpu.memref_slice %arg6[%rem3A_13, %dma_start3A_21, %dma_start3A_22] : memref<3x128x128xf32, #tpu.memory_space<vmem>> -> memref<1x128x128xf32, #tpu.memory_space<vmem>>
    %dma_start3A_24 = tpu.memref_squeeze %dma_start3A_23 : memref<1x128x128xf32, #tpu.memory_space<vmem>> -> memref<128x128xf32, #tpu.memory_space<vmem>>
    %dma_start3A_25 = arith.constant 0 : i32
    %dma_start3A_26 = arith.constant 0 : i32
    %dma_start3A_27 = tpu.memref_slice %arg2[%add3A_11, %dma_start3A_25, %dma_start3A_26] : memref<2500x128x128xf32, #tpu.memory_space<hbm>> -> memref<1x128x128xf32, #tpu.memory_space<hbm>>
    %dma_start3A_28 = tpu.memref_squeeze %dma_start3A_27 : memref<1x128x128xf32, #tpu.memory_space<hbm>> -> memref<128x128xf32, #tpu.memory_space<hbm>>
    tpu.enqueue_dma source(%dma_start3A_28 : memref<128x128xf32, #tpu.memory_space<hbm>>) target(%dma_start3A_24 : memref<128x128xf32, #tpu.memory_space<vmem>>) target_semaphore(%arg10 : memref<!tpu.dma_semaphore, #tpu.memory_space<semaphore_mem>>)
    %rem3A_29 = arith.constant 0 : i32
    %rem3A_30 = arith.constant 2 : i32
    %rem3A_31 = arith.remsi %rem3A_29, %rem3A_30 : i32
    %dma_start3A_32 = arith.constant 0 : i32
    %dma_start3A_33 = arith.constant 0 : i32
    %dma_start3A_34 = arith.constant 0 : i32
    %dma_start3A_35 = arith.constant 0 : i32
    %dma_start3A_36 = tpu.memref_slice %arg7[%rem3A_31, %dma_start3A_34, %dma_start3A_35] : memref<2x128x128xf32, #tpu.memory_space<vmem>> -> memref<1x128x128xf32, #tpu.memory_space<vmem>>
    %dma_start3A_37 = tpu.memref_squeeze %dma_start3A_36 : memref<1x128x128xf32, #tpu.memory_space<vmem>> -> memref<128x128xf32, #tpu.memory_space<vmem>>
    %dma_start3A_38 = arith.constant 0 : i32
    %dma_start3A_39 = tpu.memref_slice %arg9[%dma_start3A_32, %dma_start3A_33, %dma_start3A_38] : memref<80x1x128xi32, #tpu.memory_space<vmem>> -> memref<1x1x128xi32, #tpu.memory_space<vmem>>
    %dma_start3A_40 = tpu.memref_squeeze %dma_start3A_39 : memref<1x1x128xi32, #tpu.memory_space<vmem>> -> memref<128xi32, #tpu.memory_space<vmem>>
    %dma_start3A_41 = arith.constant 0 : i32
    %dma_start3A_42 = arith.constant 0 : i32
    %dma_start3A_43 = tpu.memref_slice %arg4[%dma_start3A_41, %dma_start3A_42] : memref<10240x128xf32, #tpu.memory_space<hbm>> -> memref<10240x128xf32, #tpu.memory_space<hbm>>
    tpu.enqueue_indirect_dma source(%dma_start3A_43 : memref<10240x128xf32, #tpu.memory_space<hbm>>) target(%dma_start3A_37 : memref<128x128xf32, #tpu.memory_space<vmem>>) offsets(%dma_start3A_40 : memref<128xi32, #tpu.memory_space<vmem>>) semaphore(%arg11 : memref<!tpu.dma_semaphore, #tpu.memory_space<semaphore_mem>>)
    %add3A_44 = arith.constant 1 : i32
    %add3A_45 = arith.addi %add3A_4, %add3A_44 : i32
    %rem3A_46 = arith.constant 1 : i32
    %rem3A_47 = arith.constant 3 : i32
    %rem3A_48 = arith.remsi %rem3A_46, %rem3A_47 : i32
    %dma_start3A_49 = arith.constant 0 : i32
    %dma_start3A_50 = arith.constant 0 : i32
    %dma_start3A_51 = tpu.memref_slice %arg6[%rem3A_48, %dma_start3A_49, %dma_start3A_50] : memref<3x128x128xf32, #tpu.memory_space<vmem>> -> memref<1x128x128xf32, #tpu.memory_space<vmem>>
    %dma_start3A_52 = tpu.memref_squeeze %dma_start3A_51 : memref<1x128x128xf32, #tpu.memory_space<vmem>> -> memref<128x128xf32, #tpu.memory_space<vmem>>
    %dma_start3A_53 = arith.constant 0 : i32
    %dma_start3A_54 = arith.constant 0 : i32
    %dma_start3A_55 = tpu.memref_slice %arg2[%add3A_45, %dma_start3A_53, %dma_start3A_54] : memref<2500x128x128xf32, #tpu.memory_space<hbm>> -> memref<1x128x128xf32, #tpu.memory_space<hbm>>
    %dma_start3A_56 = tpu.memref_squeeze %dma_start3A_55 : memref<1x128x128xf32, #tpu.memory_space<hbm>> -> memref<128x128xf32, #tpu.memory_space<hbm>>
    %dma_start3A_57 = arith.constant 0 : i32
    %dma_start3A_58 = arith.constant 0 : i32
    %dma_start3A_59 = tpu.memref_slice %arg6[%rem3A_48, %dma_start3A_57, %dma_start3A_58] : memref<3x128x128xf32, #tpu.memory_space<vmem>> -> memref<1x128x128xf32, #tpu.memory_space<vmem>>
    %dma_start3A_60 = tpu.memref_squeeze %dma_start3A_59 : memref<1x128x128xf32, #tpu.memory_space<vmem>> -> memref<128x128xf32, #tpu.memory_space<vmem>>
    %dma_start3A_61 = arith.constant 0 : i32
    %dma_start3A_62 = arith.constant 0 : i32
    %dma_start3A_63 = tpu.memref_slice %arg2[%add3A_45, %dma_start3A_61, %dma_start3A_62] : memref<2500x128x128xf32, #tpu.memory_space<hbm>> -> memref<1x128x128xf32, #tpu.memory_space<hbm>>
    %dma_start3A_64 = tpu.memref_squeeze %dma_start3A_63 : memref<1x128x128xf32, #tpu.memory_space<hbm>> -> memref<128x128xf32, #tpu.memory_space<hbm>>
    tpu.enqueue_dma source(%dma_start3A_64 : memref<128x128xf32, #tpu.memory_space<hbm>>) target(%dma_start3A_60 : memref<128x128xf32, #tpu.memory_space<vmem>>) target_semaphore(%arg10 : memref<!tpu.dma_semaphore, #tpu.memory_space<semaphore_mem>>)
    %while3A = arith.constant 0 : i32
    %while3A_65 = arith.constant 0 : i32
    %while3A_66 = arith.subi %select_n3A, %while3A : i32
    %while3A_67 = arith.addi %while3A, %while3A_66 : i32
    %while3A_68 = arith.constant 1 : i32
    %while3A_69 = arith.divsi %while3A_66, %while3A_68 : i32
    %while3A_70 = arith.muli %while3A_69, %while3A_68 : i32
    %while3A_71 = arith.addi %while3A, %while3A_70 : i32
    %while3A_72 = arith.constant 1 : i32
    %while3A_73 = scf.for %while3A_111 = %while3A to %while3A_71 step %while3A_72 iter_args(%while3A_112 = %while3A_65) -> (i32)  : i32 {
      %rem3A_113 = arith.constant 3 : i32
      %rem3A_114 = arith.remsi %while3A_111, %rem3A_113 : i32
      %rem3A_115 = arith.constant 2 : i32
      %rem3A_116 = arith.remsi %while3A_111, %rem3A_115 : i32
      %dma_wait3A_117 = arith.constant 0 : i32
      %dma_wait3A_118 = arith.constant 0 : i32
      %dma_wait3A_119 = arith.constant 0 : i32
      %dma_wait3A_120 = tpu.memref_slice %arg6[%rem3A_114, %dma_wait3A_118, %dma_wait3A_119] : memref<3x128x128xf32, #tpu.memory_space<vmem>> -> memref<1x128x128xf32, #tpu.memory_space<vmem>>
      %dma_wait3A_121 = tpu.memref_squeeze %dma_wait3A_120 : memref<1x128x128xf32, #tpu.memory_space<vmem>> -> memref<128x128xf32, #tpu.memory_space<vmem>>
      %dma_wait3A_122 = arith.constant 0 : i32
      %dma_wait3A_123 = arith.constant 0 : i32
      %dma_wait3A_124 = tpu.memref_slice %arg2[%dma_wait3A_117, %dma_wait3A_122, %dma_wait3A_123] : memref<2500x128x128xf32, #tpu.memory_space<hbm>> -> memref<1x128x128xf32, #tpu.memory_space<hbm>>
      %dma_wait3A_125 = tpu.memref_squeeze %dma_wait3A_124 : memref<1x128x128xf32, #tpu.memory_space<hbm>> -> memref<128x128xf32, #tpu.memory_space<hbm>>
      %dma_wait3A_126 = arith.constant 0 : i32
      %dma_wait3A_127 = arith.constant 0 : i32
      %dma_wait3A_128 = tpu.memref_slice %arg6[%rem3A_114, %dma_wait3A_126, %dma_wait3A_127] : memref<3x128x128xf32, #tpu.memory_space<vmem>> -> memref<1x128x128xf32, #tpu.memory_space<vmem>>
      %dma_wait3A_129 = tpu.memref_squeeze %dma_wait3A_128 : memref<1x128x128xf32, #tpu.memory_space<vmem>> -> memref<128x128xf32, #tpu.memory_space<vmem>>
      %dma_wait3A_130 = arith.constant 0 : i32
      %dma_wait3A_131 = arith.constant 0 : i32
      %dma_wait3A_132 = tpu.memref_slice %arg2[%dma_wait3A_117, %dma_wait3A_130, %dma_wait3A_131] : memref<2500x128x128xf32, #tpu.memory_space<hbm>> -> memref<1x128x128xf32, #tpu.memory_space<hbm>>
      %dma_wait3A_133 = tpu.memref_squeeze %dma_wait3A_132 : memref<1x128x128xf32, #tpu.memory_space<hbm>> -> memref<128x128xf32, #tpu.memory_space<hbm>>
      tpu.wait_dma2 semaphore(%arg10 : memref<!tpu.dma_semaphore, #tpu.memory_space<semaphore_mem>>) src(%dma_wait3A_133 : memref<128x128xf32, #tpu.memory_space<hbm>>) dst(%dma_wait3A_129 : memref<128x128xf32, #tpu.memory_space<vmem>>)
      %dma_wait3A_134 = arith.constant 0 : i32
      %dma_wait3A_135 = arith.constant 0 : i32
      %dma_wait3A_136 = arith.constant 0 : i32
      %dma_wait3A_137 = tpu.memref_slice %arg7[%rem3A_116, %dma_wait3A_135, %dma_wait3A_136] : memref<2x128x128xf32, #tpu.memory_space<vmem>> -> memref<1x128x128xf32, #tpu.memory_space<vmem>>
      %dma_wait3A_138 = tpu.memref_squeeze %dma_wait3A_137 : memref<1x128x128xf32, #tpu.memory_space<vmem>> -> memref<128x128xf32, #tpu.memory_space<vmem>>
      %dma_wait3A_139 = arith.constant 0 : i32
      %dma_wait3A_140 = arith.constant 0 : i32
      %dma_wait3A_141 = tpu.memref_slice %arg2[%dma_wait3A_134, %dma_wait3A_139, %dma_wait3A_140] : memref<2500x128x128xf32, #tpu.memory_space<hbm>> -> memref<1x128x128xf32, #tpu.memory_space<hbm>>
      %dma_wait3A_142 = tpu.memref_squeeze %dma_wait3A_141 : memref<1x128x128xf32, #tpu.memory_space<hbm>> -> memref<128x128xf32, #tpu.memory_space<hbm>>
      %dma_wait3A_143 = arith.constant 0 : i32
      %dma_wait3A_144 = arith.constant 0 : i32
      %dma_wait3A_145 = tpu.memref_slice %arg7[%rem3A_116, %dma_wait3A_143, %dma_wait3A_144] : memref<2x128x128xf32, #tpu.memory_space<vmem>> -> memref<1x128x128xf32, #tpu.memory_space<vmem>>
      %dma_wait3A_146 = tpu.memref_squeeze %dma_wait3A_145 : memref<1x128x128xf32, #tpu.memory_space<vmem>> -> memref<128x128xf32, #tpu.memory_space<vmem>>
      %dma_wait3A_147 = arith.constant 0 : i32
      %dma_wait3A_148 = arith.constant 0 : i32
      %dma_wait3A_149 = tpu.memref_slice %arg2[%dma_wait3A_134, %dma_wait3A_147, %dma_wait3A_148] : memref<2500x128x128xf32, #tpu.memory_space<hbm>> -> memref<1x128x128xf32, #tpu.memory_space<hbm>>
      %dma_wait3A_150 = tpu.memref_squeeze %dma_wait3A_149 : memref<1x128x128xf32, #tpu.memory_space<hbm>> -> memref<128x128xf32, #tpu.memory_space<hbm>>
      tpu.wait_dma2 semaphore(%arg11 : memref<!tpu.dma_semaphore, #tpu.memory_space<semaphore_mem>>) src(%dma_wait3A_150 : memref<128x128xf32, #tpu.memory_space<hbm>>) dst(%dma_wait3A_146 : memref<128x128xf32, #tpu.memory_space<vmem>>)
      %add3A_151 = arith.constant 2 : i32
      %add3A_152 = arith.addi %while3A_111, %add3A_151 : i32
      %lt3A_153 = arith.cmpi slt, %add3A_152, %select_n3A : i32
      %convert_element_type3A_154 = arith.extui %lt3A_153 : i1 to i32
      %cond3A_155 = arith.constant 0 : i32
      %cond3A_156 = arith.cmpi ne, %convert_element_type3A_154, %cond3A_155 : i32
      scf.if %cond3A_156 {
        %add3A_191 = arith.constant 2 : i32
        %add3A_192 = arith.addi %while3A_111, %add3A_191 : i32
        %add3A_193 = arith.addi %add3A_4, %add3A_192 : i32
        %rem3A_194 = arith.constant 3 : i32
        %rem3A_195 = arith.remsi %add3A_192, %rem3A_194 : i32
        %dma_start3A_196 = arith.constant 0 : i32
        %dma_start3A_197 = arith.constant 0 : i32
        %dma_start3A_198 = tpu.memref_slice %arg6[%rem3A_195, %dma_start3A_196, %dma_start3A_197] : memref<3x128x128xf32, #tpu.memory_space<vmem>> -> memref<1x128x128xf32, #tpu.memory_space<vmem>>
        %dma_start3A_199 = tpu.memref_squeeze %dma_start3A_198 : memref<1x128x128xf32, #tpu.memory_space<vmem>> -> memref<128x128xf32, #tpu.memory_space<vmem>>
        %dma_start3A_200 = arith.constant 0 : i32
        %dma_start3A_201 = arith.constant 0 : i32
        %dma_start3A_202 = tpu.memref_slice %arg2[%add3A_193, %dma_start3A_200, %dma_start3A_201] : memref<2500x128x128xf32, #tpu.memory_space<hbm>> -> memref<1x128x128xf32, #tpu.memory_space<hbm>>
        %dma_start3A_203 = tpu.memref_squeeze %dma_start3A_202 : memref<1x128x128xf32, #tpu.memory_space<hbm>> -> memref<128x128xf32, #tpu.memory_space<hbm>>
        %dma_start3A_204 = arith.constant 0 : i32
        %dma_start3A_205 = arith.constant 0 : i32
        %dma_start3A_206 = tpu.memref_slice %arg6[%rem3A_195, %dma_start3A_204, %dma_start3A_205] : memref<3x128x128xf32, #tpu.memory_space<vmem>> -> memref<1x128x128xf32, #tpu.memory_space<vmem>>
        %dma_start3A_207 = tpu.memref_squeeze %dma_start3A_206 : memref<1x128x128xf32, #tpu.memory_space<vmem>> -> memref<128x128xf32, #tpu.memory_space<vmem>>
        %dma_start3A_208 = arith.constant 0 : i32
        %dma_start3A_209 = arith.constant 0 : i32
        %dma_start3A_210 = tpu.memref_slice %arg2[%add3A_193, %dma_start3A_208, %dma_start3A_209] : memref<2500x128x128xf32, #tpu.memory_space<hbm>> -> memref<1x128x128xf32, #tpu.memory_space<hbm>>
        %dma_start3A_211 = tpu.memref_squeeze %dma_start3A_210 : memref<1x128x128xf32, #tpu.memory_space<hbm>> -> memref<128x128xf32, #tpu.memory_space<hbm>>
        tpu.enqueue_dma source(%dma_start3A_211 : memref<128x128xf32, #tpu.memory_space<hbm>>) target(%dma_start3A_207 : memref<128x128xf32, #tpu.memory_space<vmem>>) target_semaphore(%arg10 : memref<!tpu.dma_semaphore, #tpu.memory_space<semaphore_mem>>)
      } else {
      }
      %add3A_157 = arith.constant 1 : i32
      %add3A_158 = arith.addi %while3A_111, %add3A_157 : i32
      %lt3A_159 = arith.cmpi slt, %add3A_158, %select_n3A : i32
      %convert_element_type3A_160 = arith.extui %lt3A_159 : i1 to i32
      %cond3A_161 = arith.constant 0 : i32
      %cond3A_162 = arith.cmpi ne, %convert_element_type3A_160, %cond3A_161 : i32
      scf.if %cond3A_162 {
        %add3A_191 = arith.constant 1 : i32
        %add3A_192 = arith.addi %while3A_111, %add3A_191 : i32
        %rem3A_193 = arith.constant 2 : i32
        %rem3A_194 = arith.remsi %add3A_192, %rem3A_193 : i32
        %dma_start3A_195 = arith.constant 0 : i32
        %dma_start3A_196 = arith.constant 0 : i32
        %dma_start3A_197 = arith.constant 0 : i32
        %dma_start3A_198 = tpu.memref_slice %arg7[%rem3A_194, %dma_start3A_196, %dma_start3A_197] : memref<2x128x128xf32, #tpu.memory_space<vmem>> -> memref<1x128x128xf32, #tpu.memory_space<vmem>>
        %dma_start3A_199 = tpu.memref_squeeze %dma_start3A_198 : memref<1x128x128xf32, #tpu.memory_space<vmem>> -> memref<128x128xf32, #tpu.memory_space<vmem>>
        %dma_start3A_200 = arith.constant 0 : i32
        %dma_start3A_201 = tpu.memref_slice %arg9[%add3A_192, %dma_start3A_195, %dma_start3A_200] : memref<80x1x128xi32, #tpu.memory_space<vmem>> -> memref<1x1x128xi32, #tpu.memory_space<vmem>>
        %dma_start3A_202 = tpu.memref_squeeze %dma_start3A_201 : memref<1x1x128xi32, #tpu.memory_space<vmem>> -> memref<128xi32, #tpu.memory_space<vmem>>
        %dma_start3A_203 = arith.constant 0 : i32
        %dma_start3A_204 = arith.constant 0 : i32
        %dma_start3A_205 = tpu.memref_slice %arg4[%dma_start3A_203, %dma_start3A_204] : memref<10240x128xf32, #tpu.memory_space<hbm>> -> memref<10240x128xf32, #tpu.memory_space<hbm>>
        tpu.enqueue_indirect_dma source(%dma_start3A_205 : memref<10240x128xf32, #tpu.memory_space<hbm>>) target(%dma_start3A_199 : memref<128x128xf32, #tpu.memory_space<vmem>>) offsets(%dma_start3A_202 : memref<128xi32, #tpu.memory_space<vmem>>) semaphore(%arg11 : memref<!tpu.dma_semaphore, #tpu.memory_space<semaphore_mem>>)
      } else {
      }
      %ge3A = arith.constant 2 : i32
      %ge3A_163 = arith.cmpi sge, %while3A_111, %ge3A : i32
      %convert_element_type3A_164 = arith.extui %ge3A_163 : i1 to i32
      %cond3A_165 = arith.constant 0 : i32
      %cond3A_166 = arith.cmpi ne, %convert_element_type3A_164, %cond3A_165 : i32
      scf.if %cond3A_166 {
        %dma_wait3A_191 = arith.constant 0 : i32
        %dma_wait3A_192 = arith.constant 0 : i32
        %dma_wait3A_193 = arith.constant 0 : i32
        %dma_wait3A_194 = arith.constant 0 : i32
        %dma_wait3A_195 = tpu.memref_slice %arg6[%dma_wait3A_191, %dma_wait3A_193, %dma_wait3A_194] : memref<3x128x128xf32, #tpu.memory_space<vmem>> -> memref<1x128x128xf32, #tpu.memory_space<vmem>>
        %dma_wait3A_196 = tpu.memref_squeeze %dma_wait3A_195 : memref<1x128x128xf32, #tpu.memory_space<vmem>> -> memref<128x128xf32, #tpu.memory_space<vmem>>
        %dma_wait3A_197 = arith.constant 0 : i32
        %dma_wait3A_198 = arith.constant 0 : i32
        %dma_wait3A_199 = tpu.memref_slice %arg5[%dma_wait3A_192, %dma_wait3A_197, %dma_wait3A_198] : memref<2500x128x128xf32, #tpu.memory_space<hbm>> -> memref<1x128x128xf32, #tpu.memory_space<hbm>>
        %dma_wait3A_200 = tpu.memref_squeeze %dma_wait3A_199 : memref<1x128x128xf32, #tpu.memory_space<hbm>> -> memref<128x128xf32, #tpu.memory_space<hbm>>
        %dma_wait3A_201 = arith.constant 0 : i32
        %dma_wait3A_202 = arith.constant 0 : i32
        %dma_wait3A_203 = tpu.memref_slice %arg5[%dma_wait3A_192, %dma_wait3A_201, %dma_wait3A_202] : memref<2500x128x128xf32, #tpu.memory_space<hbm>> -> memref<1x128x128xf32, #tpu.memory_space<hbm>>
        %dma_wait3A_204 = tpu.memref_squeeze %dma_wait3A_203 : memref<1x128x128xf32, #tpu.memory_space<hbm>> -> memref<128x128xf32, #tpu.memory_space<hbm>>
        %dma_wait3A_205 = arith.constant 0 : i32
        %dma_wait3A_206 = arith.constant 0 : i32
        %dma_wait3A_207 = tpu.memref_slice %arg6[%dma_wait3A_191, %dma_wait3A_205, %dma_wait3A_206] : memref<3x128x128xf32, #tpu.memory_space<vmem>> -> memref<1x128x128xf32, #tpu.memory_space<vmem>>
        %dma_wait3A_208 = tpu.memref_squeeze %dma_wait3A_207 : memref<1x128x128xf32, #tpu.memory_space<vmem>> -> memref<128x128xf32, #tpu.memory_space<vmem>>
        tpu.wait_dma2 semaphore(%arg12 : memref<!tpu.dma_semaphore, #tpu.memory_space<semaphore_mem>>) src(%dma_wait3A_208 : memref<128x128xf32, #tpu.memory_space<vmem>>) dst(%dma_wait3A_204 : memref<128x128xf32, #tpu.memory_space<hbm>>)
      } else {
      }
      %scan3A = arith.constant 0 : i32
      %scan3A_167 = arith.constant 0 : i32
      %scan3A_168 = arith.constant 128 : i32
      %scan3A_169 = arith.addi %scan3A_167, %scan3A_168 : i32
      %scan3A_170 = arith.constant 2 : i32
      %scan3A_171 = scf.for %scan3A_191 = %scan3A_167 to %scan3A_169 step %scan3A_170 iter_args(%scan3A_192 = %scan3A) -> (i32)  : i32 {
        %get3A = arith.index_cast %rem3A_114 : i32 to index
        %get3A_193 = arith.index_cast %scan3A_191 : i32 to index
        %get3A_194 = arith.constant 0 : index
        %get3A_195 = tpu.vector_load %arg6[%get3A, %get3A_193, %get3A_194] {strides = array<i32>} : memref<3x128x128xf32, #tpu.memory_space<vmem>>, vector<1x1x16xf32>,
        %get3A_196 = vector.shape_cast %get3A_195 : vector<1x1x16xf32> to vector<16xf32>
        %exp3A = math.exp %get3A_196 : vector<16xf32>
        %get3A_197 = arith.index_cast %rem3A_116 : i32 to index
        %get3A_198 = arith.index_cast %scan3A_191 : i32 to index
        %get3A_199 = arith.constant 0 : index
        %get3A_200 = tpu.vector_load %arg7[%get3A_197, %get3A_198, %get3A_199] {strides = array<i32>} : memref<2x128x128xf32, #tpu.memory_space<vmem>>, vector<1x1x16xf32>,
        %get3A_201 = vector.shape_cast %get3A_200 : vector<1x1x16xf32> to vector<16xf32>
        %mul3A_202 = arith.mulf %exp3A, %get3A_201 : vector<16xf32>
        %swap3A = arith.index_cast %rem3A_116 : i32 to index
        %swap3A_203 = arith.index_cast %scan3A_191 : i32 to index
        %swap3A_204 = arith.constant 0 : index
        %swap3A_205 = tpu.vector_load %arg8[%swap3A, %swap3A_203, %swap3A_204] {strides = array<i32>} : memref<2x128x128xf32, #tpu.memory_space<vmem>>, vector<1x1x16xf32>,
        %swap3A_206 = vector.shape_cast %swap3A_205 : vector<1x1x16xf32> to vector<16xf32>
        %swap3A_207 = vector.shape_cast %mul3A_202 : vector<16xf32> to vector<1x1x16xf32>
        tpu.vector_store %arg8[%swap3A, %swap3A_203, %swap3A_204], %swap3A_207 {strides = array<i32>} : memref<2x128x128xf32, #tpu.memory_space<vmem>>, vector<1x1x16xf32>,
        %get3A_208 = arith.index_cast %rem3A_114 : i32 to index
        %get3A_209 = arith.index_cast %scan3A_191 : i32 to index
        %get3A_210 = arith.constant 16 : index
        %get3A_211 = tpu.vector_load %arg6[%get3A_208, %get3A_209, %get3A_210] {strides = array<i32>} : memref<3x128x128xf32, #tpu.memory_space<vmem>>, vector<1x1x16xf32>,
        %get3A_212 = vector.shape_cast %get3A_211 : vector<1x1x16xf32> to vector<16xf32>
        %exp3A_213 = math.exp %get3A_212 : vector<16xf32>
        %get3A_214 = arith.index_cast %rem3A_116 : i32 to index
        %get3A_215 = arith.index_cast %scan3A_191 : i32 to index
        %get3A_216 = arith.constant 16 : index
        %get3A_217 = tpu.vector_load %arg7[%get3A_214, %get3A_215, %get3A_216] {strides = array<i32>} : memref<2x128x128xf32, #tpu.memory_space<vmem>>, vector<1x1x16xf32>,
        %get3A_218 = vector.shape_cast %get3A_217 : vector<1x1x16xf32> to vector<16xf32>
        %mul3A_219 = arith.mulf %exp3A_213, %get3A_218 : vector<16xf32>
        %swap3A_220 = arith.index_cast %rem3A_116 : i32 to index
        %swap3A_221 = arith.index_cast %scan3A_191 : i32 to index
        %swap3A_222 = arith.constant 16 : index
        %swap3A_223 = tpu.vector_load %arg8[%swap3A_220, %swap3A_221, %swap3A_222] {strides = array<i32>} : memref<2x128x128xf32, #tpu.memory_space<vmem>>, vector<1x1x16xf32>,
        %swap3A_224 = vector.shape_cast %swap3A_223 : vector<1x1x16xf32> to vector<16xf32>
        %swap3A_225 = vector.shape_cast %mul3A_219 : vector<16xf32> to vector<1x1x16xf32>
        tpu.vector_store %arg8[%swap3A_220, %swap3A_221, %swap3A_222], %swap3A_225 {strides = array<i32>} : memref<2x128x128xf32, #tpu.memory_space<vmem>>, vector<1x1x16xf32>,
        %get3A_226 = arith.index_cast %rem3A_114 : i32 to index
        %get3A_227 = arith.index_cast %scan3A_191 : i32 to index
        %get3A_228 = arith.constant 32 : index
        %get3A_229 = tpu.vector_load %arg6[%get3A_226, %get3A_227, %get3A_228] {strides = array<i32>} : memref<3x128x128xf32, #tpu.memory_space<vmem>>, vector<1x1x16xf32>,
        %get3A_230 = vector.shape_cast %get3A_229 : vector<1x1x16xf32> to vector<16xf32>
        %exp3A_231 = math.exp %get3A_230 : vector<16xf32>
        %get3A_232 = arith.index_cast %rem3A_116 : i32 to index
        %get3A_233 = arith.index_cast %scan3A_191 : i32 to index
        %get3A_234 = arith.constant 32 : index
        %get3A_235 = tpu.vector_load %arg7[%get3A_232, %get3A_233, %get3A_234] {strides = array<i32>} : memref<2x128x128xf32, #tpu.memory_space<vmem>>, vector<1x1x16xf32>,
        %get3A_236 = vector.shape_cast %get3A_235 : vector<1x1x16xf32> to vector<16xf32>
        %mul3A_237 = arith.mulf %exp3A_231, %get3A_236 : vector<16xf32>
        %swap3A_238 = arith.index_cast %rem3A_116 : i32 to index
        %swap3A_239 = arith.index_cast %scan3A_191 : i32 to index
        %swap3A_240 = arith.constant 32 : index
        %swap3A_241 = tpu.vector_load %arg8[%swap3A_238, %swap3A_239, %swap3A_240] {strides = array<i32>} : memref<2x128x128xf32, #tpu.memory_space<vmem>>, vector<1x1x16xf32>,
        %swap3A_242 = vector.shape_cast %swap3A_241 : vector<1x1x16xf32> to vector<16xf32>
        %swap3A_243 = vector.shape_cast %mul3A_237 : vector<16xf32> to vector<1x1x16xf32>
        tpu.vector_store %arg8[%swap3A_238, %swap3A_239, %swap3A_240], %swap3A_243 {strides = array<i32>} : memref<2x128x128xf32, #tpu.memory_space<vmem>>, vector<1x1x16xf32>,
        %get3A_244 = arith.index_cast %rem3A_114 : i32 to index
        %get3A_245 = arith.index_cast %scan3A_191 : i32 to index
        %get3A_246 = arith.constant 48 : index
        %get3A_247 = tpu.vector_load %arg6[%get3A_244, %get3A_245, %get3A_246] {strides = array<i32>} : memref<3x128x128xf32, #tpu.memory_space<vmem>>, vector<1x1x16xf32>,
        %get3A_248 = vector.shape_cast %get3A_247 : vector<1x1x16xf32> to vector<16xf32>
        %exp3A_249 = math.exp %get3A_248 : vector<16xf32>
        %get3A_250 = arith.index_cast %rem3A_116 : i32 to index
        %get3A_251 = arith.index_cast %scan3A_191 : i32 to index
        %get3A_252 = arith.constant 48 : index
        %get3A_253 = tpu.vector_load %arg7[%get3A_250, %get3A_251, %get3A_252] {strides = array<i32>} : memref<2x128x128xf32, #tpu.memory_space<vmem>>, vector<1x1x16xf32>,
        %get3A_254 = vector.shape_cast %get3A_253 : vector<1x1x16xf32> to vector<16xf32>
        %mul3A_255 = arith.mulf %exp3A_249, %get3A_254 : vector<16xf32>
        %swap3A_256 = arith.index_cast %rem3A_116 : i32 to index
        %swap3A_257 = arith.index_cast %scan3A_191 : i32 to index
        %swap3A_258 = arith.constant 48 : index
        %swap3A_259 = tpu.vector_load %arg8[%swap3A_256, %swap3A_257, %swap3A_258] {strides = array<i32>} : memref<2x128x128xf32, #tpu.memory_space<vmem>>, vector<1x1x16xf32>,
        %swap3A_260 = vector.shape_cast %swap3A_259 : vector<1x1x16xf32> to vector<16xf32>
        %swap3A_261 = vector.shape_cast %mul3A_255 : vector<16xf32> to vector<1x1x16xf32>
        tpu.vector_store %arg8[%swap3A_256, %swap3A_257, %swap3A_258], %swap3A_261 {strides = array<i32>} : memref<2x128x128xf32, #tpu.memory_space<vmem>>, vector<1x1x16xf32>,
        %get3A_262 = arith.index_cast %rem3A_114 : i32 to index
        %get3A_263 = arith.index_cast %scan3A_191 : i32 to index
        %get3A_264 = arith.constant 64 : index
        %get3A_265 = tpu.vector_load %arg6[%get3A_262, %get3A_263, %get3A_264] {strides = array<i32>} : memref<3x128x128xf32, #tpu.memory_space<vmem>>, vector<1x1x16xf32>,
        %get3A_266 = vector.shape_cast %get3A_265 : vector<1x1x16xf32> to vector<16xf32>
        %exp3A_267 = math.exp %get3A_266 : vector<16xf32>
        %get3A_268 = arith.index_cast %rem3A_116 : i32 to index
        %get3A_269 = arith.index_cast %scan3A_191 : i32 to index
        %get3A_270 = arith.constant 64 : index
        %get3A_271 = tpu.vector_load %arg7[%get3A_268, %get3A_269, %get3A_270] {strides = array<i32>} : memref<2x128x128xf32, #tpu.memory_space<vmem>>, vector<1x1x16xf32>,
        %get3A_272 = vector.shape_cast %get3A_271 : vector<1x1x16xf32> to vector<16xf32>
        %mul3A_273 = arith.mulf %exp3A_267, %get3A_272 : vector<16xf32>
        %swap3A_274 = arith.index_cast %rem3A_116 : i32 to index
        %swap3A_275 = arith.index_cast %scan3A_191 : i32 to index
        %swap3A_276 = arith.constant 64 : index
        %swap3A_277 = tpu.vector_load %arg8[%swap3A_274, %swap3A_275, %swap3A_276] {strides = array<i32>} : memref<2x128x128xf32, #tpu.memory_space<vmem>>, vector<1x1x16xf32>,
        %swap3A_278 = vector.shape_cast %swap3A_277 : vector<1x1x16xf32> to vector<16xf32>
        %swap3A_279 = vector.shape_cast %mul3A_273 : vector<16xf32> to vector<1x1x16xf32>
        tpu.vector_store %arg8[%swap3A_274, %swap3A_275, %swap3A_276], %swap3A_279 {strides = array<i32>} : memref<2x128x128xf32, #tpu.memory_space<vmem>>, vector<1x1x16xf32>,
        %get3A_280 = arith.index_cast %rem3A_114 : i32 to index
        %get3A_281 = arith.index_cast %scan3A_191 : i32 to index
        %get3A_282 = arith.constant 80 : index
        %get3A_283 = tpu.vector_load %arg6[%get3A_280, %get3A_281, %get3A_282] {strides = array<i32>} : memref<3x128x128xf32, #tpu.memory_space<vmem>>, vector<1x1x16xf32>,
        %get3A_284 = vector.shape_cast %get3A_283 : vector<1x1x16xf32> to vector<16xf32>
        %exp3A_285 = math.exp %get3A_284 : vector<16xf32>
        %get3A_286 = arith.index_cast %rem3A_116 : i32 to index
        %get3A_287 = arith.index_cast %scan3A_191 : i32 to index
        %get3A_288 = arith.constant 80 : index
        %get3A_289 = tpu.vector_load %arg7[%get3A_286, %get3A_287, %get3A_288] {strides = array<i32>} : memref<2x128x128xf32, #tpu.memory_space<vmem>>, vector<1x1x16xf32>,
        %get3A_290 = vector.shape_cast %get3A_289 : vector<1x1x16xf32> to vector<16xf32>
        %mul3A_291 = arith.mulf %exp3A_285, %get3A_290 : vector<16xf32>
        %swap3A_292 = arith.index_cast %rem3A_116 : i32 to index
        %swap3A_293 = arith.index_cast %scan3A_191 : i32 to index
        %swap3A_294 = arith.constant 80 : index
        %swap3A_295 = tpu.vector_load %arg8[%swap3A_292, %swap3A_293, %swap3A_294] {strides = array<i32>} : memref<2x128x128xf32, #tpu.memory_space<vmem>>, vector<1x1x16xf32>,
        %swap3A_296 = vector.shape_cast %swap3A_295 : vector<1x1x16xf32> to vector<16xf32>
        %swap3A_297 = vector.shape_cast %mul3A_291 : vector<16xf32> to vector<1x1x16xf32>
        tpu.vector_store %arg8[%swap3A_292, %swap3A_293, %swap3A_294], %swap3A_297 {strides = array<i32>} : memref<2x128x128xf32, #tpu.memory_space<vmem>>, vector<1x1x16xf32>,
        %get3A_298 = arith.index_cast %rem3A_114 : i32 to index
        %get3A_299 = arith.index_cast %scan3A_191 : i32 to index
        %get3A_300 = arith.constant 96 : index
        %get3A_301 = tpu.vector_load %arg6[%get3A_298, %get3A_299, %get3A_300] {strides = array<i32>} : memref<3x128x128xf32, #tpu.memory_space<vmem>>, vector<1x1x16xf32>,
        %get3A_302 = vector.shape_cast %get3A_301 : vector<1x1x16xf32> to vector<16xf32>
        %exp3A_303 = math.exp %get3A_302 : vector<16xf32>
        %get3A_304 = arith.index_cast %rem3A_116 : i32 to index
        %get3A_305 = arith.index_cast %scan3A_191 : i32 to index
        %get3A_306 = arith.constant 96 : index
        %get3A_307 = tpu.vector_load %arg7[%get3A_304, %get3A_305, %get3A_306] {strides = array<i32>} : memref<2x128x128xf32, #tpu.memory_space<vmem>>, vector<1x1x16xf32>,
        %get3A_308 = vector.shape_cast %get3A_307 : vector<1x1x16xf32> to vector<16xf32>
        %mul3A_309 = arith.mulf %exp3A_303, %get3A_308 : vector<16xf32>
        %swap3A_310 = arith.index_cast %rem3A_116 : i32 to index
        %swap3A_311 = arith.index_cast %scan3A_191 : i32 to index
        %swap3A_312 = arith.constant 96 : index
        %swap3A_313 = tpu.vector_load %arg8[%swap3A_310, %swap3A_311, %swap3A_312] {strides = array<i32>} : memref<2x128x128xf32, #tpu.memory_space<vmem>>, vector<1x1x16xf32>,
        %swap3A_314 = vector.shape_cast %swap3A_313 : vector<1x1x16xf32> to vector<16xf32>
        %swap3A_315 = vector.shape_cast %mul3A_309 : vector<16xf32> to vector<1x1x16xf32>
        tpu.vector_store %arg8[%swap3A_310, %swap3A_311, %swap3A_312], %swap3A_315 {strides = array<i32>} : memref<2x128x128xf32, #tpu.memory_space<vmem>>, vector<1x1x16xf32>,
        %get3A_316 = arith.index_cast %rem3A_114 : i32 to index
        %get3A_317 = arith.index_cast %scan3A_191 : i32 to index
        %get3A_318 = arith.constant 112 : index
        %get3A_319 = tpu.vector_load %arg6[%get3A_316, %get3A_317, %get3A_318] {strides = array<i32>} : memref<3x128x128xf32, #tpu.memory_space<vmem>>, vector<1x1x16xf32>,
        %get3A_320 = vector.shape_cast %get3A_319 : vector<1x1x16xf32> to vector<16xf32>
        %exp3A_321 = math.exp %get3A_320 : vector<16xf32>
        %get3A_322 = arith.index_cast %rem3A_116 : i32 to index
        %get3A_323 = arith.index_cast %scan3A_191 : i32 to index
        %get3A_324 = arith.constant 112 : index
        %get3A_325 = tpu.vector_load %arg7[%get3A_322, %get3A_323, %get3A_324] {strides = array<i32>} : memref<2x128x128xf32, #tpu.memory_space<vmem>>, vector<1x1x16xf32>,
        %get3A_326 = vector.shape_cast %get3A_325 : vector<1x1x16xf32> to vector<16xf32>
        %mul3A_327 = arith.mulf %exp3A_321, %get3A_326 : vector<16xf32>
        %swap3A_328 = arith.index_cast %rem3A_116 : i32 to index
        %swap3A_329 = arith.index_cast %scan3A_191 : i32 to index
        %swap3A_330 = arith.constant 112 : index
        %swap3A_331 = tpu.vector_load %arg8[%swap3A_328, %swap3A_329, %swap3A_330] {strides = array<i32>} : memref<2x128x128xf32, #tpu.memory_space<vmem>>, vector<1x1x16xf32>,
        %swap3A_332 = vector.shape_cast %swap3A_331 : vector<1x1x16xf32> to vector<16xf32>
        %swap3A_333 = vector.shape_cast %mul3A_327 : vector<16xf32> to vector<1x1x16xf32>
        tpu.vector_store %arg8[%swap3A_328, %swap3A_329, %swap3A_330], %swap3A_333 {strides = array<i32>} : memref<2x128x128xf32, #tpu.memory_space<vmem>>, vector<1x1x16xf32>,
        %scan3A_334 = arith.constant 0 : i32
        %scan3A_335 = arith.constant 1 : i32
        %scan3A_336 = arith.addi %scan3A_191, %scan3A_335 : i32
        %get3A_337 = arith.index_cast %rem3A_114 : i32 to index
        %get3A_338 = arith.index_cast %scan3A_336 : i32 to index
        %get3A_339 = arith.constant 0 : index
        %get3A_340 = tpu.vector_load %arg6[%get3A_337, %get3A_338, %get3A_339] {strides = array<i32>} : memref<3x128x128xf32, #tpu.memory_space<vmem>>, vector<1x1x16xf32>,
        %get3A_341 = vector.shape_cast %get3A_340 : vector<1x1x16xf32> to vector<16xf32>
        %exp3A_342 = math.exp %get3A_341 : vector<16xf32>
        %get3A_343 = arith.index_cast %rem3A_116 : i32 to index
        %get3A_344 = arith.index_cast %scan3A_336 : i32 to index
        %get3A_345 = arith.constant 0 : index
        %get3A_346 = tpu.vector_load %arg7[%get3A_343, %get3A_344, %get3A_345] {strides = array<i32>} : memref<2x128x128xf32, #tpu.memory_space<vmem>>, vector<1x1x16xf32>,
        %get3A_347 = vector.shape_cast %get3A_346 : vector<1x1x16xf32> to vector<16xf32>
        %mul3A_348 = arith.mulf %exp3A_342, %get3A_347 : vector<16xf32>
        %swap3A_349 = arith.index_cast %rem3A_116 : i32 to index
        %swap3A_350 = arith.index_cast %scan3A_336 : i32 to index
        %swap3A_351 = arith.constant 0 : index
        %swap3A_352 = tpu.vector_load %arg8[%swap3A_349, %swap3A_350, %swap3A_351] {strides = array<i32>} : memref<2x128x128xf32, #tpu.memory_space<vmem>>, vector<1x1x16xf32>,
        %swap3A_353 = vector.shape_cast %swap3A_352 : vector<1x1x16xf32> to vector<16xf32>
        %swap3A_354 = vector.shape_cast %mul3A_348 : vector<16xf32> to vector<1x1x16xf32>
        tpu.vector_store %arg8[%swap3A_349, %swap3A_350, %swap3A_351], %swap3A_354 {strides = array<i32>} : memref<2x128x128xf32, #tpu.memory_space<vmem>>, vector<1x1x16xf32>,
        %get3A_355 = arith.index_cast %rem3A_114 : i32 to index
        %get3A_356 = arith.index_cast %scan3A_336 : i32 to index
        %get3A_357 = arith.constant 16 : index
        %get3A_358 = tpu.vector_load %arg6[%get3A_355, %get3A_356, %get3A_357] {strides = array<i32>} : memref<3x128x128xf32, #tpu.memory_space<vmem>>, vector<1x1x16xf32>,
        %get3A_359 = vector.shape_cast %get3A_358 : vector<1x1x16xf32> to vector<16xf32>
        %exp3A_360 = math.exp %get3A_359 : vector<16xf32>
        %get3A_361 = arith.index_cast %rem3A_116 : i32 to index
        %get3A_362 = arith.index_cast %scan3A_336 : i32 to index
        %get3A_363 = arith.constant 16 : index
        %get3A_364 = tpu.vector_load %arg7[%get3A_361, %get3A_362, %get3A_363] {strides = array<i32>} : memref<2x128x128xf32, #tpu.memory_space<vmem>>, vector<1x1x16xf32>,
        %get3A_365 = vector.shape_cast %get3A_364 : vector<1x1x16xf32> to vector<16xf32>
        %mul3A_366 = arith.mulf %exp3A_360, %get3A_365 : vector<16xf32>
        %swap3A_367 = arith.index_cast %rem3A_116 : i32 to index
        %swap3A_368 = arith.index_cast %scan3A_336 : i32 to index
        %swap3A_369 = arith.constant 16 : index
        %swap3A_370 = tpu.vector_load %arg8[%swap3A_367, %swap3A_368, %swap3A_369] {strides = array<i32>} : memref<2x128x128xf32, #tpu.memory_space<vmem>>, vector<1x1x16xf32>,
        %swap3A_371 = vector.shape_cast %swap3A_370 : vector<1x1x16xf32> to vector<16xf32>
        %swap3A_372 = vector.shape_cast %mul3A_366 : vector<16xf32> to vector<1x1x16xf32>
        tpu.vector_store %arg8[%swap3A_367, %swap3A_368, %swap3A_369], %swap3A_372 {strides = array<i32>} : memref<2x128x128xf32, #tpu.memory_space<vmem>>, vector<1x1x16xf32>,
        %get3A_373 = arith.index_cast %rem3A_114 : i32 to index
        %get3A_374 = arith.index_cast %scan3A_336 : i32 to index
        %get3A_375 = arith.constant 32 : index
        %get3A_376 = tpu.vector_load %arg6[%get3A_373, %get3A_374, %get3A_375] {strides = array<i32>} : memref<3x128x128xf32, #tpu.memory_space<vmem>>, vector<1x1x16xf32>,
        %get3A_377 = vector.shape_cast %get3A_376 : vector<1x1x16xf32> to vector<16xf32>
        %exp3A_378 = math.exp %get3A_377 : vector<16xf32>
        %get3A_379 = arith.index_cast %rem3A_116 : i32 to index
        %get3A_380 = arith.index_cast %scan3A_336 : i32 to index
        %get3A_381 = arith.constant 32 : index
        %get3A_382 = tpu.vector_load %arg7[%get3A_379, %get3A_380, %get3A_381] {strides = array<i32>} : memref<2x128x128xf32, #tpu.memory_space<vmem>>, vector<1x1x16xf32>,
        %get3A_383 = vector.shape_cast %get3A_382 : vector<1x1x16xf32> to vector<16xf32>
        %mul3A_384 = arith.mulf %exp3A_378, %get3A_383 : vector<16xf32>
        %swap3A_385 = arith.index_cast %rem3A_116 : i32 to index
        %swap3A_386 = arith.index_cast %scan3A_336 : i32 to index
        %swap3A_387 = arith.constant 32 : index
        %swap3A_388 = tpu.vector_load %arg8[%swap3A_385, %swap3A_386, %swap3A_387] {strides = array<i32>} : memref<2x128x128xf32, #tpu.memory_space<vmem>>, vector<1x1x16xf32>,
        %swap3A_389 = vector.shape_cast %swap3A_388 : vector<1x1x16xf32> to vector<16xf32>
        %swap3A_390 = vector.shape_cast %mul3A_384 : vector<16xf32> to vector<1x1x16xf32>
        tpu.vector_store %arg8[%swap3A_385, %swap3A_386, %swap3A_387], %swap3A_390 {strides = array<i32>} : memref<2x128x128xf32, #tpu.memory_space<vmem>>, vector<1x1x16xf32>,
        %get3A_391 = arith.index_cast %rem3A_114 : i32 to index
        %get3A_392 = arith.index_cast %scan3A_336 : i32 to index
        %get3A_393 = arith.constant 48 : index
        %get3A_394 = tpu.vector_load %arg6[%get3A_391, %get3A_392, %get3A_393] {strides = array<i32>} : memref<3x128x128xf32, #tpu.memory_space<vmem>>, vector<1x1x16xf32>,
        %get3A_395 = vector.shape_cast %get3A_394 : vector<1x1x16xf32> to vector<16xf32>
        %exp3A_396 = math.exp %get3A_395 : vector<16xf32>
        %get3A_397 = arith.index_cast %rem3A_116 : i32 to index
        %get3A_398 = arith.index_cast %scan3A_336 : i32 to index
        %get3A_399 = arith.constant 48 : index
        %get3A_400 = tpu.vector_load %arg7[%get3A_397, %get3A_398, %get3A_399] {strides = array<i32>} : memref<2x128x128xf32, #tpu.memory_space<vmem>>, vector<1x1x16xf32>,
        %get3A_401 = vector.shape_cast %get3A_400 : vector<1x1x16xf32> to vector<16xf32>
        %mul3A_402 = arith.mulf %exp3A_396, %get3A_401 : vector<16xf32>
        %swap3A_403 = arith.index_cast %rem3A_116 : i32 to index
        %swap3A_404 = arith.index_cast %scan3A_336 : i32 to index
        %swap3A_405 = arith.constant 48 : index
        %swap3A_406 = tpu.vector_load %arg8[%swap3A_403, %swap3A_404, %swap3A_405] {strides = array<i32>} : memref<2x128x128xf32, #tpu.memory_space<vmem>>, vector<1x1x16xf32>,
        %swap3A_407 = vector.shape_cast %swap3A_406 : vector<1x1x16xf32> to vector<16xf32>
        %swap3A_408 = vector.shape_cast %mul3A_402 : vector<16xf32> to vector<1x1x16xf32>
        tpu.vector_store %arg8[%swap3A_403, %swap3A_404, %swap3A_405], %swap3A_408 {strides = array<i32>} : memref<2x128x128xf32, #tpu.memory_space<vmem>>, vector<1x1x16xf32>,
        %get3A_409 = arith.index_cast %rem3A_114 : i32 to index
        %get3A_410 = arith.index_cast %scan3A_336 : i32 to index
        %get3A_411 = arith.constant 64 : index
        %get3A_412 = tpu.vector_load %arg6[%get3A_409, %get3A_410, %get3A_411] {strides = array<i32>} : memref<3x128x128xf32, #tpu.memory_space<vmem>>, vector<1x1x16xf32>,
        %get3A_413 = vector.shape_cast %get3A_412 : vector<1x1x16xf32> to vector<16xf32>
        %exp3A_414 = math.exp %get3A_413 : vector<16xf32>
        %get3A_415 = arith.index_cast %rem3A_116 : i32 to index
        %get3A_416 = arith.index_cast %scan3A_336 : i32 to index
        %get3A_417 = arith.constant 64 : index
        %get3A_418 = tpu.vector_load %arg7[%get3A_415, %get3A_416, %get3A_417] {strides = array<i32>} : memref<2x128x128xf32, #tpu.memory_space<vmem>>, vector<1x1x16xf32>,
        %get3A_419 = vector.shape_cast %get3A_418 : vector<1x1x16xf32> to vector<16xf32>
        %mul3A_420 = arith.mulf %exp3A_414, %get3A_419 : vector<16xf32>
        %swap3A_421 = arith.index_cast %rem3A_116 : i32 to index
        %swap3A_422 = arith.index_cast %scan3A_336 : i32 to index
        %swap3A_423 = arith.constant 64 : index
        %swap3A_424 = tpu.vector_load %arg8[%swap3A_421, %swap3A_422, %swap3A_423] {strides = array<i32>} : memref<2x128x128xf32, #tpu.memory_space<vmem>>, vector<1x1x16xf32>,
        %swap3A_425 = vector.shape_cast %swap3A_424 : vector<1x1x16xf32> to vector<16xf32>
        %swap3A_426 = vector.shape_cast %mul3A_420 : vector<16xf32> to vector<1x1x16xf32>
        tpu.vector_store %arg8[%swap3A_421, %swap3A_422, %swap3A_423], %swap3A_426 {strides = array<i32>} : memref<2x128x128xf32, #tpu.memory_space<vmem>>, vector<1x1x16xf32>,
        %get3A_427 = arith.index_cast %rem3A_114 : i32 to index
        %get3A_428 = arith.index_cast %scan3A_336 : i32 to index
        %get3A_429 = arith.constant 80 : index
        %get3A_430 = tpu.vector_load %arg6[%get3A_427, %get3A_428, %get3A_429] {strides = array<i32>} : memref<3x128x128xf32, #tpu.memory_space<vmem>>, vector<1x1x16xf32>,
        %get3A_431 = vector.shape_cast %get3A_430 : vector<1x1x16xf32> to vector<16xf32>
        %exp3A_432 = math.exp %get3A_431 : vector<16xf32>
        %get3A_433 = arith.index_cast %rem3A_116 : i32 to index
        %get3A_434 = arith.index_cast %scan3A_336 : i32 to index
        %get3A_435 = arith.constant 80 : index
        %get3A_436 = tpu.vector_load %arg7[%get3A_433, %get3A_434, %get3A_435] {strides = array<i32>} : memref<2x128x128xf32, #tpu.memory_space<vmem>>, vector<1x1x16xf32>,
        %get3A_437 = vector.shape_cast %get3A_436 : vector<1x1x16xf32> to vector<16xf32>
        %mul3A_438 = arith.mulf %exp3A_432, %get3A_437 : vector<16xf32>
        %swap3A_439 = arith.index_cast %rem3A_116 : i32 to index
        %swap3A_440 = arith.index_cast %scan3A_336 : i32 to index
        %swap3A_441 = arith.constant 80 : index
        %swap3A_442 = tpu.vector_load %arg8[%swap3A_439, %swap3A_440, %swap3A_441] {strides = array<i32>} : memref<2x128x128xf32, #tpu.memory_space<vmem>>, vector<1x1x16xf32>,
        %swap3A_443 = vector.shape_cast %swap3A_442 : vector<1x1x16xf32> to vector<16xf32>
        %swap3A_444 = vector.shape_cast %mul3A_438 : vector<16xf32> to vector<1x1x16xf32>
        tpu.vector_store %arg8[%swap3A_439, %swap3A_440, %swap3A_441], %swap3A_444 {strides = array<i32>} : memref<2x128x128xf32, #tpu.memory_space<vmem>>, vector<1x1x16xf32>,
        %get3A_445 = arith.index_cast %rem3A_114 : i32 to index
        %get3A_446 = arith.index_cast %scan3A_336 : i32 to index
        %get3A_447 = arith.constant 96 : index
        %get3A_448 = tpu.vector_load %arg6[%get3A_445, %get3A_446, %get3A_447] {strides = array<i32>} : memref<3x128x128xf32, #tpu.memory_space<vmem>>, vector<1x1x16xf32>,
        %get3A_449 = vector.shape_cast %get3A_448 : vector<1x1x16xf32> to vector<16xf32>
        %exp3A_450 = math.exp %get3A_449 : vector<16xf32>
        %get3A_451 = arith.index_cast %rem3A_116 : i32 to index
        %get3A_452 = arith.index_cast %scan3A_336 : i32 to index
        %get3A_453 = arith.constant 96 : index
        %get3A_454 = tpu.vector_load %arg7[%get3A_451, %get3A_452, %get3A_453] {strides = array<i32>} : memref<2x128x128xf32, #tpu.memory_space<vmem>>, vector<1x1x16xf32>,
        %get3A_455 = vector.shape_cast %get3A_454 : vector<1x1x16xf32> to vector<16xf32>
        %mul3A_456 = arith.mulf %exp3A_450, %get3A_455 : vector<16xf32>
        %swap3A_457 = arith.index_cast %rem3A_116 : i32 to index
        %swap3A_458 = arith.index_cast %scan3A_336 : i32 to index
        %swap3A_459 = arith.constant 96 : index
        %swap3A_460 = tpu.vector_load %arg8[%swap3A_457, %swap3A_458, %swap3A_459] {strides = array<i32>} : memref<2x128x128xf32, #tpu.memory_space<vmem>>, vector<1x1x16xf32>,
        %swap3A_461 = vector.shape_cast %swap3A_460 : vector<1x1x16xf32> to vector<16xf32>
        %swap3A_462 = vector.shape_cast %mul3A_456 : vector<16xf32> to vector<1x1x16xf32>
        tpu.vector_store %arg8[%swap3A_457, %swap3A_458, %swap3A_459], %swap3A_462 {strides = array<i32>} : memref<2x128x128xf32, #tpu.memory_space<vmem>>, vector<1x1x16xf32>,
        %get3A_463 = arith.index_cast %rem3A_114 : i32 to index
        %get3A_464 = arith.index_cast %scan3A_336 : i32 to index
        %get3A_465 = arith.constant 112 : index
        %get3A_466 = tpu.vector_load %arg6[%get3A_463, %get3A_464, %get3A_465] {strides = array<i32>} : memref<3x128x128xf32, #tpu.memory_space<vmem>>, vector<1x1x16xf32>,
        %get3A_467 = vector.shape_cast %get3A_466 : vector<1x1x16xf32> to vector<16xf32>
        %exp3A_468 = math.exp %get3A_467 : vector<16xf32>
        %get3A_469 = arith.index_cast %rem3A_116 : i32 to index
        %get3A_470 = arith.index_cast %scan3A_336 : i32 to index
        %get3A_471 = arith.constant 112 : index
        %get3A_472 = tpu.vector_load %arg7[%get3A_469, %get3A_470, %get3A_471] {strides = array<i32>} : memref<2x128x128xf32, #tpu.memory_space<vmem>>, vector<1x1x16xf32>,
        %get3A_473 = vector.shape_cast %get3A_472 : vector<1x1x16xf32> to vector<16xf32>
        %mul3A_474 = arith.mulf %exp3A_468, %get3A_473 : vector<16xf32>
        %swap3A_475 = arith.index_cast %rem3A_116 : i32 to index
        %swap3A_476 = arith.index_cast %scan3A_336 : i32 to index
        %swap3A_477 = arith.constant 112 : index
        %swap3A_478 = tpu.vector_load %arg8[%swap3A_475, %swap3A_476, %swap3A_477] {strides = array<i32>} : memref<2x128x128xf32, #tpu.memory_space<vmem>>, vector<1x1x16xf32>,
        %swap3A_479 = vector.shape_cast %swap3A_478 : vector<1x1x16xf32> to vector<16xf32>
        %swap3A_480 = vector.shape_cast %mul3A_474 : vector<16xf32> to vector<1x1x16xf32>
        tpu.vector_store %arg8[%swap3A_475, %swap3A_476, %swap3A_477], %swap3A_480 {strides = array<i32>} : memref<2x128x128xf32, #tpu.memory_space<vmem>>, vector<1x1x16xf32>,
        %scan3A_481 = arith.constant 0 : i32
        scf.yield %scan3A_481 : i32
      }
      %scan3A_172 = arith.constant 128 : i32
      %add3A_173 = arith.addi %add3A_4, %while3A_111 : i32
      %dma_start3A_174 = arith.constant 0 : i32
      %dma_start3A_175 = arith.constant 0 : i32
      %dma_start3A_176 = tpu.memref_slice %arg8[%rem3A_116, %dma_start3A_174, %dma_start3A_175] : memref<2x128x128xf32, #tpu.memory_space<vmem>> -> memref<1x128x128xf32, #tpu.memory_space<vmem>>
      %dma_start3A_177 = tpu.memref_squeeze %dma_start3A_176 : memref<1x128x128xf32, #tpu.memory_space<vmem>> -> memref<128x128xf32, #tpu.memory_space<vmem>>
      %dma_start3A_178 = arith.constant 0 : i32
      %dma_start3A_179 = arith.constant 0 : i32
      %dma_start3A_180 = tpu.memref_slice %arg5[%add3A_173, %dma_start3A_178, %dma_start3A_179] : memref<2500x128x128xf32, #tpu.memory_space<hbm>> -> memref<1x128x128xf32, #tpu.memory_space<hbm>>
      %dma_start3A_181 = tpu.memref_squeeze %dma_start3A_180 : memref<1x128x128xf32, #tpu.memory_space<hbm>> -> memref<128x128xf32, #tpu.memory_space<hbm>>
      %dma_start3A_182 = arith.constant 0 : i32
      %dma_start3A_183 = arith.constant 0 : i32
      %dma_start3A_184 = tpu.memref_slice %arg5[%add3A_173, %dma_start3A_182, %dma_start3A_183] : memref<2500x128x128xf32, #tpu.memory_space<hbm>> -> memref<1x128x128xf32, #tpu.memory_space<hbm>>
      %dma_start3A_185 = tpu.memref_squeeze %dma_start3A_184 : memref<1x128x128xf32, #tpu.memory_space<hbm>> -> memref<128x128xf32, #tpu.memory_space<hbm>>
      %dma_start3A_186 = arith.constant 0 : i32
      %dma_start3A_187 = arith.constant 0 : i32
      %dma_start3A_188 = tpu.memref_slice %arg8[%rem3A_116, %dma_start3A_186, %dma_start3A_187] : memref<2x128x128xf32, #tpu.memory_space<vmem>> -> memref<1x128x128xf32, #tpu.memory_space<vmem>>
      %dma_start3A_189 = tpu.memref_squeeze %dma_start3A_188 : memref<1x128x128xf32, #tpu.memory_space<vmem>> -> memref<128x128xf32, #tpu.memory_space<vmem>>
      tpu.enqueue_dma source(%dma_start3A_189 : memref<128x128xf32, #tpu.memory_space<vmem>>) target(%dma_start3A_185 : memref<128x128xf32, #tpu.memory_space<hbm>>) target_semaphore(%arg12 : memref<!tpu.dma_semaphore, #tpu.memory_space<semaphore_mem>>)
      %while3A_190 = arith.constant 0 : i32
      scf.yield %while3A_190 : i32
    }
    %while3A_74 = arith.constant 1 : i32
    %while3A_75 = scf.for %while3A_111 = %while3A_71 to %while3A_67 step %while3A_74 iter_args(%while3A_112 = %while3A_73) -> (i32)  : i32 {
      %rem3A_113 = arith.constant 3 : i32
      %rem3A_114 = arith.remsi %while3A_111, %rem3A_113 : i32
      %rem3A_115 = arith.constant 2 : i32
      %rem3A_116 = arith.remsi %while3A_111, %rem3A_115 : i32
      %dma_wait3A_117 = arith.constant 0 : i32
      %dma_wait3A_118 = arith.constant 0 : i32
      %dma_wait3A_119 = arith.constant 0 : i32
      %dma_wait3A_120 = tpu.memref_slice %arg6[%rem3A_114, %dma_wait3A_118, %dma_wait3A_119] : memref<3x128x128xf32, #tpu.memory_space<vmem>> -> memref<1x128x128xf32, #tpu.memory_space<vmem>>
      %dma_wait3A_121 = tpu.memref_squeeze %dma_wait3A_120 : memref<1x128x128xf32, #tpu.memory_space<vmem>> -> memref<128x128xf32, #tpu.memory_space<vmem>>
      %dma_wait3A_122 = arith.constant 0 : i32
      %dma_wait3A_123 = arith.constant 0 : i32
      %dma_wait3A_124 = tpu.memref_slice %arg2[%dma_wait3A_117, %dma_wait3A_122, %dma_wait3A_123] : memref<2500x128x128xf32, #tpu.memory_space<hbm>> -> memref<1x128x128xf32, #tpu.memory_space<hbm>>
      %dma_wait3A_125 = tpu.memref_squeeze %dma_wait3A_124 : memref<1x128x128xf32, #tpu.memory_space<hbm>> -> memref<128x128xf32, #tpu.memory_space<hbm>>
      %dma_wait3A_126 = arith.constant 0 : i32
      %dma_wait3A_127 = arith.constant 0 : i32
      %dma_wait3A_128 = tpu.memref_slice %arg6[%rem3A_114, %dma_wait3A_126, %dma_wait3A_127] : memref<3x128x128xf32, #tpu.memory_space<vmem>> -> memref<1x128x128xf32, #tpu.memory_space<vmem>>
      %dma_wait3A_129 = tpu.memref_squeeze %dma_wait3A_128 : memref<1x128x128xf32, #tpu.memory_space<vmem>> -> memref<128x128xf32, #tpu.memory_space<vmem>>
      %dma_wait3A_130 = arith.constant 0 : i32
      %dma_wait3A_131 = arith.constant 0 : i32
      %dma_wait3A_132 = tpu.memref_slice %arg2[%dma_wait3A_117, %dma_wait3A_130, %dma_wait3A_131] : memref<2500x128x128xf32, #tpu.memory_space<hbm>> -> memref<1x128x128xf32, #tpu.memory_space<hbm>>
      %dma_wait3A_133 = tpu.memref_squeeze %dma_wait3A_132 : memref<1x128x128xf32, #tpu.memory_space<hbm>> -> memref<128x128xf32, #tpu.memory_space<hbm>>
      tpu.wait_dma2 semaphore(%arg10 : memref<!tpu.dma_semaphore, #tpu.memory_space<semaphore_mem>>) src(%dma_wait3A_133 : memref<128x128xf32, #tpu.memory_space<hbm>>) dst(%dma_wait3A_129 : memref<128x128xf32, #tpu.memory_space<vmem>>)
      %dma_wait3A_134 = arith.constant 0 : i32
      %dma_wait3A_135 = arith.constant 0 : i32
      %dma_wait3A_136 = arith.constant 0 : i32
      %dma_wait3A_137 = tpu.memref_slice %arg7[%rem3A_116, %dma_wait3A_135, %dma_wait3A_136] : memref<2x128x128xf32, #tpu.memory_space<vmem>> -> memref<1x128x128xf32, #tpu.memory_space<vmem>>
      %dma_wait3A_138 = tpu.memref_squeeze %dma_wait3A_137 : memref<1x128x128xf32, #tpu.memory_space<vmem>> -> memref<128x128xf32, #tpu.memory_space<vmem>>
      %dma_wait3A_139 = arith.constant 0 : i32
      %dma_wait3A_140 = arith.constant 0 : i32
      %dma_wait3A_141 = tpu.memref_slice %arg2[%dma_wait3A_134, %dma_wait3A_139, %dma_wait3A_140] : memref<2500x128x128xf32, #tpu.memory_space<hbm>> -> memref<1x128x128xf32, #tpu.memory_space<hbm>>
      %dma_wait3A_142 = tpu.memref_squeeze %dma_wait3A_141 : memref<1x128x128xf32, #tpu.memory_space<hbm>> -> memref<128x128xf32, #tpu.memory_space<hbm>>
      %dma_wait3A_143 = arith.constant 0 : i32
      %dma_wait3A_144 = arith.constant 0 : i32
      %dma_wait3A_145 = tpu.memref_slice %arg7[%rem3A_116, %dma_wait3A_143, %dma_wait3A_144] : memref<2x128x128xf32, #tpu.memory_space<vmem>> -> memref<1x128x128xf32, #tpu.memory_space<vmem>>
      %dma_wait3A_146 = tpu.memref_squeeze %dma_wait3A_145 : memref<1x128x128xf32, #tpu.memory_space<vmem>> -> memref<128x128xf32, #tpu.memory_space<vmem>>
      %dma_wait3A_147 = arith.constant 0 : i32
      %dma_wait3A_148 = arith.constant 0 : i32
      %dma_wait3A_149 = tpu.memref_slice %arg2[%dma_wait3A_134, %dma_wait3A_147, %dma_wait3A_148] : memref<2500x128x128xf32, #tpu.memory_space<hbm>> -> memref<1x128x128xf32, #tpu.memory_space<hbm>>
      %dma_wait3A_150 = tpu.memref_squeeze %dma_wait3A_149 : memref<1x128x128xf32, #tpu.memory_space<hbm>> -> memref<128x128xf32, #tpu.memory_space<hbm>>
      tpu.wait_dma2 semaphore(%arg11 : memref<!tpu.dma_semaphore, #tpu.memory_space<semaphore_mem>>) src(%dma_wait3A_150 : memref<128x128xf32, #tpu.memory_space<hbm>>) dst(%dma_wait3A_146 : memref<128x128xf32, #tpu.memory_space<vmem>>)
      %add3A_151 = arith.constant 2 : i32
      %add3A_152 = arith.addi %while3A_111, %add3A_151 : i32
      %lt3A_153 = arith.cmpi slt, %add3A_152, %select_n3A : i32
      %convert_element_type3A_154 = arith.extui %lt3A_153 : i1 to i32
      %cond3A_155 = arith.constant 0 : i32
      %cond3A_156 = arith.cmpi ne, %convert_element_type3A_154, %cond3A_155 : i32
      scf.if %cond3A_156 {
        %add3A_191 = arith.constant 2 : i32
        %add3A_192 = arith.addi %while3A_111, %add3A_191 : i32
        %add3A_193 = arith.addi %add3A_4, %add3A_192 : i32
        %rem3A_194 = arith.constant 3 : i32
        %rem3A_195 = arith.remsi %add3A_192, %rem3A_194 : i32
        %dma_start3A_196 = arith.constant 0 : i32
        %dma_start3A_197 = arith.constant 0 : i32
        %dma_start3A_198 = tpu.memref_slice %arg6[%rem3A_195, %dma_start3A_196, %dma_start3A_197] : memref<3x128x128xf32, #tpu.memory_space<vmem>> -> memref<1x128x128xf32, #tpu.memory_space<vmem>>
        %dma_start3A_199 = tpu.memref_squeeze %dma_start3A_198 : memref<1x128x128xf32, #tpu.memory_space<vmem>> -> memref<128x128xf32, #tpu.memory_space<vmem>>
        %dma_start3A_200 = arith.constant 0 : i32
        %dma_start3A_201 = arith.constant 0 : i32
        %dma_start3A_202 = tpu.memref_slice %arg2[%add3A_193, %dma_start3A_200, %dma_start3A_201] : memref<2500x128x128xf32, #tpu.memory_space<hbm>> -> memref<1x128x128xf32, #tpu.memory_space<hbm>>
        %dma_start3A_203 = tpu.memref_squeeze %dma_start3A_202 : memref<1x128x128xf32, #tpu.memory_space<hbm>> -> memref<128x128xf32, #tpu.memory_space<hbm>>
        %dma_start3A_204 = arith.constant 0 : i32
        %dma_start3A_205 = arith.constant 0 : i32
        %dma_start3A_206 = tpu.memref_slice %arg6[%rem3A_195, %dma_start3A_204, %dma_start3A_205] : memref<3x128x128xf32, #tpu.memory_space<vmem>> -> memref<1x128x128xf32, #tpu.memory_space<vmem>>
        %dma_start3A_207 = tpu.memref_squeeze %dma_start3A_206 : memref<1x128x128xf32, #tpu.memory_space<vmem>> -> memref<128x128xf32, #tpu.memory_space<vmem>>
        %dma_start3A_208 = arith.constant 0 : i32
        %dma_start3A_209 = arith.constant 0 : i32
        %dma_start3A_210 = tpu.memref_slice %arg2[%add3A_193, %dma_start3A_208, %dma_start3A_209] : memref<2500x128x128xf32, #tpu.memory_space<hbm>> -> memref<1x128x128xf32, #tpu.memory_space<hbm>>
        %dma_start3A_211 = tpu.memref_squeeze %dma_start3A_210 : memref<1x128x128xf32, #tpu.memory_space<hbm>> -> memref<128x128xf32, #tpu.memory_space<hbm>>
        tpu.enqueue_dma source(%dma_start3A_211 : memref<128x128xf32, #tpu.memory_space<hbm>>) target(%dma_start3A_207 : memref<128x128xf32, #tpu.memory_space<vmem>>) target_semaphore(%arg10 : memref<!tpu.dma_semaphore, #tpu.memory_space<semaphore_mem>>)
      } else {
      }
      %add3A_157 = arith.constant 1 : i32
      %add3A_158 = arith.addi %while3A_111, %add3A_157 : i32
      %lt3A_159 = arith.cmpi slt, %add3A_158, %select_n3A : i32
      %convert_element_type3A_160 = arith.extui %lt3A_159 : i1 to i32
      %cond3A_161 = arith.constant 0 : i32
      %cond3A_162 = arith.cmpi ne, %convert_element_type3A_160, %cond3A_161 : i32
      scf.if %cond3A_162 {
        %add3A_191 = arith.constant 1 : i32
        %add3A_192 = arith.addi %while3A_111, %add3A_191 : i32
        %rem3A_193 = arith.constant 2 : i32
        %rem3A_194 = arith.remsi %add3A_192, %rem3A_193 : i32
        %dma_start3A_195 = arith.constant 0 : i32
        %dma_start3A_196 = arith.constant 0 : i32
        %dma_start3A_197 = arith.constant 0 : i32
        %dma_start3A_198 = tpu.memref_slice %arg7[%rem3A_194, %dma_start3A_196, %dma_start3A_197] : memref<2x128x128xf32, #tpu.memory_space<vmem>> -> memref<1x128x128xf32, #tpu.memory_space<vmem>>
        %dma_start3A_199 = tpu.memref_squeeze %dma_start3A_198 : memref<1x128x128xf32, #tpu.memory_space<vmem>> -> memref<128x128xf32, #tpu.memory_space<vmem>>
        %dma_start3A_200 = arith.constant 0 : i32
        %dma_start3A_201 = tpu.memref_slice %arg9[%add3A_192, %dma_start3A_195, %dma_start3A_200] : memref<80x1x128xi32, #tpu.memory_space<vmem>> -> memref<1x1x128xi32, #tpu.memory_space<vmem>>
        %dma_start3A_202 = tpu.memref_squeeze %dma_start3A_201 : memref<1x1x128xi32, #tpu.memory_space<vmem>> -> memref<128xi32, #tpu.memory_space<vmem>>
        %dma_start3A_203 = arith.constant 0 : i32
        %dma_start3A_204 = arith.constant 0 : i32
        %dma_start3A_205 = tpu.memref_slice %arg4[%dma_start3A_203, %dma_start3A_204] : memref<10240x128xf32, #tpu.memory_space<hbm>> -> memref<10240x128xf32, #tpu.memory_space<hbm>>
        tpu.enqueue_indirect_dma source(%dma_start3A_205 : memref<10240x128xf32, #tpu.memory_space<hbm>>) target(%dma_start3A_199 : memref<128x128xf32, #tpu.memory_space<vmem>>) offsets(%dma_start3A_202 : memref<128xi32, #tpu.memory_space<vmem>>) semaphore(%arg11 : memref<!tpu.dma_semaphore, #tpu.memory_space<semaphore_mem>>)
      } else {
      }
      %ge3A = arith.constant 2 : i32
      %ge3A_163 = arith.cmpi sge, %while3A_111, %ge3A : i32
      %convert_element_type3A_164 = arith.extui %ge3A_163 : i1 to i32
      %cond3A_165 = arith.constant 0 : i32
      %cond3A_166 = arith.cmpi ne, %convert_element_type3A_164, %cond3A_165 : i32
      scf.if %cond3A_166 {
        %dma_wait3A_191 = arith.constant 0 : i32
        %dma_wait3A_192 = arith.constant 0 : i32
        %dma_wait3A_193 = arith.constant 0 : i32
        %dma_wait3A_194 = arith.constant 0 : i32
        %dma_wait3A_195 = tpu.memref_slice %arg6[%dma_wait3A_191, %dma_wait3A_193, %dma_wait3A_194] : memref<3x128x128xf32, #tpu.memory_space<vmem>> -> memref<1x128x128xf32, #tpu.memory_space<vmem>>
        %dma_wait3A_196 = tpu.memref_squeeze %dma_wait3A_195 : memref<1x128x128xf32, #tpu.memory_space<vmem>> -> memref<128x128xf32, #tpu.memory_space<vmem>>
        %dma_wait3A_197 = arith.constant 0 : i32
        %dma_wait3A_198 = arith.constant 0 : i32
        %dma_wait3A_199 = tpu.memref_slice %arg5[%dma_wait3A_192, %dma_wait3A_197, %dma_wait3A_198] : memref<2500x128x128xf32, #tpu.memory_space<hbm>> -> memref<1x128x128xf32, #tpu.memory_space<hbm>>
        %dma_wait3A_200 = tpu.memref_squeeze %dma_wait3A_199 : memref<1x128x128xf32, #tpu.memory_space<hbm>> -> memref<128x128xf32, #tpu.memory_space<hbm>>
        %dma_wait3A_201 = arith.constant 0 : i32
        %dma_wait3A_202 = arith.constant 0 : i32
        %dma_wait3A_203 = tpu.memref_slice %arg5[%dma_wait3A_192, %dma_wait3A_201, %dma_wait3A_202] : memref<2500x128x128xf32, #tpu.memory_space<hbm>> -> memref<1x128x128xf32, #tpu.memory_space<hbm>>
        %dma_wait3A_204 = tpu.memref_squeeze %dma_wait3A_203 : memref<1x128x128xf32, #tpu.memory_space<hbm>> -> memref<128x128xf32, #tpu.memory_space<hbm>>
        %dma_wait3A_205 = arith.constant 0 : i32
        %dma_wait3A_206 = arith.constant 0 : i32
        %dma_wait3A_207 = tpu.memref_slice %arg6[%dma_wait3A_191, %dma_wait3A_205, %dma_wait3A_206] : memref<3x128x128xf32, #tpu.memory_space<vmem>> -> memref<1x128x128xf32, #tpu.memory_space<vmem>>
        %dma_wait3A_208 = tpu.memref_squeeze %dma_wait3A_207 : memref<1x128x128xf32, #tpu.memory_space<vmem>> -> memref<128x128xf32, #tpu.memory_space<vmem>>
        tpu.wait_dma2 semaphore(%arg12 : memref<!tpu.dma_semaphore, #tpu.memory_space<semaphore_mem>>) src(%dma_wait3A_208 : memref<128x128xf32, #tpu.memory_space<vmem>>) dst(%dma_wait3A_204 : memref<128x128xf32, #tpu.memory_space<hbm>>)
      } else {
      }
      %scan3A = arith.constant 0 : i32
      %scan3A_167 = arith.constant 0 : i32
      %scan3A_168 = arith.constant 128 : i32
      %scan3A_169 = arith.addi %scan3A_167, %scan3A_168 : i32
      %scan3A_170 = arith.constant 2 : i32
      %scan3A_171 = scf.for %scan3A_191 = %scan3A_167 to %scan3A_169 step %scan3A_170 iter_args(%scan3A_192 = %scan3A) -> (i32)  : i32 {
        %get3A = arith.index_cast %rem3A_114 : i32 to index
        %get3A_193 = arith.index_cast %scan3A_191 : i32 to index
        %get3A_194 = arith.constant 0 : index
        %get3A_195 = tpu.vector_load %arg6[%get3A, %get3A_193, %get3A_194] {strides = array<i32>} : memref<3x128x128xf32, #tpu.memory_space<vmem>>, vector<1x1x16xf32>,
        %get3A_196 = vector.shape_cast %get3A_195 : vector<1x1x16xf32> to vector<16xf32>
        %exp3A = math.exp %get3A_196 : vector<16xf32>
        %get3A_197 = arith.index_cast %rem3A_116 : i32 to index
        %get3A_198 = arith.index_cast %scan3A_191 : i32 to index
        %get3A_199 = arith.constant 0 : index
        %get3A_200 = tpu.vector_load %arg7[%get3A_197, %get3A_198, %get3A_199] {strides = array<i32>} : memref<2x128x128xf32, #tpu.memory_space<vmem>>, vector<1x1x16xf32>,
        %get3A_201 = vector.shape_cast %get3A_200 : vector<1x1x16xf32> to vector<16xf32>
        %mul3A_202 = arith.mulf %exp3A, %get3A_201 : vector<16xf32>
        %swap3A = arith.index_cast %rem3A_116 : i32 to index
        %swap3A_203 = arith.index_cast %scan3A_191 : i32 to index
        %swap3A_204 = arith.constant 0 : index
        %swap3A_205 = tpu.vector_load %arg8[%swap3A, %swap3A_203, %swap3A_204] {strides = array<i32>} : memref<2x128x128xf32, #tpu.memory_space<vmem>>, vector<1x1x16xf32>,
        %swap3A_206 = vector.shape_cast %swap3A_205 : vector<1x1x16xf32> to vector<16xf32>
        %swap3A_207 = vector.shape_cast %mul3A_202 : vector<16xf32> to vector<1x1x16xf32>
        tpu.vector_store %arg8[%swap3A, %swap3A_203, %swap3A_204], %swap3A_207 {strides = array<i32>} : memref<2x128x128xf32, #tpu.memory_space<vmem>>, vector<1x1x16xf32>,
        %get3A_208 = arith.index_cast %rem3A_114 : i32 to index
        %get3A_209 = arith.index_cast %scan3A_191 : i32 to index
        %get3A_210 = arith.constant 16 : index
        %get3A_211 = tpu.vector_load %arg6[%get3A_208, %get3A_209, %get3A_210] {strides = array<i32>} : memref<3x128x128xf32, #tpu.memory_space<vmem>>, vector<1x1x16xf32>,
        %get3A_212 = vector.shape_cast %get3A_211 : vector<1x1x16xf32> to vector<16xf32>
        %exp3A_213 = math.exp %get3A_212 : vector<16xf32>
        %get3A_214 = arith.index_cast %rem3A_116 : i32 to index
        %get3A_215 = arith.index_cast %scan3A_191 : i32 to index
        %get3A_216 = arith.constant 16 : index
        %get3A_217 = tpu.vector_load %arg7[%get3A_214, %get3A_215, %get3A_216] {strides = array<i32>} : memref<2x128x128xf32, #tpu.memory_space<vmem>>, vector<1x1x16xf32>,
        %get3A_218 = vector.shape_cast %get3A_217 : vector<1x1x16xf32> to vector<16xf32>
        %mul3A_219 = arith.mulf %exp3A_213, %get3A_218 : vector<16xf32>
        %swap3A_220 = arith.index_cast %rem3A_116 : i32 to index
        %swap3A_221 = arith.index_cast %scan3A_191 : i32 to index
        %swap3A_222 = arith.constant 16 : index
        %swap3A_223 = tpu.vector_load %arg8[%swap3A_220, %swap3A_221, %swap3A_222] {strides = array<i32>} : memref<2x128x128xf32, #tpu.memory_space<vmem>>, vector<1x1x16xf32>,
        %swap3A_224 = vector.shape_cast %swap3A_223 : vector<1x1x16xf32> to vector<16xf32>
        %swap3A_225 = vector.shape_cast %mul3A_219 : vector<16xf32> to vector<1x1x16xf32>
        tpu.vector_store %arg8[%swap3A_220, %swap3A_221, %swap3A_222], %swap3A_225 {strides = array<i32>} : memref<2x128x128xf32, #tpu.memory_space<vmem>>, vector<1x1x16xf32>,
        %get3A_226 = arith.index_cast %rem3A_114 : i32 to index
        %get3A_227 = arith.index_cast %scan3A_191 : i32 to index
        %get3A_228 = arith.constant 32 : index
        %get3A_229 = tpu.vector_load %arg6[%get3A_226, %get3A_227, %get3A_228] {strides = array<i32>} : memref<3x128x128xf32, #tpu.memory_space<vmem>>, vector<1x1x16xf32>,
        %get3A_230 = vector.shape_cast %get3A_229 : vector<1x1x16xf32> to vector<16xf32>
        %exp3A_231 = math.exp %get3A_230 : vector<16xf32>
        %get3A_232 = arith.index_cast %rem3A_116 : i32 to index
        %get3A_233 = arith.index_cast %scan3A_191 : i32 to index
        %get3A_234 = arith.constant 32 : index
        %get3A_235 = tpu.vector_load %arg7[%get3A_232, %get3A_233, %get3A_234] {strides = array<i32>} : memref<2x128x128xf32, #tpu.memory_space<vmem>>, vector<1x1x16xf32>,
        %get3A_236 = vector.shape_cast %get3A_235 : vector<1x1x16xf32> to vector<16xf32>
        %mul3A_237 = arith.mulf %exp3A_231, %get3A_236 : vector<16xf32>
        %swap3A_238 = arith.index_cast %rem3A_116 : i32 to index
        %swap3A_239 = arith.index_cast %scan3A_191 : i32 to index
        %swap3A_240 = arith.constant 32 : index
        %swap3A_241 = tpu.vector_load %arg8[%swap3A_238, %swap3A_239, %swap3A_240] {strides = array<i32>} : memref<2x128x128xf32, #tpu.memory_space<vmem>>, vector<1x1x16xf32>,
        %swap3A_242 = vector.shape_cast %swap3A_241 : vector<1x1x16xf32> to vector<16xf32>
        %swap3A_243 = vector.shape_cast %mul3A_237 : vector<16xf32> to vector<1x1x16xf32>
        tpu.vector_store %arg8[%swap3A_238, %swap3A_239, %swap3A_240], %swap3A_243 {strides = array<i32>} : memref<2x128x128xf32, #tpu.memory_space<vmem>>, vector<1x1x16xf32>,
        %get3A_244 = arith.index_cast %rem3A_114 : i32 to index
        %get3A_245 = arith.index_cast %scan3A_191 : i32 to index
        %get3A_246 = arith.constant 48 : index
        %get3A_247 = tpu.vector_load %arg6[%get3A_244, %get3A_245, %get3A_246] {strides = array<i32>} : memref<3x128x128xf32, #tpu.memory_space<vmem>>, vector<1x1x16xf32>,
        %get3A_248 = vector.shape_cast %get3A_247 : vector<1x1x16xf32> to vector<16xf32>
        %exp3A_249 = math.exp %get3A_248 : vector<16xf32>
        %get3A_250 = arith.index_cast %rem3A_116 : i32 to index
        %get3A_251 = arith.index_cast %scan3A_191 : i32 to index
        %get3A_252 = arith.constant 48 : index
        %get3A_253 = tpu.vector_load %arg7[%get3A_250, %get3A_251, %get3A_252] {strides = array<i32>} : memref<2x128x128xf32, #tpu.memory_space<vmem>>, vector<1x1x16xf32>,
        %get3A_254 = vector.shape_cast %get3A_253 : vector<1x1x16xf32> to vector<16xf32>
        %mul3A_255 = arith.mulf %exp3A_249, %get3A_254 : vector<16xf32>
        %swap3A_256 = arith.index_cast %rem3A_116 : i32 to index
        %swap3A_257 = arith.index_cast %scan3A_191 : i32 to index
        %swap3A_258 = arith.constant 48 : index
        %swap3A_259 = tpu.vector_load %arg8[%swap3A_256, %swap3A_257, %swap3A_258] {strides = array<i32>} : memref<2x128x128xf32, #tpu.memory_space<vmem>>, vector<1x1x16xf32>,
        %swap3A_260 = vector.shape_cast %swap3A_259 : vector<1x1x16xf32> to vector<16xf32>
        %swap3A_261 = vector.shape_cast %mul3A_255 : vector<16xf32> to vector<1x1x16xf32>
        tpu.vector_store %arg8[%swap3A_256, %swap3A_257, %swap3A_258], %swap3A_261 {strides = array<i32>} : memref<2x128x128xf32, #tpu.memory_space<vmem>>, vector<1x1x16xf32>,
        %get3A_262 = arith.index_cast %rem3A_114 : i32 to index
        %get3A_263 = arith.index_cast %scan3A_191 : i32 to index
        %get3A_264 = arith.constant 64 : index
        %get3A_265 = tpu.vector_load %arg6[%get3A_262, %get3A_263, %get3A_264] {strides = array<i32>} : memref<3x128x128xf32, #tpu.memory_space<vmem>>, vector<1x1x16xf32>,
        %get3A_266 = vector.shape_cast %get3A_265 : vector<1x1x16xf32> to vector<16xf32>
        %exp3A_267 = math.exp %get3A_266 : vector<16xf32>
        %get3A_268 = arith.index_cast %rem3A_116 : i32 to index
        %get3A_269 = arith.index_cast %scan3A_191 : i32 to index
        %get3A_270 = arith.constant 64 : index
        %get3A_271 = tpu.vector_load %arg7[%get3A_268, %get3A_269, %get3A_270] {strides = array<i32>} : memref<2x128x128xf32, #tpu.memory_space<vmem>>, vector<1x1x16xf32>,
        %get3A_272 = vector.shape_cast %get3A_271 : vector<1x1x16xf32> to vector<16xf32>
        %mul3A_273 = arith.mulf %exp3A_267, %get3A_272 : vector<16xf32>
        %swap3A_274 = arith.index_cast %rem3A_116 : i32 to index
        %swap3A_275 = arith.index_cast %scan3A_191 : i32 to index
        %swap3A_276 = arith.constant 64 : index
        %swap3A_277 = tpu.vector_load %arg8[%swap3A_274, %swap3A_275, %swap3A_276] {strides = array<i32>} : memref<2x128x128xf32, #tpu.memory_space<vmem>>, vector<1x1x16xf32>,
        %swap3A_278 = vector.shape_cast %swap3A_277 : vector<1x1x16xf32> to vector<16xf32>
        %swap3A_279 = vector.shape_cast %mul3A_273 : vector<16xf32> to vector<1x1x16xf32>
        tpu.vector_store %arg8[%swap3A_274, %swap3A_275, %swap3A_276], %swap3A_279 {strides = array<i32>} : memref<2x128x128xf32, #tpu.memory_space<vmem>>, vector<1x1x16xf32>,
        %get3A_280 = arith.index_cast %rem3A_114 : i32 to index
        %get3A_281 = arith.index_cast %scan3A_191 : i32 to index
        %get3A_282 = arith.constant 80 : index
        %get3A_283 = tpu.vector_load %arg6[%get3A_280, %get3A_281, %get3A_282] {strides = array<i32>} : memref<3x128x128xf32, #tpu.memory_space<vmem>>, vector<1x1x16xf32>,
        %get3A_284 = vector.shape_cast %get3A_283 : vector<1x1x16xf32> to vector<16xf32>
        %exp3A_285 = math.exp %get3A_284 : vector<16xf32>
        %get3A_286 = arith.index_cast %rem3A_116 : i32 to index
        %get3A_287 = arith.index_cast %scan3A_191 : i32 to index
        %get3A_288 = arith.constant 80 : index
        %get3A_289 = tpu.vector_load %arg7[%get3A_286, %get3A_287, %get3A_288] {strides = array<i32>} : memref<2x128x128xf32, #tpu.memory_space<vmem>>, vector<1x1x16xf32>,
        %get3A_290 = vector.shape_cast %get3A_289 : vector<1x1x16xf32> to vector<16xf32>
        %mul3A_291 = arith.mulf %exp3A_285, %get3A_290 : vector<16xf32>
        %swap3A_292 = arith.index_cast %rem3A_116 : i32 to index
        %swap3A_293 = arith.index_cast %scan3A_191 : i32 to index
        %swap3A_294 = arith.constant 80 : index
        %swap3A_295 = tpu.vector_load %arg8[%swap3A_292, %swap3A_293, %swap3A_294] {strides = array<i32>} : memref<2x128x128xf32, #tpu.memory_space<vmem>>, vector<1x1x16xf32>,
        %swap3A_296 = vector.shape_cast %swap3A_295 : vector<1x1x16xf32> to vector<16xf32>
        %swap3A_297 = vector.shape_cast %mul3A_291 : vector<16xf32> to vector<1x1x16xf32>
        tpu.vector_store %arg8[%swap3A_292, %swap3A_293, %swap3A_294], %swap3A_297 {strides = array<i32>} : memref<2x128x128xf32, #tpu.memory_space<vmem>>, vector<1x1x16xf32>,
        %get3A_298 = arith.index_cast %rem3A_114 : i32 to index
        %get3A_299 = arith.index_cast %scan3A_191 : i32 to index
        %get3A_300 = arith.constant 96 : index
        %get3A_301 = tpu.vector_load %arg6[%get3A_298, %get3A_299, %get3A_300] {strides = array<i32>} : memref<3x128x128xf32, #tpu.memory_space<vmem>>, vector<1x1x16xf32>,
        %get3A_302 = vector.shape_cast %get3A_301 : vector<1x1x16xf32> to vector<16xf32>
        %exp3A_303 = math.exp %get3A_302 : vector<16xf32>
        %get3A_304 = arith.index_cast %rem3A_116 : i32 to index
        %get3A_305 = arith.index_cast %scan3A_191 : i32 to index
        %get3A_306 = arith.constant 96 : index
        %get3A_307 = tpu.vector_load %arg7[%get3A_304, %get3A_305, %get3A_306] {strides = array<i32>} : memref<2x128x128xf32, #tpu.memory_space<vmem>>, vector<1x1x16xf32>,
        %get3A_308 = vector.shape_cast %get3A_307 : vector<1x1x16xf32> to vector<16xf32>
        %mul3A_309 = arith.mulf %exp3A_303, %get3A_308 : vector<16xf32>
        %swap3A_310 = arith.index_cast %rem3A_116 : i32 to index
        %swap3A_311 = arith.index_cast %scan3A_191 : i32 to index
        %swap3A_312 = arith.constant 96 : index
        %swap3A_313 = tpu.vector_load %arg8[%swap3A_310, %swap3A_311, %swap3A_312] {strides = array<i32>} : memref<2x128x128xf32, #tpu.memory_space<vmem>>, vector<1x1x16xf32>,
        %swap3A_314 = vector.shape_cast %swap3A_313 : vector<1x1x16xf32> to vector<16xf32>
        %swap3A_315 = vector.shape_cast %mul3A_309 : vector<16xf32> to vector<1x1x16xf32>
        tpu.vector_store %arg8[%swap3A_310, %swap3A_311, %swap3A_312], %swap3A_315 {strides = array<i32>} : memref<2x128x128xf32, #tpu.memory_space<vmem>>, vector<1x1x16xf32>,
        %get3A_316 = arith.index_cast %rem3A_114 : i32 to index
        %get3A_317 = arith.index_cast %scan3A_191 : i32 to index
        %get3A_318 = arith.constant 112 : index
        %get3A_319 = tpu.vector_load %arg6[%get3A_316, %get3A_317, %get3A_318] {strides = array<i32>} : memref<3x128x128xf32, #tpu.memory_space<vmem>>, vector<1x1x16xf32>,
        %get3A_320 = vector.shape_cast %get3A_319 : vector<1x1x16xf32> to vector<16xf32>
        %exp3A_321 = math.exp %get3A_320 : vector<16xf32>
        %get3A_322 = arith.index_cast %rem3A_116 : i32 to index
        %get3A_323 = arith.index_cast %scan3A_191 : i32 to index
        %get3A_324 = arith.constant 112 : index
        %get3A_325 = tpu.vector_load %arg7[%get3A_322, %get3A_323, %get3A_324] {strides = array<i32>} : memref<2x128x128xf32, #tpu.memory_space<vmem>>, vector<1x1x16xf32>,
        %get3A_326 = vector.shape_cast %get3A_325 : vector<1x1x16xf32> to vector<16xf32>
        %mul3A_327 = arith.mulf %exp3A_321, %get3A_326 : vector<16xf32>
        %swap3A_328 = arith.index_cast %rem3A_116 : i32 to index
        %swap3A_329 = arith.index_cast %scan3A_191 : i32 to index
        %swap3A_330 = arith.constant 112 : index
        %swap3A_331 = tpu.vector_load %arg8[%swap3A_328, %swap3A_329, %swap3A_330] {strides = array<i32>} : memref<2x128x128xf32, #tpu.memory_space<vmem>>, vector<1x1x16xf32>,
        %swap3A_332 = vector.shape_cast %swap3A_331 : vector<1x1x16xf32> to vector<16xf32>
        %swap3A_333 = vector.shape_cast %mul3A_327 : vector<16xf32> to vector<1x1x16xf32>
        tpu.vector_store %arg8[%swap3A_328, %swap3A_329, %swap3A_330], %swap3A_333 {strides = array<i32>} : memref<2x128x128xf32, #tpu.memory_space<vmem>>, vector<1x1x16xf32>,
        %scan3A_334 = arith.constant 0 : i32
        %scan3A_335 = arith.constant 1 : i32
        %scan3A_336 = arith.addi %scan3A_191, %scan3A_335 : i32
        %get3A_337 = arith.index_cast %rem3A_114 : i32 to index
        %get3A_338 = arith.index_cast %scan3A_336 : i32 to index
        %get3A_339 = arith.constant 0 : index
        %get3A_340 = tpu.vector_load %arg6[%get3A_337, %get3A_338, %get3A_339] {strides = array<i32>} : memref<3x128x128xf32, #tpu.memory_space<vmem>>, vector<1x1x16xf32>,
        %get3A_341 = vector.shape_cast %get3A_340 : vector<1x1x16xf32> to vector<16xf32>
        %exp3A_342 = math.exp %get3A_341 : vector<16xf32>
        %get3A_343 = arith.index_cast %rem3A_116 : i32 to index
        %get3A_344 = arith.index_cast %scan3A_336 : i32 to index
        %get3A_345 = arith.constant 0 : index
        %get3A_346 = tpu.vector_load %arg7[%get3A_343, %get3A_344, %get3A_345] {strides = array<i32>} : memref<2x128x128xf32, #tpu.memory_space<vmem>>, vector<1x1x16xf32>,
        %get3A_347 = vector.shape_cast %get3A_346 : vector<1x1x16xf32> to vector<16xf32>
        %mul3A_348 = arith.mulf %exp3A_342, %get3A_347 : vector<16xf32>
        %swap3A_349 = arith.index_cast %rem3A_116 : i32 to index
        %swap3A_350 = arith.index_cast %scan3A_336 : i32 to index
        %swap3A_351 = arith.constant 0 : index
        %swap3A_352 = tpu.vector_load %arg8[%swap3A_349, %swap3A_350, %swap3A_351] {strides = array<i32>} : memref<2x128x128xf32, #tpu.memory_space<vmem>>, vector<1x1x16xf32>,
        %swap3A_353 = vector.shape_cast %swap3A_352 : vector<1x1x16xf32> to vector<16xf32>
        %swap3A_354 = vector.shape_cast %mul3A_348 : vector<16xf32> to vector<1x1x16xf32>
        tpu.vector_store %arg8[%swap3A_349, %swap3A_350, %swap3A_351], %swap3A_354 {strides = array<i32>} : memref<2x128x128xf32, #tpu.memory_space<vmem>>, vector<1x1x16xf32>,
        %get3A_355 = arith.index_cast %rem3A_114 : i32 to index
        %get3A_356 = arith.index_cast %scan3A_336 : i32 to index
        %get3A_357 = arith.constant 16 : index
        %get3A_358 = tpu.vector_load %arg6[%get3A_355, %get3A_356, %get3A_357] {strides = array<i32>} : memref<3x128x128xf32, #tpu.memory_space<vmem>>, vector<1x1x16xf32>,
        %get3A_359 = vector.shape_cast %get3A_358 : vector<1x1x16xf32> to vector<16xf32>
        %exp3A_360 = math.exp %get3A_359 : vector<16xf32>
        %get3A_361 = arith.index_cast %rem3A_116 : i32 to index
        %get3A_362 = arith.index_cast %scan3A_336 : i32 to index
        %get3A_363 = arith.constant 16 : index
        %get3A_364 = tpu.vector_load %arg7[%get3A_361, %get3A_362, %get3A_363] {strides = array<i32>} : memref<2x128x128xf32, #tpu.memory_space<vmem>>, vector<1x1x16xf32>,
        %get3A_365 = vector.shape_cast %get3A_364 : vector<1x1x16xf32> to vector<16xf32>
        %mul3A_366 = arith.mulf %exp3A_360, %get3A_365 : vector<16xf32>
        %swap3A_367 = arith.index_cast %rem3A_116 : i32 to index
        %swap3A_368 = arith.index_cast %scan3A_336 : i32 to index
        %swap3A_369 = arith.constant 16 : index
        %swap3A_370 = tpu.vector_load %arg8[%swap3A_367, %swap3A_368, %swap3A_369] {strides = array<i32>} : memref<2x128x128xf32, #tpu.memory_space<vmem>>, vector<1x1x16xf32>,
        %swap3A_371 = vector.shape_cast %swap3A_370 : vector<1x1x16xf32> to vector<16xf32>
        %swap3A_372 = vector.shape_cast %mul3A_366 : vector<16xf32> to vector<1x1x16xf32>
        tpu.vector_store %arg8[%swap3A_367, %swap3A_368, %swap3A_369], %swap3A_372 {strides = array<i32>} : memref<2x128x128xf32, #tpu.memory_space<vmem>>, vector<1x1x16xf32>,
        %get3A_373 = arith.index_cast %rem3A_114 : i32 to index
        %get3A_374 = arith.index_cast %scan3A_336 : i32 to index
        %get3A_375 = arith.constant 32 : index
        %get3A_376 = tpu.vector_load %arg6[%get3A_373, %get3A_374, %get3A_375] {strides = array<i32>} : memref<3x128x128xf32, #tpu.memory_space<vmem>>, vector<1x1x16xf32>,
        %get3A_377 = vector.shape_cast %get3A_376 : vector<1x1x16xf32> to vector<16xf32>
        %exp3A_378 = math.exp %get3A_377 : vector<16xf32>
        %get3A_379 = arith.index_cast %rem3A_116 : i32 to index
        %get3A_380 = arith.index_cast %scan3A_336 : i32 to index
        %get3A_381 = arith.constant 32 : index
        %get3A_382 = tpu.vector_load %arg7[%get3A_379, %get3A_380, %get3A_381] {strides = array<i32>} : memref<2x128x128xf32, #tpu.memory_space<vmem>>, vector<1x1x16xf32>,
        %get3A_383 = vector.shape_cast %get3A_382 : vector<1x1x16xf32> to vector<16xf32>
        %mul3A_384 = arith.mulf %exp3A_378, %get3A_383 : vector<16xf32>
        %swap3A_385 = arith.index_cast %rem3A_116 : i32 to index
        %swap3A_386 = arith.index_cast %scan3A_336 : i32 to index
        %swap3A_387 = arith.constant 32 : index
        %swap3A_388 = tpu.vector_load %arg8[%swap3A_385, %swap3A_386, %swap3A_387] {strides = array<i32>} : memref<2x128x128xf32, #tpu.memory_space<vmem>>, vector<1x1x16xf32>,
        %swap3A_389 = vector.shape_cast %swap3A_388 : vector<1x1x16xf32> to vector<16xf32>
        %swap3A_390 = vector.shape_cast %mul3A_384 : vector<16xf32> to vector<1x1x16xf32>
        tpu.vector_store %arg8[%swap3A_385, %swap3A_386, %swap3A_387], %swap3A_390 {strides = array<i32>} : memref<2x128x128xf32, #tpu.memory_space<vmem>>, vector<1x1x16xf32>,
        %get3A_391 = arith.index_cast %rem3A_114 : i32 to index
        %get3A_392 = arith.index_cast %scan3A_336 : i32 to index
        %get3A_393 = arith.constant 48 : index
        %get3A_394 = tpu.vector_load %arg6[%get3A_391, %get3A_392, %get3A_393] {strides = array<i32>} : memref<3x128x128xf32, #tpu.memory_space<vmem>>, vector<1x1x16xf32>,
        %get3A_395 = vector.shape_cast %get3A_394 : vector<1x1x16xf32> to vector<16xf32>
        %exp3A_396 = math.exp %get3A_395 : vector<16xf32>
        %get3A_397 = arith.index_cast %rem3A_116 : i32 to index
        %get3A_398 = arith.index_cast %scan3A_336 : i32 to index
        %get3A_399 = arith.constant 48 : index
        %get3A_400 = tpu.vector_load %arg7[%get3A_397, %get3A_398, %get3A_399] {strides = array<i32>} : memref<2x128x128xf32, #tpu.memory_space<vmem>>, vector<1x1x16xf32>,
        %get3A_401 = vector.shape_cast %get3A_400 : vector<1x1x16xf32> to vector<16xf32>
        %mul3A_402 = arith.mulf %exp3A_396, %get3A_401 : vector<16xf32>
        %swap3A_403 = arith.index_cast %rem3A_116 : i32 to index
        %swap3A_404 = arith.index_cast %scan3A_336 : i32 to index
        %swap3A_405 = arith.constant 48 : index
        %swap3A_406 = tpu.vector_load %arg8[%swap3A_403, %swap3A_404, %swap3A_405] {strides = array<i32>} : memref<2x128x128xf32, #tpu.memory_space<vmem>>, vector<1x1x16xf32>,
        %swap3A_407 = vector.shape_cast %swap3A_406 : vector<1x1x16xf32> to vector<16xf32>
        %swap3A_408 = vector.shape_cast %mul3A_402 : vector<16xf32> to vector<1x1x16xf32>
        tpu.vector_store %arg8[%swap3A_403, %swap3A_404, %swap3A_405], %swap3A_408 {strides = array<i32>} : memref<2x128x128xf32, #tpu.memory_space<vmem>>, vector<1x1x16xf32>,
        %get3A_409 = arith.index_cast %rem3A_114 : i32 to index
        %get3A_410 = arith.index_cast %scan3A_336 : i32 to index
        %get3A_411 = arith.constant 64 : index
        %get3A_412 = tpu.vector_load %arg6[%get3A_409, %get3A_410, %get3A_411] {strides = array<i32>} : memref<3x128x128xf32, #tpu.memory_space<vmem>>, vector<1x1x16xf32>,
        %get3A_413 = vector.shape_cast %get3A_412 : vector<1x1x16xf32> to vector<16xf32>
        %exp3A_414 = math.exp %get3A_413 : vector<16xf32>
        %get3A_415 = arith.index_cast %rem3A_116 : i32 to index
        %get3A_416 = arith.index_cast %scan3A_336 : i32 to index
        %get3A_417 = arith.constant 64 : index
        %get3A_418 = tpu.vector_load %arg7[%get3A_415, %get3A_416, %get3A_417] {strides = array<i32>} : memref<2x128x128xf32, #tpu.memory_space<vmem>>, vector<1x1x16xf32>,
        %get3A_419 = vector.shape_cast %get3A_418 : vector<1x1x16xf32> to vector<16xf32>
        %mul3A_420 = arith.mulf %exp3A_414, %get3A_419 : vector<16xf32>
        %swap3A_421 = arith.index_cast %rem3A_116 : i32 to index
        %swap3A_422 = arith.index_cast %scan3A_336 : i32 to index
        %swap3A_423 = arith.constant 64 : index
        %swap3A_424 = tpu.vector_load %arg8[%swap3A_421, %swap3A_422, %swap3A_423] {strides = array<i32>} : memref<2x128x128xf32, #tpu.memory_space<vmem>>, vector<1x1x16xf32>,
        %swap3A_425 = vector.shape_cast %swap3A_424 : vector<1x1x16xf32> to vector<16xf32>
        %swap3A_426 = vector.shape_cast %mul3A_420 : vector<16xf32> to vector<1x1x16xf32>
        tpu.vector_store %arg8[%swap3A_421, %swap3A_422, %swap3A_423], %swap3A_426 {strides = array<i32>} : memref<2x128x128xf32, #tpu.memory_space<vmem>>, vector<1x1x16xf32>,
        %get3A_427 = arith.index_cast %rem3A_114 : i32 to index
        %get3A_428 = arith.index_cast %scan3A_336 : i32 to index
        %get3A_429 = arith.constant 80 : index
        %get3A_430 = tpu.vector_load %arg6[%get3A_427, %get3A_428, %get3A_429] {strides = array<i32>} : memref<3x128x128xf32, #tpu.memory_space<vmem>>, vector<1x1x16xf32>,
        %get3A_431 = vector.shape_cast %get3A_430 : vector<1x1x16xf32> to vector<16xf32>
        %exp3A_432 = math.exp %get3A_431 : vector<16xf32>
        %get3A_433 = arith.index_cast %rem3A_116 : i32 to index
        %get3A_434 = arith.index_cast %scan3A_336 : i32 to index
        %get3A_435 = arith.constant 80 : index
        %get3A_436 = tpu.vector_load %arg7[%get3A_433, %get3A_434, %get3A_435] {strides = array<i32>} : memref<2x128x128xf32, #tpu.memory_space<vmem>>, vector<1x1x16xf32>,
        %get3A_437 = vector.shape_cast %get3A_436 : vector<1x1x16xf32> to vector<16xf32>
        %mul3A_438 = arith.mulf %exp3A_432, %get3A_437 : vector<16xf32>
        %swap3A_439 = arith.index_cast %rem3A_116 : i32 to index
        %swap3A_440 = arith.index_cast %scan3A_336 : i32 to index
        %swap3A_441 = arith.constant 80 : index
        %swap3A_442 = tpu.vector_load %arg8[%swap3A_439, %swap3A_440, %swap3A_441] {strides = array<i32>} : memref<2x128x128xf32, #tpu.memory_space<vmem>>, vector<1x1x16xf32>,
        %swap3A_443 = vector.shape_cast %swap3A_442 : vector<1x1x16xf32> to vector<16xf32>
        %swap3A_444 = vector.shape_cast %mul3A_438 : vector<16xf32> to vector<1x1x16xf32>
        tpu.vector_store %arg8[%swap3A_439, %swap3A_440, %swap3A_441], %swap3A_444 {strides = array<i32>} : memref<2x128x128xf32, #tpu.memory_space<vmem>>, vector<1x1x16xf32>,
        %get3A_445 = arith.index_cast %rem3A_114 : i32 to index
        %get3A_446 = arith.index_cast %scan3A_336 : i32 to index
        %get3A_447 = arith.constant 96 : index
        %get3A_448 = tpu.vector_load %arg6[%get3A_445, %get3A_446, %get3A_447] {strides = array<i32>} : memref<3x128x128xf32, #tpu.memory_space<vmem>>, vector<1x1x16xf32>,
        %get3A_449 = vector.shape_cast %get3A_448 : vector<1x1x16xf32> to vector<16xf32>
        %exp3A_450 = math.exp %get3A_449 : vector<16xf32>
        %get3A_451 = arith.index_cast %rem3A_116 : i32 to index
        %get3A_452 = arith.index_cast %scan3A_336 : i32 to index
        %get3A_453 = arith.constant 96 : index
        %get3A_454 = tpu.vector_load %arg7[%get3A_451, %get3A_452, %get3A_453] {strides = array<i32>} : memref<2x128x128xf32, #tpu.memory_space<vmem>>, vector<1x1x16xf32>,
        %get3A_455 = vector.shape_cast %get3A_454 : vector<1x1x16xf32> to vector<16xf32>
        %mul3A_456 = arith.mulf %exp3A_450, %get3A_455 : vector<16xf32>
        %swap3A_457 = arith.index_cast %rem3A_116 : i32 to index
        %swap3A_458 = arith.index_cast %scan3A_336 : i32 to index
        %swap3A_459 = arith.constant 96 : index
        %swap3A_460 = tpu.vector_load %arg8[%swap3A_457, %swap3A_458, %swap3A_459] {strides = array<i32>} : memref<2x128x128xf32, #tpu.memory_space<vmem>>, vector<1x1x16xf32>,
        %swap3A_461 = vector.shape_cast %swap3A_460 : vector<1x1x16xf32> to vector<16xf32>
        %swap3A_462 = vector.shape_cast %mul3A_456 : vector<16xf32> to vector<1x1x16xf32>
        tpu.vector_store %arg8[%swap3A_457, %swap3A_458, %swap3A_459], %swap3A_462 {strides = array<i32>} : memref<2x128x128xf32, #tpu.memory_space<vmem>>, vector<1x1x16xf32>,
        %get3A_463 = arith.index_cast %rem3A_114 : i32 to index
        %get3A_464 = arith.index_cast %scan3A_336 : i32 to index
        %get3A_465 = arith.constant 112 : index
        %get3A_466 = tpu.vector_load %arg6[%get3A_463, %get3A_464, %get3A_465] {strides = array<i32>} : memref<3x128x128xf32, #tpu.memory_space<vmem>>, vector<1x1x16xf32>,
        %get3A_467 = vector.shape_cast %get3A_466 : vector<1x1x16xf32> to vector<16xf32>
        %exp3A_468 = math.exp %get3A_467 : vector<16xf32>
        %get3A_469 = arith.index_cast %rem3A_116 : i32 to index
        %get3A_470 = arith.index_cast %scan3A_336 : i32 to index
        %get3A_471 = arith.constant 112 : index
        %get3A_472 = tpu.vector_load %arg7[%get3A_469, %get3A_470, %get3A_471] {strides = array<i32>} : memref<2x128x128xf32, #tpu.memory_space<vmem>>, vector<1x1x16xf32>,
        %get3A_473 = vector.shape_cast %get3A_472 : vector<1x1x16xf32> to vector<16xf32>
        %mul3A_474 = arith.mulf %exp3A_468, %get3A_473 : vector<16xf32>
        %swap3A_475 = arith.index_cast %rem3A_116 : i32 to index
        %swap3A_476 = arith.index_cast %scan3A_336 : i32 to index
        %swap3A_477 = arith.constant 112 : index
        %swap3A_478 = tpu.vector_load %arg8[%swap3A_475, %swap3A_476, %swap3A_477] {strides = array<i32>} : memref<2x128x128xf32, #tpu.memory_space<vmem>>, vector<1x1x16xf32>,
        %swap3A_479 = vector.shape_cast %swap3A_478 : vector<1x1x16xf32> to vector<16xf32>
        %swap3A_480 = vector.shape_cast %mul3A_474 : vector<16xf32> to vector<1x1x16xf32>
        tpu.vector_store %arg8[%swap3A_475, %swap3A_476, %swap3A_477], %swap3A_480 {strides = array<i32>} : memref<2x128x128xf32, #tpu.memory_space<vmem>>, vector<1x1x16xf32>,
        %scan3A_481 = arith.constant 0 : i32
        scf.yield %scan3A_481 : i32
      }
      %scan3A_172 = arith.constant 128 : i32
      %add3A_173 = arith.addi %add3A_4, %while3A_111 : i32
      %dma_start3A_174 = arith.constant 0 : i32
      %dma_start3A_175 = arith.constant 0 : i32
      %dma_start3A_176 = tpu.memref_slice %arg8[%rem3A_116, %dma_start3A_174, %dma_start3A_175] : memref<2x128x128xf32, #tpu.memory_space<vmem>> -> memref<1x128x128xf32, #tpu.memory_space<vmem>>
      %dma_start3A_177 = tpu.memref_squeeze %dma_start3A_176 : memref<1x128x128xf32, #tpu.memory_space<vmem>> -> memref<128x128xf32, #tpu.memory_space<vmem>>
      %dma_start3A_178 = arith.constant 0 : i32
      %dma_start3A_179 = arith.constant 0 : i32
      %dma_start3A_180 = tpu.memref_slice %arg5[%add3A_173, %dma_start3A_178, %dma_start3A_179] : memref<2500x128x128xf32, #tpu.memory_space<hbm>> -> memref<1x128x128xf32, #tpu.memory_space<hbm>>
      %dma_start3A_181 = tpu.memref_squeeze %dma_start3A_180 : memref<1x128x128xf32, #tpu.memory_space<hbm>> -> memref<128x128xf32, #tpu.memory_space<hbm>>
      %dma_start3A_182 = arith.constant 0 : i32
      %dma_start3A_183 = arith.constant 0 : i32
      %dma_start3A_184 = tpu.memref_slice %arg5[%add3A_173, %dma_start3A_182, %dma_start3A_183] : memref<2500x128x128xf32, #tpu.memory_space<hbm>> -> memref<1x128x128xf32, #tpu.memory_space<hbm>>
      %dma_start3A_185 = tpu.memref_squeeze %dma_start3A_184 : memref<1x128x128xf32, #tpu.memory_space<hbm>> -> memref<128x128xf32, #tpu.memory_space<hbm>>
      %dma_start3A_186 = arith.constant 0 : i32
      %dma_start3A_187 = arith.constant 0 : i32
      %dma_start3A_188 = tpu.memref_slice %arg8[%rem3A_116, %dma_start3A_186, %dma_start3A_187] : memref<2x128x128xf32, #tpu.memory_space<vmem>> -> memref<1x128x128xf32, #tpu.memory_space<vmem>>
      %dma_start3A_189 = tpu.memref_squeeze %dma_start3A_188 : memref<1x128x128xf32, #tpu.memory_space<vmem>> -> memref<128x128xf32, #tpu.memory_space<vmem>>
      tpu.enqueue_dma source(%dma_start3A_189 : memref<128x128xf32, #tpu.memory_space<vmem>>) target(%dma_start3A_185 : memref<128x128xf32, #tpu.memory_space<hbm>>) target_semaphore(%arg12 : memref<!tpu.dma_semaphore, #tpu.memory_space<semaphore_mem>>)
      %while3A_190 = arith.constant 0 : i32
      scf.yield %while3A_190 : i32
    }
    %dma_wait3A = arith.constant 0 : i32
    %dma_wait3A_76 = arith.constant 0 : i32
    %dma_wait3A_77 = arith.constant 0 : i32
    %dma_wait3A_78 = arith.constant 0 : i32
    %dma_wait3A_79 = tpu.memref_slice %arg6[%dma_wait3A, %dma_wait3A_77, %dma_wait3A_78] : memref<3x128x128xf32, #tpu.memory_space<vmem>> -> memref<1x128x128xf32, #tpu.memory_space<vmem>>
    %dma_wait3A_80 = tpu.memref_squeeze %dma_wait3A_79 : memref<1x128x128xf32, #tpu.memory_space<vmem>> -> memref<128x128xf32, #tpu.memory_space<vmem>>
    %dma_wait3A_81 = arith.constant 0 : i32
    %dma_wait3A_82 = arith.constant 0 : i32
    %dma_wait3A_83 = tpu.memref_slice %arg5[%dma_wait3A_76, %dma_wait3A_81, %dma_wait3A_82] : memref<2500x128x128xf32, #tpu.memory_space<hbm>> -> memref<1x128x128xf32, #tpu.memory_space<hbm>>
    %dma_wait3A_84 = tpu.memref_squeeze %dma_wait3A_83 : memref<1x128x128xf32, #tpu.memory_space<hbm>> -> memref<128x128xf32, #tpu.memory_space<hbm>>
    %dma_wait3A_85 = arith.constant 0 : i32
    %dma_wait3A_86 = arith.constant 0 : i32
    %dma_wait3A_87 = tpu.memref_slice %arg5[%dma_wait3A_76, %dma_wait3A_85, %dma_wait3A_86] : memref<2500x128x128xf32, #tpu.memory_space<hbm>> -> memref<1x128x128xf32, #tpu.memory_space<hbm>>
    %dma_wait3A_88 = tpu.memref_squeeze %dma_wait3A_87 : memref<1x128x128xf32, #tpu.memory_space<hbm>> -> memref<128x128xf32, #tpu.memory_space<hbm>>
    %dma_wait3A_89 = arith.constant 0 : i32
    %dma_wait3A_90 = arith.constant 0 : i32
    %dma_wait3A_91 = tpu.memref_slice %arg6[%dma_wait3A, %dma_wait3A_89, %dma_wait3A_90] : memref<3x128x128xf32, #tpu.memory_space<vmem>> -> memref<1x128x128xf32, #tpu.memory_space<vmem>>
    %dma_wait3A_92 = tpu.memref_squeeze %dma_wait3A_91 : memref<1x128x128xf32, #tpu.memory_space<vmem>> -> memref<128x128xf32, #tpu.memory_space<vmem>>
    tpu.wait_dma2 semaphore(%arg12 : memref<!tpu.dma_semaphore, #tpu.memory_space<semaphore_mem>>) src(%dma_wait3A_92 : memref<128x128xf32, #tpu.memory_space<vmem>>) dst(%dma_wait3A_88 : memref<128x128xf32, #tpu.memory_space<hbm>>)
    %dma_wait3A_93 = arith.constant 0 : i32
    %dma_wait3A_94 = arith.constant 0 : i32
    %dma_wait3A_95 = arith.constant 0 : i32
    %dma_wait3A_96 = arith.constant 0 : i32
    %dma_wait3A_97 = tpu.memref_slice %arg6[%dma_wait3A_93, %dma_wait3A_95, %dma_wait3A_96] : memref<3x128x128xf32, #tpu.memory_space<vmem>> -> memref<1x128x128xf32, #tpu.memory_space<vmem>>
    %dma_wait3A_98 = tpu.memref_squeeze %dma_wait3A_97 : memref<1x128x128xf32, #tpu.memory_space<vmem>> -> memref<128x128xf32, #tpu.memory_space<vmem>>
    %dma_wait3A_99 = arith.constant 0 : i32
    %dma_wait3A_100 = arith.constant 0 : i32
    %dma_wait3A_101 = tpu.memref_slice %arg5[%dma_wait3A_94, %dma_wait3A_99, %dma_wait3A_100] : memref<2500x128x128xf32, #tpu.memory_space<hbm>> -> memref<1x128x128xf32, #tpu.memory_space<hbm>>
    %dma_wait3A_102 = tpu.memref_squeeze %dma_wait3A_101 : memref<1x128x128xf32, #tpu.memory_space<hbm>> -> memref<128x128xf32, #tpu.memory_space<hbm>>
    %dma_wait3A_103 = arith.constant 0 : i32
    %dma_wait3A_104 = arith.constant 0 : i32
    %dma_wait3A_105 = tpu.memref_slice %arg5[%dma_wait3A_94, %dma_wait3A_103, %dma_wait3A_104] : memref<2500x128x128xf32, #tpu.memory_space<hbm>> -> memref<1x128x128xf32, #tpu.memory_space<hbm>>
    %dma_wait3A_106 = tpu.memref_squeeze %dma_wait3A_105 : memref<1x128x128xf32, #tpu.memory_space<hbm>> -> memref<128x128xf32, #tpu.memory_space<hbm>>
    %dma_wait3A_107 = arith.constant 0 : i32
    %dma_wait3A_108 = arith.constant 0 : i32
    %dma_wait3A_109 = tpu.memref_slice %arg6[%dma_wait3A_93, %dma_wait3A_107, %dma_wait3A_108] : memref<3x128x128xf32, #tpu.memory_space<vmem>> -> memref<1x128x128xf32, #tpu.memory_space<vmem>>
    %dma_wait3A_110 = tpu.memref_squeeze %dma_wait3A_109 : memref<1x128x128xf32, #tpu.memory_space<vmem>> -> memref<128x128xf32, #tpu.memory_space<vmem>>
    tpu.wait_dma2 semaphore(%arg12 : memref<!tpu.dma_semaphore, #tpu.memory_space<semaphore_mem>>) src(%dma_wait3A_110 : memref<128x128xf32, #tpu.memory_space<vmem>>) dst(%dma_wait3A_106 : memref<128x128xf32, #tpu.memory_space<hbm>>)
    return
  }
}

#map = affine_map<(d0, d1) -> (0, 0, 0)>
module attributes {stable_mosaic.version = 14 : i64} {
  func.func @_p1(%arg0: i32, %arg1: i32, %arg2: memref<2500x128x128xf32, #tpu.memory_space<hbm>>, %arg3: memref<2500x1x128xi32, #tpu.memory_space<hbm>>, %arg4: memref<2x10240x128xf32, #tpu.memory_space<hbm>>, %arg5: memref<2x128x128xf32, #tpu.memory_space<vmem>>, %arg6: memref<80x1x128xi32, #tpu.memory_space<vmem>>, %arg7: memref<10240x128xf32, #tpu.memory_space<vmem_shared>>, %arg8: memref<!tpu.dma_semaphore, #tpu.memory_space<semaphore_mem>>, %arg9: memref<!tpu.dma_semaphore, #tpu.memory_space<semaphore_mem>>) attributes {dimension_semantics = [#tpu.dimension_semantics<core_parallel>, #tpu.dimension_semantics<subcore_parallel>], iteration_bounds = array<i64: 2, 16>, scalar_prefetch = 0 : i64, scratch_operands = 5 : i64, tpu.core_type = #tpu.core_type<sc_vector_subcore>, window_params = [{transform_indices = #map}, {transform_indices = #map}, {transform_indices = #map}]} {
    %mul3A = arith.constant 16 : i32
    %mul3A_0 = arith.muli %arg0, %mul3A : i32
    %add3A = arith.addi %mul3A_0, %arg1 : i32
    %mul3A_1 = arith.constant 78 : i32
    %mul3A_2 = arith.muli %mul3A_1, %add3A : i32
    %min3A = arith.constant 4 : i32
    %min3A_3 = arith.minsi %add3A, %min3A : i32
    %add3A_4 = arith.addi %mul3A_2, %min3A_3 : i32
    %lt3A = arith.constant 4 : i32
    %lt3A_5 = arith.cmpi slt, %add3A, %lt3A : i32
    %jit3A = arith.constant 79 : i32
    %jit3A_6 = arith.constant 78 : i32
    %select_n3A = arith.select %lt3A_5, %jit3A, %jit3A_6 : i32
    %scan3A = arith.constant 0 : i32
    %scan3A_7 = arith.constant 0 : i32
    %scan3A_8 = arith.constant 128 : i32
    %scan3A_9 = arith.addi %scan3A_7, %scan3A_8 : i32
    %scan3A_10 = arith.constant 1 : i32
    %scan3A_11 = scf.for %scan3A_112 = %scan3A_7 to %scan3A_9 step %scan3A_10 iter_args(%scan3A_113 = %scan3A) -> (i32)  : i32 {
      %broadcast_in_dim3A = arith.constant 0.000000e+00 : f32
      %broadcast_in_dim3A_114 = vector.broadcast %broadcast_in_dim3A : f32 to vector<16xf32>
      %swap3A = arith.constant 0 : i32
      %swap3A_115 = arith.index_cast %swap3A : i32 to index
      %swap3A_116 = arith.index_cast %scan3A_112 : i32 to index
      %swap3A_117 = arith.constant 0 : index
      %swap3A_118 = tpu.vector_load %arg5[%swap3A_115, %swap3A_116, %swap3A_117] {strides = array<i32>} : memref<2x128x128xf32, #tpu.memory_space<vmem>>, vector<1x1x16xf32>,
      %swap3A_119 = vector.shape_cast %swap3A_118 : vector<1x1x16xf32> to vector<16xf32>
      %swap3A_120 = vector.shape_cast %broadcast_in_dim3A_114 : vector<16xf32> to vector<1x1x16xf32>
      tpu.vector_store %arg5[%swap3A_115, %swap3A_116, %swap3A_117], %swap3A_120 {strides = array<i32>} : memref<2x128x128xf32, #tpu.memory_space<vmem>>, vector<1x1x16xf32>,
      %broadcast_in_dim3A_121 = arith.constant 0.000000e+00 : f32
      %broadcast_in_dim3A_122 = vector.broadcast %broadcast_in_dim3A_121 : f32 to vector<16xf32>
      %swap3A_123 = arith.constant 0 : i32
      %swap3A_124 = arith.index_cast %swap3A_123 : i32 to index
      %swap3A_125 = arith.index_cast %scan3A_112 : i32 to index
      %swap3A_126 = arith.constant 16 : index
      %swap3A_127 = tpu.vector_load %arg5[%swap3A_124, %swap3A_125, %swap3A_126] {strides = array<i32>} : memref<2x128x128xf32, #tpu.memory_space<vmem>>, vector<1x1x16xf32>,
      %swap3A_128 = vector.shape_cast %swap3A_127 : vector<1x1x16xf32> to vector<16xf32>
      %swap3A_129 = vector.shape_cast %broadcast_in_dim3A_122 : vector<16xf32> to vector<1x1x16xf32>
      tpu.vector_store %arg5[%swap3A_124, %swap3A_125, %swap3A_126], %swap3A_129 {strides = array<i32>} : memref<2x128x128xf32, #tpu.memory_space<vmem>>, vector<1x1x16xf32>,
      %broadcast_in_dim3A_130 = arith.constant 0.000000e+00 : f32
      %broadcast_in_dim3A_131 = vector.broadcast %broadcast_in_dim3A_130 : f32 to vector<16xf32>
      %swap3A_132 = arith.constant 0 : i32
      %swap3A_133 = arith.index_cast %swap3A_132 : i32 to index
      %swap3A_134 = arith.index_cast %scan3A_112 : i32 to index
      %swap3A_135 = arith.constant 32 : index
      %swap3A_136 = tpu.vector_load %arg5[%swap3A_133, %swap3A_134, %swap3A_135] {strides = array<i32>} : memref<2x128x128xf32, #tpu.memory_space<vmem>>, vector<1x1x16xf32>,
      %swap3A_137 = vector.shape_cast %swap3A_136 : vector<1x1x16xf32> to vector<16xf32>
      %swap3A_138 = vector.shape_cast %broadcast_in_dim3A_131 : vector<16xf32> to vector<1x1x16xf32>
      tpu.vector_store %arg5[%swap3A_133, %swap3A_134, %swap3A_135], %swap3A_138 {strides = array<i32>} : memref<2x128x128xf32, #tpu.memory_space<vmem>>, vector<1x1x16xf32>,
      %broadcast_in_dim3A_139 = arith.constant 0.000000e+00 : f32
      %broadcast_in_dim3A_140 = vector.broadcast %broadcast_in_dim3A_139 : f32 to vector<16xf32>
      %swap3A_141 = arith.constant 0 : i32
      %swap3A_142 = arith.index_cast %swap3A_141 : i32 to index
      %swap3A_143 = arith.index_cast %scan3A_112 : i32 to index
      %swap3A_144 = arith.constant 48 : index
      %swap3A_145 = tpu.vector_load %arg5[%swap3A_142, %swap3A_143, %swap3A_144] {strides = array<i32>} : memref<2x128x128xf32, #tpu.memory_space<vmem>>, vector<1x1x16xf32>,
      %swap3A_146 = vector.shape_cast %swap3A_145 : vector<1x1x16xf32> to vector<16xf32>
      %swap3A_147 = vector.shape_cast %broadcast_in_dim3A_140 : vector<16xf32> to vector<1x1x16xf32>
      tpu.vector_store %arg5[%swap3A_142, %swap3A_143, %swap3A_144], %swap3A_147 {strides = array<i32>} : memref<2x128x128xf32, #tpu.memory_space<vmem>>, vector<1x1x16xf32>,
      %broadcast_in_dim3A_148 = arith.constant 0.000000e+00 : f32
      %broadcast_in_dim3A_149 = vector.broadcast %broadcast_in_dim3A_148 : f32 to vector<16xf32>
      %swap3A_150 = arith.constant 0 : i32
      %swap3A_151 = arith.index_cast %swap3A_150 : i32 to index
      %swap3A_152 = arith.index_cast %scan3A_112 : i32 to index
      %swap3A_153 = arith.constant 64 : index
      %swap3A_154 = tpu.vector_load %arg5[%swap3A_151, %swap3A_152, %swap3A_153] {strides = array<i32>} : memref<2x128x128xf32, #tpu.memory_space<vmem>>, vector<1x1x16xf32>,
      %swap3A_155 = vector.shape_cast %swap3A_154 : vector<1x1x16xf32> to vector<16xf32>
      %swap3A_156 = vector.shape_cast %broadcast_in_dim3A_149 : vector<16xf32> to vector<1x1x16xf32>
      tpu.vector_store %arg5[%swap3A_151, %swap3A_152, %swap3A_153], %swap3A_156 {strides = array<i32>} : memref<2x128x128xf32, #tpu.memory_space<vmem>>, vector<1x1x16xf32>,
      %broadcast_in_dim3A_157 = arith.constant 0.000000e+00 : f32
      %broadcast_in_dim3A_158 = vector.broadcast %broadcast_in_dim3A_157 : f32 to vector<16xf32>
      %swap3A_159 = arith.constant 0 : i32
      %swap3A_160 = arith.index_cast %swap3A_159 : i32 to index
      %swap3A_161 = arith.index_cast %scan3A_112 : i32 to index
      %swap3A_162 = arith.constant 80 : index
      %swap3A_163 = tpu.vector_load %arg5[%swap3A_160, %swap3A_161, %swap3A_162] {strides = array<i32>} : memref<2x128x128xf32, #tpu.memory_space<vmem>>, vector<1x1x16xf32>,
      %swap3A_164 = vector.shape_cast %swap3A_163 : vector<1x1x16xf32> to vector<16xf32>
      %swap3A_165 = vector.shape_cast %broadcast_in_dim3A_158 : vector<16xf32> to vector<1x1x16xf32>
      tpu.vector_store %arg5[%swap3A_160, %swap3A_161, %swap3A_162], %swap3A_165 {strides = array<i32>} : memref<2x128x128xf32, #tpu.memory_space<vmem>>, vector<1x1x16xf32>,
      %broadcast_in_dim3A_166 = arith.constant 0.000000e+00 : f32
      %broadcast_in_dim3A_167 = vector.broadcast %broadcast_in_dim3A_166 : f32 to vector<16xf32>
      %swap3A_168 = arith.constant 0 : i32
      %swap3A_169 = arith.index_cast %swap3A_168 : i32 to index
      %swap3A_170 = arith.index_cast %scan3A_112 : i32 to index
      %swap3A_171 = arith.constant 96 : index
      %swap3A_172 = tpu.vector_load %arg5[%swap3A_169, %swap3A_170, %swap3A_171] {strides = array<i32>} : memref<2x128x128xf32, #tpu.memory_space<vmem>>, vector<1x1x16xf32>,
      %swap3A_173 = vector.shape_cast %swap3A_172 : vector<1x1x16xf32> to vector<16xf32>
      %swap3A_174 = vector.shape_cast %broadcast_in_dim3A_167 : vector<16xf32> to vector<1x1x16xf32>
      tpu.vector_store %arg5[%swap3A_169, %swap3A_170, %swap3A_171], %swap3A_174 {strides = array<i32>} : memref<2x128x128xf32, #tpu.memory_space<vmem>>, vector<1x1x16xf32>,
      %broadcast_in_dim3A_175 = arith.constant 0.000000e+00 : f32
      %broadcast_in_dim3A_176 = vector.broadcast %broadcast_in_dim3A_175 : f32 to vector<16xf32>
      %swap3A_177 = arith.constant 0 : i32
      %swap3A_178 = arith.index_cast %swap3A_177 : i32 to index
      %swap3A_179 = arith.index_cast %scan3A_112 : i32 to index
      %swap3A_180 = arith.constant 112 : index
      %swap3A_181 = tpu.vector_load %arg5[%swap3A_178, %swap3A_179, %swap3A_180] {strides = array<i32>} : memref<2x128x128xf32, #tpu.memory_space<vmem>>, vector<1x1x16xf32>,
      %swap3A_182 = vector.shape_cast %swap3A_181 : vector<1x1x16xf32> to vector<16xf32>
      %swap3A_183 = vector.shape_cast %broadcast_in_dim3A_176 : vector<16xf32> to vector<1x1x16xf32>
      tpu.vector_store %arg5[%swap3A_178, %swap3A_179, %swap3A_180], %swap3A_183 {strides = array<i32>} : memref<2x128x128xf32, #tpu.memory_space<vmem>>, vector<1x1x16xf32>,
      %scan3A_184 = arith.constant 0 : i32
      scf.yield %scan3A_184 : i32
    }
    %scan3A_12 = arith.constant 128 : i32
    %mul3A_13 = arith.constant 640 : i32
    %mul3A_14 = arith.muli %arg1, %mul3A_13 : i32
    %add3A_15 = arith.constant 0 : i32
    %add3A_16 = arith.addi %mul3A_14, %add3A_15 : i32
    %run_scoped3A = arith.constant 0 : i32
    "tpu.region"() ({
      %run_scoped3A_112 = tpu.sem_alloc : memref<!tpu.dma_semaphore, #tpu.memory_space<semaphore_mem>>
      %dma_start3A_113 = arith.constant 0 : i32
      %dma_start3A_114 = arith.constant 0 : i32
      %dma_start3A_115 = tpu.memref_slice %arg5[%run_scoped3A, %dma_start3A_113, %dma_start3A_114] : memref<2x128x128xf32, #tpu.memory_space<vmem>> -> memref<1x128x128xf32, #tpu.memory_space<vmem>>
      %dma_start3A_116 = tpu.memref_squeeze %dma_start3A_115 : memref<1x128x128xf32, #tpu.memory_space<vmem>> -> memref<128x128xf32, #tpu.memory_space<vmem>>
      %dma_start3A_117 = arith.constant 0 : i32
      %dma_start3A_118 = tpu.memref_slice %arg7[%add3A_16, %dma_start3A_117] : memref<10240x128xf32, #tpu.memory_space<vmem_shared>> -> memref<128x128xf32, #tpu.memory_space<vmem_shared>>
      %dma_start3A_119 = arith.constant 0 : i32
      %dma_start3A_120 = tpu.memref_slice %arg7[%add3A_16, %dma_start3A_119] : memref<10240x128xf32, #tpu.memory_space<vmem_shared>> -> memref<128x128xf32, #tpu.memory_space<vmem_shared>>
      %dma_start3A_121 = arith.constant 0 : i32
      %dma_start3A_122 = arith.constant 0 : i32
      %dma_start3A_123 = tpu.memref_slice %arg5[%run_scoped3A, %dma_start3A_121, %dma_start3A_122] : memref<2x128x128xf32, #tpu.memory_space<vmem>> -> memref<1x128x128xf32, #tpu.memory_space<vmem>>
      %dma_start3A_124 = tpu.memref_squeeze %dma_start3A_123 : memref<1x128x128xf32, #tpu.memory_space<vmem>> -> memref<128x128xf32, #tpu.memory_space<vmem>>
      tpu.enqueue_dma source(%dma_start3A_124 : memref<128x128xf32, #tpu.memory_space<vmem>>) target(%dma_start3A_120 : memref<128x128xf32, #tpu.memory_space<vmem_shared>>) target_semaphore(%run_scoped3A_112 : memref<!tpu.dma_semaphore, #tpu.memory_space<semaphore_mem>>)
      %dma_wait3A_125 = arith.constant 0 : i32
      %dma_wait3A_126 = arith.constant 0 : i32
      %dma_wait3A_127 = tpu.memref_slice %arg5[%run_scoped3A, %dma_wait3A_125, %dma_wait3A_126] : memref<2x128x128xf32, #tpu.memory_space<vmem>> -> memref<1x128x128xf32, #tpu.memory_space<vmem>>
      %dma_wait3A_128 = tpu.memref_squeeze %dma_wait3A_127 : memref<1x128x128xf32, #tpu.memory_space<vmem>> -> memref<128x128xf32, #tpu.memory_space<vmem>>
      %dma_wait3A_129 = arith.constant 0 : i32
      %dma_wait3A_130 = tpu.memref_slice %arg7[%add3A_16, %dma_wait3A_129] : memref<10240x128xf32, #tpu.memory_space<vmem_shared>> -> memref<128x128xf32, #tpu.memory_space<vmem_shared>>
      %dma_wait3A_131 = arith.constant 0 : i32
      %dma_wait3A_132 = tpu.memref_slice %arg7[%add3A_16, %dma_wait3A_131] : memref<10240x128xf32, #tpu.memory_space<vmem_shared>> -> memref<128x128xf32, #tpu.memory_space<vmem_shared>>
      %dma_wait3A_133 = arith.constant 0 : i32
      %dma_wait3A_134 = arith.constant 0 : i32
      %dma_wait3A_135 = tpu.memref_slice %arg5[%run_scoped3A, %dma_wait3A_133, %dma_wait3A_134] : memref<2x128x128xf32, #tpu.memory_space<vmem>> -> memref<1x128x128xf32, #tpu.memory_space<vmem>>
      %dma_wait3A_136 = tpu.memref_squeeze %dma_wait3A_135 : memref<1x128x128xf32, #tpu.memory_space<vmem>> -> memref<128x128xf32, #tpu.memory_space<vmem>>
      tpu.wait_dma2 semaphore(%run_scoped3A_112 : memref<!tpu.dma_semaphore, #tpu.memory_space<semaphore_mem>>) src(%dma_wait3A_136 : memref<128x128xf32, #tpu.memory_space<vmem>>) dst(%dma_wait3A_132 : memref<128x128xf32, #tpu.memory_space<vmem_shared>>)
      tpu.yield
    }) : () -> ()
    %mul3A_17 = arith.constant 640 : i32
    %mul3A_18 = arith.muli %arg1, %mul3A_17 : i32
    %add3A_19 = arith.constant 128 : i32
    %add3A_20 = arith.addi %mul3A_18, %add3A_19 : i32
    %run_scoped3A_21 = arith.constant 0 : i32
    "tpu.region"() ({
      %run_scoped3A_112 = tpu.sem_alloc : memref<!tpu.dma_semaphore, #tpu.memory_space<semaphore_mem>>
      %dma_start3A_113 = arith.constant 0 : i32
      %dma_start3A_114 = arith.constant 0 : i32
      %dma_start3A_115 = tpu.memref_slice %arg5[%run_scoped3A_21, %dma_start3A_113, %dma_start3A_114] : memref<2x128x128xf32, #tpu.memory_space<vmem>> -> memref<1x128x128xf32, #tpu.memory_space<vmem>>
      %dma_start3A_116 = tpu.memref_squeeze %dma_start3A_115 : memref<1x128x128xf32, #tpu.memory_space<vmem>> -> memref<128x128xf32, #tpu.memory_space<vmem>>
      %dma_start3A_117 = arith.constant 0 : i32
      %dma_start3A_118 = tpu.memref_slice %arg7[%add3A_20, %dma_start3A_117] : memref<10240x128xf32, #tpu.memory_space<vmem_shared>> -> memref<128x128xf32, #tpu.memory_space<vmem_shared>>
      %dma_start3A_119 = arith.constant 0 : i32
      %dma_start3A_120 = tpu.memref_slice %arg7[%add3A_20, %dma_start3A_119] : memref<10240x128xf32, #tpu.memory_space<vmem_shared>> -> memref<128x128xf32, #tpu.memory_space<vmem_shared>>
      %dma_start3A_121 = arith.constant 0 : i32
      %dma_start3A_122 = arith.constant 0 : i32
      %dma_start3A_123 = tpu.memref_slice %arg5[%run_scoped3A_21, %dma_start3A_121, %dma_start3A_122] : memref<2x128x128xf32, #tpu.memory_space<vmem>> -> memref<1x128x128xf32, #tpu.memory_space<vmem>>
      %dma_start3A_124 = tpu.memref_squeeze %dma_start3A_123 : memref<1x128x128xf32, #tpu.memory_space<vmem>> -> memref<128x128xf32, #tpu.memory_space<vmem>>
      tpu.enqueue_dma source(%dma_start3A_124 : memref<128x128xf32, #tpu.memory_space<vmem>>) target(%dma_start3A_120 : memref<128x128xf32, #tpu.memory_space<vmem_shared>>) target_semaphore(%run_scoped3A_112 : memref<!tpu.dma_semaphore, #tpu.memory_space<semaphore_mem>>)
      %dma_wait3A_125 = arith.constant 0 : i32
      %dma_wait3A_126 = arith.constant 0 : i32
      %dma_wait3A_127 = tpu.memref_slice %arg5[%run_scoped3A_21, %dma_wait3A_125, %dma_wait3A_126] : memref<2x128x128xf32, #tpu.memory_space<vmem>> -> memref<1x128x128xf32, #tpu.memory_space<vmem>>
      %dma_wait3A_128 = tpu.memref_squeeze %dma_wait3A_127 : memref<1x128x128xf32, #tpu.memory_space<vmem>> -> memref<128x128xf32, #tpu.memory_space<vmem>>
      %dma_wait3A_129 = arith.constant 0 : i32
      %dma_wait3A_130 = tpu.memref_slice %arg7[%add3A_20, %dma_wait3A_129] : memref<10240x128xf32, #tpu.memory_space<vmem_shared>> -> memref<128x128xf32, #tpu.memory_space<vmem_shared>>
      %dma_wait3A_131 = arith.constant 0 : i32
      %dma_wait3A_132 = tpu.memref_slice %arg7[%add3A_20, %dma_wait3A_131] : memref<10240x128xf32, #tpu.memory_space<vmem_shared>> -> memref<128x128xf32, #tpu.memory_space<vmem_shared>>
      %dma_wait3A_133 = arith.constant 0 : i32
      %dma_wait3A_134 = arith.constant 0 : i32
      %dma_wait3A_135 = tpu.memref_slice %arg5[%run_scoped3A_21, %dma_wait3A_133, %dma_wait3A_134] : memref<2x128x128xf32, #tpu.memory_space<vmem>> -> memref<1x128x128xf32, #tpu.memory_space<vmem>>
      %dma_wait3A_136 = tpu.memref_squeeze %dma_wait3A_135 : memref<1x128x128xf32, #tpu.memory_space<vmem>> -> memref<128x128xf32, #tpu.memory_space<vmem>>
      tpu.wait_dma2 semaphore(%run_scoped3A_112 : memref<!tpu.dma_semaphore, #tpu.memory_space<semaphore_mem>>) src(%dma_wait3A_136 : memref<128x128xf32, #tpu.memory_space<vmem>>) dst(%dma_wait3A_132 : memref<128x128xf32, #tpu.memory_space<vmem_shared>>)
      tpu.yield
    }) : () -> ()
    %mul3A_22 = arith.constant 640 : i32
    %mul3A_23 = arith.muli %arg1, %mul3A_22 : i32
    %add3A_24 = arith.constant 256 : i32
    %add3A_25 = arith.addi %mul3A_23, %add3A_24 : i32
    %run_scoped3A_26 = arith.constant 0 : i32
    "tpu.region"() ({
      %run_scoped3A_112 = tpu.sem_alloc : memref<!tpu.dma_semaphore, #tpu.memory_space<semaphore_mem>>
      %dma_start3A_113 = arith.constant 0 : i32
      %dma_start3A_114 = arith.constant 0 : i32
      %dma_start3A_115 = tpu.memref_slice %arg5[%run_scoped3A_26, %dma_start3A_113, %dma_start3A_114] : memref<2x128x128xf32, #tpu.memory_space<vmem>> -> memref<1x128x128xf32, #tpu.memory_space<vmem>>
      %dma_start3A_116 = tpu.memref_squeeze %dma_start3A_115 : memref<1x128x128xf32, #tpu.memory_space<vmem>> -> memref<128x128xf32, #tpu.memory_space<vmem>>
      %dma_start3A_117 = arith.constant 0 : i32
      %dma_start3A_118 = tpu.memref_slice %arg7[%add3A_25, %dma_start3A_117] : memref<10240x128xf32, #tpu.memory_space<vmem_shared>> -> memref<128x128xf32, #tpu.memory_space<vmem_shared>>
      %dma_start3A_119 = arith.constant 0 : i32
      %dma_start3A_120 = tpu.memref_slice %arg7[%add3A_25, %dma_start3A_119] : memref<10240x128xf32, #tpu.memory_space<vmem_shared>> -> memref<128x128xf32, #tpu.memory_space<vmem_shared>>
      %dma_start3A_121 = arith.constant 0 : i32
      %dma_start3A_122 = arith.constant 0 : i32
      %dma_start3A_123 = tpu.memref_slice %arg5[%run_scoped3A_26, %dma_start3A_121, %dma_start3A_122] : memref<2x128x128xf32, #tpu.memory_space<vmem>> -> memref<1x128x128xf32, #tpu.memory_space<vmem>>
      %dma_start3A_124 = tpu.memref_squeeze %dma_start3A_123 : memref<1x128x128xf32, #tpu.memory_space<vmem>> -> memref<128x128xf32, #tpu.memory_space<vmem>>
      tpu.enqueue_dma source(%dma_start3A_124 : memref<128x128xf32, #tpu.memory_space<vmem>>) target(%dma_start3A_120 : memref<128x128xf32, #tpu.memory_space<vmem_shared>>) target_semaphore(%run_scoped3A_112 : memref<!tpu.dma_semaphore, #tpu.memory_space<semaphore_mem>>)
      %dma_wait3A_125 = arith.constant 0 : i32
      %dma_wait3A_126 = arith.constant 0 : i32
      %dma_wait3A_127 = tpu.memref_slice %arg5[%run_scoped3A_26, %dma_wait3A_125, %dma_wait3A_126] : memref<2x128x128xf32, #tpu.memory_space<vmem>> -> memref<1x128x128xf32, #tpu.memory_space<vmem>>
      %dma_wait3A_128 = tpu.memref_squeeze %dma_wait3A_127 : memref<1x128x128xf32, #tpu.memory_space<vmem>> -> memref<128x128xf32, #tpu.memory_space<vmem>>
      %dma_wait3A_129 = arith.constant 0 : i32
      %dma_wait3A_130 = tpu.memref_slice %arg7[%add3A_25, %dma_wait3A_129] : memref<10240x128xf32, #tpu.memory_space<vmem_shared>> -> memref<128x128xf32, #tpu.memory_space<vmem_shared>>
      %dma_wait3A_131 = arith.constant 0 : i32
      %dma_wait3A_132 = tpu.memref_slice %arg7[%add3A_25, %dma_wait3A_131] : memref<10240x128xf32, #tpu.memory_space<vmem_shared>> -> memref<128x128xf32, #tpu.memory_space<vmem_shared>>
      %dma_wait3A_133 = arith.constant 0 : i32
      %dma_wait3A_134 = arith.constant 0 : i32
      %dma_wait3A_135 = tpu.memref_slice %arg5[%run_scoped3A_26, %dma_wait3A_133, %dma_wait3A_134] : memref<2x128x128xf32, #tpu.memory_space<vmem>> -> memref<1x128x128xf32, #tpu.memory_space<vmem>>
      %dma_wait3A_136 = tpu.memref_squeeze %dma_wait3A_135 : memref<1x128x128xf32, #tpu.memory_space<vmem>> -> memref<128x128xf32, #tpu.memory_space<vmem>>
      tpu.wait_dma2 semaphore(%run_scoped3A_112 : memref<!tpu.dma_semaphore, #tpu.memory_space<semaphore_mem>>) src(%dma_wait3A_136 : memref<128x128xf32, #tpu.memory_space<vmem>>) dst(%dma_wait3A_132 : memref<128x128xf32, #tpu.memory_space<vmem_shared>>)
      tpu.yield
    }) : () -> ()
    %mul3A_27 = arith.constant 640 : i32
    %mul3A_28 = arith.muli %arg1, %mul3A_27 : i32
    %add3A_29 = arith.constant 384 : i32
    %add3A_30 = arith.addi %mul3A_28, %add3A_29 : i32
    %run_scoped3A_31 = arith.constant 0 : i32
    "tpu.region"() ({
      %run_scoped3A_112 = tpu.sem_alloc : memref<!tpu.dma_semaphore, #tpu.memory_space<semaphore_mem>>
      %dma_start3A_113 = arith.constant 0 : i32
      %dma_start3A_114 = arith.constant 0 : i32
      %dma_start3A_115 = tpu.memref_slice %arg5[%run_scoped3A_31, %dma_start3A_113, %dma_start3A_114] : memref<2x128x128xf32, #tpu.memory_space<vmem>> -> memref<1x128x128xf32, #tpu.memory_space<vmem>>
      %dma_start3A_116 = tpu.memref_squeeze %dma_start3A_115 : memref<1x128x128xf32, #tpu.memory_space<vmem>> -> memref<128x128xf32, #tpu.memory_space<vmem>>
      %dma_start3A_117 = arith.constant 0 : i32
      %dma_start3A_118 = tpu.memref_slice %arg7[%add3A_30, %dma_start3A_117] : memref<10240x128xf32, #tpu.memory_space<vmem_shared>> -> memref<128x128xf32, #tpu.memory_space<vmem_shared>>
      %dma_start3A_119 = arith.constant 0 : i32
      %dma_start3A_120 = tpu.memref_slice %arg7[%add3A_30, %dma_start3A_119] : memref<10240x128xf32, #tpu.memory_space<vmem_shared>> -> memref<128x128xf32, #tpu.memory_space<vmem_shared>>
      %dma_start3A_121 = arith.constant 0 : i32
      %dma_start3A_122 = arith.constant 0 : i32
      %dma_start3A_123 = tpu.memref_slice %arg5[%run_scoped3A_31, %dma_start3A_121, %dma_start3A_122] : memref<2x128x128xf32, #tpu.memory_space<vmem>> -> memref<1x128x128xf32, #tpu.memory_space<vmem>>
      %dma_start3A_124 = tpu.memref_squeeze %dma_start3A_123 : memref<1x128x128xf32, #tpu.memory_space<vmem>> -> memref<128x128xf32, #tpu.memory_space<vmem>>
      tpu.enqueue_dma source(%dma_start3A_124 : memref<128x128xf32, #tpu.memory_space<vmem>>) target(%dma_start3A_120 : memref<128x128xf32, #tpu.memory_space<vmem_shared>>) target_semaphore(%run_scoped3A_112 : memref<!tpu.dma_semaphore, #tpu.memory_space<semaphore_mem>>)
      %dma_wait3A_125 = arith.constant 0 : i32
      %dma_wait3A_126 = arith.constant 0 : i32
      %dma_wait3A_127 = tpu.memref_slice %arg5[%run_scoped3A_31, %dma_wait3A_125, %dma_wait3A_126] : memref<2x128x128xf32, #tpu.memory_space<vmem>> -> memref<1x128x128xf32, #tpu.memory_space<vmem>>
      %dma_wait3A_128 = tpu.memref_squeeze %dma_wait3A_127 : memref<1x128x128xf32, #tpu.memory_space<vmem>> -> memref<128x128xf32, #tpu.memory_space<vmem>>
      %dma_wait3A_129 = arith.constant 0 : i32
      %dma_wait3A_130 = tpu.memref_slice %arg7[%add3A_30, %dma_wait3A_129] : memref<10240x128xf32, #tpu.memory_space<vmem_shared>> -> memref<128x128xf32, #tpu.memory_space<vmem_shared>>
      %dma_wait3A_131 = arith.constant 0 : i32
      %dma_wait3A_132 = tpu.memref_slice %arg7[%add3A_30, %dma_wait3A_131] : memref<10240x128xf32, #tpu.memory_space<vmem_shared>> -> memref<128x128xf32, #tpu.memory_space<vmem_shared>>
      %dma_wait3A_133 = arith.constant 0 : i32
      %dma_wait3A_134 = arith.constant 0 : i32
      %dma_wait3A_135 = tpu.memref_slice %arg5[%run_scoped3A_31, %dma_wait3A_133, %dma_wait3A_134] : memref<2x128x128xf32, #tpu.memory_space<vmem>> -> memref<1x128x128xf32, #tpu.memory_space<vmem>>
      %dma_wait3A_136 = tpu.memref_squeeze %dma_wait3A_135 : memref<1x128x128xf32, #tpu.memory_space<vmem>> -> memref<128x128xf32, #tpu.memory_space<vmem>>
      tpu.wait_dma2 semaphore(%run_scoped3A_112 : memref<!tpu.dma_semaphore, #tpu.memory_space<semaphore_mem>>) src(%dma_wait3A_136 : memref<128x128xf32, #tpu.memory_space<vmem>>) dst(%dma_wait3A_132 : memref<128x128xf32, #tpu.memory_space<vmem_shared>>)
      tpu.yield
    }) : () -> ()
    %mul3A_32 = arith.constant 640 : i32
    %mul3A_33 = arith.muli %arg1, %mul3A_32 : i32
    %add3A_34 = arith.constant 512 : i32
    %add3A_35 = arith.addi %mul3A_33, %add3A_34 : i32
    %run_scoped3A_36 = arith.constant 0 : i32
    "tpu.region"() ({
      %run_scoped3A_112 = tpu.sem_alloc : memref<!tpu.dma_semaphore, #tpu.memory_space<semaphore_mem>>
      %dma_start3A_113 = arith.constant 0 : i32
      %dma_start3A_114 = arith.constant 0 : i32
      %dma_start3A_115 = tpu.memref_slice %arg5[%run_scoped3A_36, %dma_start3A_113, %dma_start3A_114] : memref<2x128x128xf32, #tpu.memory_space<vmem>> -> memref<1x128x128xf32, #tpu.memory_space<vmem>>
      %dma_start3A_116 = tpu.memref_squeeze %dma_start3A_115 : memref<1x128x128xf32, #tpu.memory_space<vmem>> -> memref<128x128xf32, #tpu.memory_space<vmem>>
      %dma_start3A_117 = arith.constant 0 : i32
      %dma_start3A_118 = tpu.memref_slice %arg7[%add3A_35, %dma_start3A_117] : memref<10240x128xf32, #tpu.memory_space<vmem_shared>> -> memref<128x128xf32, #tpu.memory_space<vmem_shared>>
      %dma_start3A_119 = arith.constant 0 : i32
      %dma_start3A_120 = tpu.memref_slice %arg7[%add3A_35, %dma_start3A_119] : memref<10240x128xf32, #tpu.memory_space<vmem_shared>> -> memref<128x128xf32, #tpu.memory_space<vmem_shared>>
      %dma_start3A_121 = arith.constant 0 : i32
      %dma_start3A_122 = arith.constant 0 : i32
      %dma_start3A_123 = tpu.memref_slice %arg5[%run_scoped3A_36, %dma_start3A_121, %dma_start3A_122] : memref<2x128x128xf32, #tpu.memory_space<vmem>> -> memref<1x128x128xf32, #tpu.memory_space<vmem>>
      %dma_start3A_124 = tpu.memref_squeeze %dma_start3A_123 : memref<1x128x128xf32, #tpu.memory_space<vmem>> -> memref<128x128xf32, #tpu.memory_space<vmem>>
      tpu.enqueue_dma source(%dma_start3A_124 : memref<128x128xf32, #tpu.memory_space<vmem>>) target(%dma_start3A_120 : memref<128x128xf32, #tpu.memory_space<vmem_shared>>) target_semaphore(%run_scoped3A_112 : memref<!tpu.dma_semaphore, #tpu.memory_space<semaphore_mem>>)
      %dma_wait3A_125 = arith.constant 0 : i32
      %dma_wait3A_126 = arith.constant 0 : i32
      %dma_wait3A_127 = tpu.memref_slice %arg5[%run_scoped3A_36, %dma_wait3A_125, %dma_wait3A_126] : memref<2x128x128xf32, #tpu.memory_space<vmem>> -> memref<1x128x128xf32, #tpu.memory_space<vmem>>
      %dma_wait3A_128 = tpu.memref_squeeze %dma_wait3A_127 : memref<1x128x128xf32, #tpu.memory_space<vmem>> -> memref<128x128xf32, #tpu.memory_space<vmem>>
      %dma_wait3A_129 = arith.constant 0 : i32
      %dma_wait3A_130 = tpu.memref_slice %arg7[%add3A_35, %dma_wait3A_129] : memref<10240x128xf32, #tpu.memory_space<vmem_shared>> -> memref<128x128xf32, #tpu.memory_space<vmem_shared>>
      %dma_wait3A_131 = arith.constant 0 : i32
      %dma_wait3A_132 = tpu.memref_slice %arg7[%add3A_35, %dma_wait3A_131] : memref<10240x128xf32, #tpu.memory_space<vmem_shared>> -> memref<128x128xf32, #tpu.memory_space<vmem_shared>>
      %dma_wait3A_133 = arith.constant 0 : i32
      %dma_wait3A_134 = arith.constant 0 : i32
      %dma_wait3A_135 = tpu.memref_slice %arg5[%run_scoped3A_36, %dma_wait3A_133, %dma_wait3A_134] : memref<2x128x128xf32, #tpu.memory_space<vmem>> -> memref<1x128x128xf32, #tpu.memory_space<vmem>>
      %dma_wait3A_136 = tpu.memref_squeeze %dma_wait3A_135 : memref<1x128x128xf32, #tpu.memory_space<vmem>> -> memref<128x128xf32, #tpu.memory_space<vmem>>
      tpu.wait_dma2 semaphore(%run_scoped3A_112 : memref<!tpu.dma_semaphore, #tpu.memory_space<semaphore_mem>>) src(%dma_wait3A_136 : memref<128x128xf32, #tpu.memory_space<vmem>>) dst(%dma_wait3A_132 : memref<128x128xf32, #tpu.memory_space<vmem_shared>>)
      tpu.yield
    }) : () -> ()
    "tpu.region"() ({
      %run_scoped3A_112 = tpu.sem_alloc : memref<!tpu.dma_semaphore, #tpu.memory_space<semaphore_mem>>
      %dma_start3A_113 = arith.constant 0 : i32
      %dma_start3A_114 = arith.constant 0 : i32
      %dma_start3A_115 = arith.constant 0 : i32
      %dma_start3A_116 = tpu.memref_slice %arg6[%dma_start3A_113, %dma_start3A_114, %dma_start3A_115] : memref<80x1x128xi32, #tpu.memory_space<vmem>> -> memref<78x1x128xi32, #tpu.memory_space<vmem>>
      %dma_start3A_117 = arith.constant 0 : i32
      %dma_start3A_118 = arith.constant 0 : i32
      %dma_start3A_119 = tpu.memref_slice %arg3[%add3A_4, %dma_start3A_117, %dma_start3A_118] : memref<2500x1x128xi32, #tpu.memory_space<hbm>> -> memref<78x1x128xi32, #tpu.memory_space<hbm>>
      %dma_start3A_120 = arith.constant 0 : i32
      %dma_start3A_121 = arith.constant 0 : i32
      %dma_start3A_122 = arith.constant 0 : i32
      %dma_start3A_123 = tpu.memref_slice %arg6[%dma_start3A_120, %dma_start3A_121, %dma_start3A_122] : memref<80x1x128xi32, #tpu.memory_space<vmem>> -> memref<78x1x128xi32, #tpu.memory_space<vmem>>
      %dma_start3A_124 = arith.constant 0 : i32
      %dma_start3A_125 = arith.constant 0 : i32
      %dma_start3A_126 = tpu.memref_slice %arg3[%add3A_4, %dma_start3A_124, %dma_start3A_125] : memref<2500x1x128xi32, #tpu.memory_space<hbm>> -> memref<78x1x128xi32, #tpu.memory_space<hbm>>
      tpu.enqueue_dma source(%dma_start3A_126 : memref<78x1x128xi32, #tpu.memory_space<hbm>>) target(%dma_start3A_123 : memref<78x1x128xi32, #tpu.memory_space<vmem>>) target_semaphore(%run_scoped3A_112 : memref<!tpu.dma_semaphore, #tpu.memory_space<semaphore_mem>>)
      %dma_wait3A_127 = arith.constant 0 : i32
      %dma_wait3A_128 = arith.constant 0 : i32
      %dma_wait3A_129 = arith.constant 0 : i32
      %dma_wait3A_130 = tpu.memref_slice %arg6[%dma_wait3A_127, %dma_wait3A_128, %dma_wait3A_129] : memref<80x1x128xi32, #tpu.memory_space<vmem>> -> memref<78x1x128xi32, #tpu.memory_space<vmem>>
      %dma_wait3A_131 = arith.constant 0 : i32
      %dma_wait3A_132 = arith.constant 0 : i32
      %dma_wait3A_133 = tpu.memref_slice %arg3[%add3A_4, %dma_wait3A_131, %dma_wait3A_132] : memref<2500x1x128xi32, #tpu.memory_space<hbm>> -> memref<78x1x128xi32, #tpu.memory_space<hbm>>
      %dma_wait3A_134 = arith.constant 0 : i32
      %dma_wait3A_135 = arith.constant 0 : i32
      %dma_wait3A_136 = arith.constant 0 : i32
      %dma_wait3A_137 = tpu.memref_slice %arg6[%dma_wait3A_134, %dma_wait3A_135, %dma_wait3A_136] : memref<80x1x128xi32, #tpu.memory_space<vmem>> -> memref<78x1x128xi32, #tpu.memory_space<vmem>>
      %dma_wait3A_138 = arith.constant 0 : i32
      %dma_wait3A_139 = arith.constant 0 : i32
      %dma_wait3A_140 = tpu.memref_slice %arg3[%add3A_4, %dma_wait3A_138, %dma_wait3A_139] : memref<2500x1x128xi32, #tpu.memory_space<hbm>> -> memref<78x1x128xi32, #tpu.memory_space<hbm>>
      tpu.wait_dma2 semaphore(%run_scoped3A_112 : memref<!tpu.dma_semaphore, #tpu.memory_space<semaphore_mem>>) src(%dma_wait3A_140 : memref<78x1x128xi32, #tpu.memory_space<hbm>>) dst(%dma_wait3A_137 : memref<78x1x128xi32, #tpu.memory_space<vmem>>)
      tpu.yield
    }) : () -> ()
    %lt3A_37 = arith.constant 4 : i32
    %lt3A_38 = arith.cmpi slt, %add3A, %lt3A_37 : i32
    %convert_element_type3A = arith.extui %lt3A_38 : i1 to i32
    %cond3A = arith.constant 0 : i32
    %cond3A_39 = arith.cmpi ne, %convert_element_type3A, %cond3A : i32
    scf.if %cond3A_39 {
      %add3A_112 = arith.constant 78 : i32
      %add3A_113 = arith.addi %add3A_4, %add3A_112 : i32
      "tpu.region"() ({
        %run_scoped3A_114 = tpu.sem_alloc : memref<!tpu.dma_semaphore, #tpu.memory_space<semaphore_mem>>
        %dma_start3A_115 = arith.constant 78 : i32
        %dma_start3A_116 = arith.constant 0 : i32
        %dma_start3A_117 = arith.constant 0 : i32
        %dma_start3A_118 = tpu.memref_slice %arg6[%dma_start3A_115, %dma_start3A_116, %dma_start3A_117] : memref<80x1x128xi32, #tpu.memory_space<vmem>> -> memref<1x1x128xi32, #tpu.memory_space<vmem>>
        %dma_start3A_119 = arith.constant 0 : i32
        %dma_start3A_120 = arith.constant 0 : i32
        %dma_start3A_121 = tpu.memref_slice %arg3[%add3A_113, %dma_start3A_119, %dma_start3A_120] : memref<2500x1x128xi32, #tpu.memory_space<hbm>> -> memref<1x1x128xi32, #tpu.memory_space<hbm>>
        %dma_start3A_122 = arith.constant 78 : i32
        %dma_start3A_123 = arith.constant 0 : i32
        %dma_start3A_124 = arith.constant 0 : i32
        %dma_start3A_125 = tpu.memref_slice %arg6[%dma_start3A_122, %dma_start3A_123, %dma_start3A_124] : memref<80x1x128xi32, #tpu.memory_space<vmem>> -> memref<1x1x128xi32, #tpu.memory_space<vmem>>
        %dma_start3A_126 = arith.constant 0 : i32
        %dma_start3A_127 = arith.constant 0 : i32
        %dma_start3A_128 = tpu.memref_slice %arg3[%add3A_113, %dma_start3A_126, %dma_start3A_127] : memref<2500x1x128xi32, #tpu.memory_space<hbm>> -> memref<1x1x128xi32, #tpu.memory_space<hbm>>
        tpu.enqueue_dma source(%dma_start3A_128 : memref<1x1x128xi32, #tpu.memory_space<hbm>>) target(%dma_start3A_125 : memref<1x1x128xi32, #tpu.memory_space<vmem>>) target_semaphore(%run_scoped3A_114 : memref<!tpu.dma_semaphore, #tpu.memory_space<semaphore_mem>>)
        %dma_wait3A_129 = arith.constant 78 : i32
        %dma_wait3A_130 = arith.constant 0 : i32
        %dma_wait3A_131 = arith.constant 0 : i32
        %dma_wait3A_132 = tpu.memref_slice %arg6[%dma_wait3A_129, %dma_wait3A_130, %dma_wait3A_131] : memref<80x1x128xi32, #tpu.memory_space<vmem>> -> memref<1x1x128xi32, #tpu.memory_space<vmem>>
        %dma_wait3A_133 = arith.constant 0 : i32
        %dma_wait3A_134 = arith.constant 0 : i32
        %dma_wait3A_135 = tpu.memref_slice %arg3[%add3A_113, %dma_wait3A_133, %dma_wait3A_134] : memref<2500x1x128xi32, #tpu.memory_space<hbm>> -> memref<1x1x128xi32, #tpu.memory_space<hbm>>
        %dma_wait3A_136 = arith.constant 78 : i32
        %dma_wait3A_137 = arith.constant 0 : i32
        %dma_wait3A_138 = arith.constant 0 : i32
        %dma_wait3A_139 = tpu.memref_slice %arg6[%dma_wait3A_136, %dma_wait3A_137, %dma_wait3A_138] : memref<80x1x128xi32, #tpu.memory_space<vmem>> -> memref<1x1x128xi32, #tpu.memory_space<vmem>>
        %dma_wait3A_140 = arith.constant 0 : i32
        %dma_wait3A_141 = arith.constant 0 : i32
        %dma_wait3A_142 = tpu.memref_slice %arg3[%add3A_113, %dma_wait3A_140, %dma_wait3A_141] : memref<2500x1x128xi32, #tpu.memory_space<hbm>> -> memref<1x1x128xi32, #tpu.memory_space<hbm>>
        tpu.wait_dma2 semaphore(%run_scoped3A_114 : memref<!tpu.dma_semaphore, #tpu.memory_space<semaphore_mem>>) src(%dma_wait3A_142 : memref<1x1x128xi32, #tpu.memory_space<hbm>>) dst(%dma_wait3A_139 : memref<1x1x128xi32, #tpu.memory_space<vmem>>)
        tpu.yield
      }) : () -> ()
    } else {
    }
    %barrier3A = arith.constant 0 : index
    tpu.barrier barrier_id(%barrier3A)
    %dma_start3A = arith.constant 0 : i32
    %dma_start3A_40 = arith.constant 0 : i32
    %dma_start3A_41 = arith.constant 0 : i32
    %dma_start3A_42 = tpu.memref_slice %arg5[%dma_start3A, %dma_start3A_40, %dma_start3A_41] : memref<2x128x128xf32, #tpu.memory_space<vmem>> -> memref<1x128x128xf32, #tpu.memory_space<vmem>>
    %dma_start3A_43 = tpu.memref_squeeze %dma_start3A_42 : memref<1x128x128xf32, #tpu.memory_space<vmem>> -> memref<128x128xf32, #tpu.memory_space<vmem>>
    %dma_start3A_44 = arith.constant 0 : i32
    %dma_start3A_45 = arith.constant 0 : i32
    %dma_start3A_46 = tpu.memref_slice %arg2[%add3A_4, %dma_start3A_44, %dma_start3A_45] : memref<2500x128x128xf32, #tpu.memory_space<hbm>> -> memref<1x128x128xf32, #tpu.memory_space<hbm>>
    %dma_start3A_47 = tpu.memref_squeeze %dma_start3A_46 : memref<1x128x128xf32, #tpu.memory_space<hbm>> -> memref<128x128xf32, #tpu.memory_space<hbm>>
    %dma_start3A_48 = arith.constant 0 : i32
    %dma_start3A_49 = arith.constant 0 : i32
    %dma_start3A_50 = tpu.memref_slice %arg5[%dma_start3A, %dma_start3A_48, %dma_start3A_49] : memref<2x128x128xf32, #tpu.memory_space<vmem>> -> memref<1x128x128xf32, #tpu.memory_space<vmem>>
    %dma_start3A_51 = tpu.memref_squeeze %dma_start3A_50 : memref<1x128x128xf32, #tpu.memory_space<vmem>> -> memref<128x128xf32, #tpu.memory_space<vmem>>
    %dma_start3A_52 = arith.constant 0 : i32
    %dma_start3A_53 = arith.constant 0 : i32
    %dma_start3A_54 = tpu.memref_slice %arg2[%add3A_4, %dma_start3A_52, %dma_start3A_53] : memref<2500x128x128xf32, #tpu.memory_space<hbm>> -> memref<1x128x128xf32, #tpu.memory_space<hbm>>
    %dma_start3A_55 = tpu.memref_squeeze %dma_start3A_54 : memref<1x128x128xf32, #tpu.memory_space<hbm>> -> memref<128x128xf32, #tpu.memory_space<hbm>>
    tpu.enqueue_dma source(%dma_start3A_55 : memref<128x128xf32, #tpu.memory_space<hbm>>) target(%dma_start3A_51 : memref<128x128xf32, #tpu.memory_space<vmem>>) target_semaphore(%arg8 : memref<!tpu.dma_semaphore, #tpu.memory_space<semaphore_mem>>)
    %while3A = arith.constant 0 : i32
    %while3A_56 = arith.constant 0 : i32
    %while3A_57 = arith.subi %select_n3A, %while3A : i32
    %while3A_58 = arith.addi %while3A, %while3A_57 : i32
    %while3A_59 = arith.constant 1 : i32
    %while3A_60 = arith.divsi %while3A_57, %while3A_59 : i32
    %while3A_61 = arith.muli %while3A_60, %while3A_59 : i32
    %while3A_62 = arith.addi %while3A, %while3A_61 : i32
    %while3A_63 = arith.constant 1 : i32
    %while3A_64 = scf.for %while3A_112 = %while3A to %while3A_62 step %while3A_63 iter_args(%while3A_113 = %while3A_56) -> (i32)  : i32 {
      %rem3A = arith.constant 2 : i32
      %rem3A_114 = arith.remsi %while3A_112, %rem3A : i32
      %dma_wait3A_115 = arith.constant 0 : i32
      %dma_wait3A_116 = arith.constant 0 : i32
      %dma_wait3A_117 = arith.constant 0 : i32
      %dma_wait3A_118 = tpu.memref_slice %arg5[%rem3A_114, %dma_wait3A_116, %dma_wait3A_117] : memref<2x128x128xf32, #tpu.memory_space<vmem>> -> memref<1x128x128xf32, #tpu.memory_space<vmem>>
      %dma_wait3A_119 = tpu.memref_squeeze %dma_wait3A_118 : memref<1x128x128xf32, #tpu.memory_space<vmem>> -> memref<128x128xf32, #tpu.memory_space<vmem>>
      %dma_wait3A_120 = arith.constant 0 : i32
      %dma_wait3A_121 = arith.constant 0 : i32
      %dma_wait3A_122 = tpu.memref_slice %arg2[%dma_wait3A_115, %dma_wait3A_120, %dma_wait3A_121] : memref<2500x128x128xf32, #tpu.memory_space<hbm>> -> memref<1x128x128xf32, #tpu.memory_space<hbm>>
      %dma_wait3A_123 = tpu.memref_squeeze %dma_wait3A_122 : memref<1x128x128xf32, #tpu.memory_space<hbm>> -> memref<128x128xf32, #tpu.memory_space<hbm>>
      %dma_wait3A_124 = arith.constant 0 : i32
      %dma_wait3A_125 = arith.constant 0 : i32
      %dma_wait3A_126 = tpu.memref_slice %arg5[%rem3A_114, %dma_wait3A_124, %dma_wait3A_125] : memref<2x128x128xf32, #tpu.memory_space<vmem>> -> memref<1x128x128xf32, #tpu.memory_space<vmem>>
      %dma_wait3A_127 = tpu.memref_squeeze %dma_wait3A_126 : memref<1x128x128xf32, #tpu.memory_space<vmem>> -> memref<128x128xf32, #tpu.memory_space<vmem>>
      %dma_wait3A_128 = arith.constant 0 : i32
      %dma_wait3A_129 = arith.constant 0 : i32
      %dma_wait3A_130 = tpu.memref_slice %arg2[%dma_wait3A_115, %dma_wait3A_128, %dma_wait3A_129] : memref<2500x128x128xf32, #tpu.memory_space<hbm>> -> memref<1x128x128xf32, #tpu.memory_space<hbm>>
      %dma_wait3A_131 = tpu.memref_squeeze %dma_wait3A_130 : memref<1x128x128xf32, #tpu.memory_space<hbm>> -> memref<128x128xf32, #tpu.memory_space<hbm>>
      tpu.wait_dma2 semaphore(%arg8 : memref<!tpu.dma_semaphore, #tpu.memory_space<semaphore_mem>>) src(%dma_wait3A_131 : memref<128x128xf32, #tpu.memory_space<hbm>>) dst(%dma_wait3A_127 : memref<128x128xf32, #tpu.memory_space<vmem>>)
      %ge3A = arith.constant 1 : i32
      %ge3A_132 = arith.cmpi sge, %while3A_112, %ge3A : i32
      %convert_element_type3A_133 = arith.extui %ge3A_132 : i1 to i32
      %cond3A_134 = arith.constant 0 : i32
      %cond3A_135 = arith.cmpi ne, %convert_element_type3A_133, %cond3A_134 : i32
      scf.if %cond3A_135 {
        %sub3A = arith.constant 1 : i32
        %sub3A_161 = arith.subi %sub3A, %rem3A_114 : i32
        %dma_wait3A_162 = arith.constant 0 : i32
        %dma_wait3A_163 = arith.constant 0 : i32
        %dma_wait3A_164 = tpu.memref_slice %arg5[%sub3A_161, %dma_wait3A_162, %dma_wait3A_163] : memref<2x128x128xf32, #tpu.memory_space<vmem>> -> memref<1x128x128xf32, #tpu.memory_space<vmem>>
        %dma_wait3A_165 = tpu.memref_squeeze %dma_wait3A_164 : memref<1x128x128xf32, #tpu.memory_space<vmem>> -> memref<128x128xf32, #tpu.memory_space<vmem>>
        %dma_wait3A_166 = arith.constant 0 : i32
        %dma_wait3A_167 = arith.constant 0 : i32
        %dma_wait3A_168 = tpu.memref_slice %arg7[%dma_wait3A_166, %dma_wait3A_167] : memref<10240x128xf32, #tpu.memory_space<vmem_shared>> -> memref<128x128xf32, #tpu.memory_space<vmem_shared>>
        %dma_wait3A_169 = arith.constant 0 : i32
        %dma_wait3A_170 = arith.constant 0 : i32
        %dma_wait3A_171 = tpu.memref_slice %arg7[%dma_wait3A_169, %dma_wait3A_170] : memref<10240x128xf32, #tpu.memory_space<vmem_shared>> -> memref<128x128xf32, #tpu.memory_space<vmem_shared>>
        %dma_wait3A_172 = arith.constant 0 : i32
        %dma_wait3A_173 = arith.constant 0 : i32
        %dma_wait3A_174 = tpu.memref_slice %arg5[%sub3A_161, %dma_wait3A_172, %dma_wait3A_173] : memref<2x128x128xf32, #tpu.memory_space<vmem>> -> memref<1x128x128xf32, #tpu.memory_space<vmem>>
        %dma_wait3A_175 = tpu.memref_squeeze %dma_wait3A_174 : memref<1x128x128xf32, #tpu.memory_space<vmem>> -> memref<128x128xf32, #tpu.memory_space<vmem>>
        tpu.wait_dma2 semaphore(%arg9 : memref<!tpu.dma_semaphore, #tpu.memory_space<semaphore_mem>>) src(%dma_wait3A_175 : memref<128x128xf32, #tpu.memory_space<vmem>>) dst(%dma_wait3A_171 : memref<128x128xf32, #tpu.memory_space<vmem_shared>>)
      } else {
      }
      %add3A_136 = arith.constant 1 : i32
      %add3A_137 = arith.addi %while3A_112, %add3A_136 : i32
      %lt3A_138 = arith.cmpi slt, %add3A_137, %select_n3A : i32
      %convert_element_type3A_139 = arith.extui %lt3A_138 : i1 to i32
      %cond3A_140 = arith.constant 0 : i32
      %cond3A_141 = arith.cmpi ne, %convert_element_type3A_139, %cond3A_140 : i32
      scf.if %cond3A_141 {
        %add3A_161 = arith.addi %add3A_4, %while3A_112 : i32
        %add3A_162 = arith.constant 1 : i32
        %add3A_163 = arith.addi %add3A_161, %add3A_162 : i32
        %sub3A = arith.constant 1 : i32
        %sub3A_164 = arith.subi %sub3A, %rem3A_114 : i32
        %dma_start3A_165 = arith.constant 0 : i32
        %dma_start3A_166 = arith.constant 0 : i32
        %dma_start3A_167 = tpu.memref_slice %arg5[%sub3A_164, %dma_start3A_165, %dma_start3A_166] : memref<2x128x128xf32, #tpu.memory_space<vmem>> -> memref<1x128x128xf32, #tpu.memory_space<vmem>>
        %dma_start3A_168 = tpu.memref_squeeze %dma_start3A_167 : memref<1x128x128xf32, #tpu.memory_space<vmem>> -> memref<128x128xf32, #tpu.memory_space<vmem>>
        %dma_start3A_169 = arith.constant 0 : i32
        %dma_start3A_170 = arith.constant 0 : i32
        %dma_start3A_171 = tpu.memref_slice %arg2[%add3A_163, %dma_start3A_169, %dma_start3A_170] : memref<2500x128x128xf32, #tpu.memory_space<hbm>> -> memref<1x128x128xf32, #tpu.memory_space<hbm>>
        %dma_start3A_172 = tpu.memref_squeeze %dma_start3A_171 : memref<1x128x128xf32, #tpu.memory_space<hbm>> -> memref<128x128xf32, #tpu.memory_space<hbm>>
        %dma_start3A_173 = arith.constant 0 : i32
        %dma_start3A_174 = arith.constant 0 : i32
        %dma_start3A_175 = tpu.memref_slice %arg5[%sub3A_164, %dma_start3A_173, %dma_start3A_174] : memref<2x128x128xf32, #tpu.memory_space<vmem>> -> memref<1x128x128xf32, #tpu.memory_space<vmem>>
        %dma_start3A_176 = tpu.memref_squeeze %dma_start3A_175 : memref<1x128x128xf32, #tpu.memory_space<vmem>> -> memref<128x128xf32, #tpu.memory_space<vmem>>
        %dma_start3A_177 = arith.constant 0 : i32
        %dma_start3A_178 = arith.constant 0 : i32
        %dma_start3A_179 = tpu.memref_slice %arg2[%add3A_163, %dma_start3A_177, %dma_start3A_178] : memref<2500x128x128xf32, #tpu.memory_space<hbm>> -> memref<1x128x128xf32, #tpu.memory_space<hbm>>
        %dma_start3A_180 = tpu.memref_squeeze %dma_start3A_179 : memref<1x128x128xf32, #tpu.memory_space<hbm>> -> memref<128x128xf32, #tpu.memory_space<hbm>>
        tpu.enqueue_dma source(%dma_start3A_180 : memref<128x128xf32, #tpu.memory_space<hbm>>) target(%dma_start3A_176 : memref<128x128xf32, #tpu.memory_space<vmem>>) target_semaphore(%arg8 : memref<!tpu.dma_semaphore, #tpu.memory_space<semaphore_mem>>)
      } else {
      }
      %scan3A_142 = arith.constant 0 : i32
      %scan3A_143 = arith.constant 0 : i32
      %scan3A_144 = arith.constant 128 : i32
      %scan3A_145 = arith.addi %scan3A_143, %scan3A_144 : i32
      %scan3A_146 = arith.constant 2 : i32
      %scan3A_147 = scf.for %scan3A_161 = %scan3A_143 to %scan3A_145 step %scan3A_146 iter_args(%scan3A_162 = %scan3A_142) -> (i32)  : i32 {
        %get3A = arith.index_cast %rem3A_114 : i32 to index
        %get3A_163 = arith.index_cast %scan3A_161 : i32 to index
        %get3A_164 = arith.constant 0 : index
        %get3A_165 = tpu.vector_load %arg5[%get3A, %get3A_163, %get3A_164] {strides = array<i32>} : memref<2x128x128xf32, #tpu.memory_space<vmem>>, vector<1x1x16xf32>,
        %get3A_166 = vector.shape_cast %get3A_165 : vector<1x1x16xf32> to vector<16xf32>
        %exp3A = math.exp %get3A_166 : vector<16xf32>
        %swap3A = arith.index_cast %rem3A_114 : i32 to index
        %swap3A_167 = arith.index_cast %scan3A_161 : i32 to index
        %swap3A_168 = arith.constant 0 : index
        %swap3A_169 = tpu.vector_load %arg5[%swap3A, %swap3A_167, %swap3A_168] {strides = array<i32>} : memref<2x128x128xf32, #tpu.memory_space<vmem>>, vector<1x1x16xf32>,
        %swap3A_170 = vector.shape_cast %swap3A_169 : vector<1x1x16xf32> to vector<16xf32>
        %swap3A_171 = vector.shape_cast %exp3A : vector<16xf32> to vector<1x1x16xf32>
        tpu.vector_store %arg5[%swap3A, %swap3A_167, %swap3A_168], %swap3A_171 {strides = array<i32>} : memref<2x128x128xf32, #tpu.memory_space<vmem>>, vector<1x1x16xf32>,
        %get3A_172 = arith.index_cast %rem3A_114 : i32 to index
        %get3A_173 = arith.index_cast %scan3A_161 : i32 to index
        %get3A_174 = arith.constant 16 : index
        %get3A_175 = tpu.vector_load %arg5[%get3A_172, %get3A_173, %get3A_174] {strides = array<i32>} : memref<2x128x128xf32, #tpu.memory_space<vmem>>, vector<1x1x16xf32>,
        %get3A_176 = vector.shape_cast %get3A_175 : vector<1x1x16xf32> to vector<16xf32>
        %exp3A_177 = math.exp %get3A_176 : vector<16xf32>
        %swap3A_178 = arith.index_cast %rem3A_114 : i32 to index
        %swap3A_179 = arith.index_cast %scan3A_161 : i32 to index
        %swap3A_180 = arith.constant 16 : index
        %swap3A_181 = tpu.vector_load %arg5[%swap3A_178, %swap3A_179, %swap3A_180] {strides = array<i32>} : memref<2x128x128xf32, #tpu.memory_space<vmem>>, vector<1x1x16xf32>,
        %swap3A_182 = vector.shape_cast %swap3A_181 : vector<1x1x16xf32> to vector<16xf32>
        %swap3A_183 = vector.shape_cast %exp3A_177 : vector<16xf32> to vector<1x1x16xf32>
        tpu.vector_store %arg5[%swap3A_178, %swap3A_179, %swap3A_180], %swap3A_183 {strides = array<i32>} : memref<2x128x128xf32, #tpu.memory_space<vmem>>, vector<1x1x16xf32>,
        %get3A_184 = arith.index_cast %rem3A_114 : i32 to index
        %get3A_185 = arith.index_cast %scan3A_161 : i32 to index
        %get3A_186 = arith.constant 32 : index
        %get3A_187 = tpu.vector_load %arg5[%get3A_184, %get3A_185, %get3A_186] {strides = array<i32>} : memref<2x128x128xf32, #tpu.memory_space<vmem>>, vector<1x1x16xf32>,
        %get3A_188 = vector.shape_cast %get3A_187 : vector<1x1x16xf32> to vector<16xf32>
        %exp3A_189 = math.exp %get3A_188 : vector<16xf32>
        %swap3A_190 = arith.index_cast %rem3A_114 : i32 to index
        %swap3A_191 = arith.index_cast %scan3A_161 : i32 to index
        %swap3A_192 = arith.constant 32 : index
        %swap3A_193 = tpu.vector_load %arg5[%swap3A_190, %swap3A_191, %swap3A_192] {strides = array<i32>} : memref<2x128x128xf32, #tpu.memory_space<vmem>>, vector<1x1x16xf32>,
        %swap3A_194 = vector.shape_cast %swap3A_193 : vector<1x1x16xf32> to vector<16xf32>
        %swap3A_195 = vector.shape_cast %exp3A_189 : vector<16xf32> to vector<1x1x16xf32>
        tpu.vector_store %arg5[%swap3A_190, %swap3A_191, %swap3A_192], %swap3A_195 {strides = array<i32>} : memref<2x128x128xf32, #tpu.memory_space<vmem>>, vector<1x1x16xf32>,
        %get3A_196 = arith.index_cast %rem3A_114 : i32 to index
        %get3A_197 = arith.index_cast %scan3A_161 : i32 to index
        %get3A_198 = arith.constant 48 : index
        %get3A_199 = tpu.vector_load %arg5[%get3A_196, %get3A_197, %get3A_198] {strides = array<i32>} : memref<2x128x128xf32, #tpu.memory_space<vmem>>, vector<1x1x16xf32>,
        %get3A_200 = vector.shape_cast %get3A_199 : vector<1x1x16xf32> to vector<16xf32>
        %exp3A_201 = math.exp %get3A_200 : vector<16xf32>
        %swap3A_202 = arith.index_cast %rem3A_114 : i32 to index
        %swap3A_203 = arith.index_cast %scan3A_161 : i32 to index
        %swap3A_204 = arith.constant 48 : index
        %swap3A_205 = tpu.vector_load %arg5[%swap3A_202, %swap3A_203, %swap3A_204] {strides = array<i32>} : memref<2x128x128xf32, #tpu.memory_space<vmem>>, vector<1x1x16xf32>,
        %swap3A_206 = vector.shape_cast %swap3A_205 : vector<1x1x16xf32> to vector<16xf32>
        %swap3A_207 = vector.shape_cast %exp3A_201 : vector<16xf32> to vector<1x1x16xf32>
        tpu.vector_store %arg5[%swap3A_202, %swap3A_203, %swap3A_204], %swap3A_207 {strides = array<i32>} : memref<2x128x128xf32, #tpu.memory_space<vmem>>, vector<1x1x16xf32>,
        %get3A_208 = arith.index_cast %rem3A_114 : i32 to index
        %get3A_209 = arith.index_cast %scan3A_161 : i32 to index
        %get3A_210 = arith.constant 64 : index
        %get3A_211 = tpu.vector_load %arg5[%get3A_208, %get3A_209, %get3A_210] {strides = array<i32>} : memref<2x128x128xf32, #tpu.memory_space<vmem>>, vector<1x1x16xf32>,
        %get3A_212 = vector.shape_cast %get3A_211 : vector<1x1x16xf32> to vector<16xf32>
        %exp3A_213 = math.exp %get3A_212 : vector<16xf32>
        %swap3A_214 = arith.index_cast %rem3A_114 : i32 to index
        %swap3A_215 = arith.index_cast %scan3A_161 : i32 to index
        %swap3A_216 = arith.constant 64 : index
        %swap3A_217 = tpu.vector_load %arg5[%swap3A_214, %swap3A_215, %swap3A_216] {strides = array<i32>} : memref<2x128x128xf32, #tpu.memory_space<vmem>>, vector<1x1x16xf32>,
        %swap3A_218 = vector.shape_cast %swap3A_217 : vector<1x1x16xf32> to vector<16xf32>
        %swap3A_219 = vector.shape_cast %exp3A_213 : vector<16xf32> to vector<1x1x16xf32>
        tpu.vector_store %arg5[%swap3A_214, %swap3A_215, %swap3A_216], %swap3A_219 {strides = array<i32>} : memref<2x128x128xf32, #tpu.memory_space<vmem>>, vector<1x1x16xf32>,
        %get3A_220 = arith.index_cast %rem3A_114 : i32 to index
        %get3A_221 = arith.index_cast %scan3A_161 : i32 to index
        %get3A_222 = arith.constant 80 : index
        %get3A_223 = tpu.vector_load %arg5[%get3A_220, %get3A_221, %get3A_222] {strides = array<i32>} : memref<2x128x128xf32, #tpu.memory_space<vmem>>, vector<1x1x16xf32>,
        %get3A_224 = vector.shape_cast %get3A_223 : vector<1x1x16xf32> to vector<16xf32>
        %exp3A_225 = math.exp %get3A_224 : vector<16xf32>
        %swap3A_226 = arith.index_cast %rem3A_114 : i32 to index
        %swap3A_227 = arith.index_cast %scan3A_161 : i32 to index
        %swap3A_228 = arith.constant 80 : index
        %swap3A_229 = tpu.vector_load %arg5[%swap3A_226, %swap3A_227, %swap3A_228] {strides = array<i32>} : memref<2x128x128xf32, #tpu.memory_space<vmem>>, vector<1x1x16xf32>,
        %swap3A_230 = vector.shape_cast %swap3A_229 : vector<1x1x16xf32> to vector<16xf32>
        %swap3A_231 = vector.shape_cast %exp3A_225 : vector<16xf32> to vector<1x1x16xf32>
        tpu.vector_store %arg5[%swap3A_226, %swap3A_227, %swap3A_228], %swap3A_231 {strides = array<i32>} : memref<2x128x128xf32, #tpu.memory_space<vmem>>, vector<1x1x16xf32>,
        %get3A_232 = arith.index_cast %rem3A_114 : i32 to index
        %get3A_233 = arith.index_cast %scan3A_161 : i32 to index
        %get3A_234 = arith.constant 96 : index
        %get3A_235 = tpu.vector_load %arg5[%get3A_232, %get3A_233, %get3A_234] {strides = array<i32>} : memref<2x128x128xf32, #tpu.memory_space<vmem>>, vector<1x1x16xf32>,
        %get3A_236 = vector.shape_cast %get3A_235 : vector<1x1x16xf32> to vector<16xf32>
        %exp3A_237 = math.exp %get3A_236 : vector<16xf32>
        %swap3A_238 = arith.index_cast %rem3A_114 : i32 to index
        %swap3A_239 = arith.index_cast %scan3A_161 : i32 to index
        %swap3A_240 = arith.constant 96 : index
        %swap3A_241 = tpu.vector_load %arg5[%swap3A_238, %swap3A_239, %swap3A_240] {strides = array<i32>} : memref<2x128x128xf32, #tpu.memory_space<vmem>>, vector<1x1x16xf32>,
        %swap3A_242 = vector.shape_cast %swap3A_241 : vector<1x1x16xf32> to vector<16xf32>
        %swap3A_243 = vector.shape_cast %exp3A_237 : vector<16xf32> to vector<1x1x16xf32>
        tpu.vector_store %arg5[%swap3A_238, %swap3A_239, %swap3A_240], %swap3A_243 {strides = array<i32>} : memref<2x128x128xf32, #tpu.memory_space<vmem>>, vector<1x1x16xf32>,
        %get3A_244 = arith.index_cast %rem3A_114 : i32 to index
        %get3A_245 = arith.index_cast %scan3A_161 : i32 to index
        %get3A_246 = arith.constant 112 : index
        %get3A_247 = tpu.vector_load %arg5[%get3A_244, %get3A_245, %get3A_246] {strides = array<i32>} : memref<2x128x128xf32, #tpu.memory_space<vmem>>, vector<1x1x16xf32>,
        %get3A_248 = vector.shape_cast %get3A_247 : vector<1x1x16xf32> to vector<16xf32>
        %exp3A_249 = math.exp %get3A_248 : vector<16xf32>
        %swap3A_250 = arith.index_cast %rem3A_114 : i32 to index
        %swap3A_251 = arith.index_cast %scan3A_161 : i32 to index
        %swap3A_252 = arith.constant 112 : index
        %swap3A_253 = tpu.vector_load %arg5[%swap3A_250, %swap3A_251, %swap3A_252] {strides = array<i32>} : memref<2x128x128xf32, #tpu.memory_space<vmem>>, vector<1x1x16xf32>,
        %swap3A_254 = vector.shape_cast %swap3A_253 : vector<1x1x16xf32> to vector<16xf32>
        %swap3A_255 = vector.shape_cast %exp3A_249 : vector<16xf32> to vector<1x1x16xf32>
        tpu.vector_store %arg5[%swap3A_250, %swap3A_251, %swap3A_252], %swap3A_255 {strides = array<i32>} : memref<2x128x128xf32, #tpu.memory_space<vmem>>, vector<1x1x16xf32>,
        %scan3A_256 = arith.constant 0 : i32
        %scan3A_257 = arith.constant 1 : i32
        %scan3A_258 = arith.addi %scan3A_161, %scan3A_257 : i32
        %get3A_259 = arith.index_cast %rem3A_114 : i32 to index
        %get3A_260 = arith.index_cast %scan3A_258 : i32 to index
        %get3A_261 = arith.constant 0 : index
        %get3A_262 = tpu.vector_load %arg5[%get3A_259, %get3A_260, %get3A_261] {strides = array<i32>} : memref<2x128x128xf32, #tpu.memory_space<vmem>>, vector<1x1x16xf32>,
        %get3A_263 = vector.shape_cast %get3A_262 : vector<1x1x16xf32> to vector<16xf32>
        %exp3A_264 = math.exp %get3A_263 : vector<16xf32>
        %swap3A_265 = arith.index_cast %rem3A_114 : i32 to index
        %swap3A_266 = arith.index_cast %scan3A_258 : i32 to index
        %swap3A_267 = arith.constant 0 : index
        %swap3A_268 = tpu.vector_load %arg5[%swap3A_265, %swap3A_266, %swap3A_267] {strides = array<i32>} : memref<2x128x128xf32, #tpu.memory_space<vmem>>, vector<1x1x16xf32>,
        %swap3A_269 = vector.shape_cast %swap3A_268 : vector<1x1x16xf32> to vector<16xf32>
        %swap3A_270 = vector.shape_cast %exp3A_264 : vector<16xf32> to vector<1x1x16xf32>
        tpu.vector_store %arg5[%swap3A_265, %swap3A_266, %swap3A_267], %swap3A_270 {strides = array<i32>} : memref<2x128x128xf32, #tpu.memory_space<vmem>>, vector<1x1x16xf32>,
        %get3A_271 = arith.index_cast %rem3A_114 : i32 to index
        %get3A_272 = arith.index_cast %scan3A_258 : i32 to index
        %get3A_273 = arith.constant 16 : index
        %get3A_274 = tpu.vector_load %arg5[%get3A_271, %get3A_272, %get3A_273] {strides = array<i32>} : memref<2x128x128xf32, #tpu.memory_space<vmem>>, vector<1x1x16xf32>,
        %get3A_275 = vector.shape_cast %get3A_274 : vector<1x1x16xf32> to vector<16xf32>
        %exp3A_276 = math.exp %get3A_275 : vector<16xf32>
        %swap3A_277 = arith.index_cast %rem3A_114 : i32 to index
        %swap3A_278 = arith.index_cast %scan3A_258 : i32 to index
        %swap3A_279 = arith.constant 16 : index
        %swap3A_280 = tpu.vector_load %arg5[%swap3A_277, %swap3A_278, %swap3A_279] {strides = array<i32>} : memref<2x128x128xf32, #tpu.memory_space<vmem>>, vector<1x1x16xf32>,
        %swap3A_281 = vector.shape_cast %swap3A_280 : vector<1x1x16xf32> to vector<16xf32>
        %swap3A_282 = vector.shape_cast %exp3A_276 : vector<16xf32> to vector<1x1x16xf32>
        tpu.vector_store %arg5[%swap3A_277, %swap3A_278, %swap3A_279], %swap3A_282 {strides = array<i32>} : memref<2x128x128xf32, #tpu.memory_space<vmem>>, vector<1x1x16xf32>,
        %get3A_283 = arith.index_cast %rem3A_114 : i32 to index
        %get3A_284 = arith.index_cast %scan3A_258 : i32 to index
        %get3A_285 = arith.constant 32 : index
        %get3A_286 = tpu.vector_load %arg5[%get3A_283, %get3A_284, %get3A_285] {strides = array<i32>} : memref<2x128x128xf32, #tpu.memory_space<vmem>>, vector<1x1x16xf32>,
        %get3A_287 = vector.shape_cast %get3A_286 : vector<1x1x16xf32> to vector<16xf32>
        %exp3A_288 = math.exp %get3A_287 : vector<16xf32>
        %swap3A_289 = arith.index_cast %rem3A_114 : i32 to index
        %swap3A_290 = arith.index_cast %scan3A_258 : i32 to index
        %swap3A_291 = arith.constant 32 : index
        %swap3A_292 = tpu.vector_load %arg5[%swap3A_289, %swap3A_290, %swap3A_291] {strides = array<i32>} : memref<2x128x128xf32, #tpu.memory_space<vmem>>, vector<1x1x16xf32>,
        %swap3A_293 = vector.shape_cast %swap3A_292 : vector<1x1x16xf32> to vector<16xf32>
        %swap3A_294 = vector.shape_cast %exp3A_288 : vector<16xf32> to vector<1x1x16xf32>
        tpu.vector_store %arg5[%swap3A_289, %swap3A_290, %swap3A_291], %swap3A_294 {strides = array<i32>} : memref<2x128x128xf32, #tpu.memory_space<vmem>>, vector<1x1x16xf32>,
        %get3A_295 = arith.index_cast %rem3A_114 : i32 to index
        %get3A_296 = arith.index_cast %scan3A_258 : i32 to index
        %get3A_297 = arith.constant 48 : index
        %get3A_298 = tpu.vector_load %arg5[%get3A_295, %get3A_296, %get3A_297] {strides = array<i32>} : memref<2x128x128xf32, #tpu.memory_space<vmem>>, vector<1x1x16xf32>,
        %get3A_299 = vector.shape_cast %get3A_298 : vector<1x1x16xf32> to vector<16xf32>
        %exp3A_300 = math.exp %get3A_299 : vector<16xf32>
        %swap3A_301 = arith.index_cast %rem3A_114 : i32 to index
        %swap3A_302 = arith.index_cast %scan3A_258 : i32 to index
        %swap3A_303 = arith.constant 48 : index
        %swap3A_304 = tpu.vector_load %arg5[%swap3A_301, %swap3A_302, %swap3A_303] {strides = array<i32>} : memref<2x128x128xf32, #tpu.memory_space<vmem>>, vector<1x1x16xf32>,
        %swap3A_305 = vector.shape_cast %swap3A_304 : vector<1x1x16xf32> to vector<16xf32>
        %swap3A_306 = vector.shape_cast %exp3A_300 : vector<16xf32> to vector<1x1x16xf32>
        tpu.vector_store %arg5[%swap3A_301, %swap3A_302, %swap3A_303], %swap3A_306 {strides = array<i32>} : memref<2x128x128xf32, #tpu.memory_space<vmem>>, vector<1x1x16xf32>,
        %get3A_307 = arith.index_cast %rem3A_114 : i32 to index
        %get3A_308 = arith.index_cast %scan3A_258 : i32 to index
        %get3A_309 = arith.constant 64 : index
        %get3A_310 = tpu.vector_load %arg5[%get3A_307, %get3A_308, %get3A_309] {strides = array<i32>} : memref<2x128x128xf32, #tpu.memory_space<vmem>>, vector<1x1x16xf32>,
        %get3A_311 = vector.shape_cast %get3A_310 : vector<1x1x16xf32> to vector<16xf32>
        %exp3A_312 = math.exp %get3A_311 : vector<16xf32>
        %swap3A_313 = arith.index_cast %rem3A_114 : i32 to index
        %swap3A_314 = arith.index_cast %scan3A_258 : i32 to index
        %swap3A_315 = arith.constant 64 : index
        %swap3A_316 = tpu.vector_load %arg5[%swap3A_313, %swap3A_314, %swap3A_315] {strides = array<i32>} : memref<2x128x128xf32, #tpu.memory_space<vmem>>, vector<1x1x16xf32>,
        %swap3A_317 = vector.shape_cast %swap3A_316 : vector<1x1x16xf32> to vector<16xf32>
        %swap3A_318 = vector.shape_cast %exp3A_312 : vector<16xf32> to vector<1x1x16xf32>
        tpu.vector_store %arg5[%swap3A_313, %swap3A_314, %swap3A_315], %swap3A_318 {strides = array<i32>} : memref<2x128x128xf32, #tpu.memory_space<vmem>>, vector<1x1x16xf32>,
        %get3A_319 = arith.index_cast %rem3A_114 : i32 to index
        %get3A_320 = arith.index_cast %scan3A_258 : i32 to index
        %get3A_321 = arith.constant 80 : index
        %get3A_322 = tpu.vector_load %arg5[%get3A_319, %get3A_320, %get3A_321] {strides = array<i32>} : memref<2x128x128xf32, #tpu.memory_space<vmem>>, vector<1x1x16xf32>,
        %get3A_323 = vector.shape_cast %get3A_322 : vector<1x1x16xf32> to vector<16xf32>
        %exp3A_324 = math.exp %get3A_323 : vector<16xf32>
        %swap3A_325 = arith.index_cast %rem3A_114 : i32 to index
        %swap3A_326 = arith.index_cast %scan3A_258 : i32 to index
        %swap3A_327 = arith.constant 80 : index
        %swap3A_328 = tpu.vector_load %arg5[%swap3A_325, %swap3A_326, %swap3A_327] {strides = array<i32>} : memref<2x128x128xf32, #tpu.memory_space<vmem>>, vector<1x1x16xf32>,
        %swap3A_329 = vector.shape_cast %swap3A_328 : vector<1x1x16xf32> to vector<16xf32>
        %swap3A_330 = vector.shape_cast %exp3A_324 : vector<16xf32> to vector<1x1x16xf32>
        tpu.vector_store %arg5[%swap3A_325, %swap3A_326, %swap3A_327], %swap3A_330 {strides = array<i32>} : memref<2x128x128xf32, #tpu.memory_space<vmem>>, vector<1x1x16xf32>,
        %get3A_331 = arith.index_cast %rem3A_114 : i32 to index
        %get3A_332 = arith.index_cast %scan3A_258 : i32 to index
        %get3A_333 = arith.constant 96 : index
        %get3A_334 = tpu.vector_load %arg5[%get3A_331, %get3A_332, %get3A_333] {strides = array<i32>} : memref<2x128x128xf32, #tpu.memory_space<vmem>>, vector<1x1x16xf32>,
        %get3A_335 = vector.shape_cast %get3A_334 : vector<1x1x16xf32> to vector<16xf32>
        %exp3A_336 = math.exp %get3A_335 : vector<16xf32>
        %swap3A_337 = arith.index_cast %rem3A_114 : i32 to index
        %swap3A_338 = arith.index_cast %scan3A_258 : i32 to index
        %swap3A_339 = arith.constant 96 : index
        %swap3A_340 = tpu.vector_load %arg5[%swap3A_337, %swap3A_338, %swap3A_339] {strides = array<i32>} : memref<2x128x128xf32, #tpu.memory_space<vmem>>, vector<1x1x16xf32>,
        %swap3A_341 = vector.shape_cast %swap3A_340 : vector<1x1x16xf32> to vector<16xf32>
        %swap3A_342 = vector.shape_cast %exp3A_336 : vector<16xf32> to vector<1x1x16xf32>
        tpu.vector_store %arg5[%swap3A_337, %swap3A_338, %swap3A_339], %swap3A_342 {strides = array<i32>} : memref<2x128x128xf32, #tpu.memory_space<vmem>>, vector<1x1x16xf32>,
        %get3A_343 = arith.index_cast %rem3A_114 : i32 to index
        %get3A_344 = arith.index_cast %scan3A_258 : i32 to index
        %get3A_345 = arith.constant 112 : index
        %get3A_346 = tpu.vector_load %arg5[%get3A_343, %get3A_344, %get3A_345] {strides = array<i32>} : memref<2x128x128xf32, #tpu.memory_space<vmem>>, vector<1x1x16xf32>,
        %get3A_347 = vector.shape_cast %get3A_346 : vector<1x1x16xf32> to vector<16xf32>
        %exp3A_348 = math.exp %get3A_347 : vector<16xf32>
        %swap3A_349 = arith.index_cast %rem3A_114 : i32 to index
        %swap3A_350 = arith.index_cast %scan3A_258 : i32 to index
        %swap3A_351 = arith.constant 112 : index
        %swap3A_352 = tpu.vector_load %arg5[%swap3A_349, %swap3A_350, %swap3A_351] {strides = array<i32>} : memref<2x128x128xf32, #tpu.memory_space<vmem>>, vector<1x1x16xf32>,
        %swap3A_353 = vector.shape_cast %swap3A_352 : vector<1x1x16xf32> to vector<16xf32>
        %swap3A_354 = vector.shape_cast %exp3A_348 : vector<16xf32> to vector<1x1x16xf32>
        tpu.vector_store %arg5[%swap3A_349, %swap3A_350, %swap3A_351], %swap3A_354 {strides = array<i32>} : memref<2x128x128xf32, #tpu.memory_space<vmem>>, vector<1x1x16xf32>,
        %scan3A_355 = arith.constant 0 : i32
        scf.yield %scan3A_355 : i32
      }
      %scan3A_148 = arith.constant 128 : i32
      %dma_start3A_149 = arith.constant 0 : i32
      %dma_start3A_150 = arith.constant 0 : i32
      %dma_start3A_151 = arith.constant 0 : i32
      %dma_start3A_152 = tpu.memref_slice %arg5[%rem3A_114, %dma_start3A_150, %dma_start3A_151] : memref<2x128x128xf32, #tpu.memory_space<vmem>> -> memref<1x128x128xf32, #tpu.memory_space<vmem>>
      %dma_start3A_153 = tpu.memref_squeeze %dma_start3A_152 : memref<1x128x128xf32, #tpu.memory_space<vmem>> -> memref<128x128xf32, #tpu.memory_space<vmem>>
      %dma_start3A_154 = arith.constant 0 : i32
      %dma_start3A_155 = tpu.memref_slice %arg6[%while3A_112, %dma_start3A_149, %dma_start3A_154] : memref<80x1x128xi32, #tpu.memory_space<vmem>> -> memref<1x1x128xi32, #tpu.memory_space<vmem>>
      %dma_start3A_156 = tpu.memref_squeeze %dma_start3A_155 : memref<1x1x128xi32, #tpu.memory_space<vmem>> -> memref<128xi32, #tpu.memory_space<vmem>>
      %dma_start3A_157 = arith.constant 0 : i32
      %dma_start3A_158 = arith.constant 0 : i32
      %dma_start3A_159 = tpu.memref_slice %arg7[%dma_start3A_157, %dma_start3A_158] : memref<10240x128xf32, #tpu.memory_space<vmem_shared>> -> memref<10240x128xf32, #tpu.memory_space<vmem_shared>>
      tpu.enqueue_indirect_dma source(%dma_start3A_153 : memref<128x128xf32, #tpu.memory_space<vmem>>) target(%dma_start3A_159 : memref<10240x128xf32, #tpu.memory_space<vmem_shared>>) offsets(%dma_start3A_156 : memref<128xi32, #tpu.memory_space<vmem>>) semaphore(%arg9 : memref<!tpu.dma_semaphore, #tpu.memory_space<semaphore_mem>>) {add = true}
      %while3A_160 = arith.constant 0 : i32
      scf.yield %while3A_160 : i32
    }
    %while3A_65 = arith.constant 1 : i32
    %while3A_66 = scf.for %while3A_112 = %while3A_62 to %while3A_58 step %while3A_65 iter_args(%while3A_113 = %while3A_64) -> (i32)  : i32 {
      %rem3A = arith.constant 2 : i32
      %rem3A_114 = arith.remsi %while3A_112, %rem3A : i32
      %dma_wait3A_115 = arith.constant 0 : i32
      %dma_wait3A_116 = arith.constant 0 : i32
      %dma_wait3A_117 = arith.constant 0 : i32
      %dma_wait3A_118 = tpu.memref_slice %arg5[%rem3A_114, %dma_wait3A_116, %dma_wait3A_117] : memref<2x128x128xf32, #tpu.memory_space<vmem>> -> memref<1x128x128xf32, #tpu.memory_space<vmem>>
      %dma_wait3A_119 = tpu.memref_squeeze %dma_wait3A_118 : memref<1x128x128xf32, #tpu.memory_space<vmem>> -> memref<128x128xf32, #tpu.memory_space<vmem>>
      %dma_wait3A_120 = arith.constant 0 : i32
      %dma_wait3A_121 = arith.constant 0 : i32
      %dma_wait3A_122 = tpu.memref_slice %arg2[%dma_wait3A_115, %dma_wait3A_120, %dma_wait3A_121] : memref<2500x128x128xf32, #tpu.memory_space<hbm>> -> memref<1x128x128xf32, #tpu.memory_space<hbm>>
      %dma_wait3A_123 = tpu.memref_squeeze %dma_wait3A_122 : memref<1x128x128xf32, #tpu.memory_space<hbm>> -> memref<128x128xf32, #tpu.memory_space<hbm>>
      %dma_wait3A_124 = arith.constant 0 : i32
      %dma_wait3A_125 = arith.constant 0 : i32
      %dma_wait3A_126 = tpu.memref_slice %arg5[%rem3A_114, %dma_wait3A_124, %dma_wait3A_125] : memref<2x128x128xf32, #tpu.memory_space<vmem>> -> memref<1x128x128xf32, #tpu.memory_space<vmem>>
      %dma_wait3A_127 = tpu.memref_squeeze %dma_wait3A_126 : memref<1x128x128xf32, #tpu.memory_space<vmem>> -> memref<128x128xf32, #tpu.memory_space<vmem>>
      %dma_wait3A_128 = arith.constant 0 : i32
      %dma_wait3A_129 = arith.constant 0 : i32
      %dma_wait3A_130 = tpu.memref_slice %arg2[%dma_wait3A_115, %dma_wait3A_128, %dma_wait3A_129] : memref<2500x128x128xf32, #tpu.memory_space<hbm>> -> memref<1x128x128xf32, #tpu.memory_space<hbm>>
      %dma_wait3A_131 = tpu.memref_squeeze %dma_wait3A_130 : memref<1x128x128xf32, #tpu.memory_space<hbm>> -> memref<128x128xf32, #tpu.memory_space<hbm>>
      tpu.wait_dma2 semaphore(%arg8 : memref<!tpu.dma_semaphore, #tpu.memory_space<semaphore_mem>>) src(%dma_wait3A_131 : memref<128x128xf32, #tpu.memory_space<hbm>>) dst(%dma_wait3A_127 : memref<128x128xf32, #tpu.memory_space<vmem>>)
      %ge3A = arith.constant 1 : i32
      %ge3A_132 = arith.cmpi sge, %while3A_112, %ge3A : i32
      %convert_element_type3A_133 = arith.extui %ge3A_132 : i1 to i32
      %cond3A_134 = arith.constant 0 : i32
      %cond3A_135 = arith.cmpi ne, %convert_element_type3A_133, %cond3A_134 : i32
      scf.if %cond3A_135 {
        %sub3A = arith.constant 1 : i32
        %sub3A_161 = arith.subi %sub3A, %rem3A_114 : i32
        %dma_wait3A_162 = arith.constant 0 : i32
        %dma_wait3A_163 = arith.constant 0 : i32
        %dma_wait3A_164 = tpu.memref_slice %arg5[%sub3A_161, %dma_wait3A_162, %dma_wait3A_163] : memref<2x128x128xf32, #tpu.memory_space<vmem>> -> memref<1x128x128xf32, #tpu.memory_space<vmem>>
        %dma_wait3A_165 = tpu.memref_squeeze %dma_wait3A_164 : memref<1x128x128xf32, #tpu.memory_space<vmem>> -> memref<128x128xf32, #tpu.memory_space<vmem>>
        %dma_wait3A_166 = arith.constant 0 : i32
        %dma_wait3A_167 = arith.constant 0 : i32
        %dma_wait3A_168 = tpu.memref_slice %arg7[%dma_wait3A_166, %dma_wait3A_167] : memref<10240x128xf32, #tpu.memory_space<vmem_shared>> -> memref<128x128xf32, #tpu.memory_space<vmem_shared>>
        %dma_wait3A_169 = arith.constant 0 : i32
        %dma_wait3A_170 = arith.constant 0 : i32
        %dma_wait3A_171 = tpu.memref_slice %arg7[%dma_wait3A_169, %dma_wait3A_170] : memref<10240x128xf32, #tpu.memory_space<vmem_shared>> -> memref<128x128xf32, #tpu.memory_space<vmem_shared>>
        %dma_wait3A_172 = arith.constant 0 : i32
        %dma_wait3A_173 = arith.constant 0 : i32
        %dma_wait3A_174 = tpu.memref_slice %arg5[%sub3A_161, %dma_wait3A_172, %dma_wait3A_173] : memref<2x128x128xf32, #tpu.memory_space<vmem>> -> memref<1x128x128xf32, #tpu.memory_space<vmem>>
        %dma_wait3A_175 = tpu.memref_squeeze %dma_wait3A_174 : memref<1x128x128xf32, #tpu.memory_space<vmem>> -> memref<128x128xf32, #tpu.memory_space<vmem>>
        tpu.wait_dma2 semaphore(%arg9 : memref<!tpu.dma_semaphore, #tpu.memory_space<semaphore_mem>>) src(%dma_wait3A_175 : memref<128x128xf32, #tpu.memory_space<vmem>>) dst(%dma_wait3A_171 : memref<128x128xf32, #tpu.memory_space<vmem_shared>>)
      } else {
      }
      %add3A_136 = arith.constant 1 : i32
      %add3A_137 = arith.addi %while3A_112, %add3A_136 : i32
      %lt3A_138 = arith.cmpi slt, %add3A_137, %select_n3A : i32
      %convert_element_type3A_139 = arith.extui %lt3A_138 : i1 to i32
      %cond3A_140 = arith.constant 0 : i32
      %cond3A_141 = arith.cmpi ne, %convert_element_type3A_139, %cond3A_140 : i32
      scf.if %cond3A_141 {
        %add3A_161 = arith.addi %add3A_4, %while3A_112 : i32
        %add3A_162 = arith.constant 1 : i32
        %add3A_163 = arith.addi %add3A_161, %add3A_162 : i32
        %sub3A = arith.constant 1 : i32
        %sub3A_164 = arith.subi %sub3A, %rem3A_114 : i32
        %dma_start3A_165 = arith.constant 0 : i32
        %dma_start3A_166 = arith.constant 0 : i32
        %dma_start3A_167 = tpu.memref_slice %arg5[%sub3A_164, %dma_start3A_165, %dma_start3A_166] : memref<2x128x128xf32, #tpu.memory_space<vmem>> -> memref<1x128x128xf32, #tpu.memory_space<vmem>>
        %dma_start3A_168 = tpu.memref_squeeze %dma_start3A_167 : memref<1x128x128xf32, #tpu.memory_space<vmem>> -> memref<128x128xf32, #tpu.memory_space<vmem>>
        %dma_start3A_169 = arith.constant 0 : i32
        %dma_start3A_170 = arith.constant 0 : i32
        %dma_start3A_171 = tpu.memref_slice %arg2[%add3A_163, %dma_start3A_169, %dma_start3A_170] : memref<2500x128x128xf32, #tpu.memory_space<hbm>> -> memref<1x128x128xf32, #tpu.memory_space<hbm>>
        %dma_start3A_172 = tpu.memref_squeeze %dma_start3A_171 : memref<1x128x128xf32, #tpu.memory_space<hbm>> -> memref<128x128xf32, #tpu.memory_space<hbm>>
        %dma_start3A_173 = arith.constant 0 : i32
        %dma_start3A_174 = arith.constant 0 : i32
        %dma_start3A_175 = tpu.memref_slice %arg5[%sub3A_164, %dma_start3A_173, %dma_start3A_174] : memref<2x128x128xf32, #tpu.memory_space<vmem>> -> memref<1x128x128xf32, #tpu.memory_space<vmem>>
        %dma_start3A_176 = tpu.memref_squeeze %dma_start3A_175 : memref<1x128x128xf32, #tpu.memory_space<vmem>> -> memref<128x128xf32, #tpu.memory_space<vmem>>
        %dma_start3A_177 = arith.constant 0 : i32
        %dma_start3A_178 = arith.constant 0 : i32
        %dma_start3A_179 = tpu.memref_slice %arg2[%add3A_163, %dma_start3A_177, %dma_start3A_178] : memref<2500x128x128xf32, #tpu.memory_space<hbm>> -> memref<1x128x128xf32, #tpu.memory_space<hbm>>
        %dma_start3A_180 = tpu.memref_squeeze %dma_start3A_179 : memref<1x128x128xf32, #tpu.memory_space<hbm>> -> memref<128x128xf32, #tpu.memory_space<hbm>>
        tpu.enqueue_dma source(%dma_start3A_180 : memref<128x128xf32, #tpu.memory_space<hbm>>) target(%dma_start3A_176 : memref<128x128xf32, #tpu.memory_space<vmem>>) target_semaphore(%arg8 : memref<!tpu.dma_semaphore, #tpu.memory_space<semaphore_mem>>)
      } else {
      }
      %scan3A_142 = arith.constant 0 : i32
      %scan3A_143 = arith.constant 0 : i32
      %scan3A_144 = arith.constant 128 : i32
      %scan3A_145 = arith.addi %scan3A_143, %scan3A_144 : i32
      %scan3A_146 = arith.constant 2 : i32
      %scan3A_147 = scf.for %scan3A_161 = %scan3A_143 to %scan3A_145 step %scan3A_146 iter_args(%scan3A_162 = %scan3A_142) -> (i32)  : i32 {
        %get3A = arith.index_cast %rem3A_114 : i32 to index
        %get3A_163 = arith.index_cast %scan3A_161 : i32 to index
        %get3A_164 = arith.constant 0 : index
        %get3A_165 = tpu.vector_load %arg5[%get3A, %get3A_163, %get3A_164] {strides = array<i32>} : memref<2x128x128xf32, #tpu.memory_space<vmem>>, vector<1x1x16xf32>,
        %get3A_166 = vector.shape_cast %get3A_165 : vector<1x1x16xf32> to vector<16xf32>
        %exp3A = math.exp %get3A_166 : vector<16xf32>
        %swap3A = arith.index_cast %rem3A_114 : i32 to index
        %swap3A_167 = arith.index_cast %scan3A_161 : i32 to index
        %swap3A_168 = arith.constant 0 : index
        %swap3A_169 = tpu.vector_load %arg5[%swap3A, %swap3A_167, %swap3A_168] {strides = array<i32>} : memref<2x128x128xf32, #tpu.memory_space<vmem>>, vector<1x1x16xf32>,
        %swap3A_170 = vector.shape_cast %swap3A_169 : vector<1x1x16xf32> to vector<16xf32>
        %swap3A_171 = vector.shape_cast %exp3A : vector<16xf32> to vector<1x1x16xf32>
        tpu.vector_store %arg5[%swap3A, %swap3A_167, %swap3A_168], %swap3A_171 {strides = array<i32>} : memref<2x128x128xf32, #tpu.memory_space<vmem>>, vector<1x1x16xf32>,
        %get3A_172 = arith.index_cast %rem3A_114 : i32 to index
        %get3A_173 = arith.index_cast %scan3A_161 : i32 to index
        %get3A_174 = arith.constant 16 : index
        %get3A_175 = tpu.vector_load %arg5[%get3A_172, %get3A_173, %get3A_174] {strides = array<i32>} : memref<2x128x128xf32, #tpu.memory_space<vmem>>, vector<1x1x16xf32>,
        %get3A_176 = vector.shape_cast %get3A_175 : vector<1x1x16xf32> to vector<16xf32>
        %exp3A_177 = math.exp %get3A_176 : vector<16xf32>
        %swap3A_178 = arith.index_cast %rem3A_114 : i32 to index
        %swap3A_179 = arith.index_cast %scan3A_161 : i32 to index
        %swap3A_180 = arith.constant 16 : index
        %swap3A_181 = tpu.vector_load %arg5[%swap3A_178, %swap3A_179, %swap3A_180] {strides = array<i32>} : memref<2x128x128xf32, #tpu.memory_space<vmem>>, vector<1x1x16xf32>,
        %swap3A_182 = vector.shape_cast %swap3A_181 : vector<1x1x16xf32> to vector<16xf32>
        %swap3A_183 = vector.shape_cast %exp3A_177 : vector<16xf32> to vector<1x1x16xf32>
        tpu.vector_store %arg5[%swap3A_178, %swap3A_179, %swap3A_180], %swap3A_183 {strides = array<i32>} : memref<2x128x128xf32, #tpu.memory_space<vmem>>, vector<1x1x16xf32>,
        %get3A_184 = arith.index_cast %rem3A_114 : i32 to index
        %get3A_185 = arith.index_cast %scan3A_161 : i32 to index
        %get3A_186 = arith.constant 32 : index
        %get3A_187 = tpu.vector_load %arg5[%get3A_184, %get3A_185, %get3A_186] {strides = array<i32>} : memref<2x128x128xf32, #tpu.memory_space<vmem>>, vector<1x1x16xf32>,
        %get3A_188 = vector.shape_cast %get3A_187 : vector<1x1x16xf32> to vector<16xf32>
        %exp3A_189 = math.exp %get3A_188 : vector<16xf32>
        %swap3A_190 = arith.index_cast %rem3A_114 : i32 to index
        %swap3A_191 = arith.index_cast %scan3A_161 : i32 to index
        %swap3A_192 = arith.constant 32 : index
        %swap3A_193 = tpu.vector_load %arg5[%swap3A_190, %swap3A_191, %swap3A_192] {strides = array<i32>} : memref<2x128x128xf32, #tpu.memory_space<vmem>>, vector<1x1x16xf32>,
        %swap3A_194 = vector.shape_cast %swap3A_193 : vector<1x1x16xf32> to vector<16xf32>
        %swap3A_195 = vector.shape_cast %exp3A_189 : vector<16xf32> to vector<1x1x16xf32>
        tpu.vector_store %arg5[%swap3A_190, %swap3A_191, %swap3A_192], %swap3A_195 {strides = array<i32>} : memref<2x128x128xf32, #tpu.memory_space<vmem>>, vector<1x1x16xf32>,
        %get3A_196 = arith.index_cast %rem3A_114 : i32 to index
        %get3A_197 = arith.index_cast %scan3A_161 : i32 to index
        %get3A_198 = arith.constant 48 : index
        %get3A_199 = tpu.vector_load %arg5[%get3A_196, %get3A_197, %get3A_198] {strides = array<i32>} : memref<2x128x128xf32, #tpu.memory_space<vmem>>, vector<1x1x16xf32>,
        %get3A_200 = vector.shape_cast %get3A_199 : vector<1x1x16xf32> to vector<16xf32>
        %exp3A_201 = math.exp %get3A_200 : vector<16xf32>
        %swap3A_202 = arith.index_cast %rem3A_114 : i32 to index
        %swap3A_203 = arith.index_cast %scan3A_161 : i32 to index
        %swap3A_204 = arith.constant 48 : index
        %swap3A_205 = tpu.vector_load %arg5[%swap3A_202, %swap3A_203, %swap3A_204] {strides = array<i32>} : memref<2x128x128xf32, #tpu.memory_space<vmem>>, vector<1x1x16xf32>,
        %swap3A_206 = vector.shape_cast %swap3A_205 : vector<1x1x16xf32> to vector<16xf32>
        %swap3A_207 = vector.shape_cast %exp3A_201 : vector<16xf32> to vector<1x1x16xf32>
        tpu.vector_store %arg5[%swap3A_202, %swap3A_203, %swap3A_204], %swap3A_207 {strides = array<i32>} : memref<2x128x128xf32, #tpu.memory_space<vmem>>, vector<1x1x16xf32>,
        %get3A_208 = arith.index_cast %rem3A_114 : i32 to index
        %get3A_209 = arith.index_cast %scan3A_161 : i32 to index
        %get3A_210 = arith.constant 64 : index
        %get3A_211 = tpu.vector_load %arg5[%get3A_208, %get3A_209, %get3A_210] {strides = array<i32>} : memref<2x128x128xf32, #tpu.memory_space<vmem>>, vector<1x1x16xf32>,
        %get3A_212 = vector.shape_cast %get3A_211 : vector<1x1x16xf32> to vector<16xf32>
        %exp3A_213 = math.exp %get3A_212 : vector<16xf32>
        %swap3A_214 = arith.index_cast %rem3A_114 : i32 to index
        %swap3A_215 = arith.index_cast %scan3A_161 : i32 to index
        %swap3A_216 = arith.constant 64 : index
        %swap3A_217 = tpu.vector_load %arg5[%swap3A_214, %swap3A_215, %swap3A_216] {strides = array<i32>} : memref<2x128x128xf32, #tpu.memory_space<vmem>>, vector<1x1x16xf32>,
        %swap3A_218 = vector.shape_cast %swap3A_217 : vector<1x1x16xf32> to vector<16xf32>
        %swap3A_219 = vector.shape_cast %exp3A_213 : vector<16xf32> to vector<1x1x16xf32>
        tpu.vector_store %arg5[%swap3A_214, %swap3A_215, %swap3A_216], %swap3A_219 {strides = array<i32>} : memref<2x128x128xf32, #tpu.memory_space<vmem>>, vector<1x1x16xf32>,
        %get3A_220 = arith.index_cast %rem3A_114 : i32 to index
        %get3A_221 = arith.index_cast %scan3A_161 : i32 to index
        %get3A_222 = arith.constant 80 : index
        %get3A_223 = tpu.vector_load %arg5[%get3A_220, %get3A_221, %get3A_222] {strides = array<i32>} : memref<2x128x128xf32, #tpu.memory_space<vmem>>, vector<1x1x16xf32>,
        %get3A_224 = vector.shape_cast %get3A_223 : vector<1x1x16xf32> to vector<16xf32>
        %exp3A_225 = math.exp %get3A_224 : vector<16xf32>
        %swap3A_226 = arith.index_cast %rem3A_114 : i32 to index
        %swap3A_227 = arith.index_cast %scan3A_161 : i32 to index
        %swap3A_228 = arith.constant 80 : index
        %swap3A_229 = tpu.vector_load %arg5[%swap3A_226, %swap3A_227, %swap3A_228] {strides = array<i32>} : memref<2x128x128xf32, #tpu.memory_space<vmem>>, vector<1x1x16xf32>,
        %swap3A_230 = vector.shape_cast %swap3A_229 : vector<1x1x16xf32> to vector<16xf32>
        %swap3A_231 = vector.shape_cast %exp3A_225 : vector<16xf32> to vector<1x1x16xf32>
        tpu.vector_store %arg5[%swap3A_226, %swap3A_227, %swap3A_228], %swap3A_231 {strides = array<i32>} : memref<2x128x128xf32, #tpu.memory_space<vmem>>, vector<1x1x16xf32>,
        %get3A_232 = arith.index_cast %rem3A_114 : i32 to index
        %get3A_233 = arith.index_cast %scan3A_161 : i32 to index
        %get3A_234 = arith.constant 96 : index
        %get3A_235 = tpu.vector_load %arg5[%get3A_232, %get3A_233, %get3A_234] {strides = array<i32>} : memref<2x128x128xf32, #tpu.memory_space<vmem>>, vector<1x1x16xf32>,
        %get3A_236 = vector.shape_cast %get3A_235 : vector<1x1x16xf32> to vector<16xf32>
        %exp3A_237 = math.exp %get3A_236 : vector<16xf32>
        %swap3A_238 = arith.index_cast %rem3A_114 : i32 to index
        %swap3A_239 = arith.index_cast %scan3A_161 : i32 to index
        %swap3A_240 = arith.constant 96 : index
        %swap3A_241 = tpu.vector_load %arg5[%swap3A_238, %swap3A_239, %swap3A_240] {strides = array<i32>} : memref<2x128x128xf32, #tpu.memory_space<vmem>>, vector<1x1x16xf32>,
        %swap3A_242 = vector.shape_cast %swap3A_241 : vector<1x1x16xf32> to vector<16xf32>
        %swap3A_243 = vector.shape_cast %exp3A_237 : vector<16xf32> to vector<1x1x16xf32>
        tpu.vector_store %arg5[%swap3A_238, %swap3A_239, %swap3A_240], %swap3A_243 {strides = array<i32>} : memref<2x128x128xf32, #tpu.memory_space<vmem>>, vector<1x1x16xf32>,
        %get3A_244 = arith.index_cast %rem3A_114 : i32 to index
        %get3A_245 = arith.index_cast %scan3A_161 : i32 to index
        %get3A_246 = arith.constant 112 : index
        %get3A_247 = tpu.vector_load %arg5[%get3A_244, %get3A_245, %get3A_246] {strides = array<i32>} : memref<2x128x128xf32, #tpu.memory_space<vmem>>, vector<1x1x16xf32>,
        %get3A_248 = vector.shape_cast %get3A_247 : vector<1x1x16xf32> to vector<16xf32>
        %exp3A_249 = math.exp %get3A_248 : vector<16xf32>
        %swap3A_250 = arith.index_cast %rem3A_114 : i32 to index
        %swap3A_251 = arith.index_cast %scan3A_161 : i32 to index
        %swap3A_252 = arith.constant 112 : index
        %swap3A_253 = tpu.vector_load %arg5[%swap3A_250, %swap3A_251, %swap3A_252] {strides = array<i32>} : memref<2x128x128xf32, #tpu.memory_space<vmem>>, vector<1x1x16xf32>,
        %swap3A_254 = vector.shape_cast %swap3A_253 : vector<1x1x16xf32> to vector<16xf32>
        %swap3A_255 = vector.shape_cast %exp3A_249 : vector<16xf32> to vector<1x1x16xf32>
        tpu.vector_store %arg5[%swap3A_250, %swap3A_251, %swap3A_252], %swap3A_255 {strides = array<i32>} : memref<2x128x128xf32, #tpu.memory_space<vmem>>, vector<1x1x16xf32>,
        %scan3A_256 = arith.constant 0 : i32
        %scan3A_257 = arith.constant 1 : i32
        %scan3A_258 = arith.addi %scan3A_161, %scan3A_257 : i32
        %get3A_259 = arith.index_cast %rem3A_114 : i32 to index
        %get3A_260 = arith.index_cast %scan3A_258 : i32 to index
        %get3A_261 = arith.constant 0 : index
        %get3A_262 = tpu.vector_load %arg5[%get3A_259, %get3A_260, %get3A_261] {strides = array<i32>} : memref<2x128x128xf32, #tpu.memory_space<vmem>>, vector<1x1x16xf32>,
        %get3A_263 = vector.shape_cast %get3A_262 : vector<1x1x16xf32> to vector<16xf32>
        %exp3A_264 = math.exp %get3A_263 : vector<16xf32>
        %swap3A_265 = arith.index_cast %rem3A_114 : i32 to index
        %swap3A_266 = arith.index_cast %scan3A_258 : i32 to index
        %swap3A_267 = arith.constant 0 : index
        %swap3A_268 = tpu.vector_load %arg5[%swap3A_265, %swap3A_266, %swap3A_267] {strides = array<i32>} : memref<2x128x128xf32, #tpu.memory_space<vmem>>, vector<1x1x16xf32>,
        %swap3A_269 = vector.shape_cast %swap3A_268 : vector<1x1x16xf32> to vector<16xf32>
        %swap3A_270 = vector.shape_cast %exp3A_264 : vector<16xf32> to vector<1x1x16xf32>
        tpu.vector_store %arg5[%swap3A_265, %swap3A_266, %swap3A_267], %swap3A_270 {strides = array<i32>} : memref<2x128x128xf32, #tpu.memory_space<vmem>>, vector<1x1x16xf32>,
        %get3A_271 = arith.index_cast %rem3A_114 : i32 to index
        %get3A_272 = arith.index_cast %scan3A_258 : i32 to index
        %get3A_273 = arith.constant 16 : index
        %get3A_274 = tpu.vector_load %arg5[%get3A_271, %get3A_272, %get3A_273] {strides = array<i32>} : memref<2x128x128xf32, #tpu.memory_space<vmem>>, vector<1x1x16xf32>,
        %get3A_275 = vector.shape_cast %get3A_274 : vector<1x1x16xf32> to vector<16xf32>
        %exp3A_276 = math.exp %get3A_275 : vector<16xf32>
        %swap3A_277 = arith.index_cast %rem3A_114 : i32 to index
        %swap3A_278 = arith.index_cast %scan3A_258 : i32 to index
        %swap3A_279 = arith.constant 16 : index
        %swap3A_280 = tpu.vector_load %arg5[%swap3A_277, %swap3A_278, %swap3A_279] {strides = array<i32>} : memref<2x128x128xf32, #tpu.memory_space<vmem>>, vector<1x1x16xf32>,
        %swap3A_281 = vector.shape_cast %swap3A_280 : vector<1x1x16xf32> to vector<16xf32>
        %swap3A_282 = vector.shape_cast %exp3A_276 : vector<16xf32> to vector<1x1x16xf32>
        tpu.vector_store %arg5[%swap3A_277, %swap3A_278, %swap3A_279], %swap3A_282 {strides = array<i32>} : memref<2x128x128xf32, #tpu.memory_space<vmem>>, vector<1x1x16xf32>,
        %get3A_283 = arith.index_cast %rem3A_114 : i32 to index
        %get3A_284 = arith.index_cast %scan3A_258 : i32 to index
        %get3A_285 = arith.constant 32 : index
        %get3A_286 = tpu.vector_load %arg5[%get3A_283, %get3A_284, %get3A_285] {strides = array<i32>} : memref<2x128x128xf32, #tpu.memory_space<vmem>>, vector<1x1x16xf32>,
        %get3A_287 = vector.shape_cast %get3A_286 : vector<1x1x16xf32> to vector<16xf32>
        %exp3A_288 = math.exp %get3A_287 : vector<16xf32>
        %swap3A_289 = arith.index_cast %rem3A_114 : i32 to index
        %swap3A_290 = arith.index_cast %scan3A_258 : i32 to index
        %swap3A_291 = arith.constant 32 : index
        %swap3A_292 = tpu.vector_load %arg5[%swap3A_289, %swap3A_290, %swap3A_291] {strides = array<i32>} : memref<2x128x128xf32, #tpu.memory_space<vmem>>, vector<1x1x16xf32>,
        %swap3A_293 = vector.shape_cast %swap3A_292 : vector<1x1x16xf32> to vector<16xf32>
        %swap3A_294 = vector.shape_cast %exp3A_288 : vector<16xf32> to vector<1x1x16xf32>
        tpu.vector_store %arg5[%swap3A_289, %swap3A_290, %swap3A_291], %swap3A_294 {strides = array<i32>} : memref<2x128x128xf32, #tpu.memory_space<vmem>>, vector<1x1x16xf32>,
        %get3A_295 = arith.index_cast %rem3A_114 : i32 to index
        %get3A_296 = arith.index_cast %scan3A_258 : i32 to index
        %get3A_297 = arith.constant 48 : index
        %get3A_298 = tpu.vector_load %arg5[%get3A_295, %get3A_296, %get3A_297] {strides = array<i32>} : memref<2x128x128xf32, #tpu.memory_space<vmem>>, vector<1x1x16xf32>,
        %get3A_299 = vector.shape_cast %get3A_298 : vector<1x1x16xf32> to vector<16xf32>
        %exp3A_300 = math.exp %get3A_299 : vector<16xf32>
        %swap3A_301 = arith.index_cast %rem3A_114 : i32 to index
        %swap3A_302 = arith.index_cast %scan3A_258 : i32 to index
        %swap3A_303 = arith.constant 48 : index
        %swap3A_304 = tpu.vector_load %arg5[%swap3A_301, %swap3A_302, %swap3A_303] {strides = array<i32>} : memref<2x128x128xf32, #tpu.memory_space<vmem>>, vector<1x1x16xf32>,
        %swap3A_305 = vector.shape_cast %swap3A_304 : vector<1x1x16xf32> to vector<16xf32>
        %swap3A_306 = vector.shape_cast %exp3A_300 : vector<16xf32> to vector<1x1x16xf32>
        tpu.vector_store %arg5[%swap3A_301, %swap3A_302, %swap3A_303], %swap3A_306 {strides = array<i32>} : memref<2x128x128xf32, #tpu.memory_space<vmem>>, vector<1x1x16xf32>,
        %get3A_307 = arith.index_cast %rem3A_114 : i32 to index
        %get3A_308 = arith.index_cast %scan3A_258 : i32 to index
        %get3A_309 = arith.constant 64 : index
        %get3A_310 = tpu.vector_load %arg5[%get3A_307, %get3A_308, %get3A_309] {strides = array<i32>} : memref<2x128x128xf32, #tpu.memory_space<vmem>>, vector<1x1x16xf32>,
        %get3A_311 = vector.shape_cast %get3A_310 : vector<1x1x16xf32> to vector<16xf32>
        %exp3A_312 = math.exp %get3A_311 : vector<16xf32>
        %swap3A_313 = arith.index_cast %rem3A_114 : i32 to index
        %swap3A_314 = arith.index_cast %scan3A_258 : i32 to index
        %swap3A_315 = arith.constant 64 : index
        %swap3A_316 = tpu.vector_load %arg5[%swap3A_313, %swap3A_314, %swap3A_315] {strides = array<i32>} : memref<2x128x128xf32, #tpu.memory_space<vmem>>, vector<1x1x16xf32>,
        %swap3A_317 = vector.shape_cast %swap3A_316 : vector<1x1x16xf32> to vector<16xf32>
        %swap3A_318 = vector.shape_cast %exp3A_312 : vector<16xf32> to vector<1x1x16xf32>
        tpu.vector_store %arg5[%swap3A_313, %swap3A_314, %swap3A_315], %swap3A_318 {strides = array<i32>} : memref<2x128x128xf32, #tpu.memory_space<vmem>>, vector<1x1x16xf32>,
        %get3A_319 = arith.index_cast %rem3A_114 : i32 to index
        %get3A_320 = arith.index_cast %scan3A_258 : i32 to index
        %get3A_321 = arith.constant 80 : index
        %get3A_322 = tpu.vector_load %arg5[%get3A_319, %get3A_320, %get3A_321] {strides = array<i32>} : memref<2x128x128xf32, #tpu.memory_space<vmem>>, vector<1x1x16xf32>,
        %get3A_323 = vector.shape_cast %get3A_322 : vector<1x1x16xf32> to vector<16xf32>
        %exp3A_324 = math.exp %get3A_323 : vector<16xf32>
        %swap3A_325 = arith.index_cast %rem3A_114 : i32 to index
        %swap3A_326 = arith.index_cast %scan3A_258 : i32 to index
        %swap3A_327 = arith.constant 80 : index
        %swap3A_328 = tpu.vector_load %arg5[%swap3A_325, %swap3A_326, %swap3A_327] {strides = array<i32>} : memref<2x128x128xf32, #tpu.memory_space<vmem>>, vector<1x1x16xf32>,
        %swap3A_329 = vector.shape_cast %swap3A_328 : vector<1x1x16xf32> to vector<16xf32>
        %swap3A_330 = vector.shape_cast %exp3A_324 : vector<16xf32> to vector<1x1x16xf32>
        tpu.vector_store %arg5[%swap3A_325, %swap3A_326, %swap3A_327], %swap3A_330 {strides = array<i32>} : memref<2x128x128xf32, #tpu.memory_space<vmem>>, vector<1x1x16xf32>,
        %get3A_331 = arith.index_cast %rem3A_114 : i32 to index
        %get3A_332 = arith.index_cast %scan3A_258 : i32 to index
        %get3A_333 = arith.constant 96 : index
        %get3A_334 = tpu.vector_load %arg5[%get3A_331, %get3A_332, %get3A_333] {strides = array<i32>} : memref<2x128x128xf32, #tpu.memory_space<vmem>>, vector<1x1x16xf32>,
        %get3A_335 = vector.shape_cast %get3A_334 : vector<1x1x16xf32> to vector<16xf32>
        %exp3A_336 = math.exp %get3A_335 : vector<16xf32>
        %swap3A_337 = arith.index_cast %rem3A_114 : i32 to index
        %swap3A_338 = arith.index_cast %scan3A_258 : i32 to index
        %swap3A_339 = arith.constant 96 : index
        %swap3A_340 = tpu.vector_load %arg5[%swap3A_337, %swap3A_338, %swap3A_339] {strides = array<i32>} : memref<2x128x128xf32, #tpu.memory_space<vmem>>, vector<1x1x16xf32>,
        %swap3A_341 = vector.shape_cast %swap3A_340 : vector<1x1x16xf32> to vector<16xf32>
        %swap3A_342 = vector.shape_cast %exp3A_336 : vector<16xf32> to vector<1x1x16xf32>
        tpu.vector_store %arg5[%swap3A_337, %swap3A_338, %swap3A_339], %swap3A_342 {strides = array<i32>} : memref<2x128x128xf32, #tpu.memory_space<vmem>>, vector<1x1x16xf32>,
        %get3A_343 = arith.index_cast %rem3A_114 : i32 to index
        %get3A_344 = arith.index_cast %scan3A_258 : i32 to index
        %get3A_345 = arith.constant 112 : index
        %get3A_346 = tpu.vector_load %arg5[%get3A_343, %get3A_344, %get3A_345] {strides = array<i32>} : memref<2x128x128xf32, #tpu.memory_space<vmem>>, vector<1x1x16xf32>,
        %get3A_347 = vector.shape_cast %get3A_346 : vector<1x1x16xf32> to vector<16xf32>
        %exp3A_348 = math.exp %get3A_347 : vector<16xf32>
        %swap3A_349 = arith.index_cast %rem3A_114 : i32 to index
        %swap3A_350 = arith.index_cast %scan3A_258 : i32 to index
        %swap3A_351 = arith.constant 112 : index
        %swap3A_352 = tpu.vector_load %arg5[%swap3A_349, %swap3A_350, %swap3A_351] {strides = array<i32>} : memref<2x128x128xf32, #tpu.memory_space<vmem>>, vector<1x1x16xf32>,
        %swap3A_353 = vector.shape_cast %swap3A_352 : vector<1x1x16xf32> to vector<16xf32>
        %swap3A_354 = vector.shape_cast %exp3A_348 : vector<16xf32> to vector<1x1x16xf32>
        tpu.vector_store %arg5[%swap3A_349, %swap3A_350, %swap3A_351], %swap3A_354 {strides = array<i32>} : memref<2x128x128xf32, #tpu.memory_space<vmem>>, vector<1x1x16xf32>,
        %scan3A_355 = arith.constant 0 : i32
        scf.yield %scan3A_355 : i32
      }
      %scan3A_148 = arith.constant 128 : i32
      %dma_start3A_149 = arith.constant 0 : i32
      %dma_start3A_150 = arith.constant 0 : i32
      %dma_start3A_151 = arith.constant 0 : i32
      %dma_start3A_152 = tpu.memref_slice %arg5[%rem3A_114, %dma_start3A_150, %dma_start3A_151] : memref<2x128x128xf32, #tpu.memory_space<vmem>> -> memref<1x128x128xf32, #tpu.memory_space<vmem>>
      %dma_start3A_153 = tpu.memref_squeeze %dma_start3A_152 : memref<1x128x128xf32, #tpu.memory_space<vmem>> -> memref<128x128xf32, #tpu.memory_space<vmem>>
      %dma_start3A_154 = arith.constant 0 : i32
      %dma_start3A_155 = tpu.memref_slice %arg6[%while3A_112, %dma_start3A_149, %dma_start3A_154] : memref<80x1x128xi32, #tpu.memory_space<vmem>> -> memref<1x1x128xi32, #tpu.memory_space<vmem>>
      %dma_start3A_156 = tpu.memref_squeeze %dma_start3A_155 : memref<1x1x128xi32, #tpu.memory_space<vmem>> -> memref<128xi32, #tpu.memory_space<vmem>>
      %dma_start3A_157 = arith.constant 0 : i32
      %dma_start3A_158 = arith.constant 0 : i32
      %dma_start3A_159 = tpu.memref_slice %arg7[%dma_start3A_157, %dma_start3A_158] : memref<10240x128xf32, #tpu.memory_space<vmem_shared>> -> memref<10240x128xf32, #tpu.memory_space<vmem_shared>>
      tpu.enqueue_indirect_dma source(%dma_start3A_153 : memref<128x128xf32, #tpu.memory_space<vmem>>) target(%dma_start3A_159 : memref<10240x128xf32, #tpu.memory_space<vmem_shared>>) offsets(%dma_start3A_156 : memref<128xi32, #tpu.memory_space<vmem>>) semaphore(%arg9 : memref<!tpu.dma_semaphore, #tpu.memory_space<semaphore_mem>>) {add = true}
      %while3A_160 = arith.constant 0 : i32
      scf.yield %while3A_160 : i32
    }
    %dma_wait3A = arith.constant 0 : i32
    %dma_wait3A_67 = arith.constant 0 : i32
    %dma_wait3A_68 = arith.constant 0 : i32
    %dma_wait3A_69 = tpu.memref_slice %arg5[%dma_wait3A, %dma_wait3A_67, %dma_wait3A_68] : memref<2x128x128xf32, #tpu.memory_space<vmem>> -> memref<1x128x128xf32, #tpu.memory_space<vmem>>
    %dma_wait3A_70 = tpu.memref_squeeze %dma_wait3A_69 : memref<1x128x128xf32, #tpu.memory_space<vmem>> -> memref<128x128xf32, #tpu.memory_space<vmem>>
    %dma_wait3A_71 = arith.constant 0 : i32
    %dma_wait3A_72 = arith.constant 0 : i32
    %dma_wait3A_73 = tpu.memref_slice %arg7[%dma_wait3A_71, %dma_wait3A_72] : memref<10240x128xf32, #tpu.memory_space<vmem_shared>> -> memref<128x128xf32, #tpu.memory_space<vmem_shared>>
    %dma_wait3A_74 = arith.constant 0 : i32
    %dma_wait3A_75 = arith.constant 0 : i32
    %dma_wait3A_76 = tpu.memref_slice %arg7[%dma_wait3A_74, %dma_wait3A_75] : memref<10240x128xf32, #tpu.memory_space<vmem_shared>> -> memref<128x128xf32, #tpu.memory_space<vmem_shared>>
    %dma_wait3A_77 = arith.constant 0 : i32
    %dma_wait3A_78 = arith.constant 0 : i32
    %dma_wait3A_79 = tpu.memref_slice %arg5[%dma_wait3A, %dma_wait3A_77, %dma_wait3A_78] : memref<2x128x128xf32, #tpu.memory_space<vmem>> -> memref<1x128x128xf32, #tpu.memory_space<vmem>>
    %dma_wait3A_80 = tpu.memref_squeeze %dma_wait3A_79 : memref<1x128x128xf32, #tpu.memory_space<vmem>> -> memref<128x128xf32, #tpu.memory_space<vmem>>
    tpu.wait_dma2 semaphore(%arg9 : memref<!tpu.dma_semaphore, #tpu.memory_space<semaphore_mem>>) src(%dma_wait3A_80 : memref<128x128xf32, #tpu.memory_space<vmem>>) dst(%dma_wait3A_76 : memref<128x128xf32, #tpu.memory_space<vmem_shared>>)
    %barrier3A_81 = arith.constant 0 : index
    tpu.barrier barrier_id(%barrier3A_81)
    %mul3A_82 = arith.constant 640 : i32
    %mul3A_83 = arith.muli %arg1, %mul3A_82 : i32
    %add3A_84 = arith.constant 0 : i32
    %add3A_85 = arith.addi %mul3A_83, %add3A_84 : i32
    %run_scoped3A_86 = arith.constant 0 : i32
    "tpu.region"() ({
      %run_scoped3A_112 = tpu.sem_alloc : memref<!tpu.dma_semaphore, #tpu.memory_space<semaphore_mem>>
      %dma_start3A_113 = arith.constant 0 : i32
      %dma_start3A_114 = arith.constant 0 : i32
      %dma_start3A_115 = tpu.memref_slice %arg5[%run_scoped3A_86, %dma_start3A_113, %dma_start3A_114] : memref<2x128x128xf32, #tpu.memory_space<vmem>> -> memref<1x128x128xf32, #tpu.memory_space<vmem>>
      %dma_start3A_116 = tpu.memref_squeeze %dma_start3A_115 : memref<1x128x128xf32, #tpu.memory_space<vmem>> -> memref<128x128xf32, #tpu.memory_space<vmem>>
      %dma_start3A_117 = arith.constant 0 : i32
      %dma_start3A_118 = tpu.memref_slice %arg7[%add3A_85, %dma_start3A_117] : memref<10240x128xf32, #tpu.memory_space<vmem_shared>> -> memref<128x128xf32, #tpu.memory_space<vmem_shared>>
      %dma_start3A_119 = arith.constant 0 : i32
      %dma_start3A_120 = arith.constant 0 : i32
      %dma_start3A_121 = tpu.memref_slice %arg5[%run_scoped3A_86, %dma_start3A_119, %dma_start3A_120] : memref<2x128x128xf32, #tpu.memory_space<vmem>> -> memref<1x128x128xf32, #tpu.memory_space<vmem>>
      %dma_start3A_122 = tpu.memref_squeeze %dma_start3A_121 : memref<1x128x128xf32, #tpu.memory_space<vmem>> -> memref<128x128xf32, #tpu.memory_space<vmem>>
      %dma_start3A_123 = arith.constant 0 : i32
      %dma_start3A_124 = tpu.memref_slice %arg7[%add3A_85, %dma_start3A_123] : memref<10240x128xf32, #tpu.memory_space<vmem_shared>> -> memref<128x128xf32, #tpu.memory_space<vmem_shared>>
      tpu.enqueue_dma source(%dma_start3A_124 : memref<128x128xf32, #tpu.memory_space<vmem_shared>>) target(%dma_start3A_122 : memref<128x128xf32, #tpu.memory_space<vmem>>) target_semaphore(%run_scoped3A_112 : memref<!tpu.dma_semaphore, #tpu.memory_space<semaphore_mem>>)
      %dma_wait3A_125 = arith.constant 0 : i32
      %dma_wait3A_126 = arith.constant 0 : i32
      %dma_wait3A_127 = tpu.memref_slice %arg5[%run_scoped3A_86, %dma_wait3A_125, %dma_wait3A_126] : memref<2x128x128xf32, #tpu.memory_space<vmem>> -> memref<1x128x128xf32, #tpu.memory_space<vmem>>
      %dma_wait3A_128 = tpu.memref_squeeze %dma_wait3A_127 : memref<1x128x128xf32, #tpu.memory_space<vmem>> -> memref<128x128xf32, #tpu.memory_space<vmem>>
      %dma_wait3A_129 = arith.constant 0 : i32
      %dma_wait3A_130 = tpu.memref_slice %arg7[%add3A_85, %dma_wait3A_129] : memref<10240x128xf32, #tpu.memory_space<vmem_shared>> -> memref<128x128xf32, #tpu.memory_space<vmem_shared>>
      %dma_wait3A_131 = arith.constant 0 : i32
      %dma_wait3A_132 = arith.constant 0 : i32
      %dma_wait3A_133 = tpu.memref_slice %arg5[%run_scoped3A_86, %dma_wait3A_131, %dma_wait3A_132] : memref<2x128x128xf32, #tpu.memory_space<vmem>> -> memref<1x128x128xf32, #tpu.memory_space<vmem>>
      %dma_wait3A_134 = tpu.memref_squeeze %dma_wait3A_133 : memref<1x128x128xf32, #tpu.memory_space<vmem>> -> memref<128x128xf32, #tpu.memory_space<vmem>>
      %dma_wait3A_135 = arith.constant 0 : i32
      %dma_wait3A_136 = tpu.memref_slice %arg7[%add3A_85, %dma_wait3A_135] : memref<10240x128xf32, #tpu.memory_space<vmem_shared>> -> memref<128x128xf32, #tpu.memory_space<vmem_shared>>
      tpu.wait_dma2 semaphore(%run_scoped3A_112 : memref<!tpu.dma_semaphore, #tpu.memory_space<semaphore_mem>>) src(%dma_wait3A_136 : memref<128x128xf32, #tpu.memory_space<vmem_shared>>) dst(%dma_wait3A_134 : memref<128x128xf32, #tpu.memory_space<vmem>>)
      tpu.yield
    }) : () -> ()
    %run_scoped3A_87 = arith.constant 0 : i32
    "tpu.region"() ({
      %run_scoped3A_112 = tpu.sem_alloc : memref<!tpu.dma_semaphore, #tpu.memory_space<semaphore_mem>>
      %dma_start3A_113 = arith.constant 0 : i32
      %dma_start3A_114 = arith.constant 0 : i32
      %dma_start3A_115 = tpu.memref_slice %arg5[%run_scoped3A_87, %dma_start3A_113, %dma_start3A_114] : memref<2x128x128xf32, #tpu.memory_space<vmem>> -> memref<1x128x128xf32, #tpu.memory_space<vmem>>
      %dma_start3A_116 = tpu.memref_squeeze %dma_start3A_115 : memref<1x128x128xf32, #tpu.memory_space<vmem>> -> memref<128x128xf32, #tpu.memory_space<vmem>>
      %dma_start3A_117 = arith.constant 0 : i32
      %dma_start3A_118 = tpu.memref_slice %arg4[%arg0, %add3A_85, %dma_start3A_117] : memref<2x10240x128xf32, #tpu.memory_space<hbm>> -> memref<1x128x128xf32, #tpu.memory_space<hbm>>
      %dma_start3A_119 = tpu.memref_squeeze %dma_start3A_118 : memref<1x128x128xf32, #tpu.memory_space<hbm>> -> memref<128x128xf32, #tpu.memory_space<hbm>>
      %dma_start3A_120 = arith.constant 0 : i32
      %dma_start3A_121 = tpu.memref_slice %arg4[%arg0, %add3A_85, %dma_start3A_120] : memref<2x10240x128xf32, #tpu.memory_space<hbm>> -> memref<1x128x128xf32, #tpu.memory_space<hbm>>
      %dma_start3A_122 = tpu.memref_squeeze %dma_start3A_121 : memref<1x128x128xf32, #tpu.memory_space<hbm>> -> memref<128x128xf32, #tpu.memory_space<hbm>>
      %dma_start3A_123 = arith.constant 0 : i32
      %dma_start3A_124 = arith.constant 0 : i32
      %dma_start3A_125 = tpu.memref_slice %arg5[%run_scoped3A_87, %dma_start3A_123, %dma_start3A_124] : memref<2x128x128xf32, #tpu.memory_space<vmem>> -> memref<1x128x128xf32, #tpu.memory_space<vmem>>
      %dma_start3A_126 = tpu.memref_squeeze %dma_start3A_125 : memref<1x128x128xf32, #tpu.memory_space<vmem>> -> memref<128x128xf32, #tpu.memory_space<vmem>>
      tpu.enqueue_dma source(%dma_start3A_126 : memref<128x128xf32, #tpu.memory_space<vmem>>) target(%dma_start3A_122 : memref<128x128xf32, #tpu.memory_space<hbm>>) target_semaphore(%run_scoped3A_112 : memref<!tpu.dma_semaphore, #tpu.memory_space<semaphore_mem>>)
      %dma_wait3A_127 = arith.constant 0 : i32
      %dma_wait3A_128 = arith.constant 0 : i32
      %dma_wait3A_129 = tpu.memref_slice %arg5[%run_scoped3A_87, %dma_wait3A_127, %dma_wait3A_128] : memref<2x128x128xf32, #tpu.memory_space<vmem>> -> memref<1x128x128xf32, #tpu.memory_space<vmem>>
      %dma_wait3A_130 = tpu.memref_squeeze %dma_wait3A_129 : memref<1x128x128xf32, #tpu.memory_space<vmem>> -> memref<128x128xf32, #tpu.memory_space<vmem>>
      %dma_wait3A_131 = arith.constant 0 : i32
      %dma_wait3A_132 = tpu.memref_slice %arg4[%arg0, %add3A_85, %dma_wait3A_131] : memref<2x10240x128xf32, #tpu.memory_space<hbm>> -> memref<1x128x128xf32, #tpu.memory_space<hbm>>
      %dma_wait3A_133 = tpu.memref_squeeze %dma_wait3A_132 : memref<1x128x128xf32, #tpu.memory_space<hbm>> -> memref<128x128xf32, #tpu.memory_space<hbm>>
      %dma_wait3A_134 = arith.constant 0 : i32
      %dma_wait3A_135 = tpu.memref_slice %arg4[%arg0, %add3A_85, %dma_wait3A_134] : memref<2x10240x128xf32, #tpu.memory_space<hbm>> -> memref<1x128x128xf32, #tpu.memory_space<hbm>>
      %dma_wait3A_136 = tpu.memref_squeeze %dma_wait3A_135 : memref<1x128x128xf32, #tpu.memory_space<hbm>> -> memref<128x128xf32, #tpu.memory_space<hbm>>
      %dma_wait3A_137 = arith.constant 0 : i32
      %dma_wait3A_138 = arith.constant 0 : i32
      %dma_wait3A_139 = tpu.memref_slice %arg5[%run_scoped3A_87, %dma_wait3A_137, %dma_wait3A_138] : memref<2x128x128xf32, #tpu.memory_space<vmem>> -> memref<1x128x128xf32, #tpu.memory_space<vmem>>
      %dma_wait3A_140 = tpu.memref_squeeze %dma_wait3A_139 : memref<1x128x128xf32, #tpu.memory_space<vmem>> -> memref<128x128xf32, #tpu.memory_space<vmem>>
      tpu.wait_dma2 semaphore(%run_scoped3A_112 : memref<!tpu.dma_semaphore, #tpu.memory_space<semaphore_mem>>) src(%dma_wait3A_140 : memref<128x128xf32, #tpu.memory_space<vmem>>) dst(%dma_wait3A_136 : memref<128x128xf32, #tpu.memory_space<hbm>>)
      tpu.yield
    }) : () -> ()
    %mul3A_88 = arith.constant 640 : i32
    %mul3A_89 = arith.muli %arg1, %mul3A_88 : i32
    %add3A_90 = arith.constant 128 : i32
    %add3A_91 = arith.addi %mul3A_89, %add3A_90 : i32
    %run_scoped3A_92 = arith.constant 0 : i32
    "tpu.region"() ({
      %run_scoped3A_112 = tpu.sem_alloc : memref<!tpu.dma_semaphore, #tpu.memory_space<semaphore_mem>>
      %dma_start3A_113 = arith.constant 0 : i32
      %dma_start3A_114 = arith.constant 0 : i32
      %dma_start3A_115 = tpu.memref_slice %arg5[%run_scoped3A_92, %dma_start3A_113, %dma_start3A_114] : memref<2x128x128xf32, #tpu.memory_space<vmem>> -> memref<1x128x128xf32, #tpu.memory_space<vmem>>
      %dma_start3A_116 = tpu.memref_squeeze %dma_start3A_115 : memref<1x128x128xf32, #tpu.memory_space<vmem>> -> memref<128x128xf32, #tpu.memory_space<vmem>>
      %dma_start3A_117 = arith.constant 0 : i32
      %dma_start3A_118 = tpu.memref_slice %arg7[%add3A_91, %dma_start3A_117] : memref<10240x128xf32, #tpu.memory_space<vmem_shared>> -> memref<128x128xf32, #tpu.memory_space<vmem_shared>>
      %dma_start3A_119 = arith.constant 0 : i32
      %dma_start3A_120 = arith.constant 0 : i32
      %dma_start3A_121 = tpu.memref_slice %arg5[%run_scoped3A_92, %dma_start3A_119, %dma_start3A_120] : memref<2x128x128xf32, #tpu.memory_space<vmem>> -> memref<1x128x128xf32, #tpu.memory_space<vmem>>
      %dma_start3A_122 = tpu.memref_squeeze %dma_start3A_121 : memref<1x128x128xf32, #tpu.memory_space<vmem>> -> memref<128x128xf32, #tpu.memory_space<vmem>>
      %dma_start3A_123 = arith.constant 0 : i32
      %dma_start3A_124 = tpu.memref_slice %arg7[%add3A_91, %dma_start3A_123] : memref<10240x128xf32, #tpu.memory_space<vmem_shared>> -> memref<128x128xf32, #tpu.memory_space<vmem_shared>>
      tpu.enqueue_dma source(%dma_start3A_124 : memref<128x128xf32, #tpu.memory_space<vmem_shared>>) target(%dma_start3A_122 : memref<128x128xf32, #tpu.memory_space<vmem>>) target_semaphore(%run_scoped3A_112 : memref<!tpu.dma_semaphore, #tpu.memory_space<semaphore_mem>>)
      %dma_wait3A_125 = arith.constant 0 : i32
      %dma_wait3A_126 = arith.constant 0 : i32
      %dma_wait3A_127 = tpu.memref_slice %arg5[%run_scoped3A_92, %dma_wait3A_125, %dma_wait3A_126] : memref<2x128x128xf32, #tpu.memory_space<vmem>> -> memref<1x128x128xf32, #tpu.memory_space<vmem>>
      %dma_wait3A_128 = tpu.memref_squeeze %dma_wait3A_127 : memref<1x128x128xf32, #tpu.memory_space<vmem>> -> memref<128x128xf32, #tpu.memory_space<vmem>>
      %dma_wait3A_129 = arith.constant 0 : i32
      %dma_wait3A_130 = tpu.memref_slice %arg7[%add3A_91, %dma_wait3A_129] : memref<10240x128xf32, #tpu.memory_space<vmem_shared>> -> memref<128x128xf32, #tpu.memory_space<vmem_shared>>
      %dma_wait3A_131 = arith.constant 0 : i32
      %dma_wait3A_132 = arith.constant 0 : i32
      %dma_wait3A_133 = tpu.memref_slice %arg5[%run_scoped3A_92, %dma_wait3A_131, %dma_wait3A_132] : memref<2x128x128xf32, #tpu.memory_space<vmem>> -> memref<1x128x128xf32, #tpu.memory_space<vmem>>
      %dma_wait3A_134 = tpu.memref_squeeze %dma_wait3A_133 : memref<1x128x128xf32, #tpu.memory_space<vmem>> -> memref<128x128xf32, #tpu.memory_space<vmem>>
      %dma_wait3A_135 = arith.constant 0 : i32
      %dma_wait3A_136 = tpu.memref_slice %arg7[%add3A_91, %dma_wait3A_135] : memref<10240x128xf32, #tpu.memory_space<vmem_shared>> -> memref<128x128xf32, #tpu.memory_space<vmem_shared>>
      tpu.wait_dma2 semaphore(%run_scoped3A_112 : memref<!tpu.dma_semaphore, #tpu.memory_space<semaphore_mem>>) src(%dma_wait3A_136 : memref<128x128xf32, #tpu.memory_space<vmem_shared>>) dst(%dma_wait3A_134 : memref<128x128xf32, #tpu.memory_space<vmem>>)
      tpu.yield
    }) : () -> ()
    %run_scoped3A_93 = arith.constant 0 : i32
    "tpu.region"() ({
      %run_scoped3A_112 = tpu.sem_alloc : memref<!tpu.dma_semaphore, #tpu.memory_space<semaphore_mem>>
      %dma_start3A_113 = arith.constant 0 : i32
      %dma_start3A_114 = arith.constant 0 : i32
      %dma_start3A_115 = tpu.memref_slice %arg5[%run_scoped3A_93, %dma_start3A_113, %dma_start3A_114] : memref<2x128x128xf32, #tpu.memory_space<vmem>> -> memref<1x128x128xf32, #tpu.memory_space<vmem>>
      %dma_start3A_116 = tpu.memref_squeeze %dma_start3A_115 : memref<1x128x128xf32, #tpu.memory_space<vmem>> -> memref<128x128xf32, #tpu.memory_space<vmem>>
      %dma_start3A_117 = arith.constant 0 : i32
      %dma_start3A_118 = tpu.memref_slice %arg4[%arg0, %add3A_91, %dma_start3A_117] : memref<2x10240x128xf32, #tpu.memory_space<hbm>> -> memref<1x128x128xf32, #tpu.memory_space<hbm>>
      %dma_start3A_119 = tpu.memref_squeeze %dma_start3A_118 : memref<1x128x128xf32, #tpu.memory_space<hbm>> -> memref<128x128xf32, #tpu.memory_space<hbm>>
      %dma_start3A_120 = arith.constant 0 : i32
      %dma_start3A_121 = tpu.memref_slice %arg4[%arg0, %add3A_91, %dma_start3A_120] : memref<2x10240x128xf32, #tpu.memory_space<hbm>> -> memref<1x128x128xf32, #tpu.memory_space<hbm>>
      %dma_start3A_122 = tpu.memref_squeeze %dma_start3A_121 : memref<1x128x128xf32, #tpu.memory_space<hbm>> -> memref<128x128xf32, #tpu.memory_space<hbm>>
      %dma_start3A_123 = arith.constant 0 : i32
      %dma_start3A_124 = arith.constant 0 : i32
      %dma_start3A_125 = tpu.memref_slice %arg5[%run_scoped3A_93, %dma_start3A_123, %dma_start3A_124] : memref<2x128x128xf32, #tpu.memory_space<vmem>> -> memref<1x128x128xf32, #tpu.memory_space<vmem>>
      %dma_start3A_126 = tpu.memref_squeeze %dma_start3A_125 : memref<1x128x128xf32, #tpu.memory_space<vmem>> -> memref<128x128xf32, #tpu.memory_space<vmem>>
      tpu.enqueue_dma source(%dma_start3A_126 : memref<128x128xf32, #tpu.memory_space<vmem>>) target(%dma_start3A_122 : memref<128x128xf32, #tpu.memory_space<hbm>>) target_semaphore(%run_scoped3A_112 : memref<!tpu.dma_semaphore, #tpu.memory_space<semaphore_mem>>)
      %dma_wait3A_127 = arith.constant 0 : i32
      %dma_wait3A_128 = arith.constant 0 : i32
      %dma_wait3A_129 = tpu.memref_slice %arg5[%run_scoped3A_93, %dma_wait3A_127, %dma_wait3A_128] : memref<2x128x128xf32, #tpu.memory_space<vmem>> -> memref<1x128x128xf32, #tpu.memory_space<vmem>>
      %dma_wait3A_130 = tpu.memref_squeeze %dma_wait3A_129 : memref<1x128x128xf32, #tpu.memory_space<vmem>> -> memref<128x128xf32, #tpu.memory_space<vmem>>
      %dma_wait3A_131 = arith.constant 0 : i32
      %dma_wait3A_132 = tpu.memref_slice %arg4[%arg0, %add3A_91, %dma_wait3A_131] : memref<2x10240x128xf32, #tpu.memory_space<hbm>> -> memref<1x128x128xf32, #tpu.memory_space<hbm>>
      %dma_wait3A_133 = tpu.memref_squeeze %dma_wait3A_132 : memref<1x128x128xf32, #tpu.memory_space<hbm>> -> memref<128x128xf32, #tpu.memory_space<hbm>>
      %dma_wait3A_134 = arith.constant 0 : i32
      %dma_wait3A_135 = tpu.memref_slice %arg4[%arg0, %add3A_91, %dma_wait3A_134] : memref<2x10240x128xf32, #tpu.memory_space<hbm>> -> memref<1x128x128xf32, #tpu.memory_space<hbm>>
      %dma_wait3A_136 = tpu.memref_squeeze %dma_wait3A_135 : memref<1x128x128xf32, #tpu.memory_space<hbm>> -> memref<128x128xf32, #tpu.memory_space<hbm>>
      %dma_wait3A_137 = arith.constant 0 : i32
      %dma_wait3A_138 = arith.constant 0 : i32
      %dma_wait3A_139 = tpu.memref_slice %arg5[%run_scoped3A_93, %dma_wait3A_137, %dma_wait3A_138] : memref<2x128x128xf32, #tpu.memory_space<vmem>> -> memref<1x128x128xf32, #tpu.memory_space<vmem>>
      %dma_wait3A_140 = tpu.memref_squeeze %dma_wait3A_139 : memref<1x128x128xf32, #tpu.memory_space<vmem>> -> memref<128x128xf32, #tpu.memory_space<vmem>>
      tpu.wait_dma2 semaphore(%run_scoped3A_112 : memref<!tpu.dma_semaphore, #tpu.memory_space<semaphore_mem>>) src(%dma_wait3A_140 : memref<128x128xf32, #tpu.memory_space<vmem>>) dst(%dma_wait3A_136 : memref<128x128xf32, #tpu.memory_space<hbm>>)
      tpu.yield
    }) : () -> ()
    %mul3A_94 = arith.constant 640 : i32
    %mul3A_95 = arith.muli %arg1, %mul3A_94 : i32
    %add3A_96 = arith.constant 256 : i32
    %add3A_97 = arith.addi %mul3A_95, %add3A_96 : i32
    %run_scoped3A_98 = arith.constant 0 : i32
    "tpu.region"() ({
      %run_scoped3A_112 = tpu.sem_alloc : memref<!tpu.dma_semaphore, #tpu.memory_space<semaphore_mem>>
      %dma_start3A_113 = arith.constant 0 : i32
      %dma_start3A_114 = arith.constant 0 : i32
      %dma_start3A_115 = tpu.memref_slice %arg5[%run_scoped3A_98, %dma_start3A_113, %dma_start3A_114] : memref<2x128x128xf32, #tpu.memory_space<vmem>> -> memref<1x128x128xf32, #tpu.memory_space<vmem>>
      %dma_start3A_116 = tpu.memref_squeeze %dma_start3A_115 : memref<1x128x128xf32, #tpu.memory_space<vmem>> -> memref<128x128xf32, #tpu.memory_space<vmem>>
      %dma_start3A_117 = arith.constant 0 : i32
      %dma_start3A_118 = tpu.memref_slice %arg7[%add3A_97, %dma_start3A_117] : memref<10240x128xf32, #tpu.memory_space<vmem_shared>> -> memref<128x128xf32, #tpu.memory_space<vmem_shared>>
      %dma_start3A_119 = arith.constant 0 : i32
      %dma_start3A_120 = arith.constant 0 : i32
      %dma_start3A_121 = tpu.memref_slice %arg5[%run_scoped3A_98, %dma_start3A_119, %dma_start3A_120] : memref<2x128x128xf32, #tpu.memory_space<vmem>> -> memref<1x128x128xf32, #tpu.memory_space<vmem>>
      %dma_start3A_122 = tpu.memref_squeeze %dma_start3A_121 : memref<1x128x128xf32, #tpu.memory_space<vmem>> -> memref<128x128xf32, #tpu.memory_space<vmem>>
      %dma_start3A_123 = arith.constant 0 : i32
      %dma_start3A_124 = tpu.memref_slice %arg7[%add3A_97, %dma_start3A_123] : memref<10240x128xf32, #tpu.memory_space<vmem_shared>> -> memref<128x128xf32, #tpu.memory_space<vmem_shared>>
      tpu.enqueue_dma source(%dma_start3A_124 : memref<128x128xf32, #tpu.memory_space<vmem_shared>>) target(%dma_start3A_122 : memref<128x128xf32, #tpu.memory_space<vmem>>) target_semaphore(%run_scoped3A_112 : memref<!tpu.dma_semaphore, #tpu.memory_space<semaphore_mem>>)
      %dma_wait3A_125 = arith.constant 0 : i32
      %dma_wait3A_126 = arith.constant 0 : i32
      %dma_wait3A_127 = tpu.memref_slice %arg5[%run_scoped3A_98, %dma_wait3A_125, %dma_wait3A_126] : memref<2x128x128xf32, #tpu.memory_space<vmem>> -> memref<1x128x128xf32, #tpu.memory_space<vmem>>
      %dma_wait3A_128 = tpu.memref_squeeze %dma_wait3A_127 : memref<1x128x128xf32, #tpu.memory_space<vmem>> -> memref<128x128xf32, #tpu.memory_space<vmem>>
      %dma_wait3A_129 = arith.constant 0 : i32
      %dma_wait3A_130 = tpu.memref_slice %arg7[%add3A_97, %dma_wait3A_129] : memref<10240x128xf32, #tpu.memory_space<vmem_shared>> -> memref<128x128xf32, #tpu.memory_space<vmem_shared>>
      %dma_wait3A_131 = arith.constant 0 : i32
      %dma_wait3A_132 = arith.constant 0 : i32
      %dma_wait3A_133 = tpu.memref_slice %arg5[%run_scoped3A_98, %dma_wait3A_131, %dma_wait3A_132] : memref<2x128x128xf32, #tpu.memory_space<vmem>> -> memref<1x128x128xf32, #tpu.memory_space<vmem>>
      %dma_wait3A_134 = tpu.memref_squeeze %dma_wait3A_133 : memref<1x128x128xf32, #tpu.memory_space<vmem>> -> memref<128x128xf32, #tpu.memory_space<vmem>>
      %dma_wait3A_135 = arith.constant 0 : i32
      %dma_wait3A_136 = tpu.memref_slice %arg7[%add3A_97, %dma_wait3A_135] : memref<10240x128xf32, #tpu.memory_space<vmem_shared>> -> memref<128x128xf32, #tpu.memory_space<vmem_shared>>
      tpu.wait_dma2 semaphore(%run_scoped3A_112 : memref<!tpu.dma_semaphore, #tpu.memory_space<semaphore_mem>>) src(%dma_wait3A_136 : memref<128x128xf32, #tpu.memory_space<vmem_shared>>) dst(%dma_wait3A_134 : memref<128x128xf32, #tpu.memory_space<vmem>>)
      tpu.yield
    }) : () -> ()
    %run_scoped3A_99 = arith.constant 0 : i32
    "tpu.region"() ({
      %run_scoped3A_112 = tpu.sem_alloc : memref<!tpu.dma_semaphore, #tpu.memory_space<semaphore_mem>>
      %dma_start3A_113 = arith.constant 0 : i32
      %dma_start3A_114 = arith.constant 0 : i32
      %dma_start3A_115 = tpu.memref_slice %arg5[%run_scoped3A_99, %dma_start3A_113, %dma_start3A_114] : memref<2x128x128xf32, #tpu.memory_space<vmem>> -> memref<1x128x128xf32, #tpu.memory_space<vmem>>
      %dma_start3A_116 = tpu.memref_squeeze %dma_start3A_115 : memref<1x128x128xf32, #tpu.memory_space<vmem>> -> memref<128x128xf32, #tpu.memory_space<vmem>>
      %dma_start3A_117 = arith.constant 0 : i32
      %dma_start3A_118 = tpu.memref_slice %arg4[%arg0, %add3A_97, %dma_start3A_117] : memref<2x10240x128xf32, #tpu.memory_space<hbm>> -> memref<1x128x128xf32, #tpu.memory_space<hbm>>
      %dma_start3A_119 = tpu.memref_squeeze %dma_start3A_118 : memref<1x128x128xf32, #tpu.memory_space<hbm>> -> memref<128x128xf32, #tpu.memory_space<hbm>>
      %dma_start3A_120 = arith.constant 0 : i32
      %dma_start3A_121 = tpu.memref_slice %arg4[%arg0, %add3A_97, %dma_start3A_120] : memref<2x10240x128xf32, #tpu.memory_space<hbm>> -> memref<1x128x128xf32, #tpu.memory_space<hbm>>
      %dma_start3A_122 = tpu.memref_squeeze %dma_start3A_121 : memref<1x128x128xf32, #tpu.memory_space<hbm>> -> memref<128x128xf32, #tpu.memory_space<hbm>>
      %dma_start3A_123 = arith.constant 0 : i32
      %dma_start3A_124 = arith.constant 0 : i32
      %dma_start3A_125 = tpu.memref_slice %arg5[%run_scoped3A_99, %dma_start3A_123, %dma_start3A_124] : memref<2x128x128xf32, #tpu.memory_space<vmem>> -> memref<1x128x128xf32, #tpu.memory_space<vmem>>
      %dma_start3A_126 = tpu.memref_squeeze %dma_start3A_125 : memref<1x128x128xf32, #tpu.memory_space<vmem>> -> memref<128x128xf32, #tpu.memory_space<vmem>>
      tpu.enqueue_dma source(%dma_start3A_126 : memref<128x128xf32, #tpu.memory_space<vmem>>) target(%dma_start3A_122 : memref<128x128xf32, #tpu.memory_space<hbm>>) target_semaphore(%run_scoped3A_112 : memref<!tpu.dma_semaphore, #tpu.memory_space<semaphore_mem>>)
      %dma_wait3A_127 = arith.constant 0 : i32
      %dma_wait3A_128 = arith.constant 0 : i32
      %dma_wait3A_129 = tpu.memref_slice %arg5[%run_scoped3A_99, %dma_wait3A_127, %dma_wait3A_128] : memref<2x128x128xf32, #tpu.memory_space<vmem>> -> memref<1x128x128xf32, #tpu.memory_space<vmem>>
      %dma_wait3A_130 = tpu.memref_squeeze %dma_wait3A_129 : memref<1x128x128xf32, #tpu.memory_space<vmem>> -> memref<128x128xf32, #tpu.memory_space<vmem>>
      %dma_wait3A_131 = arith.constant 0 : i32
      %dma_wait3A_132 = tpu.memref_slice %arg4[%arg0, %add3A_97, %dma_wait3A_131] : memref<2x10240x128xf32, #tpu.memory_space<hbm>> -> memref<1x128x128xf32, #tpu.memory_space<hbm>>
      %dma_wait3A_133 = tpu.memref_squeeze %dma_wait3A_132 : memref<1x128x128xf32, #tpu.memory_space<hbm>> -> memref<128x128xf32, #tpu.memory_space<hbm>>
      %dma_wait3A_134 = arith.constant 0 : i32
      %dma_wait3A_135 = tpu.memref_slice %arg4[%arg0, %add3A_97, %dma_wait3A_134] : memref<2x10240x128xf32, #tpu.memory_space<hbm>> -> memref<1x128x128xf32, #tpu.memory_space<hbm>>
      %dma_wait3A_136 = tpu.memref_squeeze %dma_wait3A_135 : memref<1x128x128xf32, #tpu.memory_space<hbm>> -> memref<128x128xf32, #tpu.memory_space<hbm>>
      %dma_wait3A_137 = arith.constant 0 : i32
      %dma_wait3A_138 = arith.constant 0 : i32
      %dma_wait3A_139 = tpu.memref_slice %arg5[%run_scoped3A_99, %dma_wait3A_137, %dma_wait3A_138] : memref<2x128x128xf32, #tpu.memory_space<vmem>> -> memref<1x128x128xf32, #tpu.memory_space<vmem>>
      %dma_wait3A_140 = tpu.memref_squeeze %dma_wait3A_139 : memref<1x128x128xf32, #tpu.memory_space<vmem>> -> memref<128x128xf32, #tpu.memory_space<vmem>>
      tpu.wait_dma2 semaphore(%run_scoped3A_112 : memref<!tpu.dma_semaphore, #tpu.memory_space<semaphore_mem>>) src(%dma_wait3A_140 : memref<128x128xf32, #tpu.memory_space<vmem>>) dst(%dma_wait3A_136 : memref<128x128xf32, #tpu.memory_space<hbm>>)
      tpu.yield
    }) : () -> ()
    %mul3A_100 = arith.constant 640 : i32
    %mul3A_101 = arith.muli %arg1, %mul3A_100 : i32
    %add3A_102 = arith.constant 384 : i32
    %add3A_103 = arith.addi %mul3A_101, %add3A_102 : i32
    %run_scoped3A_104 = arith.constant 0 : i32
    "tpu.region"() ({
      %run_scoped3A_112 = tpu.sem_alloc : memref<!tpu.dma_semaphore, #tpu.memory_space<semaphore_mem>>
      %dma_start3A_113 = arith.constant 0 : i32
      %dma_start3A_114 = arith.constant 0 : i32
      %dma_start3A_115 = tpu.memref_slice %arg5[%run_scoped3A_104, %dma_start3A_113, %dma_start3A_114] : memref<2x128x128xf32, #tpu.memory_space<vmem>> -> memref<1x128x128xf32, #tpu.memory_space<vmem>>
      %dma_start3A_116 = tpu.memref_squeeze %dma_start3A_115 : memref<1x128x128xf32, #tpu.memory_space<vmem>> -> memref<128x128xf32, #tpu.memory_space<vmem>>
      %dma_start3A_117 = arith.constant 0 : i32
      %dma_start3A_118 = tpu.memref_slice %arg7[%add3A_103, %dma_start3A_117] : memref<10240x128xf32, #tpu.memory_space<vmem_shared>> -> memref<128x128xf32, #tpu.memory_space<vmem_shared>>
      %dma_start3A_119 = arith.constant 0 : i32
      %dma_start3A_120 = arith.constant 0 : i32
      %dma_start3A_121 = tpu.memref_slice %arg5[%run_scoped3A_104, %dma_start3A_119, %dma_start3A_120] : memref<2x128x128xf32, #tpu.memory_space<vmem>> -> memref<1x128x128xf32, #tpu.memory_space<vmem>>
      %dma_start3A_122 = tpu.memref_squeeze %dma_start3A_121 : memref<1x128x128xf32, #tpu.memory_space<vmem>> -> memref<128x128xf32, #tpu.memory_space<vmem>>
      %dma_start3A_123 = arith.constant 0 : i32
      %dma_start3A_124 = tpu.memref_slice %arg7[%add3A_103, %dma_start3A_123] : memref<10240x128xf32, #tpu.memory_space<vmem_shared>> -> memref<128x128xf32, #tpu.memory_space<vmem_shared>>
      tpu.enqueue_dma source(%dma_start3A_124 : memref<128x128xf32, #tpu.memory_space<vmem_shared>>) target(%dma_start3A_122 : memref<128x128xf32, #tpu.memory_space<vmem>>) target_semaphore(%run_scoped3A_112 : memref<!tpu.dma_semaphore, #tpu.memory_space<semaphore_mem>>)
      %dma_wait3A_125 = arith.constant 0 : i32
      %dma_wait3A_126 = arith.constant 0 : i32
      %dma_wait3A_127 = tpu.memref_slice %arg5[%run_scoped3A_104, %dma_wait3A_125, %dma_wait3A_126] : memref<2x128x128xf32, #tpu.memory_space<vmem>> -> memref<1x128x128xf32, #tpu.memory_space<vmem>>
      %dma_wait3A_128 = tpu.memref_squeeze %dma_wait3A_127 : memref<1x128x128xf32, #tpu.memory_space<vmem>> -> memref<128x128xf32, #tpu.memory_space<vmem>>
      %dma_wait3A_129 = arith.constant 0 : i32
      %dma_wait3A_130 = tpu.memref_slice %arg7[%add3A_103, %dma_wait3A_129] : memref<10240x128xf32, #tpu.memory_space<vmem_shared>> -> memref<128x128xf32, #tpu.memory_space<vmem_shared>>
      %dma_wait3A_131 = arith.constant 0 : i32
      %dma_wait3A_132 = arith.constant 0 : i32
      %dma_wait3A_133 = tpu.memref_slice %arg5[%run_scoped3A_104, %dma_wait3A_131, %dma_wait3A_132] : memref<2x128x128xf32, #tpu.memory_space<vmem>> -> memref<1x128x128xf32, #tpu.memory_space<vmem>>
      %dma_wait3A_134 = tpu.memref_squeeze %dma_wait3A_133 : memref<1x128x128xf32, #tpu.memory_space<vmem>> -> memref<128x128xf32, #tpu.memory_space<vmem>>
      %dma_wait3A_135 = arith.constant 0 : i32
      %dma_wait3A_136 = tpu.memref_slice %arg7[%add3A_103, %dma_wait3A_135] : memref<10240x128xf32, #tpu.memory_space<vmem_shared>> -> memref<128x128xf32, #tpu.memory_space<vmem_shared>>
      tpu.wait_dma2 semaphore(%run_scoped3A_112 : memref<!tpu.dma_semaphore, #tpu.memory_space<semaphore_mem>>) src(%dma_wait3A_136 : memref<128x128xf32, #tpu.memory_space<vmem_shared>>) dst(%dma_wait3A_134 : memref<128x128xf32, #tpu.memory_space<vmem>>)
      tpu.yield
    }) : () -> ()
    %run_scoped3A_105 = arith.constant 0 : i32
    "tpu.region"() ({
      %run_scoped3A_112 = tpu.sem_alloc : memref<!tpu.dma_semaphore, #tpu.memory_space<semaphore_mem>>
      %dma_start3A_113 = arith.constant 0 : i32
      %dma_start3A_114 = arith.constant 0 : i32
      %dma_start3A_115 = tpu.memref_slice %arg5[%run_scoped3A_105, %dma_start3A_113, %dma_start3A_114] : memref<2x128x128xf32, #tpu.memory_space<vmem>> -> memref<1x128x128xf32, #tpu.memory_space<vmem>>
      %dma_start3A_116 = tpu.memref_squeeze %dma_start3A_115 : memref<1x128x128xf32, #tpu.memory_space<vmem>> -> memref<128x128xf32, #tpu.memory_space<vmem>>
      %dma_start3A_117 = arith.constant 0 : i32
      %dma_start3A_118 = tpu.memref_slice %arg4[%arg0, %add3A_103, %dma_start3A_117] : memref<2x10240x128xf32, #tpu.memory_space<hbm>> -> memref<1x128x128xf32, #tpu.memory_space<hbm>>
      %dma_start3A_119 = tpu.memref_squeeze %dma_start3A_118 : memref<1x128x128xf32, #tpu.memory_space<hbm>> -> memref<128x128xf32, #tpu.memory_space<hbm>>
      %dma_start3A_120 = arith.constant 0 : i32
      %dma_start3A_121 = tpu.memref_slice %arg4[%arg0, %add3A_103, %dma_start3A_120] : memref<2x10240x128xf32, #tpu.memory_space<hbm>> -> memref<1x128x128xf32, #tpu.memory_space<hbm>>
      %dma_start3A_122 = tpu.memref_squeeze %dma_start3A_121 : memref<1x128x128xf32, #tpu.memory_space<hbm>> -> memref<128x128xf32, #tpu.memory_space<hbm>>
      %dma_start3A_123 = arith.constant 0 : i32
      %dma_start3A_124 = arith.constant 0 : i32
      %dma_start3A_125 = tpu.memref_slice %arg5[%run_scoped3A_105, %dma_start3A_123, %dma_start3A_124] : memref<2x128x128xf32, #tpu.memory_space<vmem>> -> memref<1x128x128xf32, #tpu.memory_space<vmem>>
      %dma_start3A_126 = tpu.memref_squeeze %dma_start3A_125 : memref<1x128x128xf32, #tpu.memory_space<vmem>> -> memref<128x128xf32, #tpu.memory_space<vmem>>
      tpu.enqueue_dma source(%dma_start3A_126 : memref<128x128xf32, #tpu.memory_space<vmem>>) target(%dma_start3A_122 : memref<128x128xf32, #tpu.memory_space<hbm>>) target_semaphore(%run_scoped3A_112 : memref<!tpu.dma_semaphore, #tpu.memory_space<semaphore_mem>>)
      %dma_wait3A_127 = arith.constant 0 : i32
      %dma_wait3A_128 = arith.constant 0 : i32
      %dma_wait3A_129 = tpu.memref_slice %arg5[%run_scoped3A_105, %dma_wait3A_127, %dma_wait3A_128] : memref<2x128x128xf32, #tpu.memory_space<vmem>> -> memref<1x128x128xf32, #tpu.memory_space<vmem>>
      %dma_wait3A_130 = tpu.memref_squeeze %dma_wait3A_129 : memref<1x128x128xf32, #tpu.memory_space<vmem>> -> memref<128x128xf32, #tpu.memory_space<vmem>>
      %dma_wait3A_131 = arith.constant 0 : i32
      %dma_wait3A_132 = tpu.memref_slice %arg4[%arg0, %add3A_103, %dma_wait3A_131] : memref<2x10240x128xf32, #tpu.memory_space<hbm>> -> memref<1x128x128xf32, #tpu.memory_space<hbm>>
      %dma_wait3A_133 = tpu.memref_squeeze %dma_wait3A_132 : memref<1x128x128xf32, #tpu.memory_space<hbm>> -> memref<128x128xf32, #tpu.memory_space<hbm>>
      %dma_wait3A_134 = arith.constant 0 : i32
      %dma_wait3A_135 = tpu.memref_slice %arg4[%arg0, %add3A_103, %dma_wait3A_134] : memref<2x10240x128xf32, #tpu.memory_space<hbm>> -> memref<1x128x128xf32, #tpu.memory_space<hbm>>
      %dma_wait3A_136 = tpu.memref_squeeze %dma_wait3A_135 : memref<1x128x128xf32, #tpu.memory_space<hbm>> -> memref<128x128xf32, #tpu.memory_space<hbm>>
      %dma_wait3A_137 = arith.constant 0 : i32
      %dma_wait3A_138 = arith.constant 0 : i32
      %dma_wait3A_139 = tpu.memref_slice %arg5[%run_scoped3A_105, %dma_wait3A_137, %dma_wait3A_138] : memref<2x128x128xf32, #tpu.memory_space<vmem>> -> memref<1x128x128xf32, #tpu.memory_space<vmem>>
      %dma_wait3A_140 = tpu.memref_squeeze %dma_wait3A_139 : memref<1x128x128xf32, #tpu.memory_space<vmem>> -> memref<128x128xf32, #tpu.memory_space<vmem>>
      tpu.wait_dma2 semaphore(%run_scoped3A_112 : memref<!tpu.dma_semaphore, #tpu.memory_space<semaphore_mem>>) src(%dma_wait3A_140 : memref<128x128xf32, #tpu.memory_space<vmem>>) dst(%dma_wait3A_136 : memref<128x128xf32, #tpu.memory_space<hbm>>)
      tpu.yield
    }) : () -> ()
    %mul3A_106 = arith.constant 640 : i32
    %mul3A_107 = arith.muli %arg1, %mul3A_106 : i32
    %add3A_108 = arith.constant 512 : i32
    %add3A_109 = arith.addi %mul3A_107, %add3A_108 : i32
    %run_scoped3A_110 = arith.constant 0 : i32
    "tpu.region"() ({
      %run_scoped3A_112 = tpu.sem_alloc : memref<!tpu.dma_semaphore, #tpu.memory_space<semaphore_mem>>
      %dma_start3A_113 = arith.constant 0 : i32
      %dma_start3A_114 = arith.constant 0 : i32
      %dma_start3A_115 = tpu.memref_slice %arg5[%run_scoped3A_110, %dma_start3A_113, %dma_start3A_114] : memref<2x128x128xf32, #tpu.memory_space<vmem>> -> memref<1x128x128xf32, #tpu.memory_space<vmem>>
      %dma_start3A_116 = tpu.memref_squeeze %dma_start3A_115 : memref<1x128x128xf32, #tpu.memory_space<vmem>> -> memref<128x128xf32, #tpu.memory_space<vmem>>
      %dma_start3A_117 = arith.constant 0 : i32
      %dma_start3A_118 = tpu.memref_slice %arg7[%add3A_109, %dma_start3A_117] : memref<10240x128xf32, #tpu.memory_space<vmem_shared>> -> memref<128x128xf32, #tpu.memory_space<vmem_shared>>
      %dma_start3A_119 = arith.constant 0 : i32
      %dma_start3A_120 = arith.constant 0 : i32
      %dma_start3A_121 = tpu.memref_slice %arg5[%run_scoped3A_110, %dma_start3A_119, %dma_start3A_120] : memref<2x128x128xf32, #tpu.memory_space<vmem>> -> memref<1x128x128xf32, #tpu.memory_space<vmem>>
      %dma_start3A_122 = tpu.memref_squeeze %dma_start3A_121 : memref<1x128x128xf32, #tpu.memory_space<vmem>> -> memref<128x128xf32, #tpu.memory_space<vmem>>
      %dma_start3A_123 = arith.constant 0 : i32
      %dma_start3A_124 = tpu.memref_slice %arg7[%add3A_109, %dma_start3A_123] : memref<10240x128xf32, #tpu.memory_space<vmem_shared>> -> memref<128x128xf32, #tpu.memory_space<vmem_shared>>
      tpu.enqueue_dma source(%dma_start3A_124 : memref<128x128xf32, #tpu.memory_space<vmem_shared>>) target(%dma_start3A_122 : memref<128x128xf32, #tpu.memory_space<vmem>>) target_semaphore(%run_scoped3A_112 : memref<!tpu.dma_semaphore, #tpu.memory_space<semaphore_mem>>)
      %dma_wait3A_125 = arith.constant 0 : i32
      %dma_wait3A_126 = arith.constant 0 : i32
      %dma_wait3A_127 = tpu.memref_slice %arg5[%run_scoped3A_110, %dma_wait3A_125, %dma_wait3A_126] : memref<2x128x128xf32, #tpu.memory_space<vmem>> -> memref<1x128x128xf32, #tpu.memory_space<vmem>>
      %dma_wait3A_128 = tpu.memref_squeeze %dma_wait3A_127 : memref<1x128x128xf32, #tpu.memory_space<vmem>> -> memref<128x128xf32, #tpu.memory_space<vmem>>
      %dma_wait3A_129 = arith.constant 0 : i32
      %dma_wait3A_130 = tpu.memref_slice %arg7[%add3A_109, %dma_wait3A_129] : memref<10240x128xf32, #tpu.memory_space<vmem_shared>> -> memref<128x128xf32, #tpu.memory_space<vmem_shared>>
      %dma_wait3A_131 = arith.constant 0 : i32
      %dma_wait3A_132 = arith.constant 0 : i32
      %dma_wait3A_133 = tpu.memref_slice %arg5[%run_scoped3A_110, %dma_wait3A_131, %dma_wait3A_132] : memref<2x128x128xf32, #tpu.memory_space<vmem>> -> memref<1x128x128xf32, #tpu.memory_space<vmem>>
      %dma_wait3A_134 = tpu.memref_squeeze %dma_wait3A_133 : memref<1x128x128xf32, #tpu.memory_space<vmem>> -> memref<128x128xf32, #tpu.memory_space<vmem>>
      %dma_wait3A_135 = arith.constant 0 : i32
      %dma_wait3A_136 = tpu.memref_slice %arg7[%add3A_109, %dma_wait3A_135] : memref<10240x128xf32, #tpu.memory_space<vmem_shared>> -> memref<128x128xf32, #tpu.memory_space<vmem_shared>>
      tpu.wait_dma2 semaphore(%run_scoped3A_112 : memref<!tpu.dma_semaphore, #tpu.memory_space<semaphore_mem>>) src(%dma_wait3A_136 : memref<128x128xf32, #tpu.memory_space<vmem_shared>>) dst(%dma_wait3A_134 : memref<128x128xf32, #tpu.memory_space<vmem>>)
      tpu.yield
    }) : () -> ()
    %run_scoped3A_111 = arith.constant 0 : i32
    "tpu.region"() ({
      %run_scoped3A_112 = tpu.sem_alloc : memref<!tpu.dma_semaphore, #tpu.memory_space<semaphore_mem>>
      %dma_start3A_113 = arith.constant 0 : i32
      %dma_start3A_114 = arith.constant 0 : i32
      %dma_start3A_115 = tpu.memref_slice %arg5[%run_scoped3A_111, %dma_start3A_113, %dma_start3A_114] : memref<2x128x128xf32, #tpu.memory_space<vmem>> -> memref<1x128x128xf32, #tpu.memory_space<vmem>>
      %dma_start3A_116 = tpu.memref_squeeze %dma_start3A_115 : memref<1x128x128xf32, #tpu.memory_space<vmem>> -> memref<128x128xf32, #tpu.memory_space<vmem>>
      %dma_start3A_117 = arith.constant 0 : i32
      %dma_start3A_118 = tpu.memref_slice %arg4[%arg0, %add3A_109, %dma_start3A_117] : memref<2x10240x128xf32, #tpu.memory_space<hbm>> -> memref<1x128x128xf32, #tpu.memory_space<hbm>>
      %dma_start3A_119 = tpu.memref_squeeze %dma_start3A_118 : memref<1x128x128xf32, #tpu.memory_space<hbm>> -> memref<128x128xf32, #tpu.memory_space<hbm>>
      %dma_start3A_120 = arith.constant 0 : i32
      %dma_start3A_121 = tpu.memref_slice %arg4[%arg0, %add3A_109, %dma_start3A_120] : memref<2x10240x128xf32, #tpu.memory_space<hbm>> -> memref<1x128x128xf32, #tpu.memory_space<hbm>>
      %dma_start3A_122 = tpu.memref_squeeze %dma_start3A_121 : memref<1x128x128xf32, #tpu.memory_space<hbm>> -> memref<128x128xf32, #tpu.memory_space<hbm>>
      %dma_start3A_123 = arith.constant 0 : i32
      %dma_start3A_124 = arith.constant 0 : i32
      %dma_start3A_125 = tpu.memref_slice %arg5[%run_scoped3A_111, %dma_start3A_123, %dma_start3A_124] : memref<2x128x128xf32, #tpu.memory_space<vmem>> -> memref<1x128x128xf32, #tpu.memory_space<vmem>>
      %dma_start3A_126 = tpu.memref_squeeze %dma_start3A_125 : memref<1x128x128xf32, #tpu.memory_space<vmem>> -> memref<128x128xf32, #tpu.memory_space<vmem>>
      tpu.enqueue_dma source(%dma_start3A_126 : memref<128x128xf32, #tpu.memory_space<vmem>>) target(%dma_start3A_122 : memref<128x128xf32, #tpu.memory_space<hbm>>) target_semaphore(%run_scoped3A_112 : memref<!tpu.dma_semaphore, #tpu.memory_space<semaphore_mem>>)
      %dma_wait3A_127 = arith.constant 0 : i32
      %dma_wait3A_128 = arith.constant 0 : i32
      %dma_wait3A_129 = tpu.memref_slice %arg5[%run_scoped3A_111, %dma_wait3A_127, %dma_wait3A_128] : memref<2x128x128xf32, #tpu.memory_space<vmem>> -> memref<1x128x128xf32, #tpu.memory_space<vmem>>
      %dma_wait3A_130 = tpu.memref_squeeze %dma_wait3A_129 : memref<1x128x128xf32, #tpu.memory_space<vmem>> -> memref<128x128xf32, #tpu.memory_space<vmem>>
      %dma_wait3A_131 = arith.constant 0 : i32
      %dma_wait3A_132 = tpu.memref_slice %arg4[%arg0, %add3A_109, %dma_wait3A_131] : memref<2x10240x128xf32, #tpu.memory_space<hbm>> -> memref<1x128x128xf32, #tpu.memory_space<hbm>>
      %dma_wait3A_133 = tpu.memref_squeeze %dma_wait3A_132 : memref<1x128x128xf32, #tpu.memory_space<hbm>> -> memref<128x128xf32, #tpu.memory_space<hbm>>
      %dma_wait3A_134 = arith.constant 0 : i32
      %dma_wait3A_135 = tpu.memref_slice %arg4[%arg0, %add3A_109, %dma_wait3A_134] : memref<2x10240x128xf32, #tpu.memory_space<hbm>> -> memref<1x128x128xf32, #tpu.memory_space<hbm>>
      %dma_wait3A_136 = tpu.memref_squeeze %dma_wait3A_135 : memref<1x128x128xf32, #tpu.memory_space<hbm>> -> memref<128x128xf32, #tpu.memory_space<hbm>>
      %dma_wait3A_137 = arith.constant 0 : i32
      %dma_wait3A_138 = arith.constant 0 : i32
      %dma_wait3A_139 = tpu.memref_slice %arg5[%run_scoped3A_111, %dma_wait3A_137, %dma_wait3A_138] : memref<2x128x128xf32, #tpu.memory_space<vmem>> -> memref<1x128x128xf32, #tpu.memory_space<vmem>>
      %dma_wait3A_140 = tpu.memref_squeeze %dma_wait3A_139 : memref<1x128x128xf32, #tpu.memory_space<vmem>> -> memref<128x128xf32, #tpu.memory_space<vmem>>
      tpu.wait_dma2 semaphore(%run_scoped3A_112 : memref<!tpu.dma_semaphore, #tpu.memory_space<semaphore_mem>>) src(%dma_wait3A_140 : memref<128x128xf32, #tpu.memory_space<vmem>>) dst(%dma_wait3A_136 : memref<128x128xf32, #tpu.memory_space<hbm>>)
      tpu.yield
    }) : () -> ()
    return
  }
}

</mosaic_0001>

<sc_bundles>
// kernel: kernel.11.cloned.1.call-start
scs
__scs_entry_jumppad:
0x0: {  	(pc) =	sbr.rel $0x88, $3  }
0x1: {  	(tag) =	ssettag $0x0;
	lr =	simm.s32 $0x1  }
0x2: {  	[smem:$0x3F9F] =	sst lr;
	_ =	strace $0xD0000000  }
0x3: {  	_ = 	snop  }
0x4: {  	_ = 	snop  }
0x5: {  	_ = 	snop  }
0x6: {  	_ = 	snop  }
0x7: {  	_ = 	snop  }
__scs_overlays_trampoline_lowered:
0x8: {  	[smem:$0x3FAE] =	sst s0  }
0x9: {  	[smem:$0x3FAF] =	sst s1  }
0xa: {  	[smem:$0x3FB0] =	sst s2  }
0xb: {  	[smem:$0x3FB1] =	sst s3  }
0xc: {  	[smem:$0x3FB2] =	sst s4  }
0xd: {  	[smem:$0x3FB3] =	sst s5  }
0xe: {  	[smem:$0x3FB4] =	sst s6  }
0xf: {  	[smem:$0x3FB5] =	sst s7  }
0x10: {  	[smem:$0x3FB6] =	sst s8  }
0x11: {  	[smem:$0x3FB7] =	sst s9;
	s0 =	simm.s32 @!p0 $0x0  }
0x12: {  	s1 =	sld [smem:$0x3F9D];
	s0 =	simm.s32 @p0 $0x1  }
0x13: {  	[smem:$0x3FB8] =	sst s0;
	s0 =	simm.s32 @!p1 $0x0  }
0x14: {  	s2 =	sld [smem:$0x3F9C];
	s0 =	simm.s32 @p1 $0x1  }
0x15: {  	[smem:$0x3FB9] =	sst s0;
	s0 =	simm.s32 @!p2 $0x0  }
0x16: {  	s3 =	sld [smem:$0x3FDB];
	s0 =	simm.s32 @p2 $0x1  }
0x17: {  	s4 =	simm.s32 $0x1BF5;
	[smem:$0x3FBB] =	sst s0  }
0x18: {  	s0 =	sld [smem:$0x3F9E];
	_ =	swait.ge [sflag:s4], $0x0  }
0x19: {  	s7 =	sld [smem:$0x3F9F]  }
0x1a: {  	s8 =	sadd.s32 $0xFFFFE003, lr  }
0x1b: {  	s9 =	sadd.s32 $0xFFFFFEF7, lr;
	s5 =	simm.s32 $0xFFFFFFFF;
	p2 =	slt.u32 s8, $0xFFFFF086  }
0x1c: {  	p1 =	slt.u32 s9, $0xF7A;
	s5 =	simm.s32 @!p2 $0x0  }
0x1d: {  	s5 =	simm.s32 @p1 $0x1;
	p0 =	seq.s32 s7, s2  }
0x1e: {  	s7 =	smul.u32 @!p0 $0xF7A, s2;
	p2 =	seq.s32 @!p0 s5, $0x0  }
0x1f: {  	s9 =	smul.u32 $0xF7A, s1;
	s8 =	simm.s32 @!p0 $0x1BF5;
	p2 =	por !p2, p0  }
0x20: {  	[sflag:s8] =	ssyncset.s32 @!p0 $0xFFFFF086;
	s6 =	sadd.s32 @!p0 s3, s7;
	s7 =	simm.s32 @!p0 $0x108  }
0x21: {  	s3 =	sadd.s32 s3, s9;
	s6 =	sadd.s32 @!p0 $0x88, s6;
	s7 =	simm.s32 @p2 $0x1082  }
0x22: {  	[simem:s7], [sflag:s8] =	dma.local @!p0 [hbm:s6], $0xF7A  }
0x23: {  	s9 =	sor.u32 $0xD0000000, s2;
	s6 =	simm.s32 $0x108;
	_ =	swait.ge @!p0 [sflag:s8], $0x0  }
0x24: {  	s3 =	sadd.s32 $0x88, s3;
	s6 =	simm.s32 @!p1 $0x1082;
	[sflag:s4] =	ssyncset.s32 $0xFFFFF086  }
0x25: {  	[simem:s6], [sflag:s4] =	dma.local [hbm:s3], $0xF7A  }
0x26: {  	[smem:$0x3F9F] =	sst s1;
	(tag) =	ssettag s2;
	_ =	strace s9  }
0x27: {  	s1 =	sld [smem:$0x3FAF]  }
0x28: {  	s2 =	sld [smem:$0x3FB0]  }
0x29: {  	s4 =	sld [smem:$0x3FB2]  }
0x2a: {  	p0 =	seq.s32 s5, $0x0;
	s5 =	sld [smem:$0x3FB3]  }
0x2b: {  	s6 =	sld [smem:$0x3FB4]  }
0x2c: {  	s7 =	sld [smem:$0x3FB5]  }
0x2d: {  	s3 =	simm.s32 $0x108;
	s8 =	sld [smem:$0x3FB6]  }
0x2e: {  	s3 =	simm.s32 @!p0 $0x1082;
	s9 =	sld [smem:$0x3FB7]  }
0x2f: {  	lr =	sadd.s32 s0, s3;
	s0 =	sld [smem:$0x3FAE]  }
0x30: {  	s3 =	sld [smem:$0x3FB1]  }
0x31: {  	[smem:$0x3FBA] =	sst s10  }
0x32: {  	s10 =	sld [smem:$0x3FB8];
	_ =	sdelay $0x3  }
0x33: {  	p0 =	seq.s32 s10, $0x1;
	s10 =	sld [smem:$0x3FBA];
	_ =	sdelay $0x3  }
0x34: {  	[smem:$0x3FBA] =	sst s10  }
0x35: {  	s10 =	sld [smem:$0x3FB9];
	_ =	sdelay $0x3  }
0x36: {  	p1 =	seq.s32 s10, $0x1;
	s10 =	sld [smem:$0x3FBA];
	_ =	sdelay $0x3  }
0x37: {  	[smem:$0x3FBA] =	sst s10  }
0x38: {  	s10 =	sld [smem:$0x3FBB]  }
0x39: {  	_ = 	snop;
	(pc) =	sbr.ind lr, $3  }
0x3a: {  	_ = 	snop  }
0x3b: {  	_ = 	snop  }
0x3c: {  	p2 =	seq.s32 s10, $0x1;
	s10 =	sld [smem:$0x3FBA]  }
0x3d: {  	_ =	shalt  }
0x3e: {  	_ =	shalt  }
0x3f: {  	_ =	shalt  }
0x40: {  	_ =	shalt  }
0x41: {  	_ =	shalt  }
0x42: {  	_ =	shalt  }
0x43: {  	_ =	shalt  }
0x44: {  	_ =	shalt  }
0x45: {  	_ =	shalt  }
0x46: {  	_ =	shalt  }
0x47: {  	_ =	shalt  }
0x48: {  	_ =	shalt  }
0x49: {  	_ =	shalt  }
0x4a: {  	_ =	shalt  }
0x4b: {  	_ =	shalt  }
0x4c: {  	_ =	shalt  }
0x4d: {  	_ =	shalt  }
0x4e: {  	_ =	shalt  }
0x4f: {  	_ =	shalt  }
0x50: {  	_ =	shalt  }
0x51: {  	_ =	shalt  }
0x52: {  	_ =	shalt  }
0x53: {  	_ =	shalt  }
0x54: {  	_ =	shalt  }
0x55: {  	_ =	shalt  }
0x56: {  	_ =	shalt  }
0x57: {  	_ =	shalt  }
0x58: {  	_ =	shalt  }
0x59: {  	_ =	shalt  }
0x5a: {  	_ =	shalt  }
0x5b: {  	_ =	shalt  }
0x5c: {  	_ =	shalt  }
0x5d: {  	_ =	shalt  }
0x5e: {  	_ =	shalt  }
0x5f: {  	_ =	shalt  }
0x60: {  	_ =	shalt  }
0x61: {  	_ =	shalt  }
0x62: {  	_ =	shalt  }
0x63: {  	_ =	shalt  }
0x64: {  	_ =	shalt  }
0x65: {  	_ =	shalt  }
0x66: {  	_ =	shalt  }
0x67: {  	_ =	shalt  }
0x68: {  	_ =	shalt  }
0x69: {  	_ =	shalt  }
0x6a: {  	_ =	shalt  }
0x6b: {  	_ =	shalt  }
0x6c: {  	_ =	shalt  }
0x6d: {  	_ =	shalt  }
0x6e: {  	_ =	shalt  }
0x6f: {  	_ =	shalt  }
0x70: {  	_ =	shalt  }
0x71: {  	_ =	shalt  }
0x72: {  	_ =	shalt  }
0x73: {  	_ =	shalt  }
0x74: {  	_ =	shalt  }
0x75: {  	_ =	shalt  }
0x76: {  	_ =	shalt  }
0x77: {  	_ =	shalt  }
0x78: {  	_ =	shalt  }
0x79: {  	_ =	shalt  }
0x7a: {  	_ =	shalt  }
0x7b: {  	_ =	shalt  }
0x7c: {  	_ =	shalt  }
0x7d: {  	_ =	shalt  }
0x7e: {  	_ =	shalt  }
0x7f: {  	_ =	shalt  }
0x80: {  	_ =	shalt  }
0x81: {  	_ =	shalt  }
0x82: {  	_ =	shalt  }
0x83: {  	_ =	shalt  }
0x84: {  	_ =	shalt  }
0x85: {  	_ =	shalt  }
0x86: {  	_ =	shalt  }
0x87: {  	_ =	shalt  }
.Lfunc_end0:
.L_simem_size_0:
called_computation.2_lowered:
.L_overlay_start_0:
0x88: {  	s2 =	sld [smem:$0x3FD9]  }
0x89: {  	s3 =	sld [smem:$0x3FFE];
	_ =	sdelay $0x1  }
0x8a: {  	s1 =	srdreg.scid  }
0x8b: {  	s0 =	sand.u32 $0x1, s1  }
0x8c: {  	s17 =	sshll.u32 s0, $0xA;
	s2 =	sadd.s32 s3, s2  }
0x8d: {  	s2 =	sadd.s32 s2, s17  }
0x8e: {  	[smem:$0x3FC6] =	sst s2  }
0x8f: {  	_ = 	snop  }
0x90: {  	s2 =	sld [smem:$0x3FC9]  }
0x91: {  	s18 =	sld [smem:$0x3FD0];
	(tm) =	ssettm $0x1  }
0x92: {  	s4 =	sld [smem:$0x3FFB];
	_ =	sdelay $0x3  }
0x93: {  	_ =	strace s4  }
0x94: {  	s4 =	sld [smem:$0x3FFC];
	_ =	sdelay $0x3  }
0x95: {  	_ =	strace s4  }
0x96: {  	s4 =	sld [smem:$0x3FFD];
	_ =	sdelay $0x3  }
0x97: {  	_ =	strace s4  }
0x98: {  	_ =	strace $0x8FFFFFFF  }
0x99: {  	s19 =	sld [smem:$0x3FDB];
	_ =	sdelay $0x1  }
0x9a: {  	s5 =	simm.s32 $_scs_section_size  }
0x9b: {  	s6 =	simm.s32 $_size__tile_overlayer_lowered;
	s7 =	simm.s32 $_tile_overlayer_lowered  }
0x9c: {  	s22 =	simm.s32 $0x1BFF;
	s21 =	sshll.u32 s7, $0x1;
	s4 =	sadd.s32 s5, s19  }
0x9d: {  	s8 =	simm.s32 $0x0;
	s20 =	sshll.u32 s6, $0x1;
	s6 =	sadd.s32 s21, s4  }
0x9e: {  	[timem:s8], [sflag:s22] =	dma.local [hbm:s6], s20  }
0x9f: {  	_ =	swait.ge [sflag:s22], s20  }
0xa0: {  	s5 =	ssub.s32 $0x0, s20;
	[sflag:s22] =	ssyncset.done $0x0  }
0xa1: {  	[sflag:s22] =	ssyncadd.s32 s5;
	_ =	sdelay $0x1  }
0xa2: {  	s23 =	simm.s32 $0x1B8B  }
0xa3: {  	_ =	swait.ge [sflag:s23], $0x1  }
0xa4: {  	[sflag:s23] =	ssyncset.done $0x0  }
0xa5: {  	s25 =	simm.s32 $0x1B8E;
	s24 =	sld [smem:$0x3FFE];
	[sflag:s23] =	ssyncadd.s32 $0xFFFFFFFF  }
0xa6: {  	s26 =	simm.s32 $execute0_lowered;
	[smem:$0x3FD2] =	sst s25  }
0xa7: {  	s6 =	sshll.u32 s26, $0x1;
	_ =	strace $0x8000004C;
	[dreg:$0x1] =	wrdreg $0xFFFFFFFF  }
0xa8: {  	s28 =	simm.s32 $_size_execute0_lowered;
	s4 =	sadd.s32 s4, s6;
	[dreg:$0x0] =	wrdreg $0x0  }
0xa9: {  	s6 =	sshll.u32 s28, $0x1;
	[dreg:$0x2] =	wrdreg s4  }
0xaa: {  	[dreg:$0x3] =	wrdreg s6  }
0xab: {  	[dreg:$0x4] =	wrdreg $0xC0  }
0xac: {  	_ =	task [dreg:s8], $0x5FFFF  }
0xad: {  	[dreg:$0x1] =	wrdreg $0xFFFFFFFF  }
0xae: {  	[dreg:$0x0] =	wrdreg $0x60  }
0xaf: {  	[dreg:$0x2] =	wrdreg s2  }
0xb0: {  	[dreg:$0x3] =	wrdreg s24  }
0xb1: {  	[dreg:$0x4] =	wrdreg s18  }
0xb2: {  	[dreg:$0x5] =	wrdreg $0x9  }
0xb3: {  	_ =	task.clear_ibuf [dreg:s8], $0x6FFFF;
	_ =	strace $0x9000004C  }
0xb4: {  	s29 =	simm.s32 $0x9;
	_ =	strace $0x8000004E  }
0xb5: {  	_ =	swait.ge [sflag:s29], $0x1  }
0xb6: {  	[sflag:s29] =	ssyncadd.s32 $0xFFFFFFFF  }
0xb7: {  	_ =	strace $0x9000004E  }
0xb8: {  	_ =	sfence  }
0xb9: {  	s30 =	sld [smem:$0x0];
	_ =	sdelay $0x2  }
0xba: {  	s31 =	sshll.u32 s1, $0xD;
	s1 =	sshrl.u32 s1, $0x2  }
0xbb: {  	s3 =	sand.u32 $0x4000, s31;
	s1 =	sadd.s32 s1, s30  }
0xbc: {  	s0 =	sor.u32 s3, s0;
	s1 =	sshll.u32 s1, $0x11  }
0xbd: {  	s0 =	sor.u32 s1, s0  }
0xbe: {  	s0 =	sadd.s32 $0x8F2B, s0  }
0xbf: {  	[sflag:s0] =	ssyncadd.remote.s32 $0x1  }
0xc0: {  	_ =	sfence.sel $0xFFFF  }
0xc1: {  	[dreg:$0x0] =	wrdreg $0xFFFFFFFF;
	(pc) =	sbr.abs _section_cstart, $3  }
0xc2: {  	[dreg:$0x1] =	wrdreg $0xFFFFFFFF  }
0xc3: {  	_ =	task.clear_ibuf [dreg:s8], $0x2FFFF;
	_ =	strace $0x9FFFFFFF  }
0xc4: {  	(tm) =	ssettm $0x7FFFFFFF  }
0xc5: {  	_ =	shalt  }
tec
execute0_lowered:
.L_overlay_start_1:
0x0: {  	(tag) =	ssettag $0x1  }
0x1: {  	s1 =	rddreg [dreg:$0x0]  }
0x2: {  	s6 =	rddreg [dreg:$0x1]  }
0x3: {  	s0 =	srdreg.scid;
	s3 =	rddreg [dreg:$0x2]  }
0x4: {  	s4 =	simm.s32 $0x0;
	s14 =	simm.s32 $0x4;
	s15 =	simm.s32 $0x80  }
0x5: {  	s16 =	simm.s32 $0xC000;
	s17 =	simm.s32 $0x4000;
	s18 =	simm.s32 $0x1  }
0x6: {  	s19 =	simm.s32 $0x2;
	s20 =	simm.s32 $0x3;
	s21 =	simm.s32 $0x0  }
0x7: {  	s7 =	sand.u32 $0x1, s0;
	s0 =	stileid.u32;
	[smem:$0x7FF] =	sst s4  }
0x8: {  	s2 =	sshll.u32 s7, $0x4;
	s30 =	ssub.s32 $0x2, s7;
	s7 =	simm.s32 $0x4F  }
0x9: {  	s13 =	sor.u32 s0, s2;
	s2 =	rddreg [dreg:$0x3];
	_ =	strace $0x8000004D  }
0xa: {  	s10 =	sshrl.u32 s30, $0x1;
	s5 =	smul.u32 $0x4E, s13;
	p0 =	slt.u32 s13, $0x4  }
0xb: {  	s8 =	smin.u32 s13, $0x4;
	s12 =	ssub.s32 s30, s10;
	s7 =	simm.s32 @!p0 $0x4E  }
0xc: {  	s12 =	smax.u32 s12, $0x1;
	p0 =	sgt.u32 s13, $0x3;
	s5 =	sadd.s32 s8, s5  }
0xd: {  	s13 =	simm.s32 $0x1C000;
	s8 =	sshll.u32 s5, $0x4;
	s31 =	sshll.u32 s5, $0xB  }
0xe: {  	s9 =	sadd.s32 s8, s6;
	s6 =	sadd.s32 $0xAA00, s6;
	s10 =	sadd.s32 s1, s31  }
0xf: {  	s8 =	sadd.s32 $0xC00, s9;
	s9 =	sadd.s32 $0x10E0, s9;
	s11 =	sadd.s32 $0x800, s10  }
.LBB2_1:
0x10: {  	[tilespmem:s13], [sflag:$0x4] =	stream.linear.gather [hbm4b:s8+s4], $0x2700, $0x38;
	[tilespmem:$0x1E800] =	vst v63  }
0x11: {  	_ =	swait.ge [sflag:s14], $0x2700  }
0x12: {  	[sflag:s14] =	ssyncset.done $0x0  }
0x13: {  	s22 =	simm.s32 @!p0 $0x0;
	s23 =	simm.s32 @!p0 $0x1E700;
	[sflag:s14] =	ssyncadd.s32 $0xFFFFD900  }
0x14: {  	[tilespmem:s23], [sflag:$0x4] =	stream.linear.gather @!p0 [hbm4b:s9+s22], $0x80, $0x38;
	[tilespmem:$0x1E800] =	vst v63  }
0x15: {  	s22 =	simm.s32 @!p0 $0x4  }
0x16: {  	_ =	swait.ge @!p0 [sflag:s22], $0x80  }
0x17: {  	[sflag:s22] =	ssyncset.done @!p0 $0x0  }
0x18: {  	[sflag:s22] =	ssyncadd.s32 @!p0 $0xFFFFFF80  }
0x19: {  	[tilespmem:s4], [sflag:$0x1] =	stream.linear.gather [hbm4b:s10+s4], $0x4000, $0x38;
	[tilespmem:$0x1E800] =	vst v63  }
0x1a: {  	_ = 	snop  }
0x1b: {  	[tilespmem:s16], [sflag:$0x2] =	stream.indirect.gather [hbm4b:s6+s15], $0x80, s13, s15, $0xb8;
	[tilespmem:$0x1E800] =	vst v63  }
0x1c: {  	p1 =	por $0x0, $0x0;
	s23 =	simm.s32 $0x0;
	s22 =	simm.s32 $0x0  }
0x1d: {  	[tilespmem:s17], [sflag:$0x1] =	stream.linear.gather [hbm4b:s11+s4], $0x4000, $0x38;
	[tilespmem:$0x1E800] =	vst v63  }
.LBB2_2:
0x1e: {  	s24 =	sadd.s32 $0x2, s23  }
0x1f: {  	p2 =	sge.u32 s24, s7  }
0x20: {  	_ =	swait.ge [sflag:s18], $0x4000;
	s25 =	smulhi.u32 @!p2 $0xAAAAAAAB, s24  }
0x21: {  	[sflag:s18] =	ssyncset.done $0x0  }
0x22: {  	[sflag:s18] =	ssyncadd.s32 $0xFFFFC000;
	s25 =	sshrl.u32 @!p2 s25, $0x1  }
0x23: {  	s26 =	sadd.s32 @!p2 s5, s24;
	_ =	swait.ge [sflag:s19], $0x4000;
	s25 =	smul.u32 @!p2 $0x3, s25  }
0x24: {  	s31 =	smulhi.u32 $0xAAAAAAAB, s23;
	s26 =	sshll.u32 @!p2 s26, $0xB;
	[sflag:s19] =	ssyncset.done $0x0  }
0x25: {  	[sflag:s19] =	ssyncadd.s32 $0xFFFFC000;
	s24 =	ssub.s32 @!p2 s24, s25;
	s25 =	sand.u32 @!p2 $0x1FFFF800, s26  }
0x26: {  	s26 =	simm.s32 @!p2 $0x0;
	s24 =	sshll.u32 @!p2 s24, $0xE;
	s25 =	sadd.s32 @!p2 s1, s25  }
0x27: {  	[tilespmem:s24], [sflag:$0x1] =	stream.linear.gather @!p2 [hbm4b:s25+s26], $0x4000, $0x38;
	[tilespmem:$0x1E800] =	vst v63  }
0x28: {  	s24 =	sadd.s32 $0x1, s23  }
0x29: {  	s26 =	simm.s32 $0x1;
	s25 =	sshrl.u32 s31, $0x1;
	p2 =	sge.u32 s24, s7  }
0x2a: {  	s25 =	smul.u32 $0xFFFD0000, s25;
	s28 =	sshll.u32 @!p2 s24, $0xE;
	s29 =	sshll.u32 @!p2 s24, $0x7  }
0x2b: {  	s30 =	simm.s32 @!p2 $0x80;
	s28 =	sand.u32 @!p2 $0x4000, s28;
	s29 =	sand.u32 @!p2 $0x3FFFFF80, s29  }
0x2c: {  	s25 =	sshra.s32 s25, $0x2;
	s28 =	sadd.s32 @!p2 $0xC000, s28;
	s29 =	sadd.s32 @!p2 $0x1C000, s29  }
0x2d: {  	[tilespmem:s28], [sflag:$0x2] =	stream.indirect.gather @!p2 [hbm4b:s6+s30], $0x80, s29, s30, $0xb8;
	[tilespmem:$0x1E800] =	vst v63  }
0x2e: {  	s26 =	simm.s32 @!p1 $0x0;
	p2 =	slt.u32 s23, $0x2;
	s30 =	sadd.s32 s25, s22  }
0x2f: {  	s26 =	sshll.u32 s26, $0xE;
	s28 =	simm.s32 @!p2 $0x3;
	v0 =	vmov s30  }
0x30: {  	s31 =	sadd.s32 $0xC080, s26;
	_ =	swait.ge @!p2 [sflag:s28], $0x4000  }
0x31: {  	s29 =	sadd.s32 $0x14080, s26;
	s25 =	sand.u32 $0x1, s23;
	[sflag:s28] =	ssyncset.done @!p2 $0x0  }
0x32: {  	v1 =	vmov s31;
	s26 =	simm.s32 $0xFFFFFFFE;
	v2 =	vmov s29;
	[sflag:s28] =	ssyncadd.s32 @!p2 $0xFFFFC000;
	s28 =	simm.s32 $0x0  }
.LBB2_3:
0x33: {  	s29 =	sshra.s32 s28, $0x2  }
0x34: {  	v3 =	vld.idx.msk [tilespmem:v0+s29+$0x0 ss:$0x1], $0xffff;
	_ =	sdelay $0x4  }
0x35: {  	v3 =	vmul.f32 $1.442695020e+00, v3;
	_ =	sdelay $0x1  }
0x36: {  	(erf) = vpow2.f32 v3;
	_ =	sdelay $0x4  }
0x37: {  	v3 =	vld.idx.msk [tilespmem:v1+s29+$0xFFFFFF80 ss:$0x1], $0xffff;
	_ =	sdelay $0x3  }
0x38: {  	v4 =	vpop (erf)  }
0x39: {  	v3 =	vmul.f32 v4, v3;
	_ =	sdelay $0x1  }
0x3a: {  	[tilespmem:v2+s29+$0xFFFFFF80 ss:$0x1] =	vst.idx.msk $0xffff, v3  }
0x3b: {  	v3 =	vld.idx.msk [tilespmem:v0+s29+$0x10 ss:$0x1], $0xffff;
	_ =	sdelay $0x4  }
0x3c: {  	v3 =	vmul.f32 $1.442695020e+00, v3;
	_ =	sdelay $0x1  }
0x3d: {  	(erf) = vpow2.f32 v3;
	_ =	sdelay $0x4  }
0x3e: {  	v3 =	vld.idx.msk [tilespmem:v1+s29+$0xFFFFFF90 ss:$0x1], $0xffff;
	_ =	sdelay $0x3  }
0x3f: {  	v49 =	vpop (erf)  }
0x40: {  	v3 =	vmul.f32 v49, v3;
	_ =	sdelay $0x1  }
0x41: {  	[tilespmem:v2+s29+$0xFFFFFF90 ss:$0x1] =	vst.idx.msk $0xffff, v3  }
0x42: {  	v3 =	vld.idx.msk [tilespmem:v0+s29+$0x20 ss:$0x1], $0xffff;
	_ =	sdelay $0x4  }
0x43: {  	v3 =	vmul.f32 $1.442695020e+00, v3;
	_ =	sdelay $0x1  }
0x44: {  	(erf) = vpow2.f32 v3;
	_ =	sdelay $0x4  }
0x45: {  	v3 =	vld.idx.msk [tilespmem:v1+s29+$0xFFFFFFA0 ss:$0x1], $0xffff;
	_ =	sdelay $0x3  }
0x46: {  	v50 =	vpop (erf)  }
0x47: {  	v3 =	vmul.f32 v50, v3;
	_ =	sdelay $0x1  }
0x48: {  	[tilespmem:v2+s29+$0xFFFFFFA0 ss:$0x1] =	vst.idx.msk $0xffff, v3  }
0x49: {  	v3 =	vld.idx.msk [tilespmem:v0+s29+$0x30 ss:$0x1], $0xffff;
	_ =	sdelay $0x4  }
0x4a: {  	v3 =	vmul.f32 $1.442695020e+00, v3;
	_ =	sdelay $0x1  }
0x4b: {  	(erf) = vpow2.f32 v3;
	_ =	sdelay $0x4  }
0x4c: {  	v3 =	vld.idx.msk [tilespmem:v1+s29+$0xFFFFFFB0 ss:$0x1], $0xffff;
	_ =	sdelay $0x3  }
0x4d: {  	v51 =	vpop (erf)  }
0x4e: {  	v3 =	vmul.f32 v51, v3;
	_ =	sdelay $0x1  }
0x4f: {  	[tilespmem:v2+s29+$0xFFFFFFB0 ss:$0x1] =	vst.idx.msk $0xffff, v3  }
0x50: {  	v3 =	vld.idx.msk [tilespmem:v0+s29+$0x40 ss:$0x1], $0xffff;
	_ =	sdelay $0x4  }
0x51: {  	v3 =	vmul.f32 $1.442695020e+00, v3;
	_ =	sdelay $0x1  }
0x52: {  	(erf) = vpow2.f32 v3;
	_ =	sdelay $0x4  }
0x53: {  	v3 =	vld.idx.msk [tilespmem:v1+s29+$0xFFFFFFC0 ss:$0x1], $0xffff;
	_ =	sdelay $0x3  }
0x54: {  	v52 =	vpop (erf)  }
0x55: {  	v3 =	vmul.f32 v52, v3;
	_ =	sdelay $0x1  }
0x56: {  	[tilespmem:v2+s29+$0xFFFFFFC0 ss:$0x1] =	vst.idx.msk $0xffff, v3  }
0x57: {  	v3 =	vld.idx.msk [tilespmem:v0+s29+$0x50 ss:$0x1], $0xffff;
	_ =	sdelay $0x4  }
0x58: {  	v3 =	vmul.f32 $1.442695020e+00, v3;
	_ =	sdelay $0x1  }
0x59: {  	(erf) = vpow2.f32 v3;
	_ =	sdelay $0x4  }
0x5a: {  	v3 =	vld.idx.msk [tilespmem:v1+s29+$0xFFFFFFD0 ss:$0x1], $0xffff;
	_ =	sdelay $0x3  }
0x5b: {  	v53 =	vpop (erf)  }
0x5c: {  	v3 =	vmul.f32 v53, v3;
	_ =	sdelay $0x1  }
0x5d: {  	[tilespmem:v2+s29+$0xFFFFFFD0 ss:$0x1] =	vst.idx.msk $0xffff, v3  }
0x5e: {  	v3 =	vld.idx.msk [tilespmem:v0+s29+$0x60 ss:$0x1], $0xffff;
	_ =	sdelay $0x4  }
0x5f: {  	v3 =	vmul.f32 $1.442695020e+00, v3;
	_ =	sdelay $0x1  }
0x60: {  	(erf) = vpow2.f32 v3;
	_ =	sdelay $0x4  }
0x61: {  	v3 =	vld.idx.msk [tilespmem:v1+s29+$0xFFFFFFE0 ss:$0x1], $0xffff;
	_ =	sdelay $0x3  }
0x62: {  	v54 =	vpop (erf)  }
0x63: {  	v3 =	vmul.f32 v54, v3;
	_ =	sdelay $0x1  }
0x64: {  	[tilespmem:v2+s29+$0xFFFFFFE0 ss:$0x1] =	vst.idx.msk $0xffff, v3  }
0x65: {  	v3 =	vld.idx.msk [tilespmem:v0+s29+$0x70 ss:$0x1], $0xffff;
	_ =	sdelay $0x4  }
0x66: {  	v3 =	vmul.f32 $1.442695020e+00, v3;
	_ =	sdelay $0x1  }
0x67: {  	(erf) = vpow2.f32 v3;
	_ =	sdelay $0x4  }
0x68: {  	v3 =	vld.idx.msk [tilespmem:v1+s29+$0xFFFFFFF0 ss:$0x1], $0xffff;
	_ =	sdelay $0x3  }
0x69: {  	v55 =	vpop (erf)  }
0x6a: {  	v3 =	vmul.f32 v55, v3;
	_ =	sdelay $0x1  }
0x6b: {  	[tilespmem:v2+s29+$0xFFFFFFF0 ss:$0x1] =	vst.idx.msk $0xffff, v3  }
0x6c: {  	v3 =	vld.idx.msk [tilespmem:v0+s29+$0x80 ss:$0x1], $0xffff;
	_ =	sdelay $0x4  }
0x6d: {  	v3 =	vmul.f32 $1.442695020e+00, v3;
	_ =	sdelay $0x1  }
0x6e: {  	(erf) = vpow2.f32 v3;
	_ =	sdelay $0x4  }
0x6f: {  	v3 =	vld.idx.msk [tilespmem:v1+s29+$0x0 ss:$0x1], $0xffff;
	_ =	sdelay $0x3  }
0x70: {  	v56 =	vpop (erf)  }
0x71: {  	v3 =	vmul.f32 v56, v3;
	_ =	sdelay $0x1  }
0x72: {  	[tilespmem:v2+s29+$0x0 ss:$0x1] =	vst.idx.msk $0xffff, v3  }
0x73: {  	v3 =	vld.idx.msk [tilespmem:v0+s29+$0x90 ss:$0x1], $0xffff;
	_ =	sdelay $0x4  }
0x74: {  	v3 =	vmul.f32 $1.442695020e+00, v3;
	_ =	sdelay $0x1  }
0x75: {  	(erf) = vpow2.f32 v3;
	_ =	sdelay $0x4  }
0x76: {  	v3 =	vld.idx.msk [tilespmem:v1+s29+$0x10 ss:$0x1], $0xffff;
	_ =	sdelay $0x3  }
0x77: {  	v57 =	vpop (erf)  }
0x78: {  	v3 =	vmul.f32 v57, v3;
	_ =	sdelay $0x1  }
0x79: {  	[tilespmem:v2+s29+$0x10 ss:$0x1] =	vst.idx.msk $0xffff, v3  }
0x7a: {  	v3 =	vld.idx.msk [tilespmem:v0+s29+$0xA0 ss:$0x1], $0xffff;
	_ =	sdelay $0x4  }
0x7b: {  	v3 =	vmul.f32 $1.442695020e+00, v3;
	_ =	sdelay $0x1  }
0x7c: {  	(erf) = vpow2.f32 v3;
	_ =	sdelay $0x4  }
0x7d: {  	v3 =	vld.idx.msk [tilespmem:v1+s29+$0x20 ss:$0x1], $0xffff;
	_ =	sdelay $0x3  }
0x7e: {  	v58 =	vpop (erf)  }
0x7f: {  	v3 =	vmul.f32 v58, v3;
	_ =	sdelay $0x1  }
0x80: {  	[tilespmem:v2+s29+$0x20 ss:$0x1] =	vst.idx.msk $0xffff, v3  }
0x81: {  	v3 =	vld.idx.msk [tilespmem:v0+s29+$0xB0 ss:$0x1], $0xffff;
	_ =	sdelay $0x4  }
0x82: {  	v3 =	vmul.f32 $1.442695020e+00, v3;
	_ =	sdelay $0x1  }
0x83: {  	(erf) = vpow2.f32 v3;
	_ =	sdelay $0x4  }
0x84: {  	v3 =	vld.idx.msk [tilespmem:v1+s29+$0x30 ss:$0x1], $0xffff;
	_ =	sdelay $0x3  }
0x85: {  	v59 =	vpop (erf)  }
0x86: {  	v3 =	vmul.f32 v59, v3;
	_ =	sdelay $0x1  }
0x87: {  	[tilespmem:v2+s29+$0x30 ss:$0x1] =	vst.idx.msk $0xffff, v3  }
0x88: {  	v3 =	vld.idx.msk [tilespmem:v0+s29+$0xC0 ss:$0x1], $0xffff;
	_ =	sdelay $0x4  }
0x89: {  	v3 =	vmul.f32 $1.442695020e+00, v3;
	_ =	sdelay $0x1  }
0x8a: {  	(erf) = vpow2.f32 v3;
	_ =	sdelay $0x4  }
0x8b: {  	v3 =	vld.idx.msk [tilespmem:v1+s29+$0x40 ss:$0x1], $0xffff;
	_ =	sdelay $0x3  }
0x8c: {  	v60 =	vpop (erf)  }
0x8d: {  	v3 =	vmul.f32 v60, v3;
	_ =	sdelay $0x1  }
0x8e: {  	[tilespmem:v2+s29+$0x40 ss:$0x1] =	vst.idx.msk $0xffff, v3  }
0x8f: {  	v3 =	vld.idx.msk [tilespmem:v0+s29+$0xD0 ss:$0x1], $0xffff;
	_ =	sdelay $0x4  }
0x90: {  	v3 =	vmul.f32 $1.442695020e+00, v3;
	_ =	sdelay $0x1  }
0x91: {  	(erf) = vpow2.f32 v3;
	_ =	sdelay $0x4  }
0x92: {  	v3 =	vld.idx.msk [tilespmem:v1+s29+$0x50 ss:$0x1], $0xffff;
	_ =	sdelay $0x3  }
0x93: {  	v61 =	vpop (erf)  }
0x94: {  	v3 =	vmul.f32 v61, v3;
	_ =	sdelay $0x1  }
0x95: {  	[tilespmem:v2+s29+$0x50 ss:$0x1] =	vst.idx.msk $0xffff, v3  }
0x96: {  	v3 =	vld.idx.msk [tilespmem:v0+s29+$0xE0 ss:$0x1], $0xffff;
	_ =	sdelay $0x4  }
0x97: {  	v3 =	vmul.f32 $1.442695020e+00, v3;
	_ =	sdelay $0x1  }
0x98: {  	(erf) = vpow2.f32 v3;
	_ =	sdelay $0x4  }
0x99: {  	v3 =	vld.idx.msk [tilespmem:v1+s29+$0x60 ss:$0x1], $0xffff;
	_ =	sdelay $0x3  }
0x9a: {  	v62 =	vpop (erf)  }
0x9b: {  	v3 =	vmul.f32 v62, v3;
	_ =	sdelay $0x1  }
0x9c: {  	[tilespmem:v2+s29+$0x60 ss:$0x1] =	vst.idx.msk $0xffff, v3  }
0x9d: {  	v3 =	vld.idx.msk [tilespmem:v0+s29+$0xF0 ss:$0x1], $0xffff;
	_ =	sdelay $0x4  }
0x9e: {  	v3 =	vmul.f32 $1.442695020e+00, v3;
	_ =	sdelay $0x1  }
0x9f: {  	(erf) = vpow2.f32 v3;
	_ =	sdelay $0x4  }
0xa0: {  	v3 =	vld.idx.msk [tilespmem:v1+s29+$0x70 ss:$0x1], $0xffff  }
0xa1: {  	s26 =	sadd.s32 $0x2, s26  }
0xa2: {  	p2 =	slt.u32 s26, $0x7E  }
.Ltmp0:
0xa3: {  	_ = 	snop;
	(pc) =	sbr.rel @p2 .LBB2_3-.Ltmp0, $3  }
0xa4: {  	v63 =	vpop (erf)  }
0xa5: {  	v3 =	vmul.f32 v63, v3;
	_ =	sdelay $0x1  }
0xa6: {  	s28 =	sadd.s32 $0x400, s28;
	[tilespmem:v2+s29+$0x70 ss:$0x1] =	vst.idx.msk $0xffff, v3  }
0xa7: {  	s23 =	sadd.s32 s5, s23;
	p2 =	sne.s32 s24, s7  }
.Ltmp1:
0xa8: {  	s23 =	sshll.u32 s23, $0xB;
	(pc) =	sbr.rel @p2 .LBB2_2-.Ltmp1, $4  }
0xa9: {  	s25 =	sshll.u32 s25, $0xE;
	s23 =	sand.u32 $0x1FFFF800, s23  }
0xaa: {  	s25 =	sadd.s32 $0x14000, s25;
	s23 =	sadd.s32 s3, s23  }
0xab: {  	[hbm4b:s23+s4] =	stream.linear.scatter [tilespmem:s25], [sflag:$0x3], $0x4000, $0x38;
	[tilespmem:$0x1E800] =	vst v63  }
0xac: {  	p1 =	por !p1, !p1;
	s22 =	sadd.s32 $0x4000, s22;
	s23 =	smov.u32 s24  }
0xad: {  	s21 =	sadd.s32 $0x1, s21  }
0xae: {  	_ =	swait.ge [sflag:s20], $0x4000;
	p1 =	sne.s32 s21, s12  }
.Ltmp2:
0xaf: {  	[sflag:s20] =	ssyncset.done $0x0;
	(pc) =	sbr.rel @p1 .LBB2_1-.Ltmp2, $4  }
0xb0: {  	[sflag:s20] =	ssyncadd.s32 $0xFFFFC000  }
0xb1: {  	_ =	swait.ge [sflag:s20], $0x4000  }
0xb2: {  	[sflag:s20] =	ssyncset.done $0x0  }
0xb3: {  	[sflag:s20] =	ssyncadd.s32 $0xFFFFC000  }
0xb4: {  	_ =	sfence.sel $0x180000  }
0xb5: {  	[bflag:$0x0] =	sbarrier.arrive $0xFFFF  }
0xb6: {  	p0 =	sne.s32 s0, $0x0;
	_ =	strace $0x9000004D  }
0xb7: {  	s0 =	sadd.s32 @!p0 $0x100000, s2;
	[bflag:$0x2] =	sbarrier.arrive $0xFFFF  }
0xb8: {  	[sflag:s0] =	ssyncadd.tile.s32 @!p0 $0x1;
	_ =	shalt  }
.Lfunc_end2:
_tile_overlayer_lowered:
.L_overlay_start_2:
0xb9: {  	(tag) =	ssettag $0x2  }
0xba: {  	s0 =	rddreg [dreg:$0x0];
	s2 =	stileid.u32  }
0xbb: {  	s1 =	rddreg [dreg:$0x1];
	p0 =	sne.s32 s2, $0x0  }
0xbc: {  	s3 =	rddreg [dreg:$0x2];
	[bflag:$0x3] =	sbarrier.arrive $0xFFFF;
	s2 =	simm.s32 @!p0 $0x1C04  }
0xbd: {  	[timem:s3], [sflag:s2] =	dma.local @!p0 [hbm:s0], s1  }
0xbe: {  	s0 =	simm.s32 @!p0 $0x4  }
0xbf: {  	_ =	swait.ge @!p0 [sflag:s0], s1  }
0xc0: {  	s1 =	ssub.s32 @!p0 $0x0, s1;
	[sflag:s0] =	ssyncset.done @!p0 $0x0  }
0xc1: {  	[sflag:s0] =	ssyncadd.s32 @!p0 s1  }
0xc2: {  	[bflag:$0x3] =	sbarrier.arrive $0xFFFF  }
0xc3: {  	_ =	shalt  }

// kernel: kernel.5.cloned.1.call-start
scs
__scs_entry_jumppad:
0x0: {  	(pc) =	sbr.rel $0x88, $3  }
0x1: {  	(tag) =	ssettag $0x0;
	lr =	simm.s32 $0x1  }
0x2: {  	[smem:$0x3F9F] =	sst lr;
	_ =	strace $0xD0000000  }
0x3: {  	_ = 	snop  }
0x4: {  	_ = 	snop  }
0x5: {  	_ = 	snop  }
0x6: {  	_ = 	snop  }
0x7: {  	_ = 	snop  }
__scs_overlays_trampoline_lowered:
0x8: {  	[smem:$0x3FAE] =	sst s0  }
0x9: {  	[smem:$0x3FAF] =	sst s1  }
0xa: {  	[smem:$0x3FB0] =	sst s2  }
0xb: {  	[smem:$0x3FB1] =	sst s3  }
0xc: {  	[smem:$0x3FB2] =	sst s4  }
0xd: {  	[smem:$0x3FB3] =	sst s5  }
0xe: {  	[smem:$0x3FB4] =	sst s6  }
0xf: {  	[smem:$0x3FB5] =	sst s7  }
0x10: {  	[smem:$0x3FB6] =	sst s8  }
0x11: {  	[smem:$0x3FB7] =	sst s9;
	s0 =	simm.s32 @!p0 $0x0  }
0x12: {  	s1 =	sld [smem:$0x3F9D];
	s0 =	simm.s32 @p0 $0x1  }
0x13: {  	[smem:$0x3FB8] =	sst s0;
	s0 =	simm.s32 @!p1 $0x0  }
0x14: {  	s2 =	sld [smem:$0x3F9C];
	s0 =	simm.s32 @p1 $0x1  }
0x15: {  	[smem:$0x3FB9] =	sst s0;
	s0 =	simm.s32 @!p2 $0x0  }
0x16: {  	s3 =	sld [smem:$0x3FDB];
	s0 =	simm.s32 @p2 $0x1  }
0x17: {  	s4 =	simm.s32 $0x1BF5;
	[smem:$0x3FBB] =	sst s0  }
0x18: {  	s0 =	sld [smem:$0x3F9E];
	_ =	swait.ge [sflag:s4], $0x0  }
0x19: {  	s7 =	sld [smem:$0x3F9F]  }
0x1a: {  	s8 =	sadd.s32 $0xFFFFE003, lr  }
0x1b: {  	s9 =	sadd.s32 $0xFFFFFEF7, lr;
	s5 =	simm.s32 $0xFFFFFFFF;
	p2 =	slt.u32 s8, $0xFFFFF086  }
0x1c: {  	p1 =	slt.u32 s9, $0xF7A;
	s5 =	simm.s32 @!p2 $0x0  }
0x1d: {  	s5 =	simm.s32 @p1 $0x1;
	p0 =	seq.s32 s7, s2  }
0x1e: {  	s7 =	smul.u32 @!p0 $0xF7A, s2;
	p2 =	seq.s32 @!p0 s5, $0x0  }
0x1f: {  	s9 =	smul.u32 $0xF7A, s1;
	s8 =	simm.s32 @!p0 $0x1BF5;
	p2 =	por !p2, p0  }
0x20: {  	[sflag:s8] =	ssyncset.s32 @!p0 $0xFFFFF086;
	s6 =	sadd.s32 @!p0 s3, s7;
	s7 =	simm.s32 @!p0 $0x108  }
0x21: {  	s3 =	sadd.s32 s3, s9;
	s6 =	sadd.s32 @!p0 $0x88, s6;
	s7 =	simm.s32 @p2 $0x1082  }
0x22: {  	[simem:s7], [sflag:s8] =	dma.local @!p0 [hbm:s6], $0xF7A  }
0x23: {  	s9 =	sor.u32 $0xD0000000, s2;
	s6 =	simm.s32 $0x108;
	_ =	swait.ge @!p0 [sflag:s8], $0x0  }
0x24: {  	s3 =	sadd.s32 $0x88, s3;
	s6 =	simm.s32 @!p1 $0x1082;
	[sflag:s4] =	ssyncset.s32 $0xFFFFF086  }
0x25: {  	[simem:s6], [sflag:s4] =	dma.local [hbm:s3], $0xF7A  }
0x26: {  	[smem:$0x3F9F] =	sst s1;
	(tag) =	ssettag s2;
	_ =	strace s9  }
0x27: {  	s1 =	sld [smem:$0x3FAF]  }
0x28: {  	s2 =	sld [smem:$0x3FB0]  }
0x29: {  	s4 =	sld [smem:$0x3FB2]  }
0x2a: {  	p0 =	seq.s32 s5, $0x0;
	s5 =	sld [smem:$0x3FB3]  }
0x2b: {  	s6 =	sld [smem:$0x3FB4]  }
0x2c: {  	s7 =	sld [smem:$0x3FB5]  }
0x2d: {  	s3 =	simm.s32 $0x108;
	s8 =	sld [smem:$0x3FB6]  }
0x2e: {  	s3 =	simm.s32 @!p0 $0x1082;
	s9 =	sld [smem:$0x3FB7]  }
0x2f: {  	lr =	sadd.s32 s0, s3;
	s0 =	sld [smem:$0x3FAE]  }
0x30: {  	s3 =	sld [smem:$0x3FB1]  }
0x31: {  	[smem:$0x3FBA] =	sst s10  }
0x32: {  	s10 =	sld [smem:$0x3FB8];
	_ =	sdelay $0x3  }
0x33: {  	p0 =	seq.s32 s10, $0x1;
	s10 =	sld [smem:$0x3FBA];
	_ =	sdelay $0x3  }
0x34: {  	[smem:$0x3FBA] =	sst s10  }
0x35: {  	s10 =	sld [smem:$0x3FB9];
	_ =	sdelay $0x3  }
0x36: {  	p1 =	seq.s32 s10, $0x1;
	s10 =	sld [smem:$0x3FBA];
	_ =	sdelay $0x3  }
0x37: {  	[smem:$0x3FBA] =	sst s10  }
0x38: {  	s10 =	sld [smem:$0x3FBB]  }
0x39: {  	_ = 	snop;
	(pc) =	sbr.ind lr, $3  }
0x3a: {  	_ = 	snop  }
0x3b: {  	_ = 	snop  }
0x3c: {  	p2 =	seq.s32 s10, $0x1;
	s10 =	sld [smem:$0x3FBA]  }
0x3d: {  	_ =	shalt  }
0x3e: {  	_ =	shalt  }
0x3f: {  	_ =	shalt  }
0x40: {  	_ =	shalt  }
0x41: {  	_ =	shalt  }
0x42: {  	_ =	shalt  }
0x43: {  	_ =	shalt  }
0x44: {  	_ =	shalt  }
0x45: {  	_ =	shalt  }
0x46: {  	_ =	shalt  }
0x47: {  	_ =	shalt  }
0x48: {  	_ =	shalt  }
0x49: {  	_ =	shalt  }
0x4a: {  	_ =	shalt  }
0x4b: {  	_ =	shalt  }
0x4c: {  	_ =	shalt  }
0x4d: {  	_ =	shalt  }
0x4e: {  	_ =	shalt  }
0x4f: {  	_ =	shalt  }
0x50: {  	_ =	shalt  }
0x51: {  	_ =	shalt  }
0x52: {  	_ =	shalt  }
0x53: {  	_ =	shalt  }
0x54: {  	_ =	shalt  }
0x55: {  	_ =	shalt  }
0x56: {  	_ =	shalt  }
0x57: {  	_ =	shalt  }
0x58: {  	_ =	shalt  }
0x59: {  	_ =	shalt  }
0x5a: {  	_ =	shalt  }
0x5b: {  	_ =	shalt  }
0x5c: {  	_ =	shalt  }
0x5d: {  	_ =	shalt  }
0x5e: {  	_ =	shalt  }
0x5f: {  	_ =	shalt  }
0x60: {  	_ =	shalt  }
0x61: {  	_ =	shalt  }
0x62: {  	_ =	shalt  }
0x63: {  	_ =	shalt  }
0x64: {  	_ =	shalt  }
0x65: {  	_ =	shalt  }
0x66: {  	_ =	shalt  }
0x67: {  	_ =	shalt  }
0x68: {  	_ =	shalt  }
0x69: {  	_ =	shalt  }
0x6a: {  	_ =	shalt  }
0x6b: {  	_ =	shalt  }
0x6c: {  	_ =	shalt  }
0x6d: {  	_ =	shalt  }
0x6e: {  	_ =	shalt  }
0x6f: {  	_ =	shalt  }
0x70: {  	_ =	shalt  }
0x71: {  	_ =	shalt  }
0x72: {  	_ =	shalt  }
0x73: {  	_ =	shalt  }
0x74: {  	_ =	shalt  }
0x75: {  	_ =	shalt  }
0x76: {  	_ =	shalt  }
0x77: {  	_ =	shalt  }
0x78: {  	_ =	shalt  }
0x79: {  	_ =	shalt  }
0x7a: {  	_ =	shalt  }
0x7b: {  	_ =	shalt  }
0x7c: {  	_ =	shalt  }
0x7d: {  	_ =	shalt  }
0x7e: {  	_ =	shalt  }
0x7f: {  	_ =	shalt  }
0x80: {  	_ =	shalt  }
0x81: {  	_ =	shalt  }
0x82: {  	_ =	shalt  }
0x83: {  	_ =	shalt  }
0x84: {  	_ =	shalt  }
0x85: {  	_ =	shalt  }
0x86: {  	_ =	shalt  }
0x87: {  	_ =	shalt  }
.Lfunc_end0:
.L_simem_size_0:
called_computation_lowered:
.L_overlay_start_0:
0x88: {  	s2 =	sld [smem:$0x3FD9]  }
0x89: {  	s3 =	sld [smem:$0x3FFE];
	_ =	sdelay $0x1  }
0x8a: {  	s1 =	srdreg.scid  }
0x8b: {  	s0 =	sand.u32 $0x1, s1  }
0x8c: {  	s17 =	sshll.u32 s0, $0xA;
	s2 =	sadd.s32 s3, s2  }
0x8d: {  	s2 =	sadd.s32 s2, s17  }
0x8e: {  	[smem:$0x3FC6] =	sst s2  }
0x8f: {  	_ = 	snop  }
0x90: {  	s2 =	sld [smem:$0x3FC9]  }
0x91: {  	s18 =	sld [smem:$0x3FD0];
	(tm) =	ssettm $0x1  }
0x92: {  	s4 =	sld [smem:$0x3FFB];
	_ =	sdelay $0x3  }
0x93: {  	_ =	strace s4  }
0x94: {  	s4 =	sld [smem:$0x3FFC];
	_ =	sdelay $0x3  }
0x95: {  	_ =	strace s4  }
0x96: {  	s4 =	sld [smem:$0x3FFD];
	_ =	sdelay $0x3  }
0x97: {  	_ =	strace s4  }
0x98: {  	_ =	strace $0x8FFFFFFF  }
0x99: {  	s19 =	sld [smem:$0x3FDB];
	_ =	sdelay $0x1  }
0x9a: {  	s5 =	simm.s32 $_scs_section_size  }
0x9b: {  	s6 =	simm.s32 $_size__tile_overlayer_lowered;
	s7 =	simm.s32 $_tile_overlayer_lowered  }
0x9c: {  	s22 =	simm.s32 $0x1BFF;
	s21 =	sshll.u32 s7, $0x1;
	s4 =	sadd.s32 s5, s19  }
0x9d: {  	s8 =	simm.s32 $0x0;
	s20 =	sshll.u32 s6, $0x1;
	s6 =	sadd.s32 s21, s4  }
0x9e: {  	[timem:s8], [sflag:s22] =	dma.local [hbm:s6], s20  }
0x9f: {  	_ =	swait.ge [sflag:s22], s20  }
0xa0: {  	s5 =	ssub.s32 $0x0, s20;
	[sflag:s22] =	ssyncset.done $0x0  }
0xa1: {  	[sflag:s22] =	ssyncadd.s32 s5;
	_ =	sdelay $0x1  }
0xa2: {  	s23 =	simm.s32 $0x1B8B  }
0xa3: {  	_ =	swait.ge [sflag:s23], $0x1  }
0xa4: {  	[sflag:s23] =	ssyncset.done $0x0  }
0xa5: {  	s25 =	simm.s32 $0x1B8E;
	s24 =	sld [smem:$0x3FFE];
	[sflag:s23] =	ssyncadd.s32 $0xFFFFFFFF  }
0xa6: {  	s26 =	simm.s32 $execute0_lowered;
	[smem:$0x3FD2] =	sst s25  }
0xa7: {  	s6 =	sshll.u32 s26, $0x1;
	_ =	strace $0x80000046;
	[dreg:$0x1] =	wrdreg $0xFFFFFFFF  }
0xa8: {  	s28 =	simm.s32 $_size_execute0_lowered;
	s4 =	sadd.s32 s4, s6;
	[dreg:$0x0] =	wrdreg $0x0  }
0xa9: {  	s6 =	sshll.u32 s28, $0x1;
	[dreg:$0x2] =	wrdreg s4  }
0xaa: {  	[dreg:$0x3] =	wrdreg s6  }
0xab: {  	[dreg:$0x4] =	wrdreg $0xC0  }
0xac: {  	_ =	task [dreg:s8], $0x5FFFF  }
0xad: {  	[dreg:$0x1] =	wrdreg $0xFFFFFFFF  }
0xae: {  	[dreg:$0x0] =	wrdreg $0x60  }
0xaf: {  	[dreg:$0x2] =	wrdreg s2  }
0xb0: {  	[dreg:$0x3] =	wrdreg s24  }
0xb1: {  	[dreg:$0x4] =	wrdreg s18  }
0xb2: {  	[dreg:$0x5] =	wrdreg $0xA8000  }
0xb3: {  	[dreg:$0x6] =	wrdreg $0x9  }
0xb4: {  	_ =	task.clear_ibuf [dreg:s8], $0x7FFFF;
	_ =	strace $0x90000046  }
0xb5: {  	s29 =	simm.s32 $0x9;
	_ =	strace $0x80000048  }
0xb6: {  	_ =	swait.ge [sflag:s29], $0x1  }
0xb7: {  	[sflag:s29] =	ssyncadd.s32 $0xFFFFFFFF  }
0xb8: {  	_ =	strace $0x90000048  }
0xb9: {  	_ =	sfence  }
0xba: {  	s30 =	sld [smem:$0x0];
	_ =	sdelay $0x2  }
0xbb: {  	s31 =	sshll.u32 s1, $0xD;
	s1 =	sshrl.u32 s1, $0x2  }
0xbc: {  	s3 =	sand.u32 $0x4000, s31;
	s1 =	sadd.s32 s1, s30  }
0xbd: {  	s0 =	sor.u32 s3, s0;
	s1 =	sshll.u32 s1, $0x11  }
0xbe: {  	s0 =	sor.u32 s1, s0  }
0xbf: {  	s0 =	sadd.s32 $0x8F2B, s0  }
0xc0: {  	[sflag:s0] =	ssyncadd.remote.s32 $0x1  }
0xc1: {  	_ =	sfence.sel $0xFFFF  }
0xc2: {  	[dreg:$0x0] =	wrdreg $0xFFFFFFFF;
	(pc) =	sbr.abs _section_cstart, $3  }
0xc3: {  	[dreg:$0x1] =	wrdreg $0xFFFFFFFF  }
0xc4: {  	_ =	task.clear_ibuf [dreg:s8], $0x2FFFF;
	_ =	strace $0x9FFFFFFF  }
0xc5: {  	(tm) =	ssettm $0x7FFFFFFF  }
tec
execute0_lowered:
.L_overlay_start_1:
0x0: {  	(tag) =	ssettag $0x1  }
0x1: {  	s0 =	rddreg [dreg:$0x0]  }
0x2: {  	s1 =	srdreg.scid;
	s2 =	rddreg [dreg:$0x1]  }
0x3: {  	s19 =	rddreg [dreg:$0x2];
	s9 =	stileid.u32  }
0x4: {  	s3 =	rddreg [dreg:$0x3];
	s1 =	sand.u32 $0x1, s1;
	s8 =	smul.u32 $0x50000, s9  }
0x5: {  	s23 =	simm.s32 $0x1;
	s14 =	smul.u32 $0x14000, s9;
	s4 =	sshll.u32 s1, $0x4  }
0x6: {  	s7 =	ssub.s32 $0x2, s1;
	s1 =	smul.u32 $0x140000, s1;
	s21 =	sor.u32 s9, s4  }
0x7: {  	s4 =	simm.s32 $0x0;
	s24 =	sshrl.u32 s7, $0x1;
	s25 =	sshrl.u32 s8, $0x2  }
0x8: {  	s15 =	sadd.s32 $0x4000, s14;
	s17 =	sadd.s32 $0x8000, s14;
	s18 =	sadd.s32 $0xC000, s14  }
0x9: {  	s22 =	sadd.s32 $0x10000, s14;
	s5 =	smul.u32 $0x4E, s21;
	[smem:$0x7FF] =	sst s4  }
0xa: {  	s6 =	smin.u32 s21, $0x4;
	s20 =	ssub.s32 s7, s24;
	p0 =	slt.u32 s21, $0x4  }
0xb: {  	s7 =	sadd.s32 s25, s3;
	s8 =	sadd.s32 s15, s3;
	s9 =	sadd.s32 s17, s3  }
0xc: {  	s10 =	sadd.s32 s18, s3;
	s11 =	sadd.s32 s22, s3;
	s26 =	sadd.s32 s14, s1  }
0xd: {  	s16 =	sadd.s32 s1, s15;
	s30 =	sadd.s32 s1, s17;
	s31 =	sadd.s32 s1, s18  }
0xe: {  	s1 =	sadd.s32 s1, s22;
	s24 =	simm.s32 $0x80;
	s25 =	simm.s32 $0x2  }
0xf: {  	_ =	strace $0x80000047;
	s29 =	sshrl.u32 s16, $0x3;
	s18 =	sshrl.u32 s31, $0x3  }
0x10: {  	s1 =	sshrl.u32 s1, $0x3;
	s20 =	smax.u32 s20, $0x1;
	s5 =	sadd.s32 s6, s5  }
0x11: {  	s16 =	sadd.s32 s19, s29;
	s18 =	sadd.s32 s19, s18;
	s6 =	sshll.u32 s5, $0x4  }
0x12: {  	s28 =	sshll.u32 s5, $0xB;
	s2 =	sadd.s32 s6, s2;
	s6 =	simm.s32 $0x4F  }
0x13: {  	s14 =	sadd.s32 s0, s28;
	s6 =	simm.s32 @!p0 $0x4E;
	s12 =	sadd.s32 $0xC00, s2  }
0x14: {  	s13 =	sadd.s32 $0x10E0, s2;
	s2 =	sshrl.u32 s26, $0x3;
	p0 =	sgt.u32 s21, $0x3  }
0x15: {  	s21 =	simm.s32 $0x3;
	s15 =	sadd.s32 s19, s2;
	s2 =	sshrl.u32 s30, $0x3  }
0x16: {  	v0 =	vimm.f32 $0.0e+00;
	s26 =	simm.s32 $0x0;
	s17 =	sadd.s32 s19, s2;
	s19 =	sadd.s32 s19, s1  }
.LBB2_1:
0x17: {  	s1 =	simm.s32 $0x0;
	s2 =	simm.s32 $0x200  }
.LBB2_2:
0x18: {  	p1 =	sne.s32 s2, $0xFE00;
	[tilespmem:s1+$0x70] =	vst v0  }
0x19: {  	[tilespmem:s1+$0x0] =	vst v0  }
0x1a: {  	[tilespmem:s1+$0x10] =	vst v0  }
.Ltmp0:
0x1b: {  	[tilespmem:s1+$0x20] =	vst v0;
	(pc) =	sbr.rel @p1 .LBB2_2-.Ltmp0, $4  }
0x1c: {  	[tilespmem:s1+$0x30] =	vst v0  }
0x1d: {  	[tilespmem:s1+$0x40] =	vst v0  }
0x1e: {  	[tilespmem:s1+$0x50] =	vst v0  }
0x1f: {  	[tilespmem:s1+$0x60] =	vst v0;
	s1 =	sshra.s32 s2, $0x2;
	s2 =	sadd.s32 $0x200, s2  }
0x20: {  	[tilespmem:s1+$0x70] =	vst v0  }
0x21: {  	[tilespmem:s1+$0x0] =	vst v0  }
0x22: {  	[tilespmem:s1+$0x10] =	vst v0  }
0x23: {  	[tilespmem:s1+$0x20] =	vst v0  }
0x24: {  	[tilespmem:s1+$0x30] =	vst v0  }
0x25: {  	[tilespmem:s1+$0x40] =	vst v0  }
0x26: {  	[tilespmem:s1+$0x50] =	vst v0  }
0x27: {  	[tilespmem:s1+$0x60] =	vst v0  }
0x28: {  	[spmem:s7] =	stream.linear.scatter [tilespmem:s4], [sflag:$0x3], $0x4000, $0x38;
	[tilespmem:$0x1E800] =	vst v63  }
0x29: {  	_ =	swait.ge [sflag:s21], $0x4000  }
0x2a: {  	[sflag:s21] =	ssyncset.done $0x0  }
0x2b: {  	[sflag:s21] =	ssyncadd.s32 $0xFFFFC000  }
0x2c: {  	[spmem:s8] =	stream.linear.scatter [tilespmem:s4], [sflag:$0x3], $0x4000, $0x38;
	[tilespmem:$0x1E800] =	vst v63  }
0x2d: {  	_ =	swait.ge [sflag:s21], $0x4000  }
0x2e: {  	[sflag:s21] =	ssyncset.done $0x0  }
0x2f: {  	[sflag:s21] =	ssyncadd.s32 $0xFFFFC000  }
0x30: {  	[spmem:s9] =	stream.linear.scatter [tilespmem:s4], [sflag:$0x3], $0x4000, $0x38;
	[tilespmem:$0x1E800] =	vst v63  }
0x31: {  	_ =	swait.ge [sflag:s21], $0x4000  }
0x32: {  	[sflag:s21] =	ssyncset.done $0x0  }
0x33: {  	[sflag:s21] =	ssyncadd.s32 $0xFFFFC000  }
0x34: {  	[spmem:s10] =	stream.linear.scatter [tilespmem:s4], [sflag:$0x3], $0x4000, $0x38;
	[tilespmem:$0x1E800] =	vst v63  }
0x35: {  	_ =	swait.ge [sflag:s21], $0x4000  }
0x36: {  	[sflag:s21] =	ssyncset.done $0x0  }
0x37: {  	[sflag:s21] =	ssyncadd.s32 $0xFFFFC000  }
0x38: {  	[spmem:s11] =	stream.linear.scatter [tilespmem:s4], [sflag:$0x3], $0x4000, $0x38;
	[tilespmem:$0x1E800] =	vst v63  }
0x39: {  	_ =	swait.ge [sflag:s21], $0x4000  }
0x3a: {  	[sflag:s21] =	ssyncset.done $0x0  }
0x3b: {  	s31 =	simm.s32 $0x8000;
	[sflag:s21] =	ssyncadd.s32 $0xFFFFC000  }
0x3c: {  	[tilespmem:s31], [sflag:$0x3] =	stream.linear.gather [hbm4b:s12+s4], $0x2700, $0x38;
	[tilespmem:$0x1E800] =	vst v63  }
0x3d: {  	_ =	swait.ge [sflag:s21], $0x2700  }
0x3e: {  	[sflag:s21] =	ssyncset.done $0x0  }
0x3f: {  	s1 =	simm.s32 @!p0 $0x0;
	s2 =	simm.s32 @!p0 $0xA700;
	[sflag:s21] =	ssyncadd.s32 $0xFFFFD900  }
0x40: {  	[tilespmem:s2], [sflag:$0x3] =	stream.linear.gather @!p0 [hbm4b:s13+s1], $0x80, $0x38;
	[tilespmem:$0x1E800] =	vst v63  }
0x41: {  	s1 =	simm.s32 @!p0 $0x3  }
0x42: {  	_ =	swait.ge @!p0 [sflag:s1], $0x80  }
0x43: {  	[sflag:s1] =	ssyncset.done @!p0 $0x0  }
0x44: {  	[sflag:s1] =	ssyncadd.s32 @!p0 $0xFFFFFF80  }
0x45: {  	s28 =	simm.s32 $0x0;
	p1 =	por $0x0, $0x0;
	[bflag:$0x0] =	sbarrier.arrive $0xFFFF  }
0x46: {  	[tilespmem:s28], [sflag:$0x1] =	stream.linear.gather [hbm4b:s14+s28], $0x4000, $0x38;
	[tilespmem:$0x1E800] =	vst v63  }
.LBB2_4:
0x47: {  	_ =	swait.ge [sflag:s23], $0x4000  }
0x48: {  	p3 =	seq.s32 s28, $0x0;
	[sflag:s23] =	ssyncset.done $0x0  }
0x49: {  	s29 =	sadd.s32 $0x1, s28;
	s1 =	simm.s32 @!p3 $0x2;
	[sflag:s23] =	ssyncadd.s32 $0xFFFFC000  }
0x4a: {  	p2 =	sge.u32 s29, s6;
	_ =	swait.ge @!p3 [sflag:s1], $0x4000  }
0x4b: {  	s2 =	simm.s32 $0x1;
	s30 =	sadd.s32 @!p2 s5, s28;
	[sflag:s1] =	ssyncset.done @!p3 $0x0  }
0x4c: {  	s2 =	simm.s32 @!p1 $0x0;
	[sflag:s1] =	ssyncadd.s32 @!p3 $0xFFFFC000;
	s1 =	sshll.u32 @!p2 s30, $0xB  }
0x4d: {  	s2 =	sshll.u32 s2, $0xE;
	s30 =	sshll.u32 s28, $0xE;
	s1 =	sand.u32 @!p2 $0x1FFFF800, s1  }
0x4e: {  	s22 =	simm.s32 @!p2 $0x0;
	s30 =	sand.u32 $0x4000, s30;
	s1 =	sadd.s32 @!p2 s0, s1  }
0x4f: {  	s31 =	sor.u32 $0x80, s2;
	s2 =	ssub.s32 @!p2 $0x4000, s30;
	s1 =	sadd.s32 @!p2 $0x800, s1  }
0x50: {  	[tilespmem:s2], [sflag:$0x1] =	stream.linear.gather @!p2 [hbm4b:s1+s22], $0x4000, $0x38;
	[tilespmem:$0x1E800] =	vst v63  }
0x51: {  	v1 =	vld [tilespmem:s31+$0xFFFFFF80]  }
0x52: {  	v2 =	vld [tilespmem:s31+$0xFFFFFF90]  }
0x53: {  	v3 =	vld [tilespmem:s31+$0xFFFFFFA0]  }
0x54: {  	v4 =	vld [tilespmem:s31+$0xFFFFFFB0]  }
0x55: {  	v5 =	vld [tilespmem:s31+$0xFFFFFFC0]  }
0x56: {  	v6 =	vld [tilespmem:s31+$0xFFFFFFD0];
	v1 =	vmul.f32 $1.442695020e+00, v1  }
0x57: {  	v7 =	vld [tilespmem:s31+$0xFFFFFFE0];
	v2 =	vmul.f32 $1.442695020e+00, v2  }
0x58: {  	v8 =	vld [tilespmem:s31+$0x0];
	v3 =	vmul.f32 $1.442695020e+00, v3;
	(erf) = vpow2.f32 v1  }
0x59: {  	v1 =	vmul.f32 $1.442695020e+00, v4;
	(erf) = vpow2.f32 v2  }
0x5a: {  	v4 =	vld [tilespmem:s31+$0x10];
	v2 =	vmul.f32 $1.442695020e+00, v5;
	(erf) = vpow2.f32 v3  }
0x5b: {  	v5 =	vld [tilespmem:s31+$0x20];
	v3 =	vmul.f32 $1.442695020e+00, v6;
	(erf) = vpow2.f32 v1  }
0x5c: {  	v6 =	vld [tilespmem:s31+$0x30];
	v1 =	vmul.f32 $1.442695020e+00, v7;
	(erf) = vpow2.f32 v2  }
0x5d: {  	v7 =	vld [tilespmem:s31+$0x40];
	v2 =	vmul.f32 $1.442695020e+00, v8;
	(erf) = vpow2.f32 v3  }
0x5e: {  	v8 =	vld [tilespmem:s31+$0x50];
	(erf) = vpow2.f32 v1  }
0x5f: {  	v3 =	vmul.f32 $1.442695020e+00, v4;
	(erf) = vpow2.f32 v2;
	v2 =	vld [tilespmem:s31+$0x60]  }
0x60: {  	v5 =	vmul.f32 $1.442695020e+00, v5;
	v1 =	vld [tilespmem:s31+$0x70]  }
0x61: {  	v9 =	vmul.f32 $1.442695020e+00, v6;
	(erf) = vpow2.f32 v3;
	v3 =	vld [tilespmem:s31+$0xFFFFFFF0]  }
0x62: {  	v4 =	vmul.f32 $1.442695020e+00, v7;
	v6 =	vpop (erf);
	(erf) = vpow2.f32 v5  }
0x63: {  	s2 =	simm.s32 $0x0;
	s1 =	sadd.s32 $0x100, s31;
	v5 =	vmul.f32 $1.442695020e+00, v8;
	[tilespmem:s31+$0xFFFFFF80] =	vst v6;
	v6 =	vpop (erf);
	(erf) = vpow2.f32 v9  }
.LBB2_5:
0x64: {  	v7 =	vld [tilespmem:s1+$0xFFFFFF80];
	[tilespmem:s31+$0xFFFFFF90] =	vst v6;
	v2 =	vmul.f32 $1.442695020e+00, v2;
	v6 =	vpop (erf);
	(erf) = vpow2.f32 v4  }
0x65: {  	v4 =	vld [tilespmem:s1+$0xFFFFFF90];
	[tilespmem:s31+$0xFFFFFFA0] =	vst v6;
	v1 =	vmul.f32 $1.442695020e+00, v1;
	v6 =	vpop (erf);
	(erf) = vpow2.f32 v5  }
0x66: {  	v5 =	vld [tilespmem:s1+$0xFFFFFFA0];
	[tilespmem:s31+$0xFFFFFFB0] =	vst v6;
	v3 =	vmul.f32 $1.442695020e+00, v3;
	v6 =	vpop (erf);
	(erf) = vpow2.f32 v2  }
0x67: {  	v2 =	vld [tilespmem:s1+$0xFFFFFFB0];
	[tilespmem:s31+$0xFFFFFFC0] =	vst v6;
	v6 =	vpop (erf);
	(erf) = vpow2.f32 v1  }
0x68: {  	v1 =	vld [tilespmem:s1+$0xFFFFFFC0];
	[tilespmem:s31+$0xFFFFFFD0] =	vst v6;
	v6 =	vpop (erf);
	(erf) = vpow2.f32 v3  }
0x69: {  	v10 =	vmul.f32 $1.442695020e+00, v7;
	v7 =	vld [tilespmem:s1+$0xFFFFFFD0];
	[tilespmem:s31+$0xFFFFFFE0] =	vst v6;
	v6 =	vpop (erf)  }
0x6a: {  	v4 =	vmul.f32 $1.442695020e+00, v4;
	v8 =	vld [tilespmem:s1+$0xFFFFFFE0];
	[tilespmem:s31+$0x0] =	vst v6;
	v6 =	vpop (erf)  }
0x6b: {  	v5 =	vmul.f32 $1.442695020e+00, v5;
	v9 =	vld [tilespmem:s1+$0x0];
	(erf) = vpow2.f32 v10;
	[tilespmem:s31+$0x10] =	vst v6;
	v3 =	vpop (erf)  }
0x6c: {  	v10 =	vmul.f32 $1.442695020e+00, v2;
	v6 =	vld [tilespmem:s1+$0x10];
	(erf) = vpow2.f32 v4;
	[tilespmem:s31+$0x20] =	vst v3;
	v3 =	vpop (erf)  }
0x6d: {  	v11 =	vmul.f32 $1.442695020e+00, v1;
	v4 =	vld [tilespmem:s1+$0x20];
	(erf) = vpow2.f32 v5;
	[tilespmem:s31+$0x30] =	vst v3;
	v3 =	vpop (erf)  }
0x6e: {  	v5 =	vmul.f32 $1.442695020e+00, v7;
	v7 =	vld [tilespmem:s1+$0x30];
	(erf) = vpow2.f32 v10;
	[tilespmem:s31+$0x40] =	vst v3;
	v2 =	vpop (erf)  }
0x6f: {  	s2 =	sadd.s32 $0x2, s2;
	v12 =	vmul.f32 $1.442695020e+00, v8;
	v8 =	vld [tilespmem:s1+$0x40];
	(erf) = vpow2.f32 v11;
	[tilespmem:s31+$0x50] =	vst v2;
	v1 =	vpop (erf)  }
0x70: {  	p2 =	slt.u32 s2, $0x7E;
	v9 =	vmul.f32 $1.442695020e+00, v9;
	v10 =	vld [tilespmem:s1+$0x50];
	(erf) = vpow2.f32 v5;
	[tilespmem:s31+$0x60] =	vst v1;
	v1 =	vpop (erf)  }
.Ltmp1:
0x71: {  	v11 =	vmul.f32 $1.442695020e+00, v6;
	v2 =	vld [tilespmem:s1+$0x60];
	(erf) = vpow2.f32 v12;
	[tilespmem:s31+$0x70] =	vst v1;
	v3 =	vpop (erf);
	(pc) =	sbr.rel @p2 .LBB2_5-.Ltmp1, $4  }
0x72: {  	v12 =	vmul.f32 $1.442695020e+00, v4;
	v1 =	vld [tilespmem:s1+$0x70];
	(erf) = vpow2.f32 v9;
	[tilespmem:s31+$0xFFFFFFF0] =	vst v3;
	s31 =	smov.u32 s1  }
0x73: {  	v3 =	vld [tilespmem:s1+$0xFFFFFFF0];
	v7 =	vmul.f32 $1.442695020e+00, v7;
	(erf) = vpow2.f32 v11  }
0x74: {  	v4 =	vmul.f32 $1.442695020e+00, v8;
	v5 =	vpop (erf);
	(erf) = vpow2.f32 v12  }
0x75: {  	s1 =	sadd.s32 $0x100, s1;
	[tilespmem:s31+$0xFFFFFF80] =	vst v5;
	v5 =	vmul.f32 $1.442695020e+00, v10;
	v6 =	vpop (erf);
	(erf) = vpow2.f32 v7  }
0x76: {  	v2 =	vmul.f32 $1.442695020e+00, v2  }
0x77: {  	[tilespmem:s31+$0xFFFFFF90] =	vst v6;
	v61 =	vpop (erf);
	(erf) = vpow2.f32 v4;
	v1 =	vmul.f32 $1.442695020e+00, v1  }
0x78: {  	[tilespmem:s31+$0xFFFFFFA0] =	vst v61;
	v62 =	vpop (erf);
	(erf) = vpow2.f32 v5  }
0x79: {  	[tilespmem:s31+$0xFFFFFFB0] =	vst v62;
	v3 =	vmul.f32 $1.442695020e+00, v3;
	v63 =	vpop (erf);
	(erf) = vpow2.f32 v2  }
0x7a: {  	[tilespmem:s31+$0xFFFFFFC0] =	vst v63;
	v2 =	vpop (erf);
	(erf) = vpow2.f32 v1  }
0x7b: {  	[tilespmem:s31+$0xFFFFFFD0] =	vst v2;
	v1 =	vpop (erf);
	(erf) = vpow2.f32 v3  }
0x7c: {  	[tilespmem:s31+$0xFFFFFFE0] =	vst v1;
	v1 =	vpop (erf)  }
0x7d: {  	[tilespmem:s31+$0x0] =	vst v1;
	v1 =	vpop (erf)  }
0x7e: {  	[tilespmem:s31+$0x10] =	vst v1;
	v1 =	vpop (erf)  }
0x7f: {  	[tilespmem:s31+$0x20] =	vst v1;
	v1 =	vpop (erf)  }
0x80: {  	[tilespmem:s31+$0x30] =	vst v1;
	v1 =	vpop (erf)  }
0x81: {  	p2 =	sne.s32 s29, s6;
	[tilespmem:s31+$0x40] =	vst v1;
	v1 =	vpop (erf)  }
.Ltmp2:
0x82: {  	[tilespmem:s31+$0x50] =	vst v1;
	v1 =	vpop (erf);
	(pc) =	sbr.rel @p2 .LBB2_4-.Ltmp2, $4  }
0x83: {  	s1 =	sshll.u32 s28, $0x9;
	[tilespmem:s31+$0x60] =	vst v1;
	v1 =	vpop (erf)  }
0x84: {  	s1 =	sshra.s32 s1, $0x2;
	[tilespmem:s31+$0x70] =	vst v1;
	v1 =	vpop (erf)  }
0x85: {  	p1 =	por !p1, !p1;
	s28 =	smov.u32 s29;
	s1 =	sadd.s32 $0x8000, s1;
	[tilespmem:s31+$0xFFFFFFF0] =	vst v1  }
0x86: {  	[spmem:s3] =	stream.indirect.scatter.add.f32 [tilespmem:s30], [sflag:$0x2], $0x80, s1, s24, $0xb8;
	[tilespmem:$0x1E800] =	vst v63  }
0x87: {  	_ =	swait.ge [sflag:s25], $0x4000  }
0x88: {  	[sflag:s25] =	ssyncset.done $0x0  }
0x89: {  	[sflag:s25] =	ssyncadd.s32 $0xFFFFC000  }
0x8a: {  	[bflag:$0x0] =	sbarrier.arrive $0xFFFF  }
0x8b: {  	[tilespmem:s4], [sflag:$0x3] =	stream.linear.gather [spmem:s7], $0x4000, $0x38;
	[tilespmem:$0x1E800] =	vst v63  }
0x8c: {  	_ =	swait.ge [sflag:s21], $0x4000  }
0x8d: {  	[sflag:s21] =	ssyncset.done $0x0  }
0x8e: {  	[sflag:s21] =	ssyncadd.s32 $0xFFFFC000  }
0x8f: {  	[hbm4b:s15+s4] =	stream.linear.scatter [tilespmem:s4], [sflag:$0x3], $0x4000, $0x38;
	[tilespmem:$0x1E800] =	vst v63  }
0x90: {  	_ =	swait.ge [sflag:s21], $0x4000  }
0x91: {  	[sflag:s21] =	ssyncset.done $0x0  }
0x92: {  	[sflag:s21] =	ssyncadd.s32 $0xFFFFC000  }
0x93: {  	[tilespmem:s4], [sflag:$0x3] =	stream.linear.gather [spmem:s8], $0x4000, $0x38;
	[tilespmem:$0x1E800] =	vst v63  }
0x94: {  	_ =	swait.ge [sflag:s21], $0x4000  }
0x95: {  	[sflag:s21] =	ssyncset.done $0x0  }
0x96: {  	[sflag:s21] =	ssyncadd.s32 $0xFFFFC000  }
0x97: {  	[hbm4b:s16+s4] =	stream.linear.scatter [tilespmem:s4], [sflag:$0x3], $0x4000, $0x38;
	[tilespmem:$0x1E800] =	vst v63  }
0x98: {  	_ =	swait.ge [sflag:s21], $0x4000  }
0x99: {  	[sflag:s21] =	ssyncset.done $0x0  }
0x9a: {  	[sflag:s21] =	ssyncadd.s32 $0xFFFFC000  }
0x9b: {  	[tilespmem:s4], [sflag:$0x3] =	stream.linear.gather [spmem:s9], $0x4000, $0x38;
	[tilespmem:$0x1E800] =	vst v63  }
0x9c: {  	_ =	swait.ge [sflag:s21], $0x4000  }
0x9d: {  	[sflag:s21] =	ssyncset.done $0x0  }
0x9e: {  	[sflag:s21] =	ssyncadd.s32 $0xFFFFC000  }
0x9f: {  	[hbm4b:s17+s4] =	stream.linear.scatter [tilespmem:s4], [sflag:$0x3], $0x4000, $0x38;
	[tilespmem:$0x1E800] =	vst v63  }
0xa0: {  	_ =	swait.ge [sflag:s21], $0x4000  }
0xa1: {  	[sflag:s21] =	ssyncset.done $0x0  }
0xa2: {  	[sflag:s21] =	ssyncadd.s32 $0xFFFFC000  }
0xa3: {  	[tilespmem:s4], [sflag:$0x3] =	stream.linear.gather [spmem:s10], $0x4000, $0x38;
	[tilespmem:$0x1E800] =	vst v63  }
0xa4: {  	_ =	swait.ge [sflag:s21], $0x4000  }
0xa5: {  	[sflag:s21] =	ssyncset.done $0x0  }
0xa6: {  	[sflag:s21] =	ssyncadd.s32 $0xFFFFC000  }
0xa7: {  	[hbm4b:s18+s4] =	stream.linear.scatter [tilespmem:s4], [sflag:$0x3], $0x4000, $0x38;
	[tilespmem:$0x1E800] =	vst v63  }
0xa8: {  	_ =	swait.ge [sflag:s21], $0x4000  }
0xa9: {  	[sflag:s21] =	ssyncset.done $0x0  }
0xaa: {  	[sflag:s21] =	ssyncadd.s32 $0xFFFFC000  }
0xab: {  	[tilespmem:s4], [sflag:$0x3] =	stream.linear.gather [spmem:s11], $0x4000, $0x38;
	[tilespmem:$0x1E800] =	vst v63  }
0xac: {  	s26 =	sadd.s32 $0x1, s26;
	_ =	swait.ge [sflag:s21], $0x4000  }
0xad: {  	p1 =	sne.s32 s26, s20;
	[sflag:s21] =	ssyncset.done $0x0  }
.Ltmp3:
0xae: {  	[sflag:s21] =	ssyncadd.s32 $0xFFFFC000;
	(pc) =	sbr.rel @p1 .LBB2_1-.Ltmp3, $4  }
0xaf: {  	[hbm4b:s19+s4] =	stream.linear.scatter [tilespmem:s4], [sflag:$0x3], $0x4000, $0x38;
	[tilespmem:$0x1E800] =	vst v63  }
0xb0: {  	_ =	swait.ge [sflag:s21], $0x4000  }
0xb1: {  	[sflag:s21] =	ssyncset.done $0x0  }
0xb2: {  	[sflag:s21] =	ssyncadd.s32 $0xFFFFC000  }
0xb3: {  	_ =	sfence.sel $0x180000  }
0xb4: {  	[bflag:$0x0] =	sbarrier.arrive $0xFFFF  }
0xb5: {  	_ =	strace $0x90000047  }
0xb6: {  	s0 =	stileid.u32;
	[bflag:$0x2] =	sbarrier.arrive $0xFFFF  }
0xb7: {  	p0 =	sne.s32 s0, $0x0;
	s0 =	rddreg [dreg:$0x4]  }
0xb8: {  	s0 =	sadd.s32 @!p0 $0x100000, s0  }
0xb9: {  	[sflag:s0] =	ssyncadd.tile.s32 @!p0 $0x1;
	_ =	shalt  }
.Lfunc_end2:
_tile_overlayer_lowered:
.L_overlay_start_2:
0xba: {  	(tag) =	ssettag $0x2  }
0xbb: {  	s0 =	rddreg [dreg:$0x0];
	s2 =	stileid.u32  }
0xbc: {  	s1 =	rddreg [dreg:$0x1];
	p0 =	sne.s32 s2, $0x0  }
0xbd: {  	s3 =	rddreg [dreg:$0x2];
	[bflag:$0x3] =	sbarrier.arrive $0xFFFF;
	s2 =	simm.s32 @!p0 $0x1C03  }
0xbe: {  	[timem:s3], [sflag:s2] =	dma.local @!p0 [hbm:s0], s1  }
0xbf: {  	s0 =	simm.s32 @!p0 $0x3  }
0xc0: {  	_ =	swait.ge @!p0 [sflag:s0], s1  }
0xc1: {  	s1 =	ssub.s32 @!p0 $0x0, s1;
	[sflag:s0] =	ssyncset.done @!p0 $0x0  }
0xc2: {  	[sflag:s0] =	ssyncadd.s32 @!p0 s1  }
0xc3: {  	[bflag:$0x3] =	sbarrier.arrive $0xFFFF  }
0xc4: {  	_ =	shalt  }

// kernel: kernel.8.cloned.1.call-start
scs
__scs_entry_jumppad:
0x0: {  	(pc) =	sbr.rel $0x88, $3  }
0x1: {  	(tag) =	ssettag $0x0;
	lr =	simm.s32 $0x1  }
0x2: {  	[smem:$0x3F9F] =	sst lr;
	_ =	strace $0xD0000000  }
0x3: {  	_ = 	snop  }
0x4: {  	_ = 	snop  }
0x5: {  	_ = 	snop  }
0x6: {  	_ = 	snop  }
0x7: {  	_ = 	snop  }
__scs_overlays_trampoline_lowered:
0x8: {  	[smem:$0x3FAE] =	sst s0  }
0x9: {  	[smem:$0x3FAF] =	sst s1  }
0xa: {  	[smem:$0x3FB0] =	sst s2  }
0xb: {  	[smem:$0x3FB1] =	sst s3  }
0xc: {  	[smem:$0x3FB2] =	sst s4  }
0xd: {  	[smem:$0x3FB3] =	sst s5  }
0xe: {  	[smem:$0x3FB4] =	sst s6  }
0xf: {  	[smem:$0x3FB5] =	sst s7  }
0x10: {  	[smem:$0x3FB6] =	sst s8  }
0x11: {  	[smem:$0x3FB7] =	sst s9;
	s0 =	simm.s32 @!p0 $0x0  }
0x12: {  	s1 =	sld [smem:$0x3F9D];
	s0 =	simm.s32 @p0 $0x1  }
0x13: {  	[smem:$0x3FB8] =	sst s0;
	s0 =	simm.s32 @!p1 $0x0  }
0x14: {  	s2 =	sld [smem:$0x3F9C];
	s0 =	simm.s32 @p1 $0x1  }
0x15: {  	[smem:$0x3FB9] =	sst s0;
	s0 =	simm.s32 @!p2 $0x0  }
0x16: {  	s3 =	sld [smem:$0x3FDB];
	s0 =	simm.s32 @p2 $0x1  }
0x17: {  	s4 =	simm.s32 $0x1BF5;
	[smem:$0x3FBB] =	sst s0  }
0x18: {  	s0 =	sld [smem:$0x3F9E];
	_ =	swait.ge [sflag:s4], $0x0  }
0x19: {  	s7 =	sld [smem:$0x3F9F]  }
0x1a: {  	s8 =	sadd.s32 $0xFFFFE003, lr  }
0x1b: {  	s9 =	sadd.s32 $0xFFFFFEF7, lr;
	s5 =	simm.s32 $0xFFFFFFFF;
	p2 =	slt.u32 s8, $0xFFFFF086  }
0x1c: {  	p1 =	slt.u32 s9, $0xF7A;
	s5 =	simm.s32 @!p2 $0x0  }
0x1d: {  	s5 =	simm.s32 @p1 $0x1;
	p0 =	seq.s32 s7, s2  }
0x1e: {  	s7 =	smul.u32 @!p0 $0xF7A, s2;
	p2 =	seq.s32 @!p0 s5, $0x0  }
0x1f: {  	s9 =	smul.u32 $0xF7A, s1;
	s8 =	simm.s32 @!p0 $0x1BF5;
	p2 =	por !p2, p0  }
0x20: {  	[sflag:s8] =	ssyncset.s32 @!p0 $0xFFFFF086;
	s6 =	sadd.s32 @!p0 s3, s7;
	s7 =	simm.s32 @!p0 $0x108  }
0x21: {  	s3 =	sadd.s32 s3, s9;
	s6 =	sadd.s32 @!p0 $0x88, s6;
	s7 =	simm.s32 @p2 $0x1082  }
0x22: {  	[simem:s7], [sflag:s8] =	dma.local @!p0 [hbm:s6], $0xF7A  }
0x23: {  	s9 =	sor.u32 $0xD0000000, s2;
	s6 =	simm.s32 $0x108;
	_ =	swait.ge @!p0 [sflag:s8], $0x0  }
0x24: {  	s3 =	sadd.s32 $0x88, s3;
	s6 =	simm.s32 @!p1 $0x1082;
	[sflag:s4] =	ssyncset.s32 $0xFFFFF086  }
0x25: {  	[simem:s6], [sflag:s4] =	dma.local [hbm:s3], $0xF7A  }
0x26: {  	[smem:$0x3F9F] =	sst s1;
	(tag) =	ssettag s2;
	_ =	strace s9  }
0x27: {  	s1 =	sld [smem:$0x3FAF]  }
0x28: {  	s2 =	sld [smem:$0x3FB0]  }
0x29: {  	s4 =	sld [smem:$0x3FB2]  }
0x2a: {  	p0 =	seq.s32 s5, $0x0;
	s5 =	sld [smem:$0x3FB3]  }
0x2b: {  	s6 =	sld [smem:$0x3FB4]  }
0x2c: {  	s7 =	sld [smem:$0x3FB5]  }
0x2d: {  	s3 =	simm.s32 $0x108;
	s8 =	sld [smem:$0x3FB6]  }
0x2e: {  	s3 =	simm.s32 @!p0 $0x1082;
	s9 =	sld [smem:$0x3FB7]  }
0x2f: {  	lr =	sadd.s32 s0, s3;
	s0 =	sld [smem:$0x3FAE]  }
0x30: {  	s3 =	sld [smem:$0x3FB1]  }
0x31: {  	[smem:$0x3FBA] =	sst s10  }
0x32: {  	s10 =	sld [smem:$0x3FB8];
	_ =	sdelay $0x3  }
0x33: {  	p0 =	seq.s32 s10, $0x1;
	s10 =	sld [smem:$0x3FBA];
	_ =	sdelay $0x3  }
0x34: {  	[smem:$0x3FBA] =	sst s10  }
0x35: {  	s10 =	sld [smem:$0x3FB9];
	_ =	sdelay $0x3  }
0x36: {  	p1 =	seq.s32 s10, $0x1;
	s10 =	sld [smem:$0x3FBA];
	_ =	sdelay $0x3  }
0x37: {  	[smem:$0x3FBA] =	sst s10  }
0x38: {  	s10 =	sld [smem:$0x3FBB]  }
0x39: {  	_ = 	snop;
	(pc) =	sbr.ind lr, $3  }
0x3a: {  	_ = 	snop  }
0x3b: {  	_ = 	snop  }
0x3c: {  	p2 =	seq.s32 s10, $0x1;
	s10 =	sld [smem:$0x3FBA]  }
0x3d: {  	_ =	shalt  }
0x3e: {  	_ =	shalt  }
0x3f: {  	_ =	shalt  }
0x40: {  	_ =	shalt  }
0x41: {  	_ =	shalt  }
0x42: {  	_ =	shalt  }
0x43: {  	_ =	shalt  }
0x44: {  	_ =	shalt  }
0x45: {  	_ =	shalt  }
0x46: {  	_ =	shalt  }
0x47: {  	_ =	shalt  }
0x48: {  	_ =	shalt  }
0x49: {  	_ =	shalt  }
0x4a: {  	_ =	shalt  }
0x4b: {  	_ =	shalt  }
0x4c: {  	_ =	shalt  }
0x4d: {  	_ =	shalt  }
0x4e: {  	_ =	shalt  }
0x4f: {  	_ =	shalt  }
0x50: {  	_ =	shalt  }
0x51: {  	_ =	shalt  }
0x52: {  	_ =	shalt  }
0x53: {  	_ =	shalt  }
0x54: {  	_ =	shalt  }
0x55: {  	_ =	shalt  }
0x56: {  	_ =	shalt  }
0x57: {  	_ =	shalt  }
0x58: {  	_ =	shalt  }
0x59: {  	_ =	shalt  }
0x5a: {  	_ =	shalt  }
0x5b: {  	_ =	shalt  }
0x5c: {  	_ =	shalt  }
0x5d: {  	_ =	shalt  }
0x5e: {  	_ =	shalt  }
0x5f: {  	_ =	shalt  }
0x60: {  	_ =	shalt  }
0x61: {  	_ =	shalt  }
0x62: {  	_ =	shalt  }
0x63: {  	_ =	shalt  }
0x64: {  	_ =	shalt  }
0x65: {  	_ =	shalt  }
0x66: {  	_ =	shalt  }
0x67: {  	_ =	shalt  }
0x68: {  	_ =	shalt  }
0x69: {  	_ =	shalt  }
0x6a: {  	_ =	shalt  }
0x6b: {  	_ =	shalt  }
0x6c: {  	_ =	shalt  }
0x6d: {  	_ =	shalt  }
0x6e: {  	_ =	shalt  }
0x6f: {  	_ =	shalt  }
0x70: {  	_ =	shalt  }
0x71: {  	_ =	shalt  }
0x72: {  	_ =	shalt  }
0x73: {  	_ =	shalt  }
0x74: {  	_ =	shalt  }
0x75: {  	_ =	shalt  }
0x76: {  	_ =	shalt  }
0x77: {  	_ =	shalt  }
0x78: {  	_ =	shalt  }
0x79: {  	_ =	shalt  }
0x7a: {  	_ =	shalt  }
0x7b: {  	_ =	shalt  }
0x7c: {  	_ =	shalt  }
0x7d: {  	_ =	shalt  }
0x7e: {  	_ =	shalt  }
0x7f: {  	_ =	shalt  }
0x80: {  	_ =	shalt  }
0x81: {  	_ =	shalt  }
0x82: {  	_ =	shalt  }
0x83: {  	_ =	shalt  }
0x84: {  	_ =	shalt  }
0x85: {  	_ =	shalt  }
0x86: {  	_ =	shalt  }
0x87: {  	_ =	shalt  }
.Lfunc_end0:
.L_simem_size_0:
called_computation.1_lowered:
.L_overlay_start_0:
0x88: {  	s2 =	sld [smem:$0x3FD9]  }
0x89: {  	s3 =	sld [smem:$0x3FFE];
	_ =	sdelay $0x1  }
0x8a: {  	s1 =	srdreg.scid  }
0x8b: {  	s0 =	sand.u32 $0x1, s1  }
0x8c: {  	s17 =	sshll.u32 s0, $0xA;
	s2 =	sadd.s32 s3, s2  }
0x8d: {  	s2 =	sadd.s32 s2, s17  }
0x8e: {  	[smem:$0x3FC6] =	sst s2  }
0x8f: {  	_ = 	snop  }
0x90: {  	s2 =	sld [smem:$0x3FD0];
	(tm) =	ssettm $0x1  }
0x91: {  	s18 =	sld [smem:$0x3FFB];
	_ =	sdelay $0x3  }
0x92: {  	_ =	strace s18  }
0x93: {  	s3 =	sld [smem:$0x3FFC];
	_ =	sdelay $0x3  }
0x94: {  	_ =	strace s3  }
0x95: {  	s3 =	sld [smem:$0x3FFD];
	_ =	sdelay $0x3  }
0x96: {  	_ =	strace s3  }
0x97: {  	_ =	strace $0x8FFFFFFF  }
0x98: {  	s19 =	sld [smem:$0x3FDB];
	_ =	sdelay $0x1  }
0x99: {  	s4 =	simm.s32 $_scs_section_size  }
0x9a: {  	s5 =	simm.s32 $_size__tile_overlayer_lowered;
	s6 =	simm.s32 $_tile_overlayer_lowered  }
0x9b: {  	s22 =	simm.s32 $0x1BFF;
	s21 =	sshll.u32 s6, $0x1;
	s3 =	sadd.s32 s4, s19  }
0x9c: {  	s7 =	simm.s32 $0x0;
	s20 =	sshll.u32 s5, $0x1;
	s5 =	sadd.s32 s21, s3  }
0x9d: {  	[timem:s7], [sflag:s22] =	dma.local [hbm:s5], s20  }
0x9e: {  	_ =	swait.ge [sflag:s22], s20  }
0x9f: {  	s4 =	ssub.s32 $0x0, s20;
	[sflag:s22] =	ssyncset.done $0x0  }
0xa0: {  	[sflag:s22] =	ssyncadd.s32 s4;
	_ =	sdelay $0x1  }
0xa1: {  	s23 =	simm.s32 $0x1B8B  }
0xa2: {  	_ =	swait.ge [sflag:s23], $0x1  }
0xa3: {  	[sflag:s23] =	ssyncset.done $0x0  }
0xa4: {  	s25 =	simm.s32 $0x1B8E;
	s24 =	sld [smem:$0x3FFE];
	[sflag:s23] =	ssyncadd.s32 $0xFFFFFFFF  }
0xa5: {  	s26 =	simm.s32 $execute0_lowered;
	[smem:$0x3FD2] =	sst s25  }
0xa6: {  	s5 =	sshll.u32 s26, $0x1;
	_ =	strace $0x80000049;
	[dreg:$0x1] =	wrdreg $0xFFFFFFFF  }
0xa7: {  	s28 =	simm.s32 $_size_execute0_lowered;
	s3 =	sadd.s32 s3, s5;
	[dreg:$0x0] =	wrdreg $0x0  }
0xa8: {  	s5 =	sshll.u32 s28, $0x1;
	[dreg:$0x2] =	wrdreg s3  }
0xa9: {  	[dreg:$0x3] =	wrdreg s5  }
0xaa: {  	[dreg:$0x4] =	wrdreg $0xC0  }
0xab: {  	_ =	task [dreg:s7], $0x5FFFF  }
0xac: {  	[dreg:$0x1] =	wrdreg $0xFFFFFFFF  }
0xad: {  	[dreg:$0x0] =	wrdreg $0x60  }
0xae: {  	[dreg:$0x2] =	wrdreg s2  }
0xaf: {  	[dreg:$0x3] =	wrdreg s24  }
0xb0: {  	[dreg:$0x4] =	wrdreg $0x9  }
0xb1: {  	_ =	task.clear_ibuf [dreg:s7], $0x5FFFF;
	_ =	strace $0x90000049  }
0xb2: {  	s29 =	simm.s32 $0x9;
	_ =	strace $0x8000004B  }
0xb3: {  	_ =	swait.ge [sflag:s29], $0x1  }
0xb4: {  	[sflag:s29] =	ssyncadd.s32 $0xFFFFFFFF  }
0xb5: {  	_ =	strace $0x9000004B  }
0xb6: {  	_ =	sfence  }
0xb7: {  	s30 =	sld [smem:$0x0];
	_ =	sdelay $0x2  }
0xb8: {  	s31 =	sshll.u32 s1, $0xD;
	s1 =	sshrl.u32 s1, $0x2  }
0xb9: {  	s3 =	sand.u32 $0x4000, s31;
	s1 =	sadd.s32 s1, s30  }
0xba: {  	s0 =	sor.u32 s3, s0;
	s1 =	sshll.u32 s1, $0x11  }
0xbb: {  	s0 =	sor.u32 s1, s0  }
0xbc: {  	s0 =	sadd.s32 $0x8F2B, s0  }
0xbd: {  	[sflag:s0] =	ssyncadd.remote.s32 $0x1  }
0xbe: {  	_ =	sfence.sel $0xFFFF  }
0xbf: {  	[dreg:$0x0] =	wrdreg $0xFFFFFFFF;
	(pc) =	sbr.abs _section_cstart, $3  }
0xc0: {  	[dreg:$0x1] =	wrdreg $0xFFFFFFFF  }
0xc1: {  	_ =	task.clear_ibuf [dreg:s7], $0x2FFFF;
	_ =	strace $0x9FFFFFFF  }
0xc2: {  	(tm) =	ssettm $0x7FFFFFFF  }
0xc3: {  	_ =	shalt  }
tec
execute0_lowered:
.L_overlay_start_1:
0x0: {  	(tag) =	ssettag $0x1  }
0x1: {  	s0 =	srdreg.scid;
	s6 =	rddreg [dreg:$0x0]  }
0x2: {  	s4 =	rddreg [dreg:$0x1];
	s3 =	sand.u32 $0x1, s0  }
0x3: {  	s1 =	stileid.u32;
	s2 =	simm.s32 $0x0;
	s5 =	sshll.u32 s3, $0x4  }
0x4: {  	s11 =	simm.s32 $0x5000;
	s12 =	simm.s32 $0x0;
	s5 =	sor.u32 s1, s5  }
0x5: {  	s0 =	rddreg [dreg:$0x2];
	s3 =	ssub.s32 $0x2, s3;
	s5 =	smul.u32 $0xA000, s5  }
0x6: {  	[smem:$0x7FF] =	sst s2;
	s8 =	sadd.s32 $0xAA00, s4;
	s31 =	sshrl.u32 s3, $0x1  }
0x7: {  	_ =	strace $0x8000004A;
	s9 =	ssub.s32 s3, s31;
	s5 =	sshrl.u32 s5, $0x3  }
0x8: {  	s9 =	smax.u32 s9, $0x1;
	s3 =	sadd.s32 s6, s5;
	s10 =	sadd.s32 $0xA00, s5  }
0x9: {  	s5 =	sadd.s32 s8, s5;
	s4 =	sadd.s32 $0x28000, s3;
	s6 =	sadd.s32 s6, s10  }
0xa: {  	s7 =	sadd.s32 $0x28A00, s3;
	s8 =	sadd.s32 s8, s10;
	s10 =	simm.s32 $0x1  }
.LBB2_1:
0xb: {  	[tilespmem:s2], [sflag:$0x1] =	stream.linear.gather [hbm4b:s3+s2], $0x5000, $0x38;
	[tilespmem:$0xA000] =	vst v63  }
0xc: {  	_ =	swait.ge [sflag:s10], $0x5000  }
0xd: {  	[sflag:s10] =	ssyncset.done $0x0  }
0xe: {  	[sflag:s10] =	ssyncadd.s32 $0xFFFFB000  }
0xf: {  	[tilespmem:s11], [sflag:$0x1] =	stream.linear.gather [hbm4b:s4+s2], $0x5000, $0x38;
	[tilespmem:$0xA000] =	vst v63  }
0x10: {  	_ =	swait.ge [sflag:s10], $0x5000  }
0x11: {  	[sflag:s10] =	ssyncset.done $0x0  }
0x12: {  	s13 =	simm.s32 $0x80;
	[sflag:s10] =	ssyncadd.s32 $0xFFFFB000  }
0x13: {  	s14 =	simm.s32 $0x5080;
	v0 =	vld [tilespmem:s13+$0xFFFFFF80]  }
0x14: {  	v1 =	vld [tilespmem:s14+$0xFFFFFF80];
	_ =	sdelay $0x4  }
0x15: {  	v0 =	vadd.f32 v1, v0;
	_ =	sdelay $0x1  }
0x16: {  	(erf) = vrcp.f32 v0;
	_ =	sdelay $0x8  }
0x17: {  	v0 =	vpop (erf)  }
0x18: {  	[tilespmem:s13+$0xFFFFFF80] =	vst v0;
	v0 =	vld [tilespmem:s13+$0xFFFFFF90]  }
0x19: {  	v1 =	vld [tilespmem:s14+$0xFFFFFF90];
	_ =	sdelay $0x4  }
0x1a: {  	v0 =	vadd.f32 v1, v0;
	_ =	sdelay $0x1  }
0x1b: {  	(erf) = vrcp.f32 v0;
	_ =	sdelay $0x8  }
0x1c: {  	v0 =	vpop (erf)  }
0x1d: {  	[tilespmem:s13+$0xFFFFFF90] =	vst v0;
	v0 =	vld [tilespmem:s13+$0xFFFFFFA0]  }
0x1e: {  	v1 =	vld [tilespmem:s14+$0xFFFFFFA0];
	_ =	sdelay $0x4  }
0x1f: {  	v0 =	vadd.f32 v1, v0;
	_ =	sdelay $0x1  }
0x20: {  	(erf) = vrcp.f32 v0;
	_ =	sdelay $0x8  }
0x21: {  	v0 =	vpop (erf)  }
0x22: {  	[tilespmem:s13+$0xFFFFFFA0] =	vst v0;
	v0 =	vld [tilespmem:s13+$0xFFFFFFB0]  }
0x23: {  	v1 =	vld [tilespmem:s14+$0xFFFFFFB0];
	_ =	sdelay $0x4  }
0x24: {  	v0 =	vadd.f32 v1, v0;
	_ =	sdelay $0x1  }
0x25: {  	(erf) = vrcp.f32 v0;
	_ =	sdelay $0x8  }
0x26: {  	v0 =	vpop (erf)  }
0x27: {  	[tilespmem:s13+$0xFFFFFFB0] =	vst v0;
	v0 =	vld [tilespmem:s13+$0xFFFFFFC0]  }
0x28: {  	v1 =	vld [tilespmem:s14+$0xFFFFFFC0];
	_ =	sdelay $0x4  }
0x29: {  	v0 =	vadd.f32 v1, v0;
	_ =	sdelay $0x1  }
0x2a: {  	(erf) = vrcp.f32 v0;
	_ =	sdelay $0x8  }
0x2b: {  	v0 =	vpop (erf)  }
0x2c: {  	[tilespmem:s13+$0xFFFFFFC0] =	vst v0;
	v0 =	vld [tilespmem:s13+$0xFFFFFFD0]  }
0x2d: {  	v1 =	vld [tilespmem:s14+$0xFFFFFFD0];
	_ =	sdelay $0x4  }
0x2e: {  	v0 =	vadd.f32 v1, v0;
	_ =	sdelay $0x1  }
0x2f: {  	(erf) = vrcp.f32 v0;
	_ =	sdelay $0x8  }
0x30: {  	v0 =	vpop (erf)  }
0x31: {  	[tilespmem:s13+$0xFFFFFFD0] =	vst v0;
	v0 =	vld [tilespmem:s13+$0xFFFFFFE0]  }
0x32: {  	v1 =	vld [tilespmem:s14+$0xFFFFFFE0];
	_ =	sdelay $0x4  }
0x33: {  	v0 =	vadd.f32 v1, v0;
	_ =	sdelay $0x1  }
0x34: {  	(erf) = vrcp.f32 v0;
	_ =	sdelay $0x8  }
0x35: {  	v0 =	vpop (erf)  }
0x36: {  	[tilespmem:s13+$0xFFFFFFE0] =	vst v0;
	v0 =	vld [tilespmem:s13+$0xFFFFFFF0]  }
0x37: {  	v1 =	vld [tilespmem:s14+$0xFFFFFFF0];
	_ =	sdelay $0x4  }
0x38: {  	v0 =	vadd.f32 v1, v0;
	_ =	sdelay $0x1  }
0x39: {  	(erf) = vrcp.f32 v0;
	_ =	sdelay $0x8  }
0x3a: {  	v0 =	vpop (erf)  }
0x3b: {  	[tilespmem:s13+$0xFFFFFFF0] =	vst v0;
	v0 =	vld [tilespmem:s13+$0x0]  }
0x3c: {  	v1 =	vld [tilespmem:s14+$0x0];
	_ =	sdelay $0x4  }
0x3d: {  	v0 =	vadd.f32 v1, v0;
	_ =	sdelay $0x1  }
0x3e: {  	(erf) = vrcp.f32 v0;
	_ =	sdelay $0x8  }
0x3f: {  	v0 =	vpop (erf)  }
0x40: {  	[tilespmem:s13+$0x0] =	vst v0;
	v0 =	vld [tilespmem:s13+$0x10]  }
0x41: {  	v1 =	vld [tilespmem:s14+$0x10];
	_ =	sdelay $0x4  }
0x42: {  	v0 =	vadd.f32 v1, v0;
	_ =	sdelay $0x1  }
0x43: {  	(erf) = vrcp.f32 v0;
	_ =	sdelay $0x8  }
0x44: {  	v0 =	vpop (erf)  }
0x45: {  	[tilespmem:s13+$0x10] =	vst v0;
	v0 =	vld [tilespmem:s13+$0x20]  }
0x46: {  	v1 =	vld [tilespmem:s14+$0x20];
	_ =	sdelay $0x4  }
0x47: {  	v0 =	vadd.f32 v1, v0;
	_ =	sdelay $0x1  }
0x48: {  	(erf) = vrcp.f32 v0;
	_ =	sdelay $0x8  }
0x49: {  	v0 =	vpop (erf)  }
0x4a: {  	[tilespmem:s13+$0x20] =	vst v0;
	v0 =	vld [tilespmem:s13+$0x30]  }
0x4b: {  	v1 =	vld [tilespmem:s14+$0x30];
	_ =	sdelay $0x4  }
0x4c: {  	v0 =	vadd.f32 v1, v0;
	_ =	sdelay $0x1  }
0x4d: {  	(erf) = vrcp.f32 v0;
	_ =	sdelay $0x8  }
0x4e: {  	v0 =	vpop (erf)  }
0x4f: {  	[tilespmem:s13+$0x30] =	vst v0;
	v0 =	vld [tilespmem:s13+$0x40]  }
0x50: {  	v1 =	vld [tilespmem:s14+$0x40];
	_ =	sdelay $0x4  }
0x51: {  	v0 =	vadd.f32 v1, v0;
	_ =	sdelay $0x1  }
0x52: {  	(erf) = vrcp.f32 v0;
	_ =	sdelay $0x8  }
0x53: {  	v0 =	vpop (erf)  }
0x54: {  	[tilespmem:s13+$0x40] =	vst v0;
	v0 =	vld [tilespmem:s13+$0x50]  }
0x55: {  	v1 =	vld [tilespmem:s14+$0x50];
	_ =	sdelay $0x4  }
0x56: {  	v0 =	vadd.f32 v1, v0;
	_ =	sdelay $0x1  }
0x57: {  	(erf) = vrcp.f32 v0;
	_ =	sdelay $0x8  }
0x58: {  	v0 =	vpop (erf)  }
0x59: {  	[tilespmem:s13+$0x50] =	vst v0;
	v0 =	vld [tilespmem:s13+$0x60]  }
0x5a: {  	v1 =	vld [tilespmem:s14+$0x60];
	_ =	sdelay $0x4  }
0x5b: {  	v0 =	vadd.f32 v1, v0;
	_ =	sdelay $0x1  }
0x5c: {  	(erf) = vrcp.f32 v0;
	_ =	sdelay $0x8  }
0x5d: {  	v0 =	vpop (erf)  }
0x5e: {  	[tilespmem:s13+$0x60] =	vst v0;
	v0 =	vld [tilespmem:s13+$0x70]  }
0x5f: {  	v1 =	vld [tilespmem:s14+$0x70];
	_ =	sdelay $0x4  }
0x60: {  	v0 =	vadd.f32 v1, v0;
	_ =	sdelay $0x1  }
0x61: {  	(erf) = vrcp.f32 v0;
	_ =	sdelay $0x8  }
0x62: {  	s15 =	simm.s32 $0x0;
	s16 =	simm.s32 $0x180;
	v0 =	vpop (erf)  }
.LBB2_2:
0x63: {  	v1 =	vld [tilespmem:s16+$0xFFFFFF80];
	[tilespmem:s13+$0x70] =	vst v0;
	s14 =	sadd.s32 $0x100, s14;
	s13 =	smov.u32 s16  }
0x64: {  	s15 =	sadd.s32 $0x2, s15;
	v0 =	vld [tilespmem:s14+$0xFFFFFF80]  }
0x65: {  	p0 =	slt.u32 s15, $0x9E;
	_ =	sdelay $0x3  }
0x66: {  	v0 =	vadd.f32 v0, v1;
	_ =	sdelay $0x1  }
0x67: {  	(erf) = vrcp.f32 v0;
	_ =	sdelay $0x8  }
0x68: {  	v0 =	vpop (erf)  }
0x69: {  	[tilespmem:s16+$0xFFFFFF80] =	vst v0;
	v0 =	vld [tilespmem:s16+$0xFFFFFF90]  }
0x6a: {  	v1 =	vld [tilespmem:s14+$0xFFFFFF90];
	_ =	sdelay $0x4  }
0x6b: {  	v0 =	vadd.f32 v1, v0;
	_ =	sdelay $0x1  }
0x6c: {  	(erf) = vrcp.f32 v0;
	_ =	sdelay $0x8  }
0x6d: {  	v0 =	vpop (erf)  }
0x6e: {  	[tilespmem:s16+$0xFFFFFF90] =	vst v0;
	v0 =	vld [tilespmem:s16+$0xFFFFFFA0]  }
0x6f: {  	v1 =	vld [tilespmem:s14+$0xFFFFFFA0];
	_ =	sdelay $0x4  }
0x70: {  	v0 =	vadd.f32 v1, v0;
	_ =	sdelay $0x1  }
0x71: {  	(erf) = vrcp.f32 v0;
	_ =	sdelay $0x8  }
0x72: {  	v0 =	vpop (erf)  }
0x73: {  	[tilespmem:s16+$0xFFFFFFA0] =	vst v0;
	v0 =	vld [tilespmem:s16+$0xFFFFFFB0]  }
0x74: {  	v1 =	vld [tilespmem:s14+$0xFFFFFFB0];
	_ =	sdelay $0x4  }
0x75: {  	v0 =	vadd.f32 v1, v0;
	_ =	sdelay $0x1  }
0x76: {  	(erf) = vrcp.f32 v0;
	_ =	sdelay $0x8  }
0x77: {  	v0 =	vpop (erf)  }
0x78: {  	[tilespmem:s16+$0xFFFFFFB0] =	vst v0;
	v0 =	vld [tilespmem:s16+$0xFFFFFFC0]  }
0x79: {  	v1 =	vld [tilespmem:s14+$0xFFFFFFC0];
	_ =	sdelay $0x4  }
0x7a: {  	v0 =	vadd.f32 v1, v0;
	_ =	sdelay $0x1  }
0x7b: {  	(erf) = vrcp.f32 v0;
	_ =	sdelay $0x8  }
0x7c: {  	v0 =	vpop (erf)  }
0x7d: {  	[tilespmem:s16+$0xFFFFFFC0] =	vst v0;
	v0 =	vld [tilespmem:s16+$0xFFFFFFD0]  }
0x7e: {  	v1 =	vld [tilespmem:s14+$0xFFFFFFD0];
	_ =	sdelay $0x4  }
0x7f: {  	v0 =	vadd.f32 v1, v0;
	_ =	sdelay $0x1  }
0x80: {  	(erf) = vrcp.f32 v0;
	_ =	sdelay $0x8  }
0x81: {  	v0 =	vpop (erf)  }
0x82: {  	[tilespmem:s16+$0xFFFFFFD0] =	vst v0;
	v0 =	vld [tilespmem:s16+$0xFFFFFFE0]  }
0x83: {  	v1 =	vld [tilespmem:s14+$0xFFFFFFE0];
	_ =	sdelay $0x4  }
0x84: {  	v0 =	vadd.f32 v1, v0;
	_ =	sdelay $0x1  }
0x85: {  	(erf) = vrcp.f32 v0;
	_ =	sdelay $0x8  }
0x86: {  	v0 =	vpop (erf)  }
0x87: {  	[tilespmem:s16+$0xFFFFFFE0] =	vst v0;
	v0 =	vld [tilespmem:s16+$0xFFFFFFF0]  }
0x88: {  	v1 =	vld [tilespmem:s14+$0xFFFFFFF0];
	_ =	sdelay $0x4  }
0x89: {  	v0 =	vadd.f32 v1, v0;
	_ =	sdelay $0x1  }
0x8a: {  	(erf) = vrcp.f32 v0;
	_ =	sdelay $0x8  }
0x8b: {  	v0 =	vpop (erf)  }
0x8c: {  	[tilespmem:s16+$0xFFFFFFF0] =	vst v0;
	v0 =	vld [tilespmem:s16+$0x0]  }
0x8d: {  	v1 =	vld [tilespmem:s14+$0x0];
	_ =	sdelay $0x4  }
0x8e: {  	v0 =	vadd.f32 v1, v0;
	_ =	sdelay $0x1  }
0x8f: {  	(erf) = vrcp.f32 v0;
	_ =	sdelay $0x8  }
0x90: {  	v0 =	vpop (erf)  }
0x91: {  	[tilespmem:s16+$0x0] =	vst v0;
	v0 =	vld [tilespmem:s16+$0x10]  }
0x92: {  	v1 =	vld [tilespmem:s14+$0x10];
	_ =	sdelay $0x4  }
0x93: {  	v0 =	vadd.f32 v1, v0;
	_ =	sdelay $0x1  }
0x94: {  	(erf) = vrcp.f32 v0;
	_ =	sdelay $0x8  }
0x95: {  	v0 =	vpop (erf)  }
0x96: {  	[tilespmem:s16+$0x10] =	vst v0;
	v0 =	vld [tilespmem:s16+$0x20]  }
0x97: {  	v1 =	vld [tilespmem:s14+$0x20];
	_ =	sdelay $0x4  }
0x98: {  	v0 =	vadd.f32 v1, v0;
	_ =	sdelay $0x1  }
0x99: {  	(erf) = vrcp.f32 v0;
	_ =	sdelay $0x8  }
0x9a: {  	v0 =	vpop (erf)  }
0x9b: {  	[tilespmem:s16+$0x20] =	vst v0;
	v0 =	vld [tilespmem:s16+$0x30]  }
0x9c: {  	v1 =	vld [tilespmem:s14+$0x30];
	_ =	sdelay $0x4  }
0x9d: {  	v0 =	vadd.f32 v1, v0;
	_ =	sdelay $0x1  }
0x9e: {  	(erf) = vrcp.f32 v0;
	_ =	sdelay $0x8  }
0x9f: {  	v0 =	vpop (erf)  }
0xa0: {  	[tilespmem:s16+$0x30] =	vst v0;
	v0 =	vld [tilespmem:s16+$0x40]  }
0xa1: {  	v1 =	vld [tilespmem:s14+$0x40];
	_ =	sdelay $0x4  }
0xa2: {  	v0 =	vadd.f32 v1, v0;
	_ =	sdelay $0x1  }
0xa3: {  	(erf) = vrcp.f32 v0;
	_ =	sdelay $0x8  }
0xa4: {  	v0 =	vpop (erf)  }
0xa5: {  	[tilespmem:s16+$0x40] =	vst v0;
	v0 =	vld [tilespmem:s16+$0x50]  }
0xa6: {  	v1 =	vld [tilespmem:s14+$0x50];
	_ =	sdelay $0x4  }
0xa7: {  	v0 =	vadd.f32 v1, v0;
	_ =	sdelay $0x1  }
0xa8: {  	(erf) = vrcp.f32 v0;
	_ =	sdelay $0x8  }
0xa9: {  	v0 =	vpop (erf)  }
0xaa: {  	[tilespmem:s16+$0x50] =	vst v0;
	v0 =	vld [tilespmem:s16+$0x60]  }
0xab: {  	v1 =	vld [tilespmem:s14+$0x60];
	_ =	sdelay $0x4  }
0xac: {  	v0 =	vadd.f32 v1, v0;
	_ =	sdelay $0x1  }
0xad: {  	(erf) = vrcp.f32 v0;
	_ =	sdelay $0x8  }
0xae: {  	v0 =	vpop (erf)  }
0xaf: {  	[tilespmem:s16+$0x60] =	vst v0;
	v0 =	vld [tilespmem:s16+$0x70]  }
0xb0: {  	v1 =	vld [tilespmem:s14+$0x70];
	_ =	sdelay $0x4  }
0xb1: {  	v0 =	vadd.f32 v1, v0;
	_ =	sdelay $0x1  }
0xb2: {  	(erf) = vrcp.f32 v0;
	_ =	sdelay $0x4  }
.Ltmp0:
0xb3: {  	(pc) =	sbr.rel @p0 .LBB2_2-.Ltmp0, $2  }
0xb4: {  	_ =	sdelay $0x2  }
0xb5: {  	s16 =	sadd.s32 $0x100, s16;
	v0 =	vpop (erf)  }
0xb6: {  	[tilespmem:s13+$0x70] =	vst v0  }
0xb7: {  	[hbm4b:s5+s2] =	stream.linear.scatter [tilespmem:s2], [sflag:$0x1], $0x5000, $0x38;
	[tilespmem:$0xA000] =	vst v63  }
0xb8: {  	_ =	swait.ge [sflag:s10], $0x5000  }
0xb9: {  	[sflag:s10] =	ssyncset.done $0x0  }
0xba: {  	[sflag:s10] =	ssyncadd.s32 $0xFFFFB000  }
0xbb: {  	[tilespmem:s2], [sflag:$0x1] =	stream.linear.gather [hbm4b:s6+s2], $0x5000, $0x38;
	[tilespmem:$0xA000] =	vst v63  }
0xbc: {  	_ =	swait.ge [sflag:s10], $0x5000  }
0xbd: {  	[sflag:s10] =	ssyncset.done $0x0  }
0xbe: {  	[sflag:s10] =	ssyncadd.s32 $0xFFFFB000  }
0xbf: {  	[tilespmem:s11], [sflag:$0x1] =	stream.linear.gather [hbm4b:s7+s2], $0x5000, $0x38;
	[tilespmem:$0xA000] =	vst v63  }
0xc0: {  	_ =	swait.ge [sflag:s10], $0x5000  }
0xc1: {  	[sflag:s10] =	ssyncset.done $0x0  }
0xc2: {  	s13 =	simm.s32 $0x80;
	[sflag:s10] =	ssyncadd.s32 $0xFFFFB000  }
0xc3: {  	s14 =	simm.s32 $0x5080;
	v0 =	vld [tilespmem:s13+$0xFFFFFF80]  }
0xc4: {  	v1 =	vld [tilespmem:s14+$0xFFFFFF80];
	_ =	sdelay $0x4  }
0xc5: {  	v0 =	vadd.f32 v1, v0;
	_ =	sdelay $0x1  }
0xc6: {  	(erf) = vrcp.f32 v0;
	_ =	sdelay $0x8  }
0xc7: {  	v0 =	vpop (erf)  }
0xc8: {  	[tilespmem:s13+$0xFFFFFF80] =	vst v0;
	v0 =	vld [tilespmem:s13+$0xFFFFFF90]  }
0xc9: {  	v1 =	vld [tilespmem:s14+$0xFFFFFF90];
	_ =	sdelay $0x4  }
0xca: {  	v0 =	vadd.f32 v1, v0;
	_ =	sdelay $0x1  }
0xcb: {  	(erf) = vrcp.f32 v0;
	_ =	sdelay $0x8  }
0xcc: {  	v0 =	vpop (erf)  }
0xcd: {  	[tilespmem:s13+$0xFFFFFF90] =	vst v0;
	v0 =	vld [tilespmem:s13+$0xFFFFFFA0]  }
0xce: {  	v1 =	vld [tilespmem:s14+$0xFFFFFFA0];
	_ =	sdelay $0x4  }
0xcf: {  	v0 =	vadd.f32 v1, v0;
	_ =	sdelay $0x1  }
0xd0: {  	(erf) = vrcp.f32 v0;
	_ =	sdelay $0x8  }
0xd1: {  	v0 =	vpop (erf)  }
0xd2: {  	[tilespmem:s13+$0xFFFFFFA0] =	vst v0;
	v0 =	vld [tilespmem:s13+$0xFFFFFFB0]  }
0xd3: {  	v1 =	vld [tilespmem:s14+$0xFFFFFFB0];
	_ =	sdelay $0x4  }
0xd4: {  	v0 =	vadd.f32 v1, v0;
	_ =	sdelay $0x1  }
0xd5: {  	(erf) = vrcp.f32 v0;
	_ =	sdelay $0x8  }
0xd6: {  	v0 =	vpop (erf)  }
0xd7: {  	[tilespmem:s13+$0xFFFFFFB0] =	vst v0;
	v0 =	vld [tilespmem:s13+$0xFFFFFFC0]  }
0xd8: {  	v1 =	vld [tilespmem:s14+$0xFFFFFFC0];
	_ =	sdelay $0x4  }
0xd9: {  	v0 =	vadd.f32 v1, v0;
	_ =	sdelay $0x1  }
0xda: {  	(erf) = vrcp.f32 v0;
	_ =	sdelay $0x8  }
0xdb: {  	v0 =	vpop (erf)  }
0xdc: {  	[tilespmem:s13+$0xFFFFFFC0] =	vst v0;
	v0 =	vld [tilespmem:s13+$0xFFFFFFD0]  }
0xdd: {  	v1 =	vld [tilespmem:s14+$0xFFFFFFD0];
	_ =	sdelay $0x4  }
0xde: {  	v0 =	vadd.f32 v1, v0;
	_ =	sdelay $0x1  }
0xdf: {  	(erf) = vrcp.f32 v0;
	_ =	sdelay $0x8  }
0xe0: {  	v0 =	vpop (erf)  }
0xe1: {  	[tilespmem:s13+$0xFFFFFFD0] =	vst v0;
	v0 =	vld [tilespmem:s13+$0xFFFFFFE0]  }
0xe2: {  	v1 =	vld [tilespmem:s14+$0xFFFFFFE0];
	_ =	sdelay $0x4  }
0xe3: {  	v0 =	vadd.f32 v1, v0;
	_ =	sdelay $0x1  }
0xe4: {  	(erf) = vrcp.f32 v0;
	_ =	sdelay $0x8  }
0xe5: {  	v0 =	vpop (erf)  }
0xe6: {  	[tilespmem:s13+$0xFFFFFFE0] =	vst v0;
	v0 =	vld [tilespmem:s13+$0xFFFFFFF0]  }
0xe7: {  	v1 =	vld [tilespmem:s14+$0xFFFFFFF0];
	_ =	sdelay $0x4  }
0xe8: {  	v0 =	vadd.f32 v1, v0;
	_ =	sdelay $0x1  }
0xe9: {  	(erf) = vrcp.f32 v0;
	_ =	sdelay $0x8  }
0xea: {  	v0 =	vpop (erf)  }
0xeb: {  	[tilespmem:s13+$0xFFFFFFF0] =	vst v0;
	v0 =	vld [tilespmem:s13+$0x0]  }
0xec: {  	v1 =	vld [tilespmem:s14+$0x0];
	_ =	sdelay $0x4  }
0xed: {  	v0 =	vadd.f32 v1, v0;
	_ =	sdelay $0x1  }
0xee: {  	(erf) = vrcp.f32 v0;
	_ =	sdelay $0x8  }
0xef: {  	v0 =	vpop (erf)  }
0xf0: {  	[tilespmem:s13+$0x0] =	vst v0;
	v0 =	vld [tilespmem:s13+$0x10]  }
0xf1: {  	v1 =	vld [tilespmem:s14+$0x10];
	_ =	sdelay $0x4  }
0xf2: {  	v0 =	vadd.f32 v1, v0;
	_ =	sdelay $0x1  }
0xf3: {  	(erf) = vrcp.f32 v0;
	_ =	sdelay $0x8  }
0xf4: {  	v0 =	vpop (erf)  }
0xf5: {  	[tilespmem:s13+$0x10] =	vst v0;
	v0 =	vld [tilespmem:s13+$0x20]  }
0xf6: {  	v1 =	vld [tilespmem:s14+$0x20];
	_ =	sdelay $0x4  }
0xf7: {  	v0 =	vadd.f32 v1, v0;
	_ =	sdelay $0x1  }
0xf8: {  	(erf) = vrcp.f32 v0;
	_ =	sdelay $0x8  }
0xf9: {  	v0 =	vpop (erf)  }
0xfa: {  	[tilespmem:s13+$0x20] =	vst v0;
	v0 =	vld [tilespmem:s13+$0x30]  }
0xfb: {  	v1 =	vld [tilespmem:s14+$0x30];
	_ =	sdelay $0x4  }
0xfc: {  	v0 =	vadd.f32 v1, v0;
	_ =	sdelay $0x1  }
0xfd: {  	(erf) = vrcp.f32 v0;
	_ =	sdelay $0x8  }
0xfe: {  	v0 =	vpop (erf)  }
0xff: {  	[tilespmem:s13+$0x30] =	vst v0;
	v0 =	vld [tilespmem:s13+$0x40]  }
0x100: {  	v1 =	vld [tilespmem:s14+$0x40];
	_ =	sdelay $0x4  }
0x101: {  	v0 =	vadd.f32 v1, v0;
	_ =	sdelay $0x1  }
0x102: {  	(erf) = vrcp.f32 v0;
	_ =	sdelay $0x8  }
0x103: {  	v0 =	vpop (erf)  }
0x104: {  	[tilespmem:s13+$0x40] =	vst v0;
	v0 =	vld [tilespmem:s13+$0x50]  }
0x105: {  	v1 =	vld [tilespmem:s14+$0x50];
	_ =	sdelay $0x4  }
0x106: {  	v0 =	vadd.f32 v1, v0;
	_ =	sdelay $0x1  }
0x107: {  	(erf) = vrcp.f32 v0;
	_ =	sdelay $0x8  }
0x108: {  	v0 =	vpop (erf)  }
0x109: {  	[tilespmem:s13+$0x50] =	vst v0;
	v0 =	vld [tilespmem:s13+$0x60]  }
0x10a: {  	v1 =	vld [tilespmem:s14+$0x60];
	_ =	sdelay $0x4  }
0x10b: {  	v0 =	vadd.f32 v1, v0;
	_ =	sdelay $0x1  }
0x10c: {  	(erf) = vrcp.f32 v0;
	_ =	sdelay $0x8  }
0x10d: {  	v0 =	vpop (erf)  }
0x10e: {  	[tilespmem:s13+$0x60] =	vst v0;
	v0 =	vld [tilespmem:s13+$0x70]  }
0x10f: {  	v1 =	vld [tilespmem:s14+$0x70];
	_ =	sdelay $0x4  }
0x110: {  	v0 =	vadd.f32 v1, v0;
	_ =	sdelay $0x1  }
0x111: {  	(erf) = vrcp.f32 v0;
	_ =	sdelay $0x8  }
0x112: {  	s15 =	simm.s32 $0x0;
	s16 =	simm.s32 $0x180;
	v0 =	vpop (erf)  }
.LBB2_4:
0x113: {  	v1 =	vld [tilespmem:s16+$0xFFFFFF80];
	[tilespmem:s13+$0x70] =	vst v0;
	s14 =	sadd.s32 $0x100, s14;
	s13 =	smov.u32 s16  }
0x114: {  	s15 =	sadd.s32 $0x2, s15;
	v0 =	vld [tilespmem:s14+$0xFFFFFF80]  }
0x115: {  	p0 =	slt.u32 s15, $0x9E;
	_ =	sdelay $0x3  }
0x116: {  	v0 =	vadd.f32 v0, v1;
	_ =	sdelay $0x1  }
0x117: {  	(erf) = vrcp.f32 v0;
	_ =	sdelay $0x8  }
0x118: {  	v0 =	vpop (erf)  }
0x119: {  	[tilespmem:s16+$0xFFFFFF80] =	vst v0;
	v0 =	vld [tilespmem:s16+$0xFFFFFF90]  }
0x11a: {  	v1 =	vld [tilespmem:s14+$0xFFFFFF90];
	_ =	sdelay $0x4  }
0x11b: {  	v0 =	vadd.f32 v1, v0;
	_ =	sdelay $0x1  }
0x11c: {  	(erf) = vrcp.f32 v0;
	_ =	sdelay $0x8  }
0x11d: {  	v0 =	vpop (erf)  }
0x11e: {  	[tilespmem:s16+$0xFFFFFF90] =	vst v0;
	v0 =	vld [tilespmem:s16+$0xFFFFFFA0]  }
0x11f: {  	v1 =	vld [tilespmem:s14+$0xFFFFFFA0];
	_ =	sdelay $0x4  }
0x120: {  	v0 =	vadd.f32 v1, v0;
	_ =	sdelay $0x1  }
0x121: {  	(erf) = vrcp.f32 v0;
	_ =	sdelay $0x8  }
0x122: {  	v0 =	vpop (erf)  }
0x123: {  	[tilespmem:s16+$0xFFFFFFA0] =	vst v0;
	v0 =	vld [tilespmem:s16+$0xFFFFFFB0]  }
0x124: {  	v1 =	vld [tilespmem:s14+$0xFFFFFFB0];
	_ =	sdelay $0x4  }
0x125: {  	v0 =	vadd.f32 v1, v0;
	_ =	sdelay $0x1  }
0x126: {  	(erf) = vrcp.f32 v0;
	_ =	sdelay $0x8  }
0x127: {  	v0 =	vpop (erf)  }
0x128: {  	[tilespmem:s16+$0xFFFFFFB0] =	vst v0;
	v0 =	vld [tilespmem:s16+$0xFFFFFFC0]  }
0x129: {  	v1 =	vld [tilespmem:s14+$0xFFFFFFC0];
	_ =	sdelay $0x4  }
0x12a: {  	v0 =	vadd.f32 v1, v0;
	_ =	sdelay $0x1  }
0x12b: {  	(erf) = vrcp.f32 v0;
	_ =	sdelay $0x8  }
0x12c: {  	v0 =	vpop (erf)  }
0x12d: {  	[tilespmem:s16+$0xFFFFFFC0] =	vst v0;
	v0 =	vld [tilespmem:s16+$0xFFFFFFD0]  }
0x12e: {  	v1 =	vld [tilespmem:s14+$0xFFFFFFD0];
	_ =	sdelay $0x4  }
0x12f: {  	v0 =	vadd.f32 v1, v0;
	_ =	sdelay $0x1  }
0x130: {  	(erf) = vrcp.f32 v0;
	_ =	sdelay $0x8  }
0x131: {  	v0 =	vpop (erf)  }
0x132: {  	[tilespmem:s16+$0xFFFFFFD0] =	vst v0;
	v0 =	vld [tilespmem:s16+$0xFFFFFFE0]  }
0x133: {  	v1 =	vld [tilespmem:s14+$0xFFFFFFE0];
	_ =	sdelay $0x4  }
0x134: {  	v0 =	vadd.f32 v1, v0;
	_ =	sdelay $0x1  }
0x135: {  	(erf) = vrcp.f32 v0;
	_ =	sdelay $0x8  }
0x136: {  	v0 =	vpop (erf)  }
0x137: {  	[tilespmem:s16+$0xFFFFFFE0] =	vst v0;
	v0 =	vld [tilespmem:s16+$0xFFFFFFF0]  }
0x138: {  	v1 =	vld [tilespmem:s14+$0xFFFFFFF0];
	_ =	sdelay $0x4  }
0x139: {  	v0 =	vadd.f32 v1, v0;
	_ =	sdelay $0x1  }
0x13a: {  	(erf) = vrcp.f32 v0;
	_ =	sdelay $0x8  }
0x13b: {  	v0 =	vpop (erf)  }
0x13c: {  	[tilespmem:s16+$0xFFFFFFF0] =	vst v0;
	v0 =	vld [tilespmem:s16+$0x0]  }
0x13d: {  	v1 =	vld [tilespmem:s14+$0x0];
	_ =	sdelay $0x4  }
0x13e: {  	v0 =	vadd.f32 v1, v0;
	_ =	sdelay $0x1  }
0x13f: {  	(erf) = vrcp.f32 v0;
	_ =	sdelay $0x8  }
0x140: {  	v0 =	vpop (erf)  }
0x141: {  	[tilespmem:s16+$0x0] =	vst v0;
	v0 =	vld [tilespmem:s16+$0x10]  }
0x142: {  	v1 =	vld [tilespmem:s14+$0x10];
	_ =	sdelay $0x4  }
0x143: {  	v0 =	vadd.f32 v1, v0;
	_ =	sdelay $0x1  }
0x144: {  	(erf) = vrcp.f32 v0;
	_ =	sdelay $0x8  }
0x145: {  	v0 =	vpop (erf)  }
0x146: {  	[tilespmem:s16+$0x10] =	vst v0;
	v0 =	vld [tilespmem:s16+$0x20]  }
0x147: {  	v1 =	vld [tilespmem:s14+$0x20];
	_ =	sdelay $0x4  }
0x148: {  	v0 =	vadd.f32 v1, v0;
	_ =	sdelay $0x1  }
0x149: {  	(erf) = vrcp.f32 v0;
	_ =	sdelay $0x8  }
0x14a: {  	v0 =	vpop (erf)  }
0x14b: {  	[tilespmem:s16+$0x20] =	vst v0;
	v0 =	vld [tilespmem:s16+$0x30]  }
0x14c: {  	v1 =	vld [tilespmem:s14+$0x30];
	_ =	sdelay $0x4  }
0x14d: {  	v0 =	vadd.f32 v1, v0;
	_ =	sdelay $0x1  }
0x14e: {  	(erf) = vrcp.f32 v0;
	_ =	sdelay $0x8  }
0x14f: {  	v0 =	vpop (erf)  }
0x150: {  	[tilespmem:s16+$0x30] =	vst v0;
	v0 =	vld [tilespmem:s16+$0x40]  }
0x151: {  	v1 =	vld [tilespmem:s14+$0x40];
	_ =	sdelay $0x4  }
0x152: {  	v0 =	vadd.f32 v1, v0;
	_ =	sdelay $0x1  }
0x153: {  	(erf) = vrcp.f32 v0;
	_ =	sdelay $0x8  }
0x154: {  	v0 =	vpop (erf)  }
0x155: {  	[tilespmem:s16+$0x40] =	vst v0;
	v0 =	vld [tilespmem:s16+$0x50]  }
0x156: {  	v1 =	vld [tilespmem:s14+$0x50];
	_ =	sdelay $0x4  }
0x157: {  	v0 =	vadd.f32 v1, v0;
	_ =	sdelay $0x1  }
0x158: {  	(erf) = vrcp.f32 v0;
	_ =	sdelay $0x8  }
0x159: {  	v0 =	vpop (erf)  }
0x15a: {  	[tilespmem:s16+$0x50] =	vst v0;
	v0 =	vld [tilespmem:s16+$0x60]  }
0x15b: {  	v1 =	vld [tilespmem:s14+$0x60];
	_ =	sdelay $0x4  }
0x15c: {  	v0 =	vadd.f32 v1, v0;
	_ =	sdelay $0x1  }
0x15d: {  	(erf) = vrcp.f32 v0;
	_ =	sdelay $0x8  }
0x15e: {  	v0 =	vpop (erf)  }
0x15f: {  	[tilespmem:s16+$0x60] =	vst v0;
	v0 =	vld [tilespmem:s16+$0x70]  }
0x160: {  	v1 =	vld [tilespmem:s14+$0x70];
	_ =	sdelay $0x4  }
0x161: {  	v0 =	vadd.f32 v1, v0;
	_ =	sdelay $0x1  }
0x162: {  	(erf) = vrcp.f32 v0;
	_ =	sdelay $0x4  }
.Ltmp1:
0x163: {  	(pc) =	sbr.rel @p0 .LBB2_4-.Ltmp1, $2  }
0x164: {  	_ =	sdelay $0x2  }
0x165: {  	s16 =	sadd.s32 $0x100, s16;
	v0 =	vpop (erf)  }
0x166: {  	s12 =	sadd.s32 $0x1, s12  }
0x167: {  	p0 =	sne.s32 s12, s9  }
.Ltmp2:
0x168: {  	[tilespmem:s13+$0x70] =	vst v0;
	(pc) =	sbr.rel @p0 .LBB2_1-.Ltmp2, $4  }
0x169: {  	[hbm4b:s8+s2] =	stream.linear.scatter [tilespmem:s2], [sflag:$0x1], $0x5000, $0x38;
	[tilespmem:$0xA000] =	vst v63  }
0x16a: {  	_ =	swait.ge [sflag:s10], $0x5000  }
0x16b: {  	[sflag:s10] =	ssyncset.done $0x0  }
0x16c: {  	[sflag:s10] =	ssyncadd.s32 $0xFFFFB000  }
0x16d: {  	_ =	sfence.sel $0x180000  }
0x16e: {  	[bflag:$0x0] =	sbarrier.arrive $0xFFFF  }
0x16f: {  	p0 =	sne.s32 s1, $0x0;
	_ =	strace $0x9000004A  }
0x170: {  	s0 =	sadd.s32 @!p0 $0x100000, s0;
	[bflag:$0x2] =	sbarrier.arrive $0xFFFF  }
0x171: {  	[sflag:s0] =	ssyncadd.tile.s32 @!p0 $0x1;
	_ =	shalt  }
.Lfunc_end2:
_tile_overlayer_lowered:
.L_overlay_start_2:
0x172: {  	(tag) =	ssettag $0x2  }
0x173: {  	s0 =	rddreg [dreg:$0x0];
	s2 =	stileid.u32  }
0x174: {  	s1 =	rddreg [dreg:$0x1];
	p0 =	sne.s32 s2, $0x0  }
0x175: {  	s3 =	rddreg [dreg:$0x2];
	[bflag:$0x3] =	sbarrier.arrive $0xFFFF;
	s2 =	simm.s32 @!p0 $0x1C01  }
0x176: {  	[timem:s3], [sflag:s2] =	dma.local @!p0 [hbm:s0], s1  }
0x177: {  	s0 =	simm.s32 @!p0 $0x1  }
0x178: {  	_ =	swait.ge @!p0 [sflag:s0], s1  }
0x179: {  	s1 =	ssub.s32 @!p0 $0x0, s1;
	[sflag:s0] =	ssyncset.done @!p0 $0x0  }
0x17a: {  	[sflag:s0] =	ssyncadd.s32 @!p0 s1  }
0x17b: {  	[bflag:$0x3] =	sbarrier.arrive $0xFFFF  }
0x17c: {  	_ =	shalt  }

</sc_bundles>
